<compile_context>
chip_gen: v7x
topology: tpu7x:2x2x1
jax: 0.10.2.dev20260603
libtpu: 0.0.44.dev20260713+nightly
codegen_flags: <defaults>
</compile_context>

<pallas_src>
import functools

import jax
import jax.numpy as jnp
from jax import lax
from jax.experimental import pallas as pl
from jax.experimental.pallas import tpu as pltpu
from jax.experimental.pallas import tpu_sc as plsc

F = 4
N = 50000
D = 128
T = 100000

CONSISTENCY_WEIGHT = 1.0
TEMPORAL_WEIGHT = 0.5

NPAD = 50176
TW = 51200
HALF = 50000
RANGE = 3136
BS = 64
NBLK = RANGE // BS
SCAN = 12544
SROW = 98

_mesh = plsc.VectorSubcoreMesh(core_axis_name="c", subcore_axis_name="s")


@functools.partial(
    pl.kernel,
    mesh=_mesh,
    out_type=jax.ShapeDtypeStruct((32, 128), jnp.float32),
    scratch_types=[
        pltpu.VMEM_SHARED((4 * TW,), jnp.int32),
        pltpu.VMEM((SCAN // 2,), jnp.int32),
        pltpu.VMEM((SCAN // 2,), jnp.int32),
        pltpu.VMEM((4 * (RANGE + 16),), jnp.int32),
        pltpu.VMEM((BS,), jnp.int32),
        pltpu.VMEM((BS,), jnp.int32),
        pltpu.VMEM((BS,), jnp.int32),
        pltpu.VMEM((BS,), jnp.int32),
        pltpu.VMEM((BS,), jnp.int32),
        pltpu.VMEM((BS,), jnp.int32),
        pltpu.VMEM((BS,), jnp.int32),
        pltpu.VMEM((BS,), jnp.int32),
        pltpu.VMEM((4, BS, 128), jnp.float32),
        pltpu.VMEM((4, BS, 128), jnp.float32),
        pltpu.VMEM((128,), jnp.float32),
        pltpu.SemaphoreType.DMA,
        pltpu.SemaphoreType.DMA,
    ],
)
def _cfc_sc(feat, pidx, out, tab, idxbuf, valbuf, invbuf,
            gA0, gA1, gA2, gA3, gB0, gB1, gB2, gB3,
            rbufA, rbufB, obuf, semA, semB):
    c = lax.axis_index("c")
    s = lax.axis_index("s")
    io16 = lax.iota(jnp.int32, 16)

    def fill_body(r, _):
        invbuf[pl.ds(r * 16, 16)] = jnp.full((16,), -1, jnp.int32)
        return 0
    lax.fori_loop(0, 200, fill_body, 0)
    for f4 in range(4):
        pltpu.sync_copy(invbuf.at[pl.ds(0, 3200)],
                        tab.at[pl.ds(f4 * TW + s * 3200, 3200)])

    f = s // 4
    q = s % 4
    cbase = c * HALF
    HS = SCAN // 2

    plsc.subcore_barrier()

    for h in range(2):
        pltpu.sync_copy(pidx.at[pl.ds(f * NPAD + q * SCAN + h * HS, HS)],
                        idxbuf)

        def scan_body(r, _):
            for k in range(8):
                lanepos = h * HS + r * 128 + k * 16 + io16
                iv = idxbuf[pl.ds(r * 128 + k * 16, 16)]
                local = iv - cbase
                inr = (local >= 0) & (local < HALF)
                trash = f * TW + NPAD + (lanepos & 1023)
                dest = jnp.where(inr, f * TW + local, trash)
                val = q * SCAN + lanepos
                idxbuf[pl.ds(r * 128 + k * 16, 16)] = dest
                valbuf[pl.ds(r * 128 + k * 16, 16)] = val
            return 0
        lax.fori_loop(0, HS // 128, scan_body, 0)
        pltpu.sync_copy(valbuf, tab.at[idxbuf])

    plsc.subcore_barrier()

    for f4 in range(4):
        pltpu.sync_copy(tab.at[pl.ds(f4 * TW + s * RANGE, RANGE)],
                        invbuf.at[pl.ds(f4 * (RANGE + 16), RANGE)])

    zero16 = jnp.zeros((16,), jnp.float32)
    f32z = jnp.float32(0.0)
    R16 = RANGE + 16
    gA = (gA0, gA1, gA2, gA3)
    gB = (gB0, gB1, gB2, gB3)

    def fire(b, gxs, rbuf, sem):
        for f4 in range(4):
            for k in range(BS // 16):
                iv = invbuf[pl.ds(f4 * R16 + b * BS + k * 16, 16)]
                pres = iv >= 0
                slocal = s * RANGE + b * BS + k * 16 + io16
                spread = slocal & 32767
                gxs[f4][pl.ds(k * 16, 16)] = (
                    jnp.where(pres, iv, spread) + f4 * N)
        for f4 in range(4):
            pltpu.async_copy(feat.at[gxs[f4]], rbuf.at[f4], sem)

    def drain(rbuf, sem):
        for f4 in range(4):
            pltpu.make_async_copy(feat.at[pl.ds(0, BS)], rbuf.at[f4],
                                  sem).wait()

    def compute(b, rbuf, carry):
        def pt_body(j, icarry):
            iT, iP0, iP1, iP2, i01, i12, i23 = icarry
            jj = b * BS + j
            m0 = jnp.where(invbuf[pl.ds(jj, 16)][0] >= 0, 1.0, 0.0)
            m1 = jnp.where(invbuf[pl.ds(R16 + jj, 16)][0] >= 0, 1.0, 0.0)
            m2 = jnp.where(invbuf[pl.ds(2 * R16 + jj, 16)][0] >= 0, 1.0, 0.0)
            m3 = jnp.where(invbuf[pl.ds(3 * R16 + jj, 16)][0] >= 0, 1.0, 0.0)
            cnt = m0 + m1 + m2 + m3
            rc = jnp.where(cnt > 2.5,
                           jnp.where(cnt > 3.5, 0.25, jnp.float32(1.0 / 3.0)),
                           jnp.where(cnt > 1.5, 0.5,
                                     jnp.where(cnt > 0.5, 1.0, 0.0)))
            mp01 = m0 * m1
            mp02 = m0 * m2
            mp03 = m0 * m3
            mp12 = m1 * m2
            mp13 = m1 * m3
            mp23 = m2 * m3
            w01 = rc * mp01
            w02 = rc * mp02
            w03 = rc * mp03
            w12 = rc * mp12
            w13 = rc * mp13
            w23 = rc * mp23
            pd01 = zero16
            pd02 = zero16
            pd03 = zero16
            pd12 = zero16
            pd13 = zero16
            pd23 = zero16
            for k in range(8):
                r0 = rbuf[0, j, pl.ds(k * 16, 16)]
                r1 = rbuf[1, j, pl.ds(k * 16, 16)]
                r2 = rbuf[2, j, pl.ds(k * 16, 16)]
                r3 = rbuf[3, j, pl.ds(k * 16, 16)]
                d01 = r0 - r1
                d02 = r0 - r2
                d03 = r0 - r3
                d12 = r1 - r2
                d13 = r1 - r3
                d23 = r2 - r3
                pd01 = pd01 + d01 * d01
                pd02 = pd02 + d02 * d02
                pd03 = pd03 + d03 * d03
                pd12 = pd12 + d12 * d12
                pd13 = pd13 + d13 * d13
                pd23 = pd23 + d23 * d23
            iT = iT + (w01 * pd01 + w02 * pd02 + w03 * pd03)
            iT = iT + (w12 * pd12 + w13 * pd13 + w23 * pd23)
            return (iT,
                    iP0 + pd01 * mp01, iP1 + pd12 * mp12, iP2 + pd23 * mp23,
                    i01 + mp01, i12 + mp12, i23 + mp23)
        return lax.fori_loop(0, BS, pt_body, carry, unroll=1)

    fire(0, gA, rbufA, semA)

    def dbl_body(i, carry):
        b0 = 2 * i
        fire(b0 + 1, gB, rbufB, semB)
        drain(rbufA, semA)
        carry = compute(b0, rbufA, carry)
        fire(b0 + 2, gA, rbufA, semA)
        drain(rbufB, semB)
        carry = compute(b0 + 1, rbufB, carry)
        return carry

    init = (zero16, zero16, zero16, zero16, f32z, f32z, f32z)
    carry = lax.fori_loop(0, (NBLK - 1) // 2, dbl_body, init)
    drain(rbufA, semA)
    accT, aP0, aP1, aP2, c01, c12, c23 = compute(NBLK - 1, rbufA, carry)

    cv = jnp.where(io16 == 0, c01, 0.0)
    cv = jnp.where(io16 == 1, c12, cv)
    cv = jnp.where(io16 == 2, c23, cv)
    obuf[pl.ds(0, 16)] = accT
    obuf[pl.ds(16, 16)] = jnp.zeros((16,), jnp.float32)
    obuf[pl.ds(32, 16)] = aP0
    obuf[pl.ds(48, 16)] = aP1
    obuf[pl.ds(64, 16)] = aP2
    obuf[pl.ds(80, 16)] = cv
    obuf[pl.ds(96, 16)] = jnp.zeros((16,), jnp.float32)
    obuf[pl.ds(112, 16)] = jnp.zeros((16,), jnp.float32)
    wid = c * 16 + s
    pltpu.sync_copy(obuf, out.at[wid])


def kernel(point_features, visibility_matrix, point_indices):
    del visibility_matrix
    feat = point_features.reshape(F * N, D)
    pidx = jnp.pad(point_indices.astype(jnp.int32), ((0, 0), (0, NPAD - N)),
                   constant_values=-1).reshape(F * NPAD)
    parts = _cfc_sc(feat, pidx)
    Tnum = jnp.sum(parts[:, 0:16])
    P = jnp.stack([jnp.sum(parts[:, 32:48]), jnp.sum(parts[:, 48:64]),
                   jnp.sum(parts[:, 64:80])])
    cnt = jnp.sum(parts[:, 80:83], axis=0)
    temporal = Tnum / jnp.float32(F * N * D)
    mse = jnp.where(cnt > 0, P / (jnp.maximum(cnt, 1.0) * D), 0.0)
    consistency = jnp.mean(mse)
    total = CONSISTENCY_WEIGHT * consistency + TEMPORAL_WEIGHT * temporal
    return (consistency, temporal, total)

# --- scband reference (transcript-rebuilt; emitter-appended) ---
"""Pipeline reference for scband-cross-frame-consistency-loss-58299886076510 (READ-ONLY COPY).

The authoritative reference and input builder live on the scoring server;
editing this copy changes nothing except your own understanding.
"""

import jax, jax.numpy as jnp
import numpy as np

TEMPERATURE = 0.1
CONSISTENCY_WEIGHT = 1.0
TEMPORAL_WEIGHT = 0.5
NUM_FRAMES, N, D = 4, 50000, 128
TOTAL_SCENE_POINTS = 100000


def setup_inputs(seed: int = 0) -> dict:
    key = jax.random.key(seed)
    k1, k2, k3 = jax.random.split(key, 3)
    point_features = jax.random.normal(k1, (NUM_FRAMES, N, D), dtype=jnp.float32)
    visibility_matrix = jax.random.uniform(k2, (TOTAL_SCENE_POINTS, NUM_FRAMES), dtype=jnp.float32)
    ks = jax.random.split(k3, NUM_FRAMES)
    # Unique scene indices per frame (random subset of scene points). Uniqueness per
    # frame is required so the overlap sets between consecutive frames have equal
    # lengths, matching the module's intended intersect1d-based alignment.
    point_indices = jnp.stack([
        jax.random.permutation(ks[i], TOTAL_SCENE_POINTS)[:N] for i in range(NUM_FRAMES)
    ]).astype(jnp.int32)
    return {
        "point_features": point_features,
        "visibility_matrix": visibility_matrix,
        "point_indices": point_indices,
    }


def _overlap_consistency(features1, features2, indices1, indices2):
    n2 = indices2.shape[0]
    d = features1.shape[1]
    big = jnp.iinfo(indices1.dtype).max
    idx1_eff = jnp.where(indices1 >= 0, indices1, big)
    idx2_eff = jnp.where(indices2 >= 0, indices2, big - 1)
    order1 = jnp.argsort(idx1_eff)
    order2 = jnp.argsort(idx2_eff)
    s1 = idx1_eff[order1]
    s2 = idx2_eff[order2]
    f1 = features1[order1]
    f2 = features2[order2]
    pos = jnp.searchsorted(s2, s1)
    pos_c = jnp.clip(pos, 0, n2 - 1)
    match = (pos < n2) & (s2[pos_c] == s1)
    diff = f1 - f2[pos_c]
    sq = jnp.where(match[:, None], diff * diff, 0.0)
    count = jnp.sum(match.astype(jnp.float32))
    mse = jnp.sum(sq) / (jnp.maximum(count, 1.0) * d)
    return jnp.where(count > 0, mse, jnp.asarray(0.0, jnp.float32))


def _temporal_smoothness(point_features, total_scene_points, point_indices):
    num_frames, n, d = point_features.shape
    flat_idx = point_indices.reshape(-1)
    flat_feat = point_features.reshape(-1, d)
    valid = flat_idx >= 0
    seg_ids = jnp.where(valid, flat_idx, total_scene_points)
    vf = jnp.where(valid[:, None], flat_feat, 0.0)
    scene_sum = jax.ops.segment_sum(vf, seg_ids, num_segments=total_scene_points)
    scene_counts = jax.ops.segment_sum(valid.astype(jnp.float32), seg_ids, num_segments=total_scene_points)
    denom = jnp.maximum(scene_counts, 1.0)[:, None]
    scene_features = jnp.where((scene_counts > 0)[:, None], scene_sum / denom, scene_sum)
    losses = []
    for f in range(num_frames):
        fi = point_indices[f]
        m = fi >= 0
        count = jnp.sum(m.astype(jnp.float32))
        corr = scene_features[jnp.clip(fi, 0)]
        diff = point_features[f] - corr
        sq = jnp.where(m[:, None], diff * diff, 0.0)
        loss = jnp.sum(sq) / (jnp.maximum(count, 1.0) * d)
        losses.append(jnp.where(count > 0, loss, jnp.asarray(0.0, jnp.float32)))
    if losses:
        return jnp.mean(jnp.stack(losses))
    return jnp.asarray(0.0, jnp.float32)


def reference(point_features, visibility_matrix, point_indices):
    num_frames = point_features.shape[0]
    total_scene_points = visibility_matrix.shape[0]
    if num_frames < 2:
        z = jnp.asarray(0.0, jnp.float32)
        return (z, z, z)
    consistency_losses = []
    for i in range(num_frames - 1):
        consistency_losses.append(
            _overlap_consistency(point_features[i], point_features[i + 1], point_indices[i], point_indices[i + 1])
        )
    consistency_loss = jnp.mean(jnp.stack(consistency_losses)) if consistency_losses else jnp.asarray(0.0, jnp.float32)
    temporal_smoothness_loss = _temporal_smoothness(point_features, total_scene_points, point_indices)
    total_loss = CONSISTENCY_WEIGHT * consistency_loss + TEMPORAL_WEIGHT * temporal_smoothness_loss
    return (consistency_loss, temporal_smoothness_loss, total_loss)

if __name__ == "__main__":
    import jax
    _d = setup_inputs()
    print(jax.jit(kernel)(*tuple(_d.values())))

</pallas_src>

<mosaic_0001>
#map = affine_map<(d0, d1) -> (0, 0)>
#map1 = affine_map<(d0, d1) -> (0)>
module attributes {stable_mosaic.version = 14 : i64} {
  func.func @_cfc_sc(%arg0: i32, %arg1: i32, %arg2: memref<200000x128xf32, #tpu.memory_space<hbm>>, %arg3: memref<200704xi32, #tpu.memory_space<hbm>>, %arg4: memref<32x128xf32, #tpu.memory_space<hbm>>, %arg5: memref<204800xi32, #tpu.memory_space<vmem_shared>>, %arg6: memref<6272xi32, #tpu.memory_space<vmem>>, %arg7: memref<6272xi32, #tpu.memory_space<vmem>>, %arg8: memref<12608xi32, #tpu.memory_space<vmem>>, %arg9: memref<64xi32, #tpu.memory_space<vmem>>, %arg10: memref<64xi32, #tpu.memory_space<vmem>>, %arg11: memref<64xi32, #tpu.memory_space<vmem>>, %arg12: memref<64xi32, #tpu.memory_space<vmem>>, %arg13: memref<64xi32, #tpu.memory_space<vmem>>, %arg14: memref<64xi32, #tpu.memory_space<vmem>>, %arg15: memref<64xi32, #tpu.memory_space<vmem>>, %arg16: memref<64xi32, #tpu.memory_space<vmem>>, %arg17: memref<4x64x128xf32, #tpu.memory_space<vmem>>, %arg18: memref<4x64x128xf32, #tpu.memory_space<vmem>>, %arg19: memref<128xf32, #tpu.memory_space<vmem>>, %arg20: memref<!tpu.dma_semaphore, #tpu.memory_space<semaphore_mem>>, %arg21: memref<!tpu.dma_semaphore, #tpu.memory_space<semaphore_mem>>) attributes {dimension_semantics = [#tpu.dimension_semantics<core_parallel>, #tpu.dimension_semantics<subcore_parallel>], iteration_bounds = array<i64: 2, 16>, scalar_prefetch = 0 : i64, scratch_operands = 17 : i64, tpu.core_type = #tpu.core_type<sc_vector_subcore>, window_params = [{transform_indices = #map}, {transform_indices = #map1}, {transform_indices = #map}]} {
    %iota3A = tpu.iota {dimensions = array<i32: 0>} : vector<16xi32>
    %scan3A = arith.constant 0 : i32
    %scan3A_0 = arith.constant 0 : i32
    %scan3A_1 = arith.constant 200 : i32
    %scan3A_2 = arith.addi %scan3A_0, %scan3A_1 : i32
    %scan3A_3 = arith.constant 1 : i32
    %scan3A_4 = scf.for %scan3A_658 = %scan3A_0 to %scan3A_2 step %scan3A_3 iter_args(%scan3A_659 = %scan3A) -> (i32)  : i32 {
      %broadcast_in_dim3A_660 = arith.constant -1 : i32
      %broadcast_in_dim3A_661 = vector.broadcast %broadcast_in_dim3A_660 : i32 to vector<16xi32>
      %mul3A_662 = arith.constant 16 : i32
      %mul3A_663 = arith.muli %scan3A_658, %mul3A_662 : i32
      %swap3A_664 = arith.index_cast %mul3A_663 : i32 to index
      %swap3A_665 = tpu.vector_load %arg8[%swap3A_664] {strides = array<i32>} : memref<12608xi32, #tpu.memory_space<vmem>>, vector<16xi32>,
      %swap3A_666 = vector.shape_cast %swap3A_665 : vector<16xi32> to vector<16xi32>
      %swap3A_667 = vector.shape_cast %broadcast_in_dim3A_661 : vector<16xi32> to vector<16xi32>
      tpu.vector_store %arg8[%swap3A_664], %swap3A_667 {strides = array<i32>} : memref<12608xi32, #tpu.memory_space<vmem>>, vector<16xi32>,
      %scan3A_668 = arith.constant 0 : i32
      scf.yield %scan3A_668 : i32
    }
    %scan3A_5 = arith.constant 200 : i32
    %mul3A = arith.constant 3200 : i32
    %mul3A_6 = arith.muli %arg1, %mul3A : i32
    %add3A = arith.constant 0 : i32
    %add3A_7 = arith.addi %add3A, %mul3A_6 : i32
    "tpu.region"() ({
      %run_scoped3A = tpu.sem_alloc : memref<!tpu.dma_semaphore, #tpu.memory_space<semaphore_mem>>
      %dma_start3A_658 = arith.constant 0 : i32
      %dma_start3A_659 = tpu.memref_slice %arg8[%dma_start3A_658] : memref<12608xi32, #tpu.memory_space<vmem>> -> memref<3200xi32, #tpu.memory_space<vmem>>
      %dma_start3A_660 = tpu.memref_slice %arg5[%add3A_7] : memref<204800xi32, #tpu.memory_space<vmem_shared>> -> memref<3200xi32, #tpu.memory_space<vmem_shared>>
      %dma_start3A_661 = tpu.memref_slice %arg5[%add3A_7] : memref<204800xi32, #tpu.memory_space<vmem_shared>> -> memref<3200xi32, #tpu.memory_space<vmem_shared>>
      %dma_start3A_662 = arith.constant 0 : i32
      %dma_start3A_663 = tpu.memref_slice %arg8[%dma_start3A_662] : memref<12608xi32, #tpu.memory_space<vmem>> -> memref<3200xi32, #tpu.memory_space<vmem>>
      tpu.enqueue_dma source(%dma_start3A_663 : memref<3200xi32, #tpu.memory_space<vmem>>) target(%dma_start3A_661 : memref<3200xi32, #tpu.memory_space<vmem_shared>>) target_semaphore(%run_scoped3A : memref<!tpu.dma_semaphore, #tpu.memory_space<semaphore_mem>>)
      %dma_wait3A_664 = arith.constant 0 : i32
      %dma_wait3A_665 = tpu.memref_slice %arg8[%dma_wait3A_664] : memref<12608xi32, #tpu.memory_space<vmem>> -> memref<3200xi32, #tpu.memory_space<vmem>>
      %dma_wait3A_666 = tpu.memref_slice %arg5[%add3A_7] : memref<204800xi32, #tpu.memory_space<vmem_shared>> -> memref<3200xi32, #tpu.memory_space<vmem_shared>>
      %dma_wait3A_667 = tpu.memref_slice %arg5[%add3A_7] : memref<204800xi32, #tpu.memory_space<vmem_shared>> -> memref<3200xi32, #tpu.memory_space<vmem_shared>>
      %dma_wait3A_668 = arith.constant 0 : i32
      %dma_wait3A_669 = tpu.memref_slice %arg8[%dma_wait3A_668] : memref<12608xi32, #tpu.memory_space<vmem>> -> memref<3200xi32, #tpu.memory_space<vmem>>
      tpu.wait_dma2 semaphore(%run_scoped3A : memref<!tpu.dma_semaphore, #tpu.memory_space<semaphore_mem>>) src(%dma_wait3A_669 : memref<3200xi32, #tpu.memory_space<vmem>>) dst(%dma_wait3A_667 : memref<3200xi32, #tpu.memory_space<vmem_shared>>)
      tpu.yield
    }) : () -> ()
    %mul3A_8 = arith.constant 3200 : i32
    %mul3A_9 = arith.muli %arg1, %mul3A_8 : i32
    %add3A_10 = arith.constant 51200 : i32
    %add3A_11 = arith.addi %add3A_10, %mul3A_9 : i32
    "tpu.region"() ({
      %run_scoped3A = tpu.sem_alloc : memref<!tpu.dma_semaphore, #tpu.memory_space<semaphore_mem>>
      %dma_start3A_658 = arith.constant 0 : i32
      %dma_start3A_659 = tpu.memref_slice %arg8[%dma_start3A_658] : memref<12608xi32, #tpu.memory_space<vmem>> -> memref<3200xi32, #tpu.memory_space<vmem>>
      %dma_start3A_660 = tpu.memref_slice %arg5[%add3A_11] : memref<204800xi32, #tpu.memory_space<vmem_shared>> -> memref<3200xi32, #tpu.memory_space<vmem_shared>>
      %dma_start3A_661 = tpu.memref_slice %arg5[%add3A_11] : memref<204800xi32, #tpu.memory_space<vmem_shared>> -> memref<3200xi32, #tpu.memory_space<vmem_shared>>
      %dma_start3A_662 = arith.constant 0 : i32
      %dma_start3A_663 = tpu.memref_slice %arg8[%dma_start3A_662] : memref<12608xi32, #tpu.memory_space<vmem>> -> memref<3200xi32, #tpu.memory_space<vmem>>
      tpu.enqueue_dma source(%dma_start3A_663 : memref<3200xi32, #tpu.memory_space<vmem>>) target(%dma_start3A_661 : memref<3200xi32, #tpu.memory_space<vmem_shared>>) target_semaphore(%run_scoped3A : memref<!tpu.dma_semaphore, #tpu.memory_space<semaphore_mem>>)
      %dma_wait3A_664 = arith.constant 0 : i32
      %dma_wait3A_665 = tpu.memref_slice %arg8[%dma_wait3A_664] : memref<12608xi32, #tpu.memory_space<vmem>> -> memref<3200xi32, #tpu.memory_space<vmem>>
      %dma_wait3A_666 = tpu.memref_slice %arg5[%add3A_11] : memref<204800xi32, #tpu.memory_space<vmem_shared>> -> memref<3200xi32, #tpu.memory_space<vmem_shared>>
      %dma_wait3A_667 = tpu.memref_slice %arg5[%add3A_11] : memref<204800xi32, #tpu.memory_space<vmem_shared>> -> memref<3200xi32, #tpu.memory_space<vmem_shared>>
      %dma_wait3A_668 = arith.constant 0 : i32
      %dma_wait3A_669 = tpu.memref_slice %arg8[%dma_wait3A_668] : memref<12608xi32, #tpu.memory_space<vmem>> -> memref<3200xi32, #tpu.memory_space<vmem>>
      tpu.wait_dma2 semaphore(%run_scoped3A : memref<!tpu.dma_semaphore, #tpu.memory_space<semaphore_mem>>) src(%dma_wait3A_669 : memref<3200xi32, #tpu.memory_space<vmem>>) dst(%dma_wait3A_667 : memref<3200xi32, #tpu.memory_space<vmem_shared>>)
      tpu.yield
    }) : () -> ()
    %mul3A_12 = arith.constant 3200 : i32
    %mul3A_13 = arith.muli %arg1, %mul3A_12 : i32
    %add3A_14 = arith.constant 102400 : i32
    %add3A_15 = arith.addi %add3A_14, %mul3A_13 : i32
    "tpu.region"() ({
      %run_scoped3A = tpu.sem_alloc : memref<!tpu.dma_semaphore, #tpu.memory_space<semaphore_mem>>
      %dma_start3A_658 = arith.constant 0 : i32
      %dma_start3A_659 = tpu.memref_slice %arg8[%dma_start3A_658] : memref<12608xi32, #tpu.memory_space<vmem>> -> memref<3200xi32, #tpu.memory_space<vmem>>
      %dma_start3A_660 = tpu.memref_slice %arg5[%add3A_15] : memref<204800xi32, #tpu.memory_space<vmem_shared>> -> memref<3200xi32, #tpu.memory_space<vmem_shared>>
      %dma_start3A_661 = tpu.memref_slice %arg5[%add3A_15] : memref<204800xi32, #tpu.memory_space<vmem_shared>> -> memref<3200xi32, #tpu.memory_space<vmem_shared>>
      %dma_start3A_662 = arith.constant 0 : i32
      %dma_start3A_663 = tpu.memref_slice %arg8[%dma_start3A_662] : memref<12608xi32, #tpu.memory_space<vmem>> -> memref<3200xi32, #tpu.memory_space<vmem>>
      tpu.enqueue_dma source(%dma_start3A_663 : memref<3200xi32, #tpu.memory_space<vmem>>) target(%dma_start3A_661 : memref<3200xi32, #tpu.memory_space<vmem_shared>>) target_semaphore(%run_scoped3A : memref<!tpu.dma_semaphore, #tpu.memory_space<semaphore_mem>>)
      %dma_wait3A_664 = arith.constant 0 : i32
      %dma_wait3A_665 = tpu.memref_slice %arg8[%dma_wait3A_664] : memref<12608xi32, #tpu.memory_space<vmem>> -> memref<3200xi32, #tpu.memory_space<vmem>>
      %dma_wait3A_666 = tpu.memref_slice %arg5[%add3A_15] : memref<204800xi32, #tpu.memory_space<vmem_shared>> -> memref<3200xi32, #tpu.memory_space<vmem_shared>>
      %dma_wait3A_667 = tpu.memref_slice %arg5[%add3A_15] : memref<204800xi32, #tpu.memory_space<vmem_shared>> -> memref<3200xi32, #tpu.memory_space<vmem_shared>>
      %dma_wait3A_668 = arith.constant 0 : i32
      %dma_wait3A_669 = tpu.memref_slice %arg8[%dma_wait3A_668] : memref<12608xi32, #tpu.memory_space<vmem>> -> memref<3200xi32, #tpu.memory_space<vmem>>
      tpu.wait_dma2 semaphore(%run_scoped3A : memref<!tpu.dma_semaphore, #tpu.memory_space<semaphore_mem>>) src(%dma_wait3A_669 : memref<3200xi32, #tpu.memory_space<vmem>>) dst(%dma_wait3A_667 : memref<3200xi32, #tpu.memory_space<vmem_shared>>)
      tpu.yield
    }) : () -> ()
    %mul3A_16 = arith.constant 3200 : i32
    %mul3A_17 = arith.muli %arg1, %mul3A_16 : i32
    %add3A_18 = arith.constant 153600 : i32
    %add3A_19 = arith.addi %add3A_18, %mul3A_17 : i32
    "tpu.region"() ({
      %run_scoped3A = tpu.sem_alloc : memref<!tpu.dma_semaphore, #tpu.memory_space<semaphore_mem>>
      %dma_start3A_658 = arith.constant 0 : i32
      %dma_start3A_659 = tpu.memref_slice %arg8[%dma_start3A_658] : memref<12608xi32, #tpu.memory_space<vmem>> -> memref<3200xi32, #tpu.memory_space<vmem>>
      %dma_start3A_660 = tpu.memref_slice %arg5[%add3A_19] : memref<204800xi32, #tpu.memory_space<vmem_shared>> -> memref<3200xi32, #tpu.memory_space<vmem_shared>>
      %dma_start3A_661 = tpu.memref_slice %arg5[%add3A_19] : memref<204800xi32, #tpu.memory_space<vmem_shared>> -> memref<3200xi32, #tpu.memory_space<vmem_shared>>
      %dma_start3A_662 = arith.constant 0 : i32
      %dma_start3A_663 = tpu.memref_slice %arg8[%dma_start3A_662] : memref<12608xi32, #tpu.memory_space<vmem>> -> memref<3200xi32, #tpu.memory_space<vmem>>
      tpu.enqueue_dma source(%dma_start3A_663 : memref<3200xi32, #tpu.memory_space<vmem>>) target(%dma_start3A_661 : memref<3200xi32, #tpu.memory_space<vmem_shared>>) target_semaphore(%run_scoped3A : memref<!tpu.dma_semaphore, #tpu.memory_space<semaphore_mem>>)
      %dma_wait3A_664 = arith.constant 0 : i32
      %dma_wait3A_665 = tpu.memref_slice %arg8[%dma_wait3A_664] : memref<12608xi32, #tpu.memory_space<vmem>> -> memref<3200xi32, #tpu.memory_space<vmem>>
      %dma_wait3A_666 = tpu.memref_slice %arg5[%add3A_19] : memref<204800xi32, #tpu.memory_space<vmem_shared>> -> memref<3200xi32, #tpu.memory_space<vmem_shared>>
      %dma_wait3A_667 = tpu.memref_slice %arg5[%add3A_19] : memref<204800xi32, #tpu.memory_space<vmem_shared>> -> memref<3200xi32, #tpu.memory_space<vmem_shared>>
      %dma_wait3A_668 = arith.constant 0 : i32
      %dma_wait3A_669 = tpu.memref_slice %arg8[%dma_wait3A_668] : memref<12608xi32, #tpu.memory_space<vmem>> -> memref<3200xi32, #tpu.memory_space<vmem>>
      tpu.wait_dma2 semaphore(%run_scoped3A : memref<!tpu.dma_semaphore, #tpu.memory_space<semaphore_mem>>) src(%dma_wait3A_669 : memref<3200xi32, #tpu.memory_space<vmem>>) dst(%dma_wait3A_667 : memref<3200xi32, #tpu.memory_space<vmem_shared>>)
      tpu.yield
    }) : () -> ()
    %jit3A = arith.constant 4 : i32
    %div3A = arith.divsi %arg1, %jit3A : i32
    %sign3A = arith.constant 0 : i32
    %sign3A_20 = arith.cmpi sgt, %arg1, %sign3A : i32
    %sign3A_21 = arith.extui %sign3A_20 : i1 to i32
    %sign3A_22 = arith.constant 0 : i32
    %sign3A_23 = arith.cmpi slt, %arg1, %sign3A_22 : i32
    %sign3A_24 = arith.extui %sign3A_23 : i1 to i32
    %sign3A_25 = arith.subi %sign3A_21, %sign3A_24 : i32
    %sign3A_26 = arith.constant 0 : i32
    %sign3A_27 = arith.cmpi sgt, %jit3A, %sign3A_26 : i32
    %sign3A_28 = arith.extui %sign3A_27 : i1 to i32
    %sign3A_29 = arith.constant 0 : i32
    %sign3A_30 = arith.cmpi slt, %jit3A, %sign3A_29 : i32
    %sign3A_31 = arith.extui %sign3A_30 : i1 to i32
    %sign3A_32 = arith.subi %sign3A_28, %sign3A_31 : i32
    %ne3A = arith.cmpi ne, %sign3A_25, %sign3A_32 : i32
    %rem3A = arith.remsi %arg1, %jit3A : i32
    %ne3A_33 = arith.constant 0 : i32
    %ne3A_34 = arith.cmpi ne, %rem3A, %ne3A_33 : i32
    %and3A = arith.andi %ne3A, %ne3A_34 : i1
    %sub3A = arith.constant 1 : i32
    %sub3A_35 = arith.subi %div3A, %sub3A : i32
    %select_n3A = arith.select %and3A, %sub3A_35, %div3A : i32
    %jit3A_36 = arith.constant 4 : i32
    %eq3A = arith.constant 0 : i32
    %eq3A_37 = arith.cmpi eq, %jit3A_36, %eq3A : i32
    %jit3A_38 = arith.constant 1 : i32
    %select_n3A_39 = arith.select %eq3A_37, %jit3A_38, %jit3A_36 : i32
    %rem3A_40 = arith.remsi %arg1, %select_n3A_39 : i32
    %ne3A_41 = arith.constant 0 : i32
    %ne3A_42 = arith.cmpi ne, %rem3A_40, %ne3A_41 : i32
    %lt3A = arith.constant 0 : i32
    %lt3A_43 = arith.cmpi slt, %rem3A_40, %lt3A : i32
    %lt3A_44 = arith.constant 0 : i32
    %lt3A_45 = arith.cmpi slt, %select_n3A_39, %lt3A_44 : i32
    %ne3A_46 = arith.xori %lt3A_43, %lt3A_45 : i1
    %and3A_47 = arith.andi %ne3A_46, %ne3A_42 : i1
    %add3A_48 = arith.addi %rem3A_40, %select_n3A_39 : i32
    %select_n3A_49 = arith.select %and3A_47, %add3A_48, %rem3A_40 : i32
    %mul3A_50 = arith.constant 50000 : i32
    %mul3A_51 = arith.muli %arg0, %mul3A_50 : i32
    %barrier3A = arith.constant 0 : index
    tpu.barrier barrier_id(%barrier3A)
    %mul3A_52 = arith.constant 50176 : i32
    %mul3A_53 = arith.muli %select_n3A, %mul3A_52 : i32
    %mul3A_54 = arith.constant 12544 : i32
    %mul3A_55 = arith.muli %select_n3A_49, %mul3A_54 : i32
    %add3A_56 = arith.addi %mul3A_53, %mul3A_55 : i32
    %add3A_57 = arith.constant 0 : i32
    %add3A_58 = arith.addi %add3A_56, %add3A_57 : i32
    "tpu.region"() ({
      %run_scoped3A = tpu.sem_alloc : memref<!tpu.dma_semaphore, #tpu.memory_space<semaphore_mem>>
      %dma_start3A_658 = tpu.memref_slice %arg3[%add3A_58] : memref<200704xi32, #tpu.memory_space<hbm>> -> memref<6272xi32, #tpu.memory_space<hbm>>
      %dma_start3A_659 = tpu.memref_slice %arg3[%add3A_58] : memref<200704xi32, #tpu.memory_space<hbm>> -> memref<6272xi32, #tpu.memory_space<hbm>>
      tpu.enqueue_dma source(%dma_start3A_659 : memref<6272xi32, #tpu.memory_space<hbm>>) target(%arg6 : memref<6272xi32, #tpu.memory_space<vmem>>) target_semaphore(%run_scoped3A : memref<!tpu.dma_semaphore, #tpu.memory_space<semaphore_mem>>)
      %dma_wait3A_660 = tpu.memref_slice %arg3[%add3A_58] : memref<200704xi32, #tpu.memory_space<hbm>> -> memref<6272xi32, #tpu.memory_space<hbm>>
      %dma_wait3A_661 = tpu.memref_slice %arg3[%add3A_58] : memref<200704xi32, #tpu.memory_space<hbm>> -> memref<6272xi32, #tpu.memory_space<hbm>>
      tpu.wait_dma2 semaphore(%run_scoped3A : memref<!tpu.dma_semaphore, #tpu.memory_space<semaphore_mem>>) src(%dma_wait3A_661 : memref<6272xi32, #tpu.memory_space<hbm>>) dst(%arg6 : memref<6272xi32, #tpu.memory_space<vmem>>)
      tpu.yield
    }) : () -> ()
    %scan3A_59 = arith.constant 0 : i32
    %scan3A_60 = arith.constant 0 : i32
    %scan3A_61 = arith.constant 49 : i32
    %scan3A_62 = arith.addi %scan3A_60, %scan3A_61 : i32
    %scan3A_63 = arith.constant 1 : i32
    %scan3A_64 = scf.for %scan3A_658 = %scan3A_60 to %scan3A_62 step %scan3A_63 iter_args(%scan3A_659 = %scan3A_59) -> (i32)  : i32 {
      %mul3A_660 = arith.constant 128 : i32
      %mul3A_661 = arith.muli %scan3A_658, %mul3A_660 : i32
      %add3A_662 = arith.constant 0 : i32
      %add3A_663 = arith.addi %add3A_662, %mul3A_661 : i32
      %add3A_664 = arith.constant 0 : i32
      %add3A_665 = arith.addi %add3A_663, %add3A_664 : i32
      %add3A_666 = vector.broadcast %add3A_665 : i32 to vector<16xi32>
      %add3A_667 = arith.addi %add3A_666, %iota3A : vector<16xi32>
      %mul3A_668 = arith.constant 128 : i32
      %mul3A_669 = arith.muli %scan3A_658, %mul3A_668 : i32
      %add3A_670 = arith.constant 0 : i32
      %add3A_671 = arith.addi %mul3A_669, %add3A_670 : i32
      %get3A_672 = arith.index_cast %add3A_671 : i32 to index
      %get3A_673 = tpu.vector_load %arg6[%get3A_672] {strides = array<i32>} : memref<6272xi32, #tpu.memory_space<vmem>>, vector<16xi32>,
      %get3A_674 = vector.shape_cast %get3A_673 : vector<16xi32> to vector<16xi32>
      %sub3A_675 = vector.broadcast %mul3A_51 : i32 to vector<16xi32>
      %sub3A_676 = arith.subi %get3A_674, %sub3A_675 : vector<16xi32>
      %ge3A_677 = arith.constant 0 : i32
      %ge3A_678 = vector.broadcast %ge3A_677 : i32 to vector<16xi32>
      %ge3A_679 = arith.cmpi sge, %sub3A_676, %ge3A_678 : vector<16xi32>
      %lt3A_680 = arith.constant 50000 : i32
      %lt3A_681 = vector.broadcast %lt3A_680 : i32 to vector<16xi32>
      %lt3A_682 = arith.cmpi slt, %sub3A_676, %lt3A_681 : vector<16xi32>
      %and3A_683 = arith.andi %ge3A_679, %lt3A_682 : vector<16xi1>
      %mul3A_684 = arith.constant 51200 : i32
      %mul3A_685 = arith.muli %select_n3A, %mul3A_684 : i32
      %add3A_686 = arith.constant 50176 : i32
      %add3A_687 = arith.addi %mul3A_685, %add3A_686 : i32
      %and3A_688 = arith.constant 1023 : i32
      %and3A_689 = vector.broadcast %and3A_688 : i32 to vector<16xi32>
      %and3A_690 = arith.andi %add3A_667, %and3A_689 : vector<16xi32>
      %add3A_691 = vector.broadcast %add3A_687 : i32 to vector<16xi32>
      %add3A_692 = arith.addi %add3A_691, %and3A_690 : vector<16xi32>
      %mul3A_693 = arith.constant 51200 : i32
      %mul3A_694 = arith.muli %select_n3A, %mul3A_693 : i32
      %add3A_695 = vector.broadcast %mul3A_694 : i32 to vector<16xi32>
      %add3A_696 = arith.addi %add3A_695, %sub3A_676 : vector<16xi32>
      %select_n3A_697 = arith.select %and3A_683, %add3A_696, %add3A_692 : vector<16xi1>, vector<16xi32>
      %mul3A_698 = arith.constant 12544 : i32
      %mul3A_699 = arith.muli %select_n3A_49, %mul3A_698 : i32
      %add3A_700 = vector.broadcast %mul3A_699 : i32 to vector<16xi32>
      %add3A_701 = arith.addi %add3A_700, %add3A_667 : vector<16xi32>
      %mul3A_702 = arith.constant 128 : i32
      %mul3A_703 = arith.muli %scan3A_658, %mul3A_702 : i32
      %add3A_704 = arith.constant 0 : i32
      %add3A_705 = arith.addi %mul3A_703, %add3A_704 : i32
      %swap3A_706 = arith.index_cast %add3A_705 : i32 to index
      %swap3A_707 = tpu.vector_load %arg6[%swap3A_706] {strides = array<i32>} : memref<6272xi32, #tpu.memory_space<vmem>>, vector<16xi32>,
      %swap3A_708 = vector.shape_cast %swap3A_707 : vector<16xi32> to vector<16xi32>
      %swap3A_709 = vector.shape_cast %select_n3A_697 : vector<16xi32> to vector<16xi32>
      tpu.vector_store %arg6[%swap3A_706], %swap3A_709 {strides = array<i32>} : memref<6272xi32, #tpu.memory_space<vmem>>, vector<16xi32>,
      %mul3A_710 = arith.constant 128 : i32
      %mul3A_711 = arith.muli %scan3A_658, %mul3A_710 : i32
      %add3A_712 = arith.constant 0 : i32
      %add3A_713 = arith.addi %mul3A_711, %add3A_712 : i32
      %swap3A_714 = arith.index_cast %add3A_713 : i32 to index
      %swap3A_715 = tpu.vector_load %arg7[%swap3A_714] {strides = array<i32>} : memref<6272xi32, #tpu.memory_space<vmem>>, vector<16xi32>,
      %swap3A_716 = vector.shape_cast %swap3A_715 : vector<16xi32> to vector<16xi32>
      %swap3A_717 = vector.shape_cast %add3A_701 : vector<16xi32> to vector<16xi32>
      tpu.vector_store %arg7[%swap3A_714], %swap3A_717 {strides = array<i32>} : memref<6272xi32, #tpu.memory_space<vmem>>, vector<16xi32>,
      %mul3A_718 = arith.constant 128 : i32
      %mul3A_719 = arith.muli %scan3A_658, %mul3A_718 : i32
      %add3A_720 = arith.constant 0 : i32
      %add3A_721 = arith.addi %add3A_720, %mul3A_719 : i32
      %add3A_722 = arith.constant 16 : i32
      %add3A_723 = arith.addi %add3A_721, %add3A_722 : i32
      %add3A_724 = vector.broadcast %add3A_723 : i32 to vector<16xi32>
      %add3A_725 = arith.addi %add3A_724, %iota3A : vector<16xi32>
      %mul3A_726 = arith.constant 128 : i32
      %mul3A_727 = arith.muli %scan3A_658, %mul3A_726 : i32
      %add3A_728 = arith.constant 16 : i32
      %add3A_729 = arith.addi %mul3A_727, %add3A_728 : i32
      %get3A_730 = arith.index_cast %add3A_729 : i32 to index
      %get3A_731 = tpu.vector_load %arg6[%get3A_730] {strides = array<i32>} : memref<6272xi32, #tpu.memory_space<vmem>>, vector<16xi32>,
      %get3A_732 = vector.shape_cast %get3A_731 : vector<16xi32> to vector<16xi32>
      %sub3A_733 = vector.broadcast %mul3A_51 : i32 to vector<16xi32>
      %sub3A_734 = arith.subi %get3A_732, %sub3A_733 : vector<16xi32>
      %ge3A_735 = arith.constant 0 : i32
      %ge3A_736 = vector.broadcast %ge3A_735 : i32 to vector<16xi32>
      %ge3A_737 = arith.cmpi sge, %sub3A_734, %ge3A_736 : vector<16xi32>
      %lt3A_738 = arith.constant 50000 : i32
      %lt3A_739 = vector.broadcast %lt3A_738 : i32 to vector<16xi32>
      %lt3A_740 = arith.cmpi slt, %sub3A_734, %lt3A_739 : vector<16xi32>
      %and3A_741 = arith.andi %ge3A_737, %lt3A_740 : vector<16xi1>
      %mul3A_742 = arith.constant 51200 : i32
      %mul3A_743 = arith.muli %select_n3A, %mul3A_742 : i32
      %add3A_744 = arith.constant 50176 : i32
      %add3A_745 = arith.addi %mul3A_743, %add3A_744 : i32
      %and3A_746 = arith.constant 1023 : i32
      %and3A_747 = vector.broadcast %and3A_746 : i32 to vector<16xi32>
      %and3A_748 = arith.andi %add3A_725, %and3A_747 : vector<16xi32>
      %add3A_749 = vector.broadcast %add3A_745 : i32 to vector<16xi32>
      %add3A_750 = arith.addi %add3A_749, %and3A_748 : vector<16xi32>
      %mul3A_751 = arith.constant 51200 : i32
      %mul3A_752 = arith.muli %select_n3A, %mul3A_751 : i32
      %add3A_753 = vector.broadcast %mul3A_752 : i32 to vector<16xi32>
      %add3A_754 = arith.addi %add3A_753, %sub3A_734 : vector<16xi32>
      %select_n3A_755 = arith.select %and3A_741, %add3A_754, %add3A_750 : vector<16xi1>, vector<16xi32>
      %mul3A_756 = arith.constant 12544 : i32
      %mul3A_757 = arith.muli %select_n3A_49, %mul3A_756 : i32
      %add3A_758 = vector.broadcast %mul3A_757 : i32 to vector<16xi32>
      %add3A_759 = arith.addi %add3A_758, %add3A_725 : vector<16xi32>
      %mul3A_760 = arith.constant 128 : i32
      %mul3A_761 = arith.muli %scan3A_658, %mul3A_760 : i32
      %add3A_762 = arith.constant 16 : i32
      %add3A_763 = arith.addi %mul3A_761, %add3A_762 : i32
      %swap3A_764 = arith.index_cast %add3A_763 : i32 to index
      %swap3A_765 = tpu.vector_load %arg6[%swap3A_764] {strides = array<i32>} : memref<6272xi32, #tpu.memory_space<vmem>>, vector<16xi32>,
      %swap3A_766 = vector.shape_cast %swap3A_765 : vector<16xi32> to vector<16xi32>
      %swap3A_767 = vector.shape_cast %select_n3A_755 : vector<16xi32> to vector<16xi32>
      tpu.vector_store %arg6[%swap3A_764], %swap3A_767 {strides = array<i32>} : memref<6272xi32, #tpu.memory_space<vmem>>, vector<16xi32>,
      %mul3A_768 = arith.constant 128 : i32
      %mul3A_769 = arith.muli %scan3A_658, %mul3A_768 : i32
      %add3A_770 = arith.constant 16 : i32
      %add3A_771 = arith.addi %mul3A_769, %add3A_770 : i32
      %swap3A_772 = arith.index_cast %add3A_771 : i32 to index
      %swap3A_773 = tpu.vector_load %arg7[%swap3A_772] {strides = array<i32>} : memref<6272xi32, #tpu.memory_space<vmem>>, vector<16xi32>,
      %swap3A_774 = vector.shape_cast %swap3A_773 : vector<16xi32> to vector<16xi32>
      %swap3A_775 = vector.shape_cast %add3A_759 : vector<16xi32> to vector<16xi32>
      tpu.vector_store %arg7[%swap3A_772], %swap3A_775 {strides = array<i32>} : memref<6272xi32, #tpu.memory_space<vmem>>, vector<16xi32>,
      %mul3A_776 = arith.constant 128 : i32
      %mul3A_777 = arith.muli %scan3A_658, %mul3A_776 : i32
      %add3A_778 = arith.constant 0 : i32
      %add3A_779 = arith.addi %add3A_778, %mul3A_777 : i32
      %add3A_780 = arith.constant 32 : i32
      %add3A_781 = arith.addi %add3A_779, %add3A_780 : i32
      %add3A_782 = vector.broadcast %add3A_781 : i32 to vector<16xi32>
      %add3A_783 = arith.addi %add3A_782, %iota3A : vector<16xi32>
      %mul3A_784 = arith.constant 128 : i32
      %mul3A_785 = arith.muli %scan3A_658, %mul3A_784 : i32
      %add3A_786 = arith.constant 32 : i32
      %add3A_787 = arith.addi %mul3A_785, %add3A_786 : i32
      %get3A_788 = arith.index_cast %add3A_787 : i32 to index
      %get3A_789 = tpu.vector_load %arg6[%get3A_788] {strides = array<i32>} : memref<6272xi32, #tpu.memory_space<vmem>>, vector<16xi32>,
      %get3A_790 = vector.shape_cast %get3A_789 : vector<16xi32> to vector<16xi32>
      %sub3A_791 = vector.broadcast %mul3A_51 : i32 to vector<16xi32>
      %sub3A_792 = arith.subi %get3A_790, %sub3A_791 : vector<16xi32>
      %ge3A_793 = arith.constant 0 : i32
      %ge3A_794 = vector.broadcast %ge3A_793 : i32 to vector<16xi32>
      %ge3A_795 = arith.cmpi sge, %sub3A_792, %ge3A_794 : vector<16xi32>
      %lt3A_796 = arith.constant 50000 : i32
      %lt3A_797 = vector.broadcast %lt3A_796 : i32 to vector<16xi32>
      %lt3A_798 = arith.cmpi slt, %sub3A_792, %lt3A_797 : vector<16xi32>
      %and3A_799 = arith.andi %ge3A_795, %lt3A_798 : vector<16xi1>
      %mul3A_800 = arith.constant 51200 : i32
      %mul3A_801 = arith.muli %select_n3A, %mul3A_800 : i32
      %add3A_802 = arith.constant 50176 : i32
      %add3A_803 = arith.addi %mul3A_801, %add3A_802 : i32
      %and3A_804 = arith.constant 1023 : i32
      %and3A_805 = vector.broadcast %and3A_804 : i32 to vector<16xi32>
      %and3A_806 = arith.andi %add3A_783, %and3A_805 : vector<16xi32>
      %add3A_807 = vector.broadcast %add3A_803 : i32 to vector<16xi32>
      %add3A_808 = arith.addi %add3A_807, %and3A_806 : vector<16xi32>
      %mul3A_809 = arith.constant 51200 : i32
      %mul3A_810 = arith.muli %select_n3A, %mul3A_809 : i32
      %add3A_811 = vector.broadcast %mul3A_810 : i32 to vector<16xi32>
      %add3A_812 = arith.addi %add3A_811, %sub3A_792 : vector<16xi32>
      %select_n3A_813 = arith.select %and3A_799, %add3A_812, %add3A_808 : vector<16xi1>, vector<16xi32>
      %mul3A_814 = arith.constant 12544 : i32
      %mul3A_815 = arith.muli %select_n3A_49, %mul3A_814 : i32
      %add3A_816 = vector.broadcast %mul3A_815 : i32 to vector<16xi32>
      %add3A_817 = arith.addi %add3A_816, %add3A_783 : vector<16xi32>
      %mul3A_818 = arith.constant 128 : i32
      %mul3A_819 = arith.muli %scan3A_658, %mul3A_818 : i32
      %add3A_820 = arith.constant 32 : i32
      %add3A_821 = arith.addi %mul3A_819, %add3A_820 : i32
      %swap3A_822 = arith.index_cast %add3A_821 : i32 to index
      %swap3A_823 = tpu.vector_load %arg6[%swap3A_822] {strides = array<i32>} : memref<6272xi32, #tpu.memory_space<vmem>>, vector<16xi32>,
      %swap3A_824 = vector.shape_cast %swap3A_823 : vector<16xi32> to vector<16xi32>
      %swap3A_825 = vector.shape_cast %select_n3A_813 : vector<16xi32> to vector<16xi32>
      tpu.vector_store %arg6[%swap3A_822], %swap3A_825 {strides = array<i32>} : memref<6272xi32, #tpu.memory_space<vmem>>, vector<16xi32>,
      %mul3A_826 = arith.constant 128 : i32
      %mul3A_827 = arith.muli %scan3A_658, %mul3A_826 : i32
      %add3A_828 = arith.constant 32 : i32
      %add3A_829 = arith.addi %mul3A_827, %add3A_828 : i32
      %swap3A_830 = arith.index_cast %add3A_829 : i32 to index
      %swap3A_831 = tpu.vector_load %arg7[%swap3A_830] {strides = array<i32>} : memref<6272xi32, #tpu.memory_space<vmem>>, vector<16xi32>,
      %swap3A_832 = vector.shape_cast %swap3A_831 : vector<16xi32> to vector<16xi32>
      %swap3A_833 = vector.shape_cast %add3A_817 : vector<16xi32> to vector<16xi32>
      tpu.vector_store %arg7[%swap3A_830], %swap3A_833 {strides = array<i32>} : memref<6272xi32, #tpu.memory_space<vmem>>, vector<16xi32>,
      %mul3A_834 = arith.constant 128 : i32
      %mul3A_835 = arith.muli %scan3A_658, %mul3A_834 : i32
      %add3A_836 = arith.constant 0 : i32
      %add3A_837 = arith.addi %add3A_836, %mul3A_835 : i32
      %add3A_838 = arith.constant 48 : i32
      %add3A_839 = arith.addi %add3A_837, %add3A_838 : i32
      %add3A_840 = vector.broadcast %add3A_839 : i32 to vector<16xi32>
      %add3A_841 = arith.addi %add3A_840, %iota3A : vector<16xi32>
      %mul3A_842 = arith.constant 128 : i32
      %mul3A_843 = arith.muli %scan3A_658, %mul3A_842 : i32
      %add3A_844 = arith.constant 48 : i32
      %add3A_845 = arith.addi %mul3A_843, %add3A_844 : i32
      %get3A_846 = arith.index_cast %add3A_845 : i32 to index
      %get3A_847 = tpu.vector_load %arg6[%get3A_846] {strides = array<i32>} : memref<6272xi32, #tpu.memory_space<vmem>>, vector<16xi32>,
      %get3A_848 = vector.shape_cast %get3A_847 : vector<16xi32> to vector<16xi32>
      %sub3A_849 = vector.broadcast %mul3A_51 : i32 to vector<16xi32>
      %sub3A_850 = arith.subi %get3A_848, %sub3A_849 : vector<16xi32>
      %ge3A_851 = arith.constant 0 : i32
      %ge3A_852 = vector.broadcast %ge3A_851 : i32 to vector<16xi32>
      %ge3A_853 = arith.cmpi sge, %sub3A_850, %ge3A_852 : vector<16xi32>
      %lt3A_854 = arith.constant 50000 : i32
      %lt3A_855 = vector.broadcast %lt3A_854 : i32 to vector<16xi32>
      %lt3A_856 = arith.cmpi slt, %sub3A_850, %lt3A_855 : vector<16xi32>
      %and3A_857 = arith.andi %ge3A_853, %lt3A_856 : vector<16xi1>
      %mul3A_858 = arith.constant 51200 : i32
      %mul3A_859 = arith.muli %select_n3A, %mul3A_858 : i32
      %add3A_860 = arith.constant 50176 : i32
      %add3A_861 = arith.addi %mul3A_859, %add3A_860 : i32
      %and3A_862 = arith.constant 1023 : i32
      %and3A_863 = vector.broadcast %and3A_862 : i32 to vector<16xi32>
      %and3A_864 = arith.andi %add3A_841, %and3A_863 : vector<16xi32>
      %add3A_865 = vector.broadcast %add3A_861 : i32 to vector<16xi32>
      %add3A_866 = arith.addi %add3A_865, %and3A_864 : vector<16xi32>
      %mul3A_867 = arith.constant 51200 : i32
      %mul3A_868 = arith.muli %select_n3A, %mul3A_867 : i32
      %add3A_869 = vector.broadcast %mul3A_868 : i32 to vector<16xi32>
      %add3A_870 = arith.addi %add3A_869, %sub3A_850 : vector<16xi32>
      %select_n3A_871 = arith.select %and3A_857, %add3A_870, %add3A_866 : vector<16xi1>, vector<16xi32>
      %mul3A_872 = arith.constant 12544 : i32
      %mul3A_873 = arith.muli %select_n3A_49, %mul3A_872 : i32
      %add3A_874 = vector.broadcast %mul3A_873 : i32 to vector<16xi32>
      %add3A_875 = arith.addi %add3A_874, %add3A_841 : vector<16xi32>
      %mul3A_876 = arith.constant 128 : i32
      %mul3A_877 = arith.muli %scan3A_658, %mul3A_876 : i32
      %add3A_878 = arith.constant 48 : i32
      %add3A_879 = arith.addi %mul3A_877, %add3A_878 : i32
      %swap3A_880 = arith.index_cast %add3A_879 : i32 to index
      %swap3A_881 = tpu.vector_load %arg6[%swap3A_880] {strides = array<i32>} : memref<6272xi32, #tpu.memory_space<vmem>>, vector<16xi32>,
      %swap3A_882 = vector.shape_cast %swap3A_881 : vector<16xi32> to vector<16xi32>
      %swap3A_883 = vector.shape_cast %select_n3A_871 : vector<16xi32> to vector<16xi32>
      tpu.vector_store %arg6[%swap3A_880], %swap3A_883 {strides = array<i32>} : memref<6272xi32, #tpu.memory_space<vmem>>, vector<16xi32>,
      %mul3A_884 = arith.constant 128 : i32
      %mul3A_885 = arith.muli %scan3A_658, %mul3A_884 : i32
      %add3A_886 = arith.constant 48 : i32
      %add3A_887 = arith.addi %mul3A_885, %add3A_886 : i32
      %swap3A_888 = arith.index_cast %add3A_887 : i32 to index
      %swap3A_889 = tpu.vector_load %arg7[%swap3A_888] {strides = array<i32>} : memref<6272xi32, #tpu.memory_space<vmem>>, vector<16xi32>,
      %swap3A_890 = vector.shape_cast %swap3A_889 : vector<16xi32> to vector<16xi32>
      %swap3A_891 = vector.shape_cast %add3A_875 : vector<16xi32> to vector<16xi32>
      tpu.vector_store %arg7[%swap3A_888], %swap3A_891 {strides = array<i32>} : memref<6272xi32, #tpu.memory_space<vmem>>, vector<16xi32>,
      %mul3A_892 = arith.constant 128 : i32
      %mul3A_893 = arith.muli %scan3A_658, %mul3A_892 : i32
      %add3A_894 = arith.constant 0 : i32
      %add3A_895 = arith.addi %add3A_894, %mul3A_893 : i32
      %add3A_896 = arith.constant 64 : i32
      %add3A_897 = arith.addi %add3A_895, %add3A_896 : i32
      %add3A_898 = vector.broadcast %add3A_897 : i32 to vector<16xi32>
      %add3A_899 = arith.addi %add3A_898, %iota3A : vector<16xi32>
      %mul3A_900 = arith.constant 128 : i32
      %mul3A_901 = arith.muli %scan3A_658, %mul3A_900 : i32
      %add3A_902 = arith.constant 64 : i32
      %add3A_903 = arith.addi %mul3A_901, %add3A_902 : i32
      %get3A_904 = arith.index_cast %add3A_903 : i32 to index
      %get3A_905 = tpu.vector_load %arg6[%get3A_904] {strides = array<i32>} : memref<6272xi32, #tpu.memory_space<vmem>>, vector<16xi32>,
      %get3A_906 = vector.shape_cast %get3A_905 : vector<16xi32> to vector<16xi32>
      %sub3A_907 = vector.broadcast %mul3A_51 : i32 to vector<16xi32>
      %sub3A_908 = arith.subi %get3A_906, %sub3A_907 : vector<16xi32>
      %ge3A_909 = arith.constant 0 : i32
      %ge3A_910 = vector.broadcast %ge3A_909 : i32 to vector<16xi32>
      %ge3A_911 = arith.cmpi sge, %sub3A_908, %ge3A_910 : vector<16xi32>
      %lt3A_912 = arith.constant 50000 : i32
      %lt3A_913 = vector.broadcast %lt3A_912 : i32 to vector<16xi32>
      %lt3A_914 = arith.cmpi slt, %sub3A_908, %lt3A_913 : vector<16xi32>
      %and3A_915 = arith.andi %ge3A_911, %lt3A_914 : vector<16xi1>
      %mul3A_916 = arith.constant 51200 : i32
      %mul3A_917 = arith.muli %select_n3A, %mul3A_916 : i32
      %add3A_918 = arith.constant 50176 : i32
      %add3A_919 = arith.addi %mul3A_917, %add3A_918 : i32
      %and3A_920 = arith.constant 1023 : i32
      %and3A_921 = vector.broadcast %and3A_920 : i32 to vector<16xi32>
      %and3A_922 = arith.andi %add3A_899, %and3A_921 : vector<16xi32>
      %add3A_923 = vector.broadcast %add3A_919 : i32 to vector<16xi32>
      %add3A_924 = arith.addi %add3A_923, %and3A_922 : vector<16xi32>
      %mul3A_925 = arith.constant 51200 : i32
      %mul3A_926 = arith.muli %select_n3A, %mul3A_925 : i32
      %add3A_927 = vector.broadcast %mul3A_926 : i32 to vector<16xi32>
      %add3A_928 = arith.addi %add3A_927, %sub3A_908 : vector<16xi32>
      %select_n3A_929 = arith.select %and3A_915, %add3A_928, %add3A_924 : vector<16xi1>, vector<16xi32>
      %mul3A_930 = arith.constant 12544 : i32
      %mul3A_931 = arith.muli %select_n3A_49, %mul3A_930 : i32
      %add3A_932 = vector.broadcast %mul3A_931 : i32 to vector<16xi32>
      %add3A_933 = arith.addi %add3A_932, %add3A_899 : vector<16xi32>
      %mul3A_934 = arith.constant 128 : i32
      %mul3A_935 = arith.muli %scan3A_658, %mul3A_934 : i32
      %add3A_936 = arith.constant 64 : i32
      %add3A_937 = arith.addi %mul3A_935, %add3A_936 : i32
      %swap3A_938 = arith.index_cast %add3A_937 : i32 to index
      %swap3A_939 = tpu.vector_load %arg6[%swap3A_938] {strides = array<i32>} : memref<6272xi32, #tpu.memory_space<vmem>>, vector<16xi32>,
      %swap3A_940 = vector.shape_cast %swap3A_939 : vector<16xi32> to vector<16xi32>
      %swap3A_941 = vector.shape_cast %select_n3A_929 : vector<16xi32> to vector<16xi32>
      tpu.vector_store %arg6[%swap3A_938], %swap3A_941 {strides = array<i32>} : memref<6272xi32, #tpu.memory_space<vmem>>, vector<16xi32>,
      %mul3A_942 = arith.constant 128 : i32
      %mul3A_943 = arith.muli %scan3A_658, %mul3A_942 : i32
      %add3A_944 = arith.constant 64 : i32
      %add3A_945 = arith.addi %mul3A_943, %add3A_944 : i32
      %swap3A_946 = arith.index_cast %add3A_945 : i32 to index
      %swap3A_947 = tpu.vector_load %arg7[%swap3A_946] {strides = array<i32>} : memref<6272xi32, #tpu.memory_space<vmem>>, vector<16xi32>,
      %swap3A_948 = vector.shape_cast %swap3A_947 : vector<16xi32> to vector<16xi32>
      %swap3A_949 = vector.shape_cast %add3A_933 : vector<16xi32> to vector<16xi32>
      tpu.vector_store %arg7[%swap3A_946], %swap3A_949 {strides = array<i32>} : memref<6272xi32, #tpu.memory_space<vmem>>, vector<16xi32>,
      %mul3A_950 = arith.constant 128 : i32
      %mul3A_951 = arith.muli %scan3A_658, %mul3A_950 : i32
      %add3A_952 = arith.constant 0 : i32
      %add3A_953 = arith.addi %add3A_952, %mul3A_951 : i32
      %add3A_954 = arith.constant 80 : i32
      %add3A_955 = arith.addi %add3A_953, %add3A_954 : i32
      %add3A_956 = vector.broadcast %add3A_955 : i32 to vector<16xi32>
      %add3A_957 = arith.addi %add3A_956, %iota3A : vector<16xi32>
      %mul3A_958 = arith.constant 128 : i32
      %mul3A_959 = arith.muli %scan3A_658, %mul3A_958 : i32
      %add3A_960 = arith.constant 80 : i32
      %add3A_961 = arith.addi %mul3A_959, %add3A_960 : i32
      %get3A_962 = arith.index_cast %add3A_961 : i32 to index
      %get3A_963 = tpu.vector_load %arg6[%get3A_962] {strides = array<i32>} : memref<6272xi32, #tpu.memory_space<vmem>>, vector<16xi32>,
      %get3A_964 = vector.shape_cast %get3A_963 : vector<16xi32> to vector<16xi32>
      %sub3A_965 = vector.broadcast %mul3A_51 : i32 to vector<16xi32>
      %sub3A_966 = arith.subi %get3A_964, %sub3A_965 : vector<16xi32>
      %ge3A_967 = arith.constant 0 : i32
      %ge3A_968 = vector.broadcast %ge3A_967 : i32 to vector<16xi32>
      %ge3A_969 = arith.cmpi sge, %sub3A_966, %ge3A_968 : vector<16xi32>
      %lt3A_970 = arith.constant 50000 : i32
      %lt3A_971 = vector.broadcast %lt3A_970 : i32 to vector<16xi32>
      %lt3A_972 = arith.cmpi slt, %sub3A_966, %lt3A_971 : vector<16xi32>
      %and3A_973 = arith.andi %ge3A_969, %lt3A_972 : vector<16xi1>
      %mul3A_974 = arith.constant 51200 : i32
      %mul3A_975 = arith.muli %select_n3A, %mul3A_974 : i32
      %add3A_976 = arith.constant 50176 : i32
      %add3A_977 = arith.addi %mul3A_975, %add3A_976 : i32
      %and3A_978 = arith.constant 1023 : i32
      %and3A_979 = vector.broadcast %and3A_978 : i32 to vector<16xi32>
      %and3A_980 = arith.andi %add3A_957, %and3A_979 : vector<16xi32>
      %add3A_981 = vector.broadcast %add3A_977 : i32 to vector<16xi32>
      %add3A_982 = arith.addi %add3A_981, %and3A_980 : vector<16xi32>
      %mul3A_983 = arith.constant 51200 : i32
      %mul3A_984 = arith.muli %select_n3A, %mul3A_983 : i32
      %add3A_985 = vector.broadcast %mul3A_984 : i32 to vector<16xi32>
      %add3A_986 = arith.addi %add3A_985, %sub3A_966 : vector<16xi32>
      %select_n3A_987 = arith.select %and3A_973, %add3A_986, %add3A_982 : vector<16xi1>, vector<16xi32>
      %mul3A_988 = arith.constant 12544 : i32
      %mul3A_989 = arith.muli %select_n3A_49, %mul3A_988 : i32
      %add3A_990 = vector.broadcast %mul3A_989 : i32 to vector<16xi32>
      %add3A_991 = arith.addi %add3A_990, %add3A_957 : vector<16xi32>
      %mul3A_992 = arith.constant 128 : i32
      %mul3A_993 = arith.muli %scan3A_658, %mul3A_992 : i32
      %add3A_994 = arith.constant 80 : i32
      %add3A_995 = arith.addi %mul3A_993, %add3A_994 : i32
      %swap3A_996 = arith.index_cast %add3A_995 : i32 to index
      %swap3A_997 = tpu.vector_load %arg6[%swap3A_996] {strides = array<i32>} : memref<6272xi32, #tpu.memory_space<vmem>>, vector<16xi32>,
      %swap3A_998 = vector.shape_cast %swap3A_997 : vector<16xi32> to vector<16xi32>
      %swap3A_999 = vector.shape_cast %select_n3A_987 : vector<16xi32> to vector<16xi32>
      tpu.vector_store %arg6[%swap3A_996], %swap3A_999 {strides = array<i32>} : memref<6272xi32, #tpu.memory_space<vmem>>, vector<16xi32>,
      %mul3A_1000 = arith.constant 128 : i32
      %mul3A_1001 = arith.muli %scan3A_658, %mul3A_1000 : i32
      %add3A_1002 = arith.constant 80 : i32
      %add3A_1003 = arith.addi %mul3A_1001, %add3A_1002 : i32
      %swap3A_1004 = arith.index_cast %add3A_1003 : i32 to index
      %swap3A_1005 = tpu.vector_load %arg7[%swap3A_1004] {strides = array<i32>} : memref<6272xi32, #tpu.memory_space<vmem>>, vector<16xi32>,
      %swap3A_1006 = vector.shape_cast %swap3A_1005 : vector<16xi32> to vector<16xi32>
      %swap3A_1007 = vector.shape_cast %add3A_991 : vector<16xi32> to vector<16xi32>
      tpu.vector_store %arg7[%swap3A_1004], %swap3A_1007 {strides = array<i32>} : memref<6272xi32, #tpu.memory_space<vmem>>, vector<16xi32>,
      %mul3A_1008 = arith.constant 128 : i32
      %mul3A_1009 = arith.muli %scan3A_658, %mul3A_1008 : i32
      %add3A_1010 = arith.constant 0 : i32
      %add3A_1011 = arith.addi %add3A_1010, %mul3A_1009 : i32
      %add3A_1012 = arith.constant 96 : i32
      %add3A_1013 = arith.addi %add3A_1011, %add3A_1012 : i32
      %add3A_1014 = vector.broadcast %add3A_1013 : i32 to vector<16xi32>
      %add3A_1015 = arith.addi %add3A_1014, %iota3A : vector<16xi32>
      %mul3A_1016 = arith.constant 128 : i32
      %mul3A_1017 = arith.muli %scan3A_658, %mul3A_1016 : i32
      %add3A_1018 = arith.constant 96 : i32
      %add3A_1019 = arith.addi %mul3A_1017, %add3A_1018 : i32
      %get3A_1020 = arith.index_cast %add3A_1019 : i32 to index
      %get3A_1021 = tpu.vector_load %arg6[%get3A_1020] {strides = array<i32>} : memref<6272xi32, #tpu.memory_space<vmem>>, vector<16xi32>,
      %get3A_1022 = vector.shape_cast %get3A_1021 : vector<16xi32> to vector<16xi32>
      %sub3A_1023 = vector.broadcast %mul3A_51 : i32 to vector<16xi32>
      %sub3A_1024 = arith.subi %get3A_1022, %sub3A_1023 : vector<16xi32>
      %ge3A_1025 = arith.constant 0 : i32
      %ge3A_1026 = vector.broadcast %ge3A_1025 : i32 to vector<16xi32>
      %ge3A_1027 = arith.cmpi sge, %sub3A_1024, %ge3A_1026 : vector<16xi32>
      %lt3A_1028 = arith.constant 50000 : i32
      %lt3A_1029 = vector.broadcast %lt3A_1028 : i32 to vector<16xi32>
      %lt3A_1030 = arith.cmpi slt, %sub3A_1024, %lt3A_1029 : vector<16xi32>
      %and3A_1031 = arith.andi %ge3A_1027, %lt3A_1030 : vector<16xi1>
      %mul3A_1032 = arith.constant 51200 : i32
      %mul3A_1033 = arith.muli %select_n3A, %mul3A_1032 : i32
      %add3A_1034 = arith.constant 50176 : i32
      %add3A_1035 = arith.addi %mul3A_1033, %add3A_1034 : i32
      %and3A_1036 = arith.constant 1023 : i32
      %and3A_1037 = vector.broadcast %and3A_1036 : i32 to vector<16xi32>
      %and3A_1038 = arith.andi %add3A_1015, %and3A_1037 : vector<16xi32>
      %add3A_1039 = vector.broadcast %add3A_1035 : i32 to vector<16xi32>
      %add3A_1040 = arith.addi %add3A_1039, %and3A_1038 : vector<16xi32>
      %mul3A_1041 = arith.constant 51200 : i32
      %mul3A_1042 = arith.muli %select_n3A, %mul3A_1041 : i32
      %add3A_1043 = vector.broadcast %mul3A_1042 : i32 to vector<16xi32>
      %add3A_1044 = arith.addi %add3A_1043, %sub3A_1024 : vector<16xi32>
      %select_n3A_1045 = arith.select %and3A_1031, %add3A_1044, %add3A_1040 : vector<16xi1>, vector<16xi32>
      %mul3A_1046 = arith.constant 12544 : i32
      %mul3A_1047 = arith.muli %select_n3A_49, %mul3A_1046 : i32
      %add3A_1048 = vector.broadcast %mul3A_1047 : i32 to vector<16xi32>
      %add3A_1049 = arith.addi %add3A_1048, %add3A_1015 : vector<16xi32>
      %mul3A_1050 = arith.constant 128 : i32
      %mul3A_1051 = arith.muli %scan3A_658, %mul3A_1050 : i32
      %add3A_1052 = arith.constant 96 : i32
      %add3A_1053 = arith.addi %mul3A_1051, %add3A_1052 : i32
      %swap3A_1054 = arith.index_cast %add3A_1053 : i32 to index
      %swap3A_1055 = tpu.vector_load %arg6[%swap3A_1054] {strides = array<i32>} : memref<6272xi32, #tpu.memory_space<vmem>>, vector<16xi32>,
      %swap3A_1056 = vector.shape_cast %swap3A_1055 : vector<16xi32> to vector<16xi32>
      %swap3A_1057 = vector.shape_cast %select_n3A_1045 : vector<16xi32> to vector<16xi32>
      tpu.vector_store %arg6[%swap3A_1054], %swap3A_1057 {strides = array<i32>} : memref<6272xi32, #tpu.memory_space<vmem>>, vector<16xi32>,
      %mul3A_1058 = arith.constant 128 : i32
      %mul3A_1059 = arith.muli %scan3A_658, %mul3A_1058 : i32
      %add3A_1060 = arith.constant 96 : i32
      %add3A_1061 = arith.addi %mul3A_1059, %add3A_1060 : i32
      %swap3A_1062 = arith.index_cast %add3A_1061 : i32 to index
      %swap3A_1063 = tpu.vector_load %arg7[%swap3A_1062] {strides = array<i32>} : memref<6272xi32, #tpu.memory_space<vmem>>, vector<16xi32>,
      %swap3A_1064 = vector.shape_cast %swap3A_1063 : vector<16xi32> to vector<16xi32>
      %swap3A_1065 = vector.shape_cast %add3A_1049 : vector<16xi32> to vector<16xi32>
      tpu.vector_store %arg7[%swap3A_1062], %swap3A_1065 {strides = array<i32>} : memref<6272xi32, #tpu.memory_space<vmem>>, vector<16xi32>,
      %mul3A_1066 = arith.constant 128 : i32
      %mul3A_1067 = arith.muli %scan3A_658, %mul3A_1066 : i32
      %add3A_1068 = arith.constant 0 : i32
      %add3A_1069 = arith.addi %add3A_1068, %mul3A_1067 : i32
      %add3A_1070 = arith.constant 112 : i32
      %add3A_1071 = arith.addi %add3A_1069, %add3A_1070 : i32
      %add3A_1072 = vector.broadcast %add3A_1071 : i32 to vector<16xi32>
      %add3A_1073 = arith.addi %add3A_1072, %iota3A : vector<16xi32>
      %mul3A_1074 = arith.constant 128 : i32
      %mul3A_1075 = arith.muli %scan3A_658, %mul3A_1074 : i32
      %add3A_1076 = arith.constant 112 : i32
      %add3A_1077 = arith.addi %mul3A_1075, %add3A_1076 : i32
      %get3A_1078 = arith.index_cast %add3A_1077 : i32 to index
      %get3A_1079 = tpu.vector_load %arg6[%get3A_1078] {strides = array<i32>} : memref<6272xi32, #tpu.memory_space<vmem>>, vector<16xi32>,
      %get3A_1080 = vector.shape_cast %get3A_1079 : vector<16xi32> to vector<16xi32>
      %sub3A_1081 = vector.broadcast %mul3A_51 : i32 to vector<16xi32>
      %sub3A_1082 = arith.subi %get3A_1080, %sub3A_1081 : vector<16xi32>
      %ge3A_1083 = arith.constant 0 : i32
      %ge3A_1084 = vector.broadcast %ge3A_1083 : i32 to vector<16xi32>
      %ge3A_1085 = arith.cmpi sge, %sub3A_1082, %ge3A_1084 : vector<16xi32>
      %lt3A_1086 = arith.constant 50000 : i32
      %lt3A_1087 = vector.broadcast %lt3A_1086 : i32 to vector<16xi32>
      %lt3A_1088 = arith.cmpi slt, %sub3A_1082, %lt3A_1087 : vector<16xi32>
      %and3A_1089 = arith.andi %ge3A_1085, %lt3A_1088 : vector<16xi1>
      %mul3A_1090 = arith.constant 51200 : i32
      %mul3A_1091 = arith.muli %select_n3A, %mul3A_1090 : i32
      %add3A_1092 = arith.constant 50176 : i32
      %add3A_1093 = arith.addi %mul3A_1091, %add3A_1092 : i32
      %and3A_1094 = arith.constant 1023 : i32
      %and3A_1095 = vector.broadcast %and3A_1094 : i32 to vector<16xi32>
      %and3A_1096 = arith.andi %add3A_1073, %and3A_1095 : vector<16xi32>
      %add3A_1097 = vector.broadcast %add3A_1093 : i32 to vector<16xi32>
      %add3A_1098 = arith.addi %add3A_1097, %and3A_1096 : vector<16xi32>
      %mul3A_1099 = arith.constant 51200 : i32
      %mul3A_1100 = arith.muli %select_n3A, %mul3A_1099 : i32
      %add3A_1101 = vector.broadcast %mul3A_1100 : i32 to vector<16xi32>
      %add3A_1102 = arith.addi %add3A_1101, %sub3A_1082 : vector<16xi32>
      %select_n3A_1103 = arith.select %and3A_1089, %add3A_1102, %add3A_1098 : vector<16xi1>, vector<16xi32>
      %mul3A_1104 = arith.constant 12544 : i32
      %mul3A_1105 = arith.muli %select_n3A_49, %mul3A_1104 : i32
      %add3A_1106 = vector.broadcast %mul3A_1105 : i32 to vector<16xi32>
      %add3A_1107 = arith.addi %add3A_1106, %add3A_1073 : vector<16xi32>
      %mul3A_1108 = arith.constant 128 : i32
      %mul3A_1109 = arith.muli %scan3A_658, %mul3A_1108 : i32
      %add3A_1110 = arith.constant 112 : i32
      %add3A_1111 = arith.addi %mul3A_1109, %add3A_1110 : i32
      %swap3A_1112 = arith.index_cast %add3A_1111 : i32 to index
      %swap3A_1113 = tpu.vector_load %arg6[%swap3A_1112] {strides = array<i32>} : memref<6272xi32, #tpu.memory_space<vmem>>, vector<16xi32>,
      %swap3A_1114 = vector.shape_cast %swap3A_1113 : vector<16xi32> to vector<16xi32>
      %swap3A_1115 = vector.shape_cast %select_n3A_1103 : vector<16xi32> to vector<16xi32>
      tpu.vector_store %arg6[%swap3A_1112], %swap3A_1115 {strides = array<i32>} : memref<6272xi32, #tpu.memory_space<vmem>>, vector<16xi32>,
      %mul3A_1116 = arith.constant 128 : i32
      %mul3A_1117 = arith.muli %scan3A_658, %mul3A_1116 : i32
      %add3A_1118 = arith.constant 112 : i32
      %add3A_1119 = arith.addi %mul3A_1117, %add3A_1118 : i32
      %swap3A_1120 = arith.index_cast %add3A_1119 : i32 to index
      %swap3A_1121 = tpu.vector_load %arg7[%swap3A_1120] {strides = array<i32>} : memref<6272xi32, #tpu.memory_space<vmem>>, vector<16xi32>,
      %swap3A_1122 = vector.shape_cast %swap3A_1121 : vector<16xi32> to vector<16xi32>
      %swap3A_1123 = vector.shape_cast %add3A_1107 : vector<16xi32> to vector<16xi32>
      tpu.vector_store %arg7[%swap3A_1120], %swap3A_1123 {strides = array<i32>} : memref<6272xi32, #tpu.memory_space<vmem>>, vector<16xi32>,
      %scan3A_1124 = arith.constant 0 : i32
      scf.yield %scan3A_1124 : i32
    }
    %scan3A_65 = arith.constant 49 : i32
    "tpu.region"() ({
      %run_scoped3A = tpu.sem_alloc : memref<!tpu.dma_semaphore, #tpu.memory_space<semaphore_mem>>
      %dma_start3A_658 = arith.constant 0 : i32
      %dma_start3A_659 = tpu.memref_slice %arg5[%dma_start3A_658] : memref<204800xi32, #tpu.memory_space<vmem_shared>> -> memref<204800xi32, #tpu.memory_space<vmem_shared>>
      tpu.enqueue_indirect_dma source(%arg7 : memref<6272xi32, #tpu.memory_space<vmem>>) target(%dma_start3A_659 : memref<204800xi32, #tpu.memory_space<vmem_shared>>) offsets(%arg6 : memref<6272xi32, #tpu.memory_space<vmem>>) semaphore(%run_scoped3A : memref<!tpu.dma_semaphore, #tpu.memory_space<semaphore_mem>>)
      %dma_wait3A_660 = arith.constant 0 : i32
      %dma_wait3A_661 = tpu.memref_slice %arg5[%dma_wait3A_660] : memref<204800xi32, #tpu.memory_space<vmem_shared>> -> memref<204800xi32, #tpu.memory_space<vmem_shared>>
      tpu.wait_indirect_dma semaphore(%run_scoped3A : memref<!tpu.dma_semaphore, #tpu.memory_space<semaphore_mem>>) src(%arg7 : memref<6272xi32, #tpu.memory_space<vmem>>) dst(%dma_wait3A_661 : memref<204800xi32, #tpu.memory_space<vmem_shared>>)
      tpu.yield
    }) : () -> ()
    %mul3A_66 = arith.constant 50176 : i32
    %mul3A_67 = arith.muli %select_n3A, %mul3A_66 : i32
    %mul3A_68 = arith.constant 12544 : i32
    %mul3A_69 = arith.muli %select_n3A_49, %mul3A_68 : i32
    %add3A_70 = arith.addi %mul3A_67, %mul3A_69 : i32
    %add3A_71 = arith.constant 6272 : i32
    %add3A_72 = arith.addi %add3A_70, %add3A_71 : i32
    "tpu.region"() ({
      %run_scoped3A = tpu.sem_alloc : memref<!tpu.dma_semaphore, #tpu.memory_space<semaphore_mem>>
      %dma_start3A_658 = tpu.memref_slice %arg3[%add3A_72] : memref<200704xi32, #tpu.memory_space<hbm>> -> memref<6272xi32, #tpu.memory_space<hbm>>
      %dma_start3A_659 = tpu.memref_slice %arg3[%add3A_72] : memref<200704xi32, #tpu.memory_space<hbm>> -> memref<6272xi32, #tpu.memory_space<hbm>>
      tpu.enqueue_dma source(%dma_start3A_659 : memref<6272xi32, #tpu.memory_space<hbm>>) target(%arg6 : memref<6272xi32, #tpu.memory_space<vmem>>) target_semaphore(%run_scoped3A : memref<!tpu.dma_semaphore, #tpu.memory_space<semaphore_mem>>)
      %dma_wait3A_660 = tpu.memref_slice %arg3[%add3A_72] : memref<200704xi32, #tpu.memory_space<hbm>> -> memref<6272xi32, #tpu.memory_space<hbm>>
      %dma_wait3A_661 = tpu.memref_slice %arg3[%add3A_72] : memref<200704xi32, #tpu.memory_space<hbm>> -> memref<6272xi32, #tpu.memory_space<hbm>>
      tpu.wait_dma2 semaphore(%run_scoped3A : memref<!tpu.dma_semaphore, #tpu.memory_space<semaphore_mem>>) src(%dma_wait3A_661 : memref<6272xi32, #tpu.memory_space<hbm>>) dst(%arg6 : memref<6272xi32, #tpu.memory_space<vmem>>)
      tpu.yield
    }) : () -> ()
    %scan3A_73 = arith.constant 0 : i32
    %scan3A_74 = arith.constant 0 : i32
    %scan3A_75 = arith.constant 49 : i32
    %scan3A_76 = arith.addi %scan3A_74, %scan3A_75 : i32
    %scan3A_77 = arith.constant 1 : i32
    %scan3A_78 = scf.for %scan3A_658 = %scan3A_74 to %scan3A_76 step %scan3A_77 iter_args(%scan3A_659 = %scan3A_73) -> (i32)  : i32 {
      %mul3A_660 = arith.constant 128 : i32
      %mul3A_661 = arith.muli %scan3A_658, %mul3A_660 : i32
      %add3A_662 = arith.constant 6272 : i32
      %add3A_663 = arith.addi %add3A_662, %mul3A_661 : i32
      %add3A_664 = arith.constant 0 : i32
      %add3A_665 = arith.addi %add3A_663, %add3A_664 : i32
      %add3A_666 = vector.broadcast %add3A_665 : i32 to vector<16xi32>
      %add3A_667 = arith.addi %add3A_666, %iota3A : vector<16xi32>
      %mul3A_668 = arith.constant 128 : i32
      %mul3A_669 = arith.muli %scan3A_658, %mul3A_668 : i32
      %add3A_670 = arith.constant 0 : i32
      %add3A_671 = arith.addi %mul3A_669, %add3A_670 : i32
      %get3A_672 = arith.index_cast %add3A_671 : i32 to index
      %get3A_673 = tpu.vector_load %arg6[%get3A_672] {strides = array<i32>} : memref<6272xi32, #tpu.memory_space<vmem>>, vector<16xi32>,
      %get3A_674 = vector.shape_cast %get3A_673 : vector<16xi32> to vector<16xi32>
      %sub3A_675 = vector.broadcast %mul3A_51 : i32 to vector<16xi32>
      %sub3A_676 = arith.subi %get3A_674, %sub3A_675 : vector<16xi32>
      %ge3A_677 = arith.constant 0 : i32
      %ge3A_678 = vector.broadcast %ge3A_677 : i32 to vector<16xi32>
      %ge3A_679 = arith.cmpi sge, %sub3A_676, %ge3A_678 : vector<16xi32>
      %lt3A_680 = arith.constant 50000 : i32
      %lt3A_681 = vector.broadcast %lt3A_680 : i32 to vector<16xi32>
      %lt3A_682 = arith.cmpi slt, %sub3A_676, %lt3A_681 : vector<16xi32>
      %and3A_683 = arith.andi %ge3A_679, %lt3A_682 : vector<16xi1>
      %mul3A_684 = arith.constant 51200 : i32
      %mul3A_685 = arith.muli %select_n3A, %mul3A_684 : i32
      %add3A_686 = arith.constant 50176 : i32
      %add3A_687 = arith.addi %mul3A_685, %add3A_686 : i32
      %and3A_688 = arith.constant 1023 : i32
      %and3A_689 = vector.broadcast %and3A_688 : i32 to vector<16xi32>
      %and3A_690 = arith.andi %add3A_667, %and3A_689 : vector<16xi32>
      %add3A_691 = vector.broadcast %add3A_687 : i32 to vector<16xi32>
      %add3A_692 = arith.addi %add3A_691, %and3A_690 : vector<16xi32>
      %mul3A_693 = arith.constant 51200 : i32
      %mul3A_694 = arith.muli %select_n3A, %mul3A_693 : i32
      %add3A_695 = vector.broadcast %mul3A_694 : i32 to vector<16xi32>
      %add3A_696 = arith.addi %add3A_695, %sub3A_676 : vector<16xi32>
      %select_n3A_697 = arith.select %and3A_683, %add3A_696, %add3A_692 : vector<16xi1>, vector<16xi32>
      %mul3A_698 = arith.constant 12544 : i32
      %mul3A_699 = arith.muli %select_n3A_49, %mul3A_698 : i32
      %add3A_700 = vector.broadcast %mul3A_699 : i32 to vector<16xi32>
      %add3A_701 = arith.addi %add3A_700, %add3A_667 : vector<16xi32>
      %mul3A_702 = arith.constant 128 : i32
      %mul3A_703 = arith.muli %scan3A_658, %mul3A_702 : i32
      %add3A_704 = arith.constant 0 : i32
      %add3A_705 = arith.addi %mul3A_703, %add3A_704 : i32
      %swap3A_706 = arith.index_cast %add3A_705 : i32 to index
      %swap3A_707 = tpu.vector_load %arg6[%swap3A_706] {strides = array<i32>} : memref<6272xi32, #tpu.memory_space<vmem>>, vector<16xi32>,
      %swap3A_708 = vector.shape_cast %swap3A_707 : vector<16xi32> to vector<16xi32>
      %swap3A_709 = vector.shape_cast %select_n3A_697 : vector<16xi32> to vector<16xi32>
      tpu.vector_store %arg6[%swap3A_706], %swap3A_709 {strides = array<i32>} : memref<6272xi32, #tpu.memory_space<vmem>>, vector<16xi32>,
      %mul3A_710 = arith.constant 128 : i32
      %mul3A_711 = arith.muli %scan3A_658, %mul3A_710 : i32
      %add3A_712 = arith.constant 0 : i32
      %add3A_713 = arith.addi %mul3A_711, %add3A_712 : i32
      %swap3A_714 = arith.index_cast %add3A_713 : i32 to index
      %swap3A_715 = tpu.vector_load %arg7[%swap3A_714] {strides = array<i32>} : memref<6272xi32, #tpu.memory_space<vmem>>, vector<16xi32>,
      %swap3A_716 = vector.shape_cast %swap3A_715 : vector<16xi32> to vector<16xi32>
      %swap3A_717 = vector.shape_cast %add3A_701 : vector<16xi32> to vector<16xi32>
      tpu.vector_store %arg7[%swap3A_714], %swap3A_717 {strides = array<i32>} : memref<6272xi32, #tpu.memory_space<vmem>>, vector<16xi32>,
      %mul3A_718 = arith.constant 128 : i32
      %mul3A_719 = arith.muli %scan3A_658, %mul3A_718 : i32
      %add3A_720 = arith.constant 6272 : i32
      %add3A_721 = arith.addi %add3A_720, %mul3A_719 : i32
      %add3A_722 = arith.constant 16 : i32
      %add3A_723 = arith.addi %add3A_721, %add3A_722 : i32
      %add3A_724 = vector.broadcast %add3A_723 : i32 to vector<16xi32>
      %add3A_725 = arith.addi %add3A_724, %iota3A : vector<16xi32>
      %mul3A_726 = arith.constant 128 : i32
      %mul3A_727 = arith.muli %scan3A_658, %mul3A_726 : i32
      %add3A_728 = arith.constant 16 : i32
      %add3A_729 = arith.addi %mul3A_727, %add3A_728 : i32
      %get3A_730 = arith.index_cast %add3A_729 : i32 to index
      %get3A_731 = tpu.vector_load %arg6[%get3A_730] {strides = array<i32>} : memref<6272xi32, #tpu.memory_space<vmem>>, vector<16xi32>,
      %get3A_732 = vector.shape_cast %get3A_731 : vector<16xi32> to vector<16xi32>
      %sub3A_733 = vector.broadcast %mul3A_51 : i32 to vector<16xi32>
      %sub3A_734 = arith.subi %get3A_732, %sub3A_733 : vector<16xi32>
      %ge3A_735 = arith.constant 0 : i32
      %ge3A_736 = vector.broadcast %ge3A_735 : i32 to vector<16xi32>
      %ge3A_737 = arith.cmpi sge, %sub3A_734, %ge3A_736 : vector<16xi32>
      %lt3A_738 = arith.constant 50000 : i32
      %lt3A_739 = vector.broadcast %lt3A_738 : i32 to vector<16xi32>
      %lt3A_740 = arith.cmpi slt, %sub3A_734, %lt3A_739 : vector<16xi32>
      %and3A_741 = arith.andi %ge3A_737, %lt3A_740 : vector<16xi1>
      %mul3A_742 = arith.constant 51200 : i32
      %mul3A_743 = arith.muli %select_n3A, %mul3A_742 : i32
      %add3A_744 = arith.constant 50176 : i32
      %add3A_745 = arith.addi %mul3A_743, %add3A_744 : i32
      %and3A_746 = arith.constant 1023 : i32
      %and3A_747 = vector.broadcast %and3A_746 : i32 to vector<16xi32>
      %and3A_748 = arith.andi %add3A_725, %and3A_747 : vector<16xi32>
      %add3A_749 = vector.broadcast %add3A_745 : i32 to vector<16xi32>
      %add3A_750 = arith.addi %add3A_749, %and3A_748 : vector<16xi32>
      %mul3A_751 = arith.constant 51200 : i32
      %mul3A_752 = arith.muli %select_n3A, %mul3A_751 : i32
      %add3A_753 = vector.broadcast %mul3A_752 : i32 to vector<16xi32>
      %add3A_754 = arith.addi %add3A_753, %sub3A_734 : vector<16xi32>
      %select_n3A_755 = arith.select %and3A_741, %add3A_754, %add3A_750 : vector<16xi1>, vector<16xi32>
      %mul3A_756 = arith.constant 12544 : i32
      %mul3A_757 = arith.muli %select_n3A_49, %mul3A_756 : i32
      %add3A_758 = vector.broadcast %mul3A_757 : i32 to vector<16xi32>
      %add3A_759 = arith.addi %add3A_758, %add3A_725 : vector<16xi32>
      %mul3A_760 = arith.constant 128 : i32
      %mul3A_761 = arith.muli %scan3A_658, %mul3A_760 : i32
      %add3A_762 = arith.constant 16 : i32
      %add3A_763 = arith.addi %mul3A_761, %add3A_762 : i32
      %swap3A_764 = arith.index_cast %add3A_763 : i32 to index
      %swap3A_765 = tpu.vector_load %arg6[%swap3A_764] {strides = array<i32>} : memref<6272xi32, #tpu.memory_space<vmem>>, vector<16xi32>,
      %swap3A_766 = vector.shape_cast %swap3A_765 : vector<16xi32> to vector<16xi32>
      %swap3A_767 = vector.shape_cast %select_n3A_755 : vector<16xi32> to vector<16xi32>
      tpu.vector_store %arg6[%swap3A_764], %swap3A_767 {strides = array<i32>} : memref<6272xi32, #tpu.memory_space<vmem>>, vector<16xi32>,
      %mul3A_768 = arith.constant 128 : i32
      %mul3A_769 = arith.muli %scan3A_658, %mul3A_768 : i32
      %add3A_770 = arith.constant 16 : i32
      %add3A_771 = arith.addi %mul3A_769, %add3A_770 : i32
      %swap3A_772 = arith.index_cast %add3A_771 : i32 to index
      %swap3A_773 = tpu.vector_load %arg7[%swap3A_772] {strides = array<i32>} : memref<6272xi32, #tpu.memory_space<vmem>>, vector<16xi32>,
      %swap3A_774 = vector.shape_cast %swap3A_773 : vector<16xi32> to vector<16xi32>
      %swap3A_775 = vector.shape_cast %add3A_759 : vector<16xi32> to vector<16xi32>
      tpu.vector_store %arg7[%swap3A_772], %swap3A_775 {strides = array<i32>} : memref<6272xi32, #tpu.memory_space<vmem>>, vector<16xi32>,
      %mul3A_776 = arith.constant 128 : i32
      %mul3A_777 = arith.muli %scan3A_658, %mul3A_776 : i32
      %add3A_778 = arith.constant 6272 : i32
      %add3A_779 = arith.addi %add3A_778, %mul3A_777 : i32
      %add3A_780 = arith.constant 32 : i32
      %add3A_781 = arith.addi %add3A_779, %add3A_780 : i32
      %add3A_782 = vector.broadcast %add3A_781 : i32 to vector<16xi32>
      %add3A_783 = arith.addi %add3A_782, %iota3A : vector<16xi32>
      %mul3A_784 = arith.constant 128 : i32
      %mul3A_785 = arith.muli %scan3A_658, %mul3A_784 : i32
      %add3A_786 = arith.constant 32 : i32
      %add3A_787 = arith.addi %mul3A_785, %add3A_786 : i32
      %get3A_788 = arith.index_cast %add3A_787 : i32 to index
      %get3A_789 = tpu.vector_load %arg6[%get3A_788] {strides = array<i32>} : memref<6272xi32, #tpu.memory_space<vmem>>, vector<16xi32>,
      %get3A_790 = vector.shape_cast %get3A_789 : vector<16xi32> to vector<16xi32>
      %sub3A_791 = vector.broadcast %mul3A_51 : i32 to vector<16xi32>
      %sub3A_792 = arith.subi %get3A_790, %sub3A_791 : vector<16xi32>
      %ge3A_793 = arith.constant 0 : i32
      %ge3A_794 = vector.broadcast %ge3A_793 : i32 to vector<16xi32>
      %ge3A_795 = arith.cmpi sge, %sub3A_792, %ge3A_794 : vector<16xi32>
      %lt3A_796 = arith.constant 50000 : i32
      %lt3A_797 = vector.broadcast %lt3A_796 : i32 to vector<16xi32>
      %lt3A_798 = arith.cmpi slt, %sub3A_792, %lt3A_797 : vector<16xi32>
      %and3A_799 = arith.andi %ge3A_795, %lt3A_798 : vector<16xi1>
      %mul3A_800 = arith.constant 51200 : i32
      %mul3A_801 = arith.muli %select_n3A, %mul3A_800 : i32
      %add3A_802 = arith.constant 50176 : i32
      %add3A_803 = arith.addi %mul3A_801, %add3A_802 : i32
      %and3A_804 = arith.constant 1023 : i32
      %and3A_805 = vector.broadcast %and3A_804 : i32 to vector<16xi32>
      %and3A_806 = arith.andi %add3A_783, %and3A_805 : vector<16xi32>
      %add3A_807 = vector.broadcast %add3A_803 : i32 to vector<16xi32>
      %add3A_808 = arith.addi %add3A_807, %and3A_806 : vector<16xi32>
      %mul3A_809 = arith.constant 51200 : i32
      %mul3A_810 = arith.muli %select_n3A, %mul3A_809 : i32
      %add3A_811 = vector.broadcast %mul3A_810 : i32 to vector<16xi32>
      %add3A_812 = arith.addi %add3A_811, %sub3A_792 : vector<16xi32>
      %select_n3A_813 = arith.select %and3A_799, %add3A_812, %add3A_808 : vector<16xi1>, vector<16xi32>
      %mul3A_814 = arith.constant 12544 : i32
      %mul3A_815 = arith.muli %select_n3A_49, %mul3A_814 : i32
      %add3A_816 = vector.broadcast %mul3A_815 : i32 to vector<16xi32>
      %add3A_817 = arith.addi %add3A_816, %add3A_783 : vector<16xi32>
      %mul3A_818 = arith.constant 128 : i32
      %mul3A_819 = arith.muli %scan3A_658, %mul3A_818 : i32
      %add3A_820 = arith.constant 32 : i32
      %add3A_821 = arith.addi %mul3A_819, %add3A_820 : i32
      %swap3A_822 = arith.index_cast %add3A_821 : i32 to index
      %swap3A_823 = tpu.vector_load %arg6[%swap3A_822] {strides = array<i32>} : memref<6272xi32, #tpu.memory_space<vmem>>, vector<16xi32>,
      %swap3A_824 = vector.shape_cast %swap3A_823 : vector<16xi32> to vector<16xi32>
      %swap3A_825 = vector.shape_cast %select_n3A_813 : vector<16xi32> to vector<16xi32>
      tpu.vector_store %arg6[%swap3A_822], %swap3A_825 {strides = array<i32>} : memref<6272xi32, #tpu.memory_space<vmem>>, vector<16xi32>,
      %mul3A_826 = arith.constant 128 : i32
      %mul3A_827 = arith.muli %scan3A_658, %mul3A_826 : i32
      %add3A_828 = arith.constant 32 : i32
      %add3A_829 = arith.addi %mul3A_827, %add3A_828 : i32
      %swap3A_830 = arith.index_cast %add3A_829 : i32 to index
      %swap3A_831 = tpu.vector_load %arg7[%swap3A_830] {strides = array<i32>} : memref<6272xi32, #tpu.memory_space<vmem>>, vector<16xi32>,
      %swap3A_832 = vector.shape_cast %swap3A_831 : vector<16xi32> to vector<16xi32>
      %swap3A_833 = vector.shape_cast %add3A_817 : vector<16xi32> to vector<16xi32>
      tpu.vector_store %arg7[%swap3A_830], %swap3A_833 {strides = array<i32>} : memref<6272xi32, #tpu.memory_space<vmem>>, vector<16xi32>,
      %mul3A_834 = arith.constant 128 : i32
      %mul3A_835 = arith.muli %scan3A_658, %mul3A_834 : i32
      %add3A_836 = arith.constant 6272 : i32
      %add3A_837 = arith.addi %add3A_836, %mul3A_835 : i32
      %add3A_838 = arith.constant 48 : i32
      %add3A_839 = arith.addi %add3A_837, %add3A_838 : i32
      %add3A_840 = vector.broadcast %add3A_839 : i32 to vector<16xi32>
      %add3A_841 = arith.addi %add3A_840, %iota3A : vector<16xi32>
      %mul3A_842 = arith.constant 128 : i32
      %mul3A_843 = arith.muli %scan3A_658, %mul3A_842 : i32
      %add3A_844 = arith.constant 48 : i32
      %add3A_845 = arith.addi %mul3A_843, %add3A_844 : i32
      %get3A_846 = arith.index_cast %add3A_845 : i32 to index
      %get3A_847 = tpu.vector_load %arg6[%get3A_846] {strides = array<i32>} : memref<6272xi32, #tpu.memory_space<vmem>>, vector<16xi32>,
      %get3A_848 = vector.shape_cast %get3A_847 : vector<16xi32> to vector<16xi32>
      %sub3A_849 = vector.broadcast %mul3A_51 : i32 to vector<16xi32>
      %sub3A_850 = arith.subi %get3A_848, %sub3A_849 : vector<16xi32>
      %ge3A_851 = arith.constant 0 : i32
      %ge3A_852 = vector.broadcast %ge3A_851 : i32 to vector<16xi32>
      %ge3A_853 = arith.cmpi sge, %sub3A_850, %ge3A_852 : vector<16xi32>
      %lt3A_854 = arith.constant 50000 : i32
      %lt3A_855 = vector.broadcast %lt3A_854 : i32 to vector<16xi32>
      %lt3A_856 = arith.cmpi slt, %sub3A_850, %lt3A_855 : vector<16xi32>
      %and3A_857 = arith.andi %ge3A_853, %lt3A_856 : vector<16xi1>
      %mul3A_858 = arith.constant 51200 : i32
      %mul3A_859 = arith.muli %select_n3A, %mul3A_858 : i32
      %add3A_860 = arith.constant 50176 : i32
      %add3A_861 = arith.addi %mul3A_859, %add3A_860 : i32
      %and3A_862 = arith.constant 1023 : i32
      %and3A_863 = vector.broadcast %and3A_862 : i32 to vector<16xi32>
      %and3A_864 = arith.andi %add3A_841, %and3A_863 : vector<16xi32>
      %add3A_865 = vector.broadcast %add3A_861 : i32 to vector<16xi32>
      %add3A_866 = arith.addi %add3A_865, %and3A_864 : vector<16xi32>
      %mul3A_867 = arith.constant 51200 : i32
      %mul3A_868 = arith.muli %select_n3A, %mul3A_867 : i32
      %add3A_869 = vector.broadcast %mul3A_868 : i32 to vector<16xi32>
      %add3A_870 = arith.addi %add3A_869, %sub3A_850 : vector<16xi32>
      %select_n3A_871 = arith.select %and3A_857, %add3A_870, %add3A_866 : vector<16xi1>, vector<16xi32>
      %mul3A_872 = arith.constant 12544 : i32
      %mul3A_873 = arith.muli %select_n3A_49, %mul3A_872 : i32
      %add3A_874 = vector.broadcast %mul3A_873 : i32 to vector<16xi32>
      %add3A_875 = arith.addi %add3A_874, %add3A_841 : vector<16xi32>
      %mul3A_876 = arith.constant 128 : i32
      %mul3A_877 = arith.muli %scan3A_658, %mul3A_876 : i32
      %add3A_878 = arith.constant 48 : i32
      %add3A_879 = arith.addi %mul3A_877, %add3A_878 : i32
      %swap3A_880 = arith.index_cast %add3A_879 : i32 to index
      %swap3A_881 = tpu.vector_load %arg6[%swap3A_880] {strides = array<i32>} : memref<6272xi32, #tpu.memory_space<vmem>>, vector<16xi32>,
      %swap3A_882 = vector.shape_cast %swap3A_881 : vector<16xi32> to vector<16xi32>
      %swap3A_883 = vector.shape_cast %select_n3A_871 : vector<16xi32> to vector<16xi32>
      tpu.vector_store %arg6[%swap3A_880], %swap3A_883 {strides = array<i32>} : memref<6272xi32, #tpu.memory_space<vmem>>, vector<16xi32>,
      %mul3A_884 = arith.constant 128 : i32
      %mul3A_885 = arith.muli %scan3A_658, %mul3A_884 : i32
      %add3A_886 = arith.constant 48 : i32
      %add3A_887 = arith.addi %mul3A_885, %add3A_886 : i32
      %swap3A_888 = arith.index_cast %add3A_887 : i32 to index
      %swap3A_889 = tpu.vector_load %arg7[%swap3A_888] {strides = array<i32>} : memref<6272xi32, #tpu.memory_space<vmem>>, vector<16xi32>,
      %swap3A_890 = vector.shape_cast %swap3A_889 : vector<16xi32> to vector<16xi32>
      %swap3A_891 = vector.shape_cast %add3A_875 : vector<16xi32> to vector<16xi32>
      tpu.vector_store %arg7[%swap3A_888], %swap3A_891 {strides = array<i32>} : memref<6272xi32, #tpu.memory_space<vmem>>, vector<16xi32>,
      %mul3A_892 = arith.constant 128 : i32
      %mul3A_893 = arith.muli %scan3A_658, %mul3A_892 : i32
      %add3A_894 = arith.constant 6272 : i32
      %add3A_895 = arith.addi %add3A_894, %mul3A_893 : i32
      %add3A_896 = arith.constant 64 : i32
      %add3A_897 = arith.addi %add3A_895, %add3A_896 : i32
      %add3A_898 = vector.broadcast %add3A_897 : i32 to vector<16xi32>
      %add3A_899 = arith.addi %add3A_898, %iota3A : vector<16xi32>
      %mul3A_900 = arith.constant 128 : i32
      %mul3A_901 = arith.muli %scan3A_658, %mul3A_900 : i32
      %add3A_902 = arith.constant 64 : i32
      %add3A_903 = arith.addi %mul3A_901, %add3A_902 : i32
      %get3A_904 = arith.index_cast %add3A_903 : i32 to index
      %get3A_905 = tpu.vector_load %arg6[%get3A_904] {strides = array<i32>} : memref<6272xi32, #tpu.memory_space<vmem>>, vector<16xi32>,
      %get3A_906 = vector.shape_cast %get3A_905 : vector<16xi32> to vector<16xi32>
      %sub3A_907 = vector.broadcast %mul3A_51 : i32 to vector<16xi32>
      %sub3A_908 = arith.subi %get3A_906, %sub3A_907 : vector<16xi32>
      %ge3A_909 = arith.constant 0 : i32
      %ge3A_910 = vector.broadcast %ge3A_909 : i32 to vector<16xi32>
      %ge3A_911 = arith.cmpi sge, %sub3A_908, %ge3A_910 : vector<16xi32>
      %lt3A_912 = arith.constant 50000 : i32
      %lt3A_913 = vector.broadcast %lt3A_912 : i32 to vector<16xi32>
      %lt3A_914 = arith.cmpi slt, %sub3A_908, %lt3A_913 : vector<16xi32>
      %and3A_915 = arith.andi %ge3A_911, %lt3A_914 : vector<16xi1>
      %mul3A_916 = arith.constant 51200 : i32
      %mul3A_917 = arith.muli %select_n3A, %mul3A_916 : i32
      %add3A_918 = arith.constant 50176 : i32
      %add3A_919 = arith.addi %mul3A_917, %add3A_918 : i32
      %and3A_920 = arith.constant 1023 : i32
      %and3A_921 = vector.broadcast %and3A_920 : i32 to vector<16xi32>
      %and3A_922 = arith.andi %add3A_899, %and3A_921 : vector<16xi32>
      %add3A_923 = vector.broadcast %add3A_919 : i32 to vector<16xi32>
      %add3A_924 = arith.addi %add3A_923, %and3A_922 : vector<16xi32>
      %mul3A_925 = arith.constant 51200 : i32
      %mul3A_926 = arith.muli %select_n3A, %mul3A_925 : i32
      %add3A_927 = vector.broadcast %mul3A_926 : i32 to vector<16xi32>
      %add3A_928 = arith.addi %add3A_927, %sub3A_908 : vector<16xi32>
      %select_n3A_929 = arith.select %and3A_915, %add3A_928, %add3A_924 : vector<16xi1>, vector<16xi32>
      %mul3A_930 = arith.constant 12544 : i32
      %mul3A_931 = arith.muli %select_n3A_49, %mul3A_930 : i32
      %add3A_932 = vector.broadcast %mul3A_931 : i32 to vector<16xi32>
      %add3A_933 = arith.addi %add3A_932, %add3A_899 : vector<16xi32>
      %mul3A_934 = arith.constant 128 : i32
      %mul3A_935 = arith.muli %scan3A_658, %mul3A_934 : i32
      %add3A_936 = arith.constant 64 : i32
      %add3A_937 = arith.addi %mul3A_935, %add3A_936 : i32
      %swap3A_938 = arith.index_cast %add3A_937 : i32 to index
      %swap3A_939 = tpu.vector_load %arg6[%swap3A_938] {strides = array<i32>} : memref<6272xi32, #tpu.memory_space<vmem>>, vector<16xi32>,
      %swap3A_940 = vector.shape_cast %swap3A_939 : vector<16xi32> to vector<16xi32>
      %swap3A_941 = vector.shape_cast %select_n3A_929 : vector<16xi32> to vector<16xi32>
      tpu.vector_store %arg6[%swap3A_938], %swap3A_941 {strides = array<i32>} : memref<6272xi32, #tpu.memory_space<vmem>>, vector<16xi32>,
      %mul3A_942 = arith.constant 128 : i32
      %mul3A_943 = arith.muli %scan3A_658, %mul3A_942 : i32
      %add3A_944 = arith.constant 64 : i32
      %add3A_945 = arith.addi %mul3A_943, %add3A_944 : i32
      %swap3A_946 = arith.index_cast %add3A_945 : i32 to index
      %swap3A_947 = tpu.vector_load %arg7[%swap3A_946] {strides = array<i32>} : memref<6272xi32, #tpu.memory_space<vmem>>, vector<16xi32>,
      %swap3A_948 = vector.shape_cast %swap3A_947 : vector<16xi32> to vector<16xi32>
      %swap3A_949 = vector.shape_cast %add3A_933 : vector<16xi32> to vector<16xi32>
      tpu.vector_store %arg7[%swap3A_946], %swap3A_949 {strides = array<i32>} : memref<6272xi32, #tpu.memory_space<vmem>>, vector<16xi32>,
      %mul3A_950 = arith.constant 128 : i32
      %mul3A_951 = arith.muli %scan3A_658, %mul3A_950 : i32
      %add3A_952 = arith.constant 6272 : i32
      %add3A_953 = arith.addi %add3A_952, %mul3A_951 : i32
      %add3A_954 = arith.constant 80 : i32
      %add3A_955 = arith.addi %add3A_953, %add3A_954 : i32
      %add3A_956 = vector.broadcast %add3A_955 : i32 to vector<16xi32>
      %add3A_957 = arith.addi %add3A_956, %iota3A : vector<16xi32>
      %mul3A_958 = arith.constant 128 : i32
      %mul3A_959 = arith.muli %scan3A_658, %mul3A_958 : i32
      %add3A_960 = arith.constant 80 : i32
      %add3A_961 = arith.addi %mul3A_959, %add3A_960 : i32
      %get3A_962 = arith.index_cast %add3A_961 : i32 to index
      %get3A_963 = tpu.vector_load %arg6[%get3A_962] {strides = array<i32>} : memref<6272xi32, #tpu.memory_space<vmem>>, vector<16xi32>,
      %get3A_964 = vector.shape_cast %get3A_963 : vector<16xi32> to vector<16xi32>
      %sub3A_965 = vector.broadcast %mul3A_51 : i32 to vector<16xi32>
      %sub3A_966 = arith.subi %get3A_964, %sub3A_965 : vector<16xi32>
      %ge3A_967 = arith.constant 0 : i32
      %ge3A_968 = vector.broadcast %ge3A_967 : i32 to vector<16xi32>
      %ge3A_969 = arith.cmpi sge, %sub3A_966, %ge3A_968 : vector<16xi32>
      %lt3A_970 = arith.constant 50000 : i32
      %lt3A_971 = vector.broadcast %lt3A_970 : i32 to vector<16xi32>
      %lt3A_972 = arith.cmpi slt, %sub3A_966, %lt3A_971 : vector<16xi32>
      %and3A_973 = arith.andi %ge3A_969, %lt3A_972 : vector<16xi1>
      %mul3A_974 = arith.constant 51200 : i32
      %mul3A_975 = arith.muli %select_n3A, %mul3A_974 : i32
      %add3A_976 = arith.constant 50176 : i32
      %add3A_977 = arith.addi %mul3A_975, %add3A_976 : i32
      %and3A_978 = arith.constant 1023 : i32
      %and3A_979 = vector.broadcast %and3A_978 : i32 to vector<16xi32>
      %and3A_980 = arith.andi %add3A_957, %and3A_979 : vector<16xi32>
      %add3A_981 = vector.broadcast %add3A_977 : i32 to vector<16xi32>
      %add3A_982 = arith.addi %add3A_981, %and3A_980 : vector<16xi32>
      %mul3A_983 = arith.constant 51200 : i32
      %mul3A_984 = arith.muli %select_n3A, %mul3A_983 : i32
      %add3A_985 = vector.broadcast %mul3A_984 : i32 to vector<16xi32>
      %add3A_986 = arith.addi %add3A_985, %sub3A_966 : vector<16xi32>
      %select_n3A_987 = arith.select %and3A_973, %add3A_986, %add3A_982 : vector<16xi1>, vector<16xi32>
      %mul3A_988 = arith.constant 12544 : i32
      %mul3A_989 = arith.muli %select_n3A_49, %mul3A_988 : i32
      %add3A_990 = vector.broadcast %mul3A_989 : i32 to vector<16xi32>
      %add3A_991 = arith.addi %add3A_990, %add3A_957 : vector<16xi32>
      %mul3A_992 = arith.constant 128 : i32
      %mul3A_993 = arith.muli %scan3A_658, %mul3A_992 : i32
      %add3A_994 = arith.constant 80 : i32
      %add3A_995 = arith.addi %mul3A_993, %add3A_994 : i32
      %swap3A_996 = arith.index_cast %add3A_995 : i32 to index
      %swap3A_997 = tpu.vector_load %arg6[%swap3A_996] {strides = array<i32>} : memref<6272xi32, #tpu.memory_space<vmem>>, vector<16xi32>,
      %swap3A_998 = vector.shape_cast %swap3A_997 : vector<16xi32> to vector<16xi32>
      %swap3A_999 = vector.shape_cast %select_n3A_987 : vector<16xi32> to vector<16xi32>
      tpu.vector_store %arg6[%swap3A_996], %swap3A_999 {strides = array<i32>} : memref<6272xi32, #tpu.memory_space<vmem>>, vector<16xi32>,
      %mul3A_1000 = arith.constant 128 : i32
      %mul3A_1001 = arith.muli %scan3A_658, %mul3A_1000 : i32
      %add3A_1002 = arith.constant 80 : i32
      %add3A_1003 = arith.addi %mul3A_1001, %add3A_1002 : i32
      %swap3A_1004 = arith.index_cast %add3A_1003 : i32 to index
      %swap3A_1005 = tpu.vector_load %arg7[%swap3A_1004] {strides = array<i32>} : memref<6272xi32, #tpu.memory_space<vmem>>, vector<16xi32>,
      %swap3A_1006 = vector.shape_cast %swap3A_1005 : vector<16xi32> to vector<16xi32>
      %swap3A_1007 = vector.shape_cast %add3A_991 : vector<16xi32> to vector<16xi32>
      tpu.vector_store %arg7[%swap3A_1004], %swap3A_1007 {strides = array<i32>} : memref<6272xi32, #tpu.memory_space<vmem>>, vector<16xi32>,
      %mul3A_1008 = arith.constant 128 : i32
      %mul3A_1009 = arith.muli %scan3A_658, %mul3A_1008 : i32
      %add3A_1010 = arith.constant 6272 : i32
      %add3A_1011 = arith.addi %add3A_1010, %mul3A_1009 : i32
      %add3A_1012 = arith.constant 96 : i32
      %add3A_1013 = arith.addi %add3A_1011, %add3A_1012 : i32
      %add3A_1014 = vector.broadcast %add3A_1013 : i32 to vector<16xi32>
      %add3A_1015 = arith.addi %add3A_1014, %iota3A : vector<16xi32>
      %mul3A_1016 = arith.constant 128 : i32
      %mul3A_1017 = arith.muli %scan3A_658, %mul3A_1016 : i32
      %add3A_1018 = arith.constant 96 : i32
      %add3A_1019 = arith.addi %mul3A_1017, %add3A_1018 : i32
      %get3A_1020 = arith.index_cast %add3A_1019 : i32 to index
      %get3A_1021 = tpu.vector_load %arg6[%get3A_1020] {strides = array<i32>} : memref<6272xi32, #tpu.memory_space<vmem>>, vector<16xi32>,
      %get3A_1022 = vector.shape_cast %get3A_1021 : vector<16xi32> to vector<16xi32>
      %sub3A_1023 = vector.broadcast %mul3A_51 : i32 to vector<16xi32>
      %sub3A_1024 = arith.subi %get3A_1022, %sub3A_1023 : vector<16xi32>
      %ge3A_1025 = arith.constant 0 : i32
      %ge3A_1026 = vector.broadcast %ge3A_1025 : i32 to vector<16xi32>
      %ge3A_1027 = arith.cmpi sge, %sub3A_1024, %ge3A_1026 : vector<16xi32>
      %lt3A_1028 = arith.constant 50000 : i32
      %lt3A_1029 = vector.broadcast %lt3A_1028 : i32 to vector<16xi32>
      %lt3A_1030 = arith.cmpi slt, %sub3A_1024, %lt3A_1029 : vector<16xi32>
      %and3A_1031 = arith.andi %ge3A_1027, %lt3A_1030 : vector<16xi1>
      %mul3A_1032 = arith.constant 51200 : i32
      %mul3A_1033 = arith.muli %select_n3A, %mul3A_1032 : i32
      %add3A_1034 = arith.constant 50176 : i32
      %add3A_1035 = arith.addi %mul3A_1033, %add3A_1034 : i32
      %and3A_1036 = arith.constant 1023 : i32
      %and3A_1037 = vector.broadcast %and3A_1036 : i32 to vector<16xi32>
      %and3A_1038 = arith.andi %add3A_1015, %and3A_1037 : vector<16xi32>
      %add3A_1039 = vector.broadcast %add3A_1035 : i32 to vector<16xi32>
      %add3A_1040 = arith.addi %add3A_1039, %and3A_1038 : vector<16xi32>
      %mul3A_1041 = arith.constant 51200 : i32
      %mul3A_1042 = arith.muli %select_n3A, %mul3A_1041 : i32
      %add3A_1043 = vector.broadcast %mul3A_1042 : i32 to vector<16xi32>
      %add3A_1044 = arith.addi %add3A_1043, %sub3A_1024 : vector<16xi32>
      %select_n3A_1045 = arith.select %and3A_1031, %add3A_1044, %add3A_1040 : vector<16xi1>, vector<16xi32>
      %mul3A_1046 = arith.constant 12544 : i32
      %mul3A_1047 = arith.muli %select_n3A_49, %mul3A_1046 : i32
      %add3A_1048 = vector.broadcast %mul3A_1047 : i32 to vector<16xi32>
      %add3A_1049 = arith.addi %add3A_1048, %add3A_1015 : vector<16xi32>
      %mul3A_1050 = arith.constant 128 : i32
      %mul3A_1051 = arith.muli %scan3A_658, %mul3A_1050 : i32
      %add3A_1052 = arith.constant 96 : i32
      %add3A_1053 = arith.addi %mul3A_1051, %add3A_1052 : i32
      %swap3A_1054 = arith.index_cast %add3A_1053 : i32 to index
      %swap3A_1055 = tpu.vector_load %arg6[%swap3A_1054] {strides = array<i32>} : memref<6272xi32, #tpu.memory_space<vmem>>, vector<16xi32>,
      %swap3A_1056 = vector.shape_cast %swap3A_1055 : vector<16xi32> to vector<16xi32>
      %swap3A_1057 = vector.shape_cast %select_n3A_1045 : vector<16xi32> to vector<16xi32>
      tpu.vector_store %arg6[%swap3A_1054], %swap3A_1057 {strides = array<i32>} : memref<6272xi32, #tpu.memory_space<vmem>>, vector<16xi32>,
      %mul3A_1058 = arith.constant 128 : i32
      %mul3A_1059 = arith.muli %scan3A_658, %mul3A_1058 : i32
      %add3A_1060 = arith.constant 96 : i32
      %add3A_1061 = arith.addi %mul3A_1059, %add3A_1060 : i32
      %swap3A_1062 = arith.index_cast %add3A_1061 : i32 to index
      %swap3A_1063 = tpu.vector_load %arg7[%swap3A_1062] {strides = array<i32>} : memref<6272xi32, #tpu.memory_space<vmem>>, vector<16xi32>,
      %swap3A_1064 = vector.shape_cast %swap3A_1063 : vector<16xi32> to vector<16xi32>
      %swap3A_1065 = vector.shape_cast %add3A_1049 : vector<16xi32> to vector<16xi32>
      tpu.vector_store %arg7[%swap3A_1062], %swap3A_1065 {strides = array<i32>} : memref<6272xi32, #tpu.memory_space<vmem>>, vector<16xi32>,
      %mul3A_1066 = arith.constant 128 : i32
      %mul3A_1067 = arith.muli %scan3A_658, %mul3A_1066 : i32
      %add3A_1068 = arith.constant 6272 : i32
      %add3A_1069 = arith.addi %add3A_1068, %mul3A_1067 : i32
      %add3A_1070 = arith.constant 112 : i32
      %add3A_1071 = arith.addi %add3A_1069, %add3A_1070 : i32
      %add3A_1072 = vector.broadcast %add3A_1071 : i32 to vector<16xi32>
      %add3A_1073 = arith.addi %add3A_1072, %iota3A : vector<16xi32>
      %mul3A_1074 = arith.constant 128 : i32
      %mul3A_1075 = arith.muli %scan3A_658, %mul3A_1074 : i32
      %add3A_1076 = arith.constant 112 : i32
      %add3A_1077 = arith.addi %mul3A_1075, %add3A_1076 : i32
      %get3A_1078 = arith.index_cast %add3A_1077 : i32 to index
      %get3A_1079 = tpu.vector_load %arg6[%get3A_1078] {strides = array<i32>} : memref<6272xi32, #tpu.memory_space<vmem>>, vector<16xi32>,
      %get3A_1080 = vector.shape_cast %get3A_1079 : vector<16xi32> to vector<16xi32>
      %sub3A_1081 = vector.broadcast %mul3A_51 : i32 to vector<16xi32>
      %sub3A_1082 = arith.subi %get3A_1080, %sub3A_1081 : vector<16xi32>
      %ge3A_1083 = arith.constant 0 : i32
      %ge3A_1084 = vector.broadcast %ge3A_1083 : i32 to vector<16xi32>
      %ge3A_1085 = arith.cmpi sge, %sub3A_1082, %ge3A_1084 : vector<16xi32>
      %lt3A_1086 = arith.constant 50000 : i32
      %lt3A_1087 = vector.broadcast %lt3A_1086 : i32 to vector<16xi32>
      %lt3A_1088 = arith.cmpi slt, %sub3A_1082, %lt3A_1087 : vector<16xi32>
      %and3A_1089 = arith.andi %ge3A_1085, %lt3A_1088 : vector<16xi1>
      %mul3A_1090 = arith.constant 51200 : i32
      %mul3A_1091 = arith.muli %select_n3A, %mul3A_1090 : i32
      %add3A_1092 = arith.constant 50176 : i32
      %add3A_1093 = arith.addi %mul3A_1091, %add3A_1092 : i32
      %and3A_1094 = arith.constant 1023 : i32
      %and3A_1095 = vector.broadcast %and3A_1094 : i32 to vector<16xi32>
      %and3A_1096 = arith.andi %add3A_1073, %and3A_1095 : vector<16xi32>
      %add3A_1097 = vector.broadcast %add3A_1093 : i32 to vector<16xi32>
      %add3A_1098 = arith.addi %add3A_1097, %and3A_1096 : vector<16xi32>
      %mul3A_1099 = arith.constant 51200 : i32
      %mul3A_1100 = arith.muli %select_n3A, %mul3A_1099 : i32
      %add3A_1101 = vector.broadcast %mul3A_1100 : i32 to vector<16xi32>
      %add3A_1102 = arith.addi %add3A_1101, %sub3A_1082 : vector<16xi32>
      %select_n3A_1103 = arith.select %and3A_1089, %add3A_1102, %add3A_1098 : vector<16xi1>, vector<16xi32>
      %mul3A_1104 = arith.constant 12544 : i32
      %mul3A_1105 = arith.muli %select_n3A_49, %mul3A_1104 : i32
      %add3A_1106 = vector.broadcast %mul3A_1105 : i32 to vector<16xi32>
      %add3A_1107 = arith.addi %add3A_1106, %add3A_1073 : vector<16xi32>
      %mul3A_1108 = arith.constant 128 : i32
      %mul3A_1109 = arith.muli %scan3A_658, %mul3A_1108 : i32
      %add3A_1110 = arith.constant 112 : i32
      %add3A_1111 = arith.addi %mul3A_1109, %add3A_1110 : i32
      %swap3A_1112 = arith.index_cast %add3A_1111 : i32 to index
      %swap3A_1113 = tpu.vector_load %arg6[%swap3A_1112] {strides = array<i32>} : memref<6272xi32, #tpu.memory_space<vmem>>, vector<16xi32>,
      %swap3A_1114 = vector.shape_cast %swap3A_1113 : vector<16xi32> to vector<16xi32>
      %swap3A_1115 = vector.shape_cast %select_n3A_1103 : vector<16xi32> to vector<16xi32>
      tpu.vector_store %arg6[%swap3A_1112], %swap3A_1115 {strides = array<i32>} : memref<6272xi32, #tpu.memory_space<vmem>>, vector<16xi32>,
      %mul3A_1116 = arith.constant 128 : i32
      %mul3A_1117 = arith.muli %scan3A_658, %mul3A_1116 : i32
      %add3A_1118 = arith.constant 112 : i32
      %add3A_1119 = arith.addi %mul3A_1117, %add3A_1118 : i32
      %swap3A_1120 = arith.index_cast %add3A_1119 : i32 to index
      %swap3A_1121 = tpu.vector_load %arg7[%swap3A_1120] {strides = array<i32>} : memref<6272xi32, #tpu.memory_space<vmem>>, vector<16xi32>,
      %swap3A_1122 = vector.shape_cast %swap3A_1121 : vector<16xi32> to vector<16xi32>
      %swap3A_1123 = vector.shape_cast %add3A_1107 : vector<16xi32> to vector<16xi32>
      tpu.vector_store %arg7[%swap3A_1120], %swap3A_1123 {strides = array<i32>} : memref<6272xi32, #tpu.memory_space<vmem>>, vector<16xi32>,
      %scan3A_1124 = arith.constant 0 : i32
      scf.yield %scan3A_1124 : i32
    }
    %scan3A_79 = arith.constant 49 : i32
    "tpu.region"() ({
      %run_scoped3A = tpu.sem_alloc : memref<!tpu.dma_semaphore, #tpu.memory_space<semaphore_mem>>
      %dma_start3A_658 = arith.constant 0 : i32
      %dma_start3A_659 = tpu.memref_slice %arg5[%dma_start3A_658] : memref<204800xi32, #tpu.memory_space<vmem_shared>> -> memref<204800xi32, #tpu.memory_space<vmem_shared>>
      tpu.enqueue_indirect_dma source(%arg7 : memref<6272xi32, #tpu.memory_space<vmem>>) target(%dma_start3A_659 : memref<204800xi32, #tpu.memory_space<vmem_shared>>) offsets(%arg6 : memref<6272xi32, #tpu.memory_space<vmem>>) semaphore(%run_scoped3A : memref<!tpu.dma_semaphore, #tpu.memory_space<semaphore_mem>>)
      %dma_wait3A_660 = arith.constant 0 : i32
      %dma_wait3A_661 = tpu.memref_slice %arg5[%dma_wait3A_660] : memref<204800xi32, #tpu.memory_space<vmem_shared>> -> memref<204800xi32, #tpu.memory_space<vmem_shared>>
      tpu.wait_indirect_dma semaphore(%run_scoped3A : memref<!tpu.dma_semaphore, #tpu.memory_space<semaphore_mem>>) src(%arg7 : memref<6272xi32, #tpu.memory_space<vmem>>) dst(%dma_wait3A_661 : memref<204800xi32, #tpu.memory_space<vmem_shared>>)
      tpu.yield
    }) : () -> ()
    %barrier3A_80 = arith.constant 0 : index
    tpu.barrier barrier_id(%barrier3A_80)
    %mul3A_81 = arith.constant 3136 : i32
    %mul3A_82 = arith.muli %arg1, %mul3A_81 : i32
    %add3A_83 = arith.constant 0 : i32
    %add3A_84 = arith.addi %add3A_83, %mul3A_82 : i32
    "tpu.region"() ({
      %run_scoped3A = tpu.sem_alloc : memref<!tpu.dma_semaphore, #tpu.memory_space<semaphore_mem>>
      %dma_start3A_658 = arith.constant 0 : i32
      %dma_start3A_659 = tpu.memref_slice %arg8[%dma_start3A_658] : memref<12608xi32, #tpu.memory_space<vmem>> -> memref<3136xi32, #tpu.memory_space<vmem>>
      %dma_start3A_660 = tpu.memref_slice %arg5[%add3A_84] : memref<204800xi32, #tpu.memory_space<vmem_shared>> -> memref<3136xi32, #tpu.memory_space<vmem_shared>>
      %dma_start3A_661 = arith.constant 0 : i32
      %dma_start3A_662 = tpu.memref_slice %arg8[%dma_start3A_661] : memref<12608xi32, #tpu.memory_space<vmem>> -> memref<3136xi32, #tpu.memory_space<vmem>>
      %dma_start3A_663 = tpu.memref_slice %arg5[%add3A_84] : memref<204800xi32, #tpu.memory_space<vmem_shared>> -> memref<3136xi32, #tpu.memory_space<vmem_shared>>
      tpu.enqueue_dma source(%dma_start3A_663 : memref<3136xi32, #tpu.memory_space<vmem_shared>>) target(%dma_start3A_662 : memref<3136xi32, #tpu.memory_space<vmem>>) target_semaphore(%run_scoped3A : memref<!tpu.dma_semaphore, #tpu.memory_space<semaphore_mem>>)
      %dma_wait3A_664 = arith.constant 0 : i32
      %dma_wait3A_665 = tpu.memref_slice %arg8[%dma_wait3A_664] : memref<12608xi32, #tpu.memory_space<vmem>> -> memref<3136xi32, #tpu.memory_space<vmem>>
      %dma_wait3A_666 = tpu.memref_slice %arg5[%add3A_84] : memref<204800xi32, #tpu.memory_space<vmem_shared>> -> memref<3136xi32, #tpu.memory_space<vmem_shared>>
      %dma_wait3A_667 = arith.constant 0 : i32
      %dma_wait3A_668 = tpu.memref_slice %arg8[%dma_wait3A_667] : memref<12608xi32, #tpu.memory_space<vmem>> -> memref<3136xi32, #tpu.memory_space<vmem>>
      %dma_wait3A_669 = tpu.memref_slice %arg5[%add3A_84] : memref<204800xi32, #tpu.memory_space<vmem_shared>> -> memref<3136xi32, #tpu.memory_space<vmem_shared>>
      tpu.wait_dma2 semaphore(%run_scoped3A : memref<!tpu.dma_semaphore, #tpu.memory_space<semaphore_mem>>) src(%dma_wait3A_669 : memref<3136xi32, #tpu.memory_space<vmem_shared>>) dst(%dma_wait3A_668 : memref<3136xi32, #tpu.memory_space<vmem>>)
      tpu.yield
    }) : () -> ()
    %mul3A_85 = arith.constant 3136 : i32
    %mul3A_86 = arith.muli %arg1, %mul3A_85 : i32
    %add3A_87 = arith.constant 51200 : i32
    %add3A_88 = arith.addi %add3A_87, %mul3A_86 : i32
    "tpu.region"() ({
      %run_scoped3A = tpu.sem_alloc : memref<!tpu.dma_semaphore, #tpu.memory_space<semaphore_mem>>
      %dma_start3A_658 = arith.constant 3152 : i32
      %dma_start3A_659 = tpu.memref_slice %arg8[%dma_start3A_658] : memref<12608xi32, #tpu.memory_space<vmem>> -> memref<3136xi32, #tpu.memory_space<vmem>>
      %dma_start3A_660 = tpu.memref_slice %arg5[%add3A_88] : memref<204800xi32, #tpu.memory_space<vmem_shared>> -> memref<3136xi32, #tpu.memory_space<vmem_shared>>
      %dma_start3A_661 = arith.constant 3152 : i32
      %dma_start3A_662 = tpu.memref_slice %arg8[%dma_start3A_661] : memref<12608xi32, #tpu.memory_space<vmem>> -> memref<3136xi32, #tpu.memory_space<vmem>>
      %dma_start3A_663 = tpu.memref_slice %arg5[%add3A_88] : memref<204800xi32, #tpu.memory_space<vmem_shared>> -> memref<3136xi32, #tpu.memory_space<vmem_shared>>
      tpu.enqueue_dma source(%dma_start3A_663 : memref<3136xi32, #tpu.memory_space<vmem_shared>>) target(%dma_start3A_662 : memref<3136xi32, #tpu.memory_space<vmem>>) target_semaphore(%run_scoped3A : memref<!tpu.dma_semaphore, #tpu.memory_space<semaphore_mem>>)
      %dma_wait3A_664 = arith.constant 3152 : i32
      %dma_wait3A_665 = tpu.memref_slice %arg8[%dma_wait3A_664] : memref<12608xi32, #tpu.memory_space<vmem>> -> memref<3136xi32, #tpu.memory_space<vmem>>
      %dma_wait3A_666 = tpu.memref_slice %arg5[%add3A_88] : memref<204800xi32, #tpu.memory_space<vmem_shared>> -> memref<3136xi32, #tpu.memory_space<vmem_shared>>
      %dma_wait3A_667 = arith.constant 3152 : i32
      %dma_wait3A_668 = tpu.memref_slice %arg8[%dma_wait3A_667] : memref<12608xi32, #tpu.memory_space<vmem>> -> memref<3136xi32, #tpu.memory_space<vmem>>
      %dma_wait3A_669 = tpu.memref_slice %arg5[%add3A_88] : memref<204800xi32, #tpu.memory_space<vmem_shared>> -> memref<3136xi32, #tpu.memory_space<vmem_shared>>
      tpu.wait_dma2 semaphore(%run_scoped3A : memref<!tpu.dma_semaphore, #tpu.memory_space<semaphore_mem>>) src(%dma_wait3A_669 : memref<3136xi32, #tpu.memory_space<vmem_shared>>) dst(%dma_wait3A_668 : memref<3136xi32, #tpu.memory_space<vmem>>)
      tpu.yield
    }) : () -> ()
    %mul3A_89 = arith.constant 3136 : i32
    %mul3A_90 = arith.muli %arg1, %mul3A_89 : i32
    %add3A_91 = arith.constant 102400 : i32
    %add3A_92 = arith.addi %add3A_91, %mul3A_90 : i32
    "tpu.region"() ({
      %run_scoped3A = tpu.sem_alloc : memref<!tpu.dma_semaphore, #tpu.memory_space<semaphore_mem>>
      %dma_start3A_658 = arith.constant 6304 : i32
      %dma_start3A_659 = tpu.memref_slice %arg8[%dma_start3A_658] : memref<12608xi32, #tpu.memory_space<vmem>> -> memref<3136xi32, #tpu.memory_space<vmem>>
      %dma_start3A_660 = tpu.memref_slice %arg5[%add3A_92] : memref<204800xi32, #tpu.memory_space<vmem_shared>> -> memref<3136xi32, #tpu.memory_space<vmem_shared>>
      %dma_start3A_661 = arith.constant 6304 : i32
      %dma_start3A_662 = tpu.memref_slice %arg8[%dma_start3A_661] : memref<12608xi32, #tpu.memory_space<vmem>> -> memref<3136xi32, #tpu.memory_space<vmem>>
      %dma_start3A_663 = tpu.memref_slice %arg5[%add3A_92] : memref<204800xi32, #tpu.memory_space<vmem_shared>> -> memref<3136xi32, #tpu.memory_space<vmem_shared>>
      tpu.enqueue_dma source(%dma_start3A_663 : memref<3136xi32, #tpu.memory_space<vmem_shared>>) target(%dma_start3A_662 : memref<3136xi32, #tpu.memory_space<vmem>>) target_semaphore(%run_scoped3A : memref<!tpu.dma_semaphore, #tpu.memory_space<semaphore_mem>>)
      %dma_wait3A_664 = arith.constant 6304 : i32
      %dma_wait3A_665 = tpu.memref_slice %arg8[%dma_wait3A_664] : memref<12608xi32, #tpu.memory_space<vmem>> -> memref<3136xi32, #tpu.memory_space<vmem>>
      %dma_wait3A_666 = tpu.memref_slice %arg5[%add3A_92] : memref<204800xi32, #tpu.memory_space<vmem_shared>> -> memref<3136xi32, #tpu.memory_space<vmem_shared>>
      %dma_wait3A_667 = arith.constant 6304 : i32
      %dma_wait3A_668 = tpu.memref_slice %arg8[%dma_wait3A_667] : memref<12608xi32, #tpu.memory_space<vmem>> -> memref<3136xi32, #tpu.memory_space<vmem>>
      %dma_wait3A_669 = tpu.memref_slice %arg5[%add3A_92] : memref<204800xi32, #tpu.memory_space<vmem_shared>> -> memref<3136xi32, #tpu.memory_space<vmem_shared>>
      tpu.wait_dma2 semaphore(%run_scoped3A : memref<!tpu.dma_semaphore, #tpu.memory_space<semaphore_mem>>) src(%dma_wait3A_669 : memref<3136xi32, #tpu.memory_space<vmem_shared>>) dst(%dma_wait3A_668 : memref<3136xi32, #tpu.memory_space<vmem>>)
      tpu.yield
    }) : () -> ()
    %mul3A_93 = arith.constant 3136 : i32
    %mul3A_94 = arith.muli %arg1, %mul3A_93 : i32
    %add3A_95 = arith.constant 153600 : i32
    %add3A_96 = arith.addi %add3A_95, %mul3A_94 : i32
    "tpu.region"() ({
      %run_scoped3A = tpu.sem_alloc : memref<!tpu.dma_semaphore, #tpu.memory_space<semaphore_mem>>
      %dma_start3A_658 = arith.constant 9456 : i32
      %dma_start3A_659 = tpu.memref_slice %arg8[%dma_start3A_658] : memref<12608xi32, #tpu.memory_space<vmem>> -> memref<3136xi32, #tpu.memory_space<vmem>>
      %dma_start3A_660 = tpu.memref_slice %arg5[%add3A_96] : memref<204800xi32, #tpu.memory_space<vmem_shared>> -> memref<3136xi32, #tpu.memory_space<vmem_shared>>
      %dma_start3A_661 = arith.constant 9456 : i32
      %dma_start3A_662 = tpu.memref_slice %arg8[%dma_start3A_661] : memref<12608xi32, #tpu.memory_space<vmem>> -> memref<3136xi32, #tpu.memory_space<vmem>>
      %dma_start3A_663 = tpu.memref_slice %arg5[%add3A_96] : memref<204800xi32, #tpu.memory_space<vmem_shared>> -> memref<3136xi32, #tpu.memory_space<vmem_shared>>
      tpu.enqueue_dma source(%dma_start3A_663 : memref<3136xi32, #tpu.memory_space<vmem_shared>>) target(%dma_start3A_662 : memref<3136xi32, #tpu.memory_space<vmem>>) target_semaphore(%run_scoped3A : memref<!tpu.dma_semaphore, #tpu.memory_space<semaphore_mem>>)
      %dma_wait3A_664 = arith.constant 9456 : i32
      %dma_wait3A_665 = tpu.memref_slice %arg8[%dma_wait3A_664] : memref<12608xi32, #tpu.memory_space<vmem>> -> memref<3136xi32, #tpu.memory_space<vmem>>
      %dma_wait3A_666 = tpu.memref_slice %arg5[%add3A_96] : memref<204800xi32, #tpu.memory_space<vmem_shared>> -> memref<3136xi32, #tpu.memory_space<vmem_shared>>
      %dma_wait3A_667 = arith.constant 9456 : i32
      %dma_wait3A_668 = tpu.memref_slice %arg8[%dma_wait3A_667] : memref<12608xi32, #tpu.memory_space<vmem>> -> memref<3136xi32, #tpu.memory_space<vmem>>
      %dma_wait3A_669 = tpu.memref_slice %arg5[%add3A_96] : memref<204800xi32, #tpu.memory_space<vmem_shared>> -> memref<3136xi32, #tpu.memory_space<vmem_shared>>
      tpu.wait_dma2 semaphore(%run_scoped3A : memref<!tpu.dma_semaphore, #tpu.memory_space<semaphore_mem>>) src(%dma_wait3A_669 : memref<3136xi32, #tpu.memory_space<vmem_shared>>) dst(%dma_wait3A_668 : memref<3136xi32, #tpu.memory_space<vmem>>)
      tpu.yield
    }) : () -> ()
    %broadcast_in_dim3A = arith.constant 0.000000e+00 : f32
    %broadcast_in_dim3A_97 = vector.broadcast %broadcast_in_dim3A : f32 to vector<16xf32>
    %get3A = arith.constant 0 : index
    %get3A_98 = tpu.vector_load %arg8[%get3A] {strides = array<i32>} : memref<12608xi32, #tpu.memory_space<vmem>>, vector<16xi32>,
    %get3A_99 = vector.shape_cast %get3A_98 : vector<16xi32> to vector<16xi32>
    %ge3A = arith.constant 0 : i32
    %ge3A_100 = vector.broadcast %ge3A : i32 to vector<16xi32>
    %ge3A_101 = arith.cmpi sge, %get3A_99, %ge3A_100 : vector<16xi32>
    %mul3A_102 = arith.constant 3136 : i32
    %mul3A_103 = arith.muli %arg1, %mul3A_102 : i32
    %add3A_104 = arith.constant 0 : i32
    %add3A_105 = arith.addi %mul3A_103, %add3A_104 : i32
    %add3A_106 = arith.constant 0 : i32
    %add3A_107 = arith.addi %add3A_105, %add3A_106 : i32
    %add3A_108 = vector.broadcast %add3A_107 : i32 to vector<16xi32>
    %add3A_109 = arith.addi %add3A_108, %iota3A : vector<16xi32>
    %and3A_110 = arith.constant 32767 : i32
    %and3A_111 = vector.broadcast %and3A_110 : i32 to vector<16xi32>
    %and3A_112 = arith.andi %add3A_109, %and3A_111 : vector<16xi32>
    %select_n3A_113 = arith.select %ge3A_101, %get3A_99, %and3A_112 : vector<16xi1>, vector<16xi32>
    %add3A_114 = arith.constant 0 : i32
    %add3A_115 = vector.broadcast %add3A_114 : i32 to vector<16xi32>
    %add3A_116 = arith.addi %select_n3A_113, %add3A_115 : vector<16xi32>
    %swap3A = arith.constant 0 : index
    %swap3A_117 = tpu.vector_load %arg9[%swap3A] {strides = array<i32>} : memref<64xi32, #tpu.memory_space<vmem>>, vector<16xi32>,
    %swap3A_118 = vector.shape_cast %swap3A_117 : vector<16xi32> to vector<16xi32>
    %swap3A_119 = vector.shape_cast %add3A_116 : vector<16xi32> to vector<16xi32>
    tpu.vector_store %arg9[%swap3A], %swap3A_119 {strides = array<i32>} : memref<64xi32, #tpu.memory_space<vmem>>, vector<16xi32>,
    %get3A_120 = arith.constant 16 : index
    %get3A_121 = tpu.vector_load %arg8[%get3A_120] {strides = array<i32>} : memref<12608xi32, #tpu.memory_space<vmem>>, vector<16xi32>,
    %get3A_122 = vector.shape_cast %get3A_121 : vector<16xi32> to vector<16xi32>
    %ge3A_123 = arith.constant 0 : i32
    %ge3A_124 = vector.broadcast %ge3A_123 : i32 to vector<16xi32>
    %ge3A_125 = arith.cmpi sge, %get3A_122, %ge3A_124 : vector<16xi32>
    %mul3A_126 = arith.constant 3136 : i32
    %mul3A_127 = arith.muli %arg1, %mul3A_126 : i32
    %add3A_128 = arith.constant 0 : i32
    %add3A_129 = arith.addi %mul3A_127, %add3A_128 : i32
    %add3A_130 = arith.constant 16 : i32
    %add3A_131 = arith.addi %add3A_129, %add3A_130 : i32
    %add3A_132 = vector.broadcast %add3A_131 : i32 to vector<16xi32>
    %add3A_133 = arith.addi %add3A_132, %iota3A : vector<16xi32>
    %and3A_134 = arith.constant 32767 : i32
    %and3A_135 = vector.broadcast %and3A_134 : i32 to vector<16xi32>
    %and3A_136 = arith.andi %add3A_133, %and3A_135 : vector<16xi32>
    %select_n3A_137 = arith.select %ge3A_125, %get3A_122, %and3A_136 : vector<16xi1>, vector<16xi32>
    %add3A_138 = arith.constant 0 : i32
    %add3A_139 = vector.broadcast %add3A_138 : i32 to vector<16xi32>
    %add3A_140 = arith.addi %select_n3A_137, %add3A_139 : vector<16xi32>
    %swap3A_141 = arith.constant 16 : index
    %swap3A_142 = tpu.vector_load %arg9[%swap3A_141] {strides = array<i32>} : memref<64xi32, #tpu.memory_space<vmem>>, vector<16xi32>,
    %swap3A_143 = vector.shape_cast %swap3A_142 : vector<16xi32> to vector<16xi32>
    %swap3A_144 = vector.shape_cast %add3A_140 : vector<16xi32> to vector<16xi32>
    tpu.vector_store %arg9[%swap3A_141], %swap3A_144 {strides = array<i32>} : memref<64xi32, #tpu.memory_space<vmem>>, vector<16xi32>,
    %get3A_145 = arith.constant 32 : index
    %get3A_146 = tpu.vector_load %arg8[%get3A_145] {strides = array<i32>} : memref<12608xi32, #tpu.memory_space<vmem>>, vector<16xi32>,
    %get3A_147 = vector.shape_cast %get3A_146 : vector<16xi32> to vector<16xi32>
    %ge3A_148 = arith.constant 0 : i32
    %ge3A_149 = vector.broadcast %ge3A_148 : i32 to vector<16xi32>
    %ge3A_150 = arith.cmpi sge, %get3A_147, %ge3A_149 : vector<16xi32>
    %mul3A_151 = arith.constant 3136 : i32
    %mul3A_152 = arith.muli %arg1, %mul3A_151 : i32
    %add3A_153 = arith.constant 0 : i32
    %add3A_154 = arith.addi %mul3A_152, %add3A_153 : i32
    %add3A_155 = arith.constant 32 : i32
    %add3A_156 = arith.addi %add3A_154, %add3A_155 : i32
    %add3A_157 = vector.broadcast %add3A_156 : i32 to vector<16xi32>
    %add3A_158 = arith.addi %add3A_157, %iota3A : vector<16xi32>
    %and3A_159 = arith.constant 32767 : i32
    %and3A_160 = vector.broadcast %and3A_159 : i32 to vector<16xi32>
    %and3A_161 = arith.andi %add3A_158, %and3A_160 : vector<16xi32>
    %select_n3A_162 = arith.select %ge3A_150, %get3A_147, %and3A_161 : vector<16xi1>, vector<16xi32>
    %add3A_163 = arith.constant 0 : i32
    %add3A_164 = vector.broadcast %add3A_163 : i32 to vector<16xi32>
    %add3A_165 = arith.addi %select_n3A_162, %add3A_164 : vector<16xi32>
    %swap3A_166 = arith.constant 32 : index
    %swap3A_167 = tpu.vector_load %arg9[%swap3A_166] {strides = array<i32>} : memref<64xi32, #tpu.memory_space<vmem>>, vector<16xi32>,
    %swap3A_168 = vector.shape_cast %swap3A_167 : vector<16xi32> to vector<16xi32>
    %swap3A_169 = vector.shape_cast %add3A_165 : vector<16xi32> to vector<16xi32>
    tpu.vector_store %arg9[%swap3A_166], %swap3A_169 {strides = array<i32>} : memref<64xi32, #tpu.memory_space<vmem>>, vector<16xi32>,
    %get3A_170 = arith.constant 48 : index
    %get3A_171 = tpu.vector_load %arg8[%get3A_170] {strides = array<i32>} : memref<12608xi32, #tpu.memory_space<vmem>>, vector<16xi32>,
    %get3A_172 = vector.shape_cast %get3A_171 : vector<16xi32> to vector<16xi32>
    %ge3A_173 = arith.constant 0 : i32
    %ge3A_174 = vector.broadcast %ge3A_173 : i32 to vector<16xi32>
    %ge3A_175 = arith.cmpi sge, %get3A_172, %ge3A_174 : vector<16xi32>
    %mul3A_176 = arith.constant 3136 : i32
    %mul3A_177 = arith.muli %arg1, %mul3A_176 : i32
    %add3A_178 = arith.constant 0 : i32
    %add3A_179 = arith.addi %mul3A_177, %add3A_178 : i32
    %add3A_180 = arith.constant 48 : i32
    %add3A_181 = arith.addi %add3A_179, %add3A_180 : i32
    %add3A_182 = vector.broadcast %add3A_181 : i32 to vector<16xi32>
    %add3A_183 = arith.addi %add3A_182, %iota3A : vector<16xi32>
    %and3A_184 = arith.constant 32767 : i32
    %and3A_185 = vector.broadcast %and3A_184 : i32 to vector<16xi32>
    %and3A_186 = arith.andi %add3A_183, %and3A_185 : vector<16xi32>
    %select_n3A_187 = arith.select %ge3A_175, %get3A_172, %and3A_186 : vector<16xi1>, vector<16xi32>
    %add3A_188 = arith.constant 0 : i32
    %add3A_189 = vector.broadcast %add3A_188 : i32 to vector<16xi32>
    %add3A_190 = arith.addi %select_n3A_187, %add3A_189 : vector<16xi32>
    %swap3A_191 = arith.constant 48 : index
    %swap3A_192 = tpu.vector_load %arg9[%swap3A_191] {strides = array<i32>} : memref<64xi32, #tpu.memory_space<vmem>>, vector<16xi32>,
    %swap3A_193 = vector.shape_cast %swap3A_192 : vector<16xi32> to vector<16xi32>
    %swap3A_194 = vector.shape_cast %add3A_190 : vector<16xi32> to vector<16xi32>
    tpu.vector_store %arg9[%swap3A_191], %swap3A_194 {strides = array<i32>} : memref<64xi32, #tpu.memory_space<vmem>>, vector<16xi32>,
    %get3A_195 = arith.constant 3152 : index
    %get3A_196 = tpu.vector_load %arg8[%get3A_195] {strides = array<i32>} : memref<12608xi32, #tpu.memory_space<vmem>>, vector<16xi32>,
    %get3A_197 = vector.shape_cast %get3A_196 : vector<16xi32> to vector<16xi32>
    %ge3A_198 = arith.constant 0 : i32
    %ge3A_199 = vector.broadcast %ge3A_198 : i32 to vector<16xi32>
    %ge3A_200 = arith.cmpi sge, %get3A_197, %ge3A_199 : vector<16xi32>
    %mul3A_201 = arith.constant 3136 : i32
    %mul3A_202 = arith.muli %arg1, %mul3A_201 : i32
    %add3A_203 = arith.constant 0 : i32
    %add3A_204 = arith.addi %mul3A_202, %add3A_203 : i32
    %add3A_205 = arith.constant 0 : i32
    %add3A_206 = arith.addi %add3A_204, %add3A_205 : i32
    %add3A_207 = vector.broadcast %add3A_206 : i32 to vector<16xi32>
    %add3A_208 = arith.addi %add3A_207, %iota3A : vector<16xi32>
    %and3A_209 = arith.constant 32767 : i32
    %and3A_210 = vector.broadcast %and3A_209 : i32 to vector<16xi32>
    %and3A_211 = arith.andi %add3A_208, %and3A_210 : vector<16xi32>
    %select_n3A_212 = arith.select %ge3A_200, %get3A_197, %and3A_211 : vector<16xi1>, vector<16xi32>
    %add3A_213 = arith.constant 50000 : i32
    %add3A_214 = vector.broadcast %add3A_213 : i32 to vector<16xi32>
    %add3A_215 = arith.addi %select_n3A_212, %add3A_214 : vector<16xi32>
    %swap3A_216 = arith.constant 0 : index
    %swap3A_217 = tpu.vector_load %arg10[%swap3A_216] {strides = array<i32>} : memref<64xi32, #tpu.memory_space<vmem>>, vector<16xi32>,
    %swap3A_218 = vector.shape_cast %swap3A_217 : vector<16xi32> to vector<16xi32>
    %swap3A_219 = vector.shape_cast %add3A_215 : vector<16xi32> to vector<16xi32>
    tpu.vector_store %arg10[%swap3A_216], %swap3A_219 {strides = array<i32>} : memref<64xi32, #tpu.memory_space<vmem>>, vector<16xi32>,
    %get3A_220 = arith.constant 3168 : index
    %get3A_221 = tpu.vector_load %arg8[%get3A_220] {strides = array<i32>} : memref<12608xi32, #tpu.memory_space<vmem>>, vector<16xi32>,
    %get3A_222 = vector.shape_cast %get3A_221 : vector<16xi32> to vector<16xi32>
    %ge3A_223 = arith.constant 0 : i32
    %ge3A_224 = vector.broadcast %ge3A_223 : i32 to vector<16xi32>
    %ge3A_225 = arith.cmpi sge, %get3A_222, %ge3A_224 : vector<16xi32>
    %mul3A_226 = arith.constant 3136 : i32
    %mul3A_227 = arith.muli %arg1, %mul3A_226 : i32
    %add3A_228 = arith.constant 0 : i32
    %add3A_229 = arith.addi %mul3A_227, %add3A_228 : i32
    %add3A_230 = arith.constant 16 : i32
    %add3A_231 = arith.addi %add3A_229, %add3A_230 : i32
    %add3A_232 = vector.broadcast %add3A_231 : i32 to vector<16xi32>
    %add3A_233 = arith.addi %add3A_232, %iota3A : vector<16xi32>
    %and3A_234 = arith.constant 32767 : i32
    %and3A_235 = vector.broadcast %and3A_234 : i32 to vector<16xi32>
    %and3A_236 = arith.andi %add3A_233, %and3A_235 : vector<16xi32>
    %select_n3A_237 = arith.select %ge3A_225, %get3A_222, %and3A_236 : vector<16xi1>, vector<16xi32>
    %add3A_238 = arith.constant 50000 : i32
    %add3A_239 = vector.broadcast %add3A_238 : i32 to vector<16xi32>
    %add3A_240 = arith.addi %select_n3A_237, %add3A_239 : vector<16xi32>
    %swap3A_241 = arith.constant 16 : index
    %swap3A_242 = tpu.vector_load %arg10[%swap3A_241] {strides = array<i32>} : memref<64xi32, #tpu.memory_space<vmem>>, vector<16xi32>,
    %swap3A_243 = vector.shape_cast %swap3A_242 : vector<16xi32> to vector<16xi32>
    %swap3A_244 = vector.shape_cast %add3A_240 : vector<16xi32> to vector<16xi32>
    tpu.vector_store %arg10[%swap3A_241], %swap3A_244 {strides = array<i32>} : memref<64xi32, #tpu.memory_space<vmem>>, vector<16xi32>,
    %get3A_245 = arith.constant 3184 : index
    %get3A_246 = tpu.vector_load %arg8[%get3A_245] {strides = array<i32>} : memref<12608xi32, #tpu.memory_space<vmem>>, vector<16xi32>,
    %get3A_247 = vector.shape_cast %get3A_246 : vector<16xi32> to vector<16xi32>
    %ge3A_248 = arith.constant 0 : i32
    %ge3A_249 = vector.broadcast %ge3A_248 : i32 to vector<16xi32>
    %ge3A_250 = arith.cmpi sge, %get3A_247, %ge3A_249 : vector<16xi32>
    %mul3A_251 = arith.constant 3136 : i32
    %mul3A_252 = arith.muli %arg1, %mul3A_251 : i32
    %add3A_253 = arith.constant 0 : i32
    %add3A_254 = arith.addi %mul3A_252, %add3A_253 : i32
    %add3A_255 = arith.constant 32 : i32
    %add3A_256 = arith.addi %add3A_254, %add3A_255 : i32
    %add3A_257 = vector.broadcast %add3A_256 : i32 to vector<16xi32>
    %add3A_258 = arith.addi %add3A_257, %iota3A : vector<16xi32>
    %and3A_259 = arith.constant 32767 : i32
    %and3A_260 = vector.broadcast %and3A_259 : i32 to vector<16xi32>
    %and3A_261 = arith.andi %add3A_258, %and3A_260 : vector<16xi32>
    %select_n3A_262 = arith.select %ge3A_250, %get3A_247, %and3A_261 : vector<16xi1>, vector<16xi32>
    %add3A_263 = arith.constant 50000 : i32
    %add3A_264 = vector.broadcast %add3A_263 : i32 to vector<16xi32>
    %add3A_265 = arith.addi %select_n3A_262, %add3A_264 : vector<16xi32>
    %swap3A_266 = arith.constant 32 : index
    %swap3A_267 = tpu.vector_load %arg10[%swap3A_266] {strides = array<i32>} : memref<64xi32, #tpu.memory_space<vmem>>, vector<16xi32>,
    %swap3A_268 = vector.shape_cast %swap3A_267 : vector<16xi32> to vector<16xi32>
    %swap3A_269 = vector.shape_cast %add3A_265 : vector<16xi32> to vector<16xi32>
    tpu.vector_store %arg10[%swap3A_266], %swap3A_269 {strides = array<i32>} : memref<64xi32, #tpu.memory_space<vmem>>, vector<16xi32>,
    %get3A_270 = arith.constant 3200 : index
    %get3A_271 = tpu.vector_load %arg8[%get3A_270] {strides = array<i32>} : memref<12608xi32, #tpu.memory_space<vmem>>, vector<16xi32>,
    %get3A_272 = vector.shape_cast %get3A_271 : vector<16xi32> to vector<16xi32>
    %ge3A_273 = arith.constant 0 : i32
    %ge3A_274 = vector.broadcast %ge3A_273 : i32 to vector<16xi32>
    %ge3A_275 = arith.cmpi sge, %get3A_272, %ge3A_274 : vector<16xi32>
    %mul3A_276 = arith.constant 3136 : i32
    %mul3A_277 = arith.muli %arg1, %mul3A_276 : i32
    %add3A_278 = arith.constant 0 : i32
    %add3A_279 = arith.addi %mul3A_277, %add3A_278 : i32
    %add3A_280 = arith.constant 48 : i32
    %add3A_281 = arith.addi %add3A_279, %add3A_280 : i32
    %add3A_282 = vector.broadcast %add3A_281 : i32 to vector<16xi32>
    %add3A_283 = arith.addi %add3A_282, %iota3A : vector<16xi32>
    %and3A_284 = arith.constant 32767 : i32
    %and3A_285 = vector.broadcast %and3A_284 : i32 to vector<16xi32>
    %and3A_286 = arith.andi %add3A_283, %and3A_285 : vector<16xi32>
    %select_n3A_287 = arith.select %ge3A_275, %get3A_272, %and3A_286 : vector<16xi1>, vector<16xi32>
    %add3A_288 = arith.constant 50000 : i32
    %add3A_289 = vector.broadcast %add3A_288 : i32 to vector<16xi32>
    %add3A_290 = arith.addi %select_n3A_287, %add3A_289 : vector<16xi32>
    %swap3A_291 = arith.constant 48 : index
    %swap3A_292 = tpu.vector_load %arg10[%swap3A_291] {strides = array<i32>} : memref<64xi32, #tpu.memory_space<vmem>>, vector<16xi32>,
    %swap3A_293 = vector.shape_cast %swap3A_292 : vector<16xi32> to vector<16xi32>
    %swap3A_294 = vector.shape_cast %add3A_290 : vector<16xi32> to vector<16xi32>
    tpu.vector_store %arg10[%swap3A_291], %swap3A_294 {strides = array<i32>} : memref<64xi32, #tpu.memory_space<vmem>>, vector<16xi32>,
    %get3A_295 = arith.constant 6304 : index
    %get3A_296 = tpu.vector_load %arg8[%get3A_295] {strides = array<i32>} : memref<12608xi32, #tpu.memory_space<vmem>>, vector<16xi32>,
    %get3A_297 = vector.shape_cast %get3A_296 : vector<16xi32> to vector<16xi32>
    %ge3A_298 = arith.constant 0 : i32
    %ge3A_299 = vector.broadcast %ge3A_298 : i32 to vector<16xi32>
    %ge3A_300 = arith.cmpi sge, %get3A_297, %ge3A_299 : vector<16xi32>
    %mul3A_301 = arith.constant 3136 : i32
    %mul3A_302 = arith.muli %arg1, %mul3A_301 : i32
    %add3A_303 = arith.constant 0 : i32
    %add3A_304 = arith.addi %mul3A_302, %add3A_303 : i32
    %add3A_305 = arith.constant 0 : i32
    %add3A_306 = arith.addi %add3A_304, %add3A_305 : i32
    %add3A_307 = vector.broadcast %add3A_306 : i32 to vector<16xi32>
    %add3A_308 = arith.addi %add3A_307, %iota3A : vector<16xi32>
    %and3A_309 = arith.constant 32767 : i32
    %and3A_310 = vector.broadcast %and3A_309 : i32 to vector<16xi32>
    %and3A_311 = arith.andi %add3A_308, %and3A_310 : vector<16xi32>
    %select_n3A_312 = arith.select %ge3A_300, %get3A_297, %and3A_311 : vector<16xi1>, vector<16xi32>
    %add3A_313 = arith.constant 100000 : i32
    %add3A_314 = vector.broadcast %add3A_313 : i32 to vector<16xi32>
    %add3A_315 = arith.addi %select_n3A_312, %add3A_314 : vector<16xi32>
    %swap3A_316 = arith.constant 0 : index
    %swap3A_317 = tpu.vector_load %arg11[%swap3A_316] {strides = array<i32>} : memref<64xi32, #tpu.memory_space<vmem>>, vector<16xi32>,
    %swap3A_318 = vector.shape_cast %swap3A_317 : vector<16xi32> to vector<16xi32>
    %swap3A_319 = vector.shape_cast %add3A_315 : vector<16xi32> to vector<16xi32>
    tpu.vector_store %arg11[%swap3A_316], %swap3A_319 {strides = array<i32>} : memref<64xi32, #tpu.memory_space<vmem>>, vector<16xi32>,
    %get3A_320 = arith.constant 6320 : index
    %get3A_321 = tpu.vector_load %arg8[%get3A_320] {strides = array<i32>} : memref<12608xi32, #tpu.memory_space<vmem>>, vector<16xi32>,
    %get3A_322 = vector.shape_cast %get3A_321 : vector<16xi32> to vector<16xi32>
    %ge3A_323 = arith.constant 0 : i32
    %ge3A_324 = vector.broadcast %ge3A_323 : i32 to vector<16xi32>
    %ge3A_325 = arith.cmpi sge, %get3A_322, %ge3A_324 : vector<16xi32>
    %mul3A_326 = arith.constant 3136 : i32
    %mul3A_327 = arith.muli %arg1, %mul3A_326 : i32
    %add3A_328 = arith.constant 0 : i32
    %add3A_329 = arith.addi %mul3A_327, %add3A_328 : i32
    %add3A_330 = arith.constant 16 : i32
    %add3A_331 = arith.addi %add3A_329, %add3A_330 : i32
    %add3A_332 = vector.broadcast %add3A_331 : i32 to vector<16xi32>
    %add3A_333 = arith.addi %add3A_332, %iota3A : vector<16xi32>
    %and3A_334 = arith.constant 32767 : i32
    %and3A_335 = vector.broadcast %and3A_334 : i32 to vector<16xi32>
    %and3A_336 = arith.andi %add3A_333, %and3A_335 : vector<16xi32>
    %select_n3A_337 = arith.select %ge3A_325, %get3A_322, %and3A_336 : vector<16xi1>, vector<16xi32>
    %add3A_338 = arith.constant 100000 : i32
    %add3A_339 = vector.broadcast %add3A_338 : i32 to vector<16xi32>
    %add3A_340 = arith.addi %select_n3A_337, %add3A_339 : vector<16xi32>
    %swap3A_341 = arith.constant 16 : index
    %swap3A_342 = tpu.vector_load %arg11[%swap3A_341] {strides = array<i32>} : memref<64xi32, #tpu.memory_space<vmem>>, vector<16xi32>,
    %swap3A_343 = vector.shape_cast %swap3A_342 : vector<16xi32> to vector<16xi32>
    %swap3A_344 = vector.shape_cast %add3A_340 : vector<16xi32> to vector<16xi32>
    tpu.vector_store %arg11[%swap3A_341], %swap3A_344 {strides = array<i32>} : memref<64xi32, #tpu.memory_space<vmem>>, vector<16xi32>,
    %get3A_345 = arith.constant 6336 : index
    %get3A_346 = tpu.vector_load %arg8[%get3A_345] {strides = array<i32>} : memref<12608xi32, #tpu.memory_space<vmem>>, vector<16xi32>,
    %get3A_347 = vector.shape_cast %get3A_346 : vector<16xi32> to vector<16xi32>
    %ge3A_348 = arith.constant 0 : i32
    %ge3A_349 = vector.broadcast %ge3A_348 : i32 to vector<16xi32>
    %ge3A_350 = arith.cmpi sge, %get3A_347, %ge3A_349 : vector<16xi32>
    %mul3A_351 = arith.constant 3136 : i32
    %mul3A_352 = arith.muli %arg1, %mul3A_351 : i32
    %add3A_353 = arith.constant 0 : i32
    %add3A_354 = arith.addi %mul3A_352, %add3A_353 : i32
    %add3A_355 = arith.constant 32 : i32
    %add3A_356 = arith.addi %add3A_354, %add3A_355 : i32
    %add3A_357 = vector.broadcast %add3A_356 : i32 to vector<16xi32>
    %add3A_358 = arith.addi %add3A_357, %iota3A : vector<16xi32>
    %and3A_359 = arith.constant 32767 : i32
    %and3A_360 = vector.broadcast %and3A_359 : i32 to vector<16xi32>
    %and3A_361 = arith.andi %add3A_358, %and3A_360 : vector<16xi32>
    %select_n3A_362 = arith.select %ge3A_350, %get3A_347, %and3A_361 : vector<16xi1>, vector<16xi32>
    %add3A_363 = arith.constant 100000 : i32
    %add3A_364 = vector.broadcast %add3A_363 : i32 to vector<16xi32>
    %add3A_365 = arith.addi %select_n3A_362, %add3A_364 : vector<16xi32>
    %swap3A_366 = arith.constant 32 : index
    %swap3A_367 = tpu.vector_load %arg11[%swap3A_366] {strides = array<i32>} : memref<64xi32, #tpu.memory_space<vmem>>, vector<16xi32>,
    %swap3A_368 = vector.shape_cast %swap3A_367 : vector<16xi32> to vector<16xi32>
    %swap3A_369 = vector.shape_cast %add3A_365 : vector<16xi32> to vector<16xi32>
    tpu.vector_store %arg11[%swap3A_366], %swap3A_369 {strides = array<i32>} : memref<64xi32, #tpu.memory_space<vmem>>, vector<16xi32>,
    %get3A_370 = arith.constant 6352 : index
    %get3A_371 = tpu.vector_load %arg8[%get3A_370] {strides = array<i32>} : memref<12608xi32, #tpu.memory_space<vmem>>, vector<16xi32>,
    %get3A_372 = vector.shape_cast %get3A_371 : vector<16xi32> to vector<16xi32>
    %ge3A_373 = arith.constant 0 : i32
    %ge3A_374 = vector.broadcast %ge3A_373 : i32 to vector<16xi32>
    %ge3A_375 = arith.cmpi sge, %get3A_372, %ge3A_374 : vector<16xi32>
    %mul3A_376 = arith.constant 3136 : i32
    %mul3A_377 = arith.muli %arg1, %mul3A_376 : i32
    %add3A_378 = arith.constant 0 : i32
    %add3A_379 = arith.addi %mul3A_377, %add3A_378 : i32
    %add3A_380 = arith.constant 48 : i32
    %add3A_381 = arith.addi %add3A_379, %add3A_380 : i32
    %add3A_382 = vector.broadcast %add3A_381 : i32 to vector<16xi32>
    %add3A_383 = arith.addi %add3A_382, %iota3A : vector<16xi32>
    %and3A_384 = arith.constant 32767 : i32
    %and3A_385 = vector.broadcast %and3A_384 : i32 to vector<16xi32>
    %and3A_386 = arith.andi %add3A_383, %and3A_385 : vector<16xi32>
    %select_n3A_387 = arith.select %ge3A_375, %get3A_372, %and3A_386 : vector<16xi1>, vector<16xi32>
    %add3A_388 = arith.constant 100000 : i32
    %add3A_389 = vector.broadcast %add3A_388 : i32 to vector<16xi32>
    %add3A_390 = arith.addi %select_n3A_387, %add3A_389 : vector<16xi32>
    %swap3A_391 = arith.constant 48 : index
    %swap3A_392 = tpu.vector_load %arg11[%swap3A_391] {strides = array<i32>} : memref<64xi32, #tpu.memory_space<vmem>>, vector<16xi32>,
    %swap3A_393 = vector.shape_cast %swap3A_392 : vector<16xi32> to vector<16xi32>
    %swap3A_394 = vector.shape_cast %add3A_390 : vector<16xi32> to vector<16xi32>
    tpu.vector_store %arg11[%swap3A_391], %swap3A_394 {strides = array<i32>} : memref<64xi32, #tpu.memory_space<vmem>>, vector<16xi32>,
    %get3A_395 = arith.constant 9456 : index
    %get3A_396 = tpu.vector_load %arg8[%get3A_395] {strides = array<i32>} : memref<12608xi32, #tpu.memory_space<vmem>>, vector<16xi32>,
    %get3A_397 = vector.shape_cast %get3A_396 : vector<16xi32> to vector<16xi32>
    %ge3A_398 = arith.constant 0 : i32
    %ge3A_399 = vector.broadcast %ge3A_398 : i32 to vector<16xi32>
    %ge3A_400 = arith.cmpi sge, %get3A_397, %ge3A_399 : vector<16xi32>
    %mul3A_401 = arith.constant 3136 : i32
    %mul3A_402 = arith.muli %arg1, %mul3A_401 : i32
    %add3A_403 = arith.constant 0 : i32
    %add3A_404 = arith.addi %mul3A_402, %add3A_403 : i32
    %add3A_405 = arith.constant 0 : i32
    %add3A_406 = arith.addi %add3A_404, %add3A_405 : i32
    %add3A_407 = vector.broadcast %add3A_406 : i32 to vector<16xi32>
    %add3A_408 = arith.addi %add3A_407, %iota3A : vector<16xi32>
    %and3A_409 = arith.constant 32767 : i32
    %and3A_410 = vector.broadcast %and3A_409 : i32 to vector<16xi32>
    %and3A_411 = arith.andi %add3A_408, %and3A_410 : vector<16xi32>
    %select_n3A_412 = arith.select %ge3A_400, %get3A_397, %and3A_411 : vector<16xi1>, vector<16xi32>
    %add3A_413 = arith.constant 150000 : i32
    %add3A_414 = vector.broadcast %add3A_413 : i32 to vector<16xi32>
    %add3A_415 = arith.addi %select_n3A_412, %add3A_414 : vector<16xi32>
    %swap3A_416 = arith.constant 0 : index
    %swap3A_417 = tpu.vector_load %arg12[%swap3A_416] {strides = array<i32>} : memref<64xi32, #tpu.memory_space<vmem>>, vector<16xi32>,
    %swap3A_418 = vector.shape_cast %swap3A_417 : vector<16xi32> to vector<16xi32>
    %swap3A_419 = vector.shape_cast %add3A_415 : vector<16xi32> to vector<16xi32>
    tpu.vector_store %arg12[%swap3A_416], %swap3A_419 {strides = array<i32>} : memref<64xi32, #tpu.memory_space<vmem>>, vector<16xi32>,
    %get3A_420 = arith.constant 9472 : index
    %get3A_421 = tpu.vector_load %arg8[%get3A_420] {strides = array<i32>} : memref<12608xi32, #tpu.memory_space<vmem>>, vector<16xi32>,
    %get3A_422 = vector.shape_cast %get3A_421 : vector<16xi32> to vector<16xi32>
    %ge3A_423 = arith.constant 0 : i32
    %ge3A_424 = vector.broadcast %ge3A_423 : i32 to vector<16xi32>
    %ge3A_425 = arith.cmpi sge, %get3A_422, %ge3A_424 : vector<16xi32>
    %mul3A_426 = arith.constant 3136 : i32
    %mul3A_427 = arith.muli %arg1, %mul3A_426 : i32
    %add3A_428 = arith.constant 0 : i32
    %add3A_429 = arith.addi %mul3A_427, %add3A_428 : i32
    %add3A_430 = arith.constant 16 : i32
    %add3A_431 = arith.addi %add3A_429, %add3A_430 : i32
    %add3A_432 = vector.broadcast %add3A_431 : i32 to vector<16xi32>
    %add3A_433 = arith.addi %add3A_432, %iota3A : vector<16xi32>
    %and3A_434 = arith.constant 32767 : i32
    %and3A_435 = vector.broadcast %and3A_434 : i32 to vector<16xi32>
    %and3A_436 = arith.andi %add3A_433, %and3A_435 : vector<16xi32>
    %select_n3A_437 = arith.select %ge3A_425, %get3A_422, %and3A_436 : vector<16xi1>, vector<16xi32>
    %add3A_438 = arith.constant 150000 : i32
    %add3A_439 = vector.broadcast %add3A_438 : i32 to vector<16xi32>
    %add3A_440 = arith.addi %select_n3A_437, %add3A_439 : vector<16xi32>
    %swap3A_441 = arith.constant 16 : index
    %swap3A_442 = tpu.vector_load %arg12[%swap3A_441] {strides = array<i32>} : memref<64xi32, #tpu.memory_space<vmem>>, vector<16xi32>,
    %swap3A_443 = vector.shape_cast %swap3A_442 : vector<16xi32> to vector<16xi32>
    %swap3A_444 = vector.shape_cast %add3A_440 : vector<16xi32> to vector<16xi32>
    tpu.vector_store %arg12[%swap3A_441], %swap3A_444 {strides = array<i32>} : memref<64xi32, #tpu.memory_space<vmem>>, vector<16xi32>,
    %get3A_445 = arith.constant 9488 : index
    %get3A_446 = tpu.vector_load %arg8[%get3A_445] {strides = array<i32>} : memref<12608xi32, #tpu.memory_space<vmem>>, vector<16xi32>,
    %get3A_447 = vector.shape_cast %get3A_446 : vector<16xi32> to vector<16xi32>
    %ge3A_448 = arith.constant 0 : i32
    %ge3A_449 = vector.broadcast %ge3A_448 : i32 to vector<16xi32>
    %ge3A_450 = arith.cmpi sge, %get3A_447, %ge3A_449 : vector<16xi32>
    %mul3A_451 = arith.constant 3136 : i32
    %mul3A_452 = arith.muli %arg1, %mul3A_451 : i32
    %add3A_453 = arith.constant 0 : i32
    %add3A_454 = arith.addi %mul3A_452, %add3A_453 : i32
    %add3A_455 = arith.constant 32 : i32
    %add3A_456 = arith.addi %add3A_454, %add3A_455 : i32
    %add3A_457 = vector.broadcast %add3A_456 : i32 to vector<16xi32>
    %add3A_458 = arith.addi %add3A_457, %iota3A : vector<16xi32>
    %and3A_459 = arith.constant 32767 : i32
    %and3A_460 = vector.broadcast %and3A_459 : i32 to vector<16xi32>
    %and3A_461 = arith.andi %add3A_458, %and3A_460 : vector<16xi32>
    %select_n3A_462 = arith.select %ge3A_450, %get3A_447, %and3A_461 : vector<16xi1>, vector<16xi32>
    %add3A_463 = arith.constant 150000 : i32
    %add3A_464 = vector.broadcast %add3A_463 : i32 to vector<16xi32>
    %add3A_465 = arith.addi %select_n3A_462, %add3A_464 : vector<16xi32>
    %swap3A_466 = arith.constant 32 : index
    %swap3A_467 = tpu.vector_load %arg12[%swap3A_466] {strides = array<i32>} : memref<64xi32, #tpu.memory_space<vmem>>, vector<16xi32>,
    %swap3A_468 = vector.shape_cast %swap3A_467 : vector<16xi32> to vector<16xi32>
    %swap3A_469 = vector.shape_cast %add3A_465 : vector<16xi32> to vector<16xi32>
    tpu.vector_store %arg12[%swap3A_466], %swap3A_469 {strides = array<i32>} : memref<64xi32, #tpu.memory_space<vmem>>, vector<16xi32>,
    %get3A_470 = arith.constant 9504 : index
    %get3A_471 = tpu.vector_load %arg8[%get3A_470] {strides = array<i32>} : memref<12608xi32, #tpu.memory_space<vmem>>, vector<16xi32>,
    %get3A_472 = vector.shape_cast %get3A_471 : vector<16xi32> to vector<16xi32>
    %ge3A_473 = arith.constant 0 : i32
    %ge3A_474 = vector.broadcast %ge3A_473 : i32 to vector<16xi32>
    %ge3A_475 = arith.cmpi sge, %get3A_472, %ge3A_474 : vector<16xi32>
    %mul3A_476 = arith.constant 3136 : i32
    %mul3A_477 = arith.muli %arg1, %mul3A_476 : i32
    %add3A_478 = arith.constant 0 : i32
    %add3A_479 = arith.addi %mul3A_477, %add3A_478 : i32
    %add3A_480 = arith.constant 48 : i32
    %add3A_481 = arith.addi %add3A_479, %add3A_480 : i32
    %add3A_482 = vector.broadcast %add3A_481 : i32 to vector<16xi32>
    %add3A_483 = arith.addi %add3A_482, %iota3A : vector<16xi32>
    %and3A_484 = arith.constant 32767 : i32
    %and3A_485 = vector.broadcast %and3A_484 : i32 to vector<16xi32>
    %and3A_486 = arith.andi %add3A_483, %and3A_485 : vector<16xi32>
    %select_n3A_487 = arith.select %ge3A_475, %get3A_472, %and3A_486 : vector<16xi1>, vector<16xi32>
    %add3A_488 = arith.constant 150000 : i32
    %add3A_489 = vector.broadcast %add3A_488 : i32 to vector<16xi32>
    %add3A_490 = arith.addi %select_n3A_487, %add3A_489 : vector<16xi32>
    %swap3A_491 = arith.constant 48 : index
    %swap3A_492 = tpu.vector_load %arg12[%swap3A_491] {strides = array<i32>} : memref<64xi32, #tpu.memory_space<vmem>>, vector<16xi32>,
    %swap3A_493 = vector.shape_cast %swap3A_492 : vector<16xi32> to vector<16xi32>
    %swap3A_494 = vector.shape_cast %add3A_490 : vector<16xi32> to vector<16xi32>
    tpu.vector_store %arg12[%swap3A_491], %swap3A_494 {strides = array<i32>} : memref<64xi32, #tpu.memory_space<vmem>>, vector<16xi32>,
    %dma_start3A = arith.constant 0 : i32
    %dma_start3A_495 = arith.constant 0 : i32
    %dma_start3A_496 = arith.constant 0 : i32
    %dma_start3A_497 = tpu.memref_slice %arg17[%dma_start3A, %dma_start3A_495, %dma_start3A_496] : memref<4x64x128xf32, #tpu.memory_space<vmem>> -> memref<1x64x128xf32, #tpu.memory_space<vmem>>
    %dma_start3A_498 = tpu.memref_squeeze %dma_start3A_497 : memref<1x64x128xf32, #tpu.memory_space<vmem>> -> memref<64x128xf32, #tpu.memory_space<vmem>>
    %dma_start3A_499 = arith.constant 0 : i32
    %dma_start3A_500 = arith.constant 0 : i32
    %dma_start3A_501 = tpu.memref_slice %arg2[%dma_start3A_499, %dma_start3A_500] : memref<200000x128xf32, #tpu.memory_space<hbm>> -> memref<200000x128xf32, #tpu.memory_space<hbm>>
    tpu.enqueue_indirect_dma source(%dma_start3A_501 : memref<200000x128xf32, #tpu.memory_space<hbm>>) target(%dma_start3A_498 : memref<64x128xf32, #tpu.memory_space<vmem>>) offsets(%arg9 : memref<64xi32, #tpu.memory_space<vmem>>) semaphore(%arg20 : memref<!tpu.dma_semaphore, #tpu.memory_space<semaphore_mem>>)
    %dma_start3A_502 = arith.constant 1 : i32
    %dma_start3A_503 = arith.constant 0 : i32
    %dma_start3A_504 = arith.constant 0 : i32
    %dma_start3A_505 = tpu.memref_slice %arg17[%dma_start3A_502, %dma_start3A_503, %dma_start3A_504] : memref<4x64x128xf32, #tpu.memory_space<vmem>> -> memref<1x64x128xf32, #tpu.memory_space<vmem>>
    %dma_start3A_506 = tpu.memref_squeeze %dma_start3A_505 : memref<1x64x128xf32, #tpu.memory_space<vmem>> -> memref<64x128xf32, #tpu.memory_space<vmem>>
    %dma_start3A_507 = arith.constant 0 : i32
    %dma_start3A_508 = arith.constant 0 : i32
    %dma_start3A_509 = tpu.memref_slice %arg2[%dma_start3A_507, %dma_start3A_508] : memref<200000x128xf32, #tpu.memory_space<hbm>> -> memref<200000x128xf32, #tpu.memory_space<hbm>>
    tpu.enqueue_indirect_dma source(%dma_start3A_509 : memref<200000x128xf32, #tpu.memory_space<hbm>>) target(%dma_start3A_506 : memref<64x128xf32, #tpu.memory_space<vmem>>) offsets(%arg10 : memref<64xi32, #tpu.memory_space<vmem>>) semaphore(%arg20 : memref<!tpu.dma_semaphore, #tpu.memory_space<semaphore_mem>>)
    %dma_start3A_510 = arith.constant 2 : i32
    %dma_start3A_511 = arith.constant 0 : i32
    %dma_start3A_512 = arith.constant 0 : i32
    %dma_start3A_513 = tpu.memref_slice %arg17[%dma_start3A_510, %dma_start3A_511, %dma_start3A_512] : memref<4x64x128xf32, #tpu.memory_space<vmem>> -> memref<1x64x128xf32, #tpu.memory_space<vmem>>
    %dma_start3A_514 = tpu.memref_squeeze %dma_start3A_513 : memref<1x64x128xf32, #tpu.memory_space<vmem>> -> memref<64x128xf32, #tpu.memory_space<vmem>>
    %dma_start3A_515 = arith.constant 0 : i32
    %dma_start3A_516 = arith.constant 0 : i32
    %dma_start3A_517 = tpu.memref_slice %arg2[%dma_start3A_515, %dma_start3A_516] : memref<200000x128xf32, #tpu.memory_space<hbm>> -> memref<200000x128xf32, #tpu.memory_space<hbm>>
    tpu.enqueue_indirect_dma source(%dma_start3A_517 : memref<200000x128xf32, #tpu.memory_space<hbm>>) target(%dma_start3A_514 : memref<64x128xf32, #tpu.memory_space<vmem>>) offsets(%arg11 : memref<64xi32, #tpu.memory_space<vmem>>) semaphore(%arg20 : memref<!tpu.dma_semaphore, #tpu.memory_space<semaphore_mem>>)
    %dma_start3A_518 = arith.constant 3 : i32
    %dma_start3A_519 = arith.constant 0 : i32
    %dma_start3A_520 = arith.constant 0 : i32
    %dma_start3A_521 = tpu.memref_slice %arg17[%dma_start3A_518, %dma_start3A_519, %dma_start3A_520] : memref<4x64x128xf32, #tpu.memory_space<vmem>> -> memref<1x64x128xf32, #tpu.memory_space<vmem>>
    %dma_start3A_522 = tpu.memref_squeeze %dma_start3A_521 : memref<1x64x128xf32, #tpu.memory_space<vmem>> -> memref<64x128xf32, #tpu.memory_space<vmem>>
    %dma_start3A_523 = arith.constant 0 : i32
    %dma_start3A_524 = arith.constant 0 : i32
    %dma_start3A_525 = tpu.memref_slice %arg2[%dma_start3A_523, %dma_start3A_524] : memref<200000x128xf32, #tpu.memory_space<hbm>> -> memref<200000x128xf32, #tpu.memory_space<hbm>>
    tpu.enqueue_indirect_dma source(%dma_start3A_525 : memref<200000x128xf32, #tpu.memory_space<hbm>>) target(%dma_start3A_522 : memref<64x128xf32, #tpu.memory_space<vmem>>) offsets(%arg12 : memref<64xi32, #tpu.memory_space<vmem>>) semaphore(%arg20 : memref<!tpu.dma_semaphore, #tpu.memory_space<semaphore_mem>>)
    %scan3A_526 = arith.constant 0.000000e+00 : f32
    %scan3A_527 = arith.constant 0.000000e+00 : f32
    %scan3A_528 = arith.constant 0.000000e+00 : f32
    %scan3A_529 = arith.constant 0 : i32
    %scan3A_530 = arith.constant 24 : i32
    %scan3A_531 = arith.addi %scan3A_529, %scan3A_530 : i32
    %scan3A_532 = arith.constant 1 : i32
    %scan3A_533:7 = scf.for %scan3A_658 = %scan3A_529 to %scan3A_531 step %scan3A_532 iter_args(%scan3A_659 = %broadcast_in_dim3A_97, %scan3A_660 = %broadcast_in_dim3A_97, %scan3A_661 = %broadcast_in_dim3A_97, %scan3A_662 = %broadcast_in_dim3A_97, %scan3A_663 = %scan3A_526, %scan3A_664 = %scan3A_527, %scan3A_665 = %scan3A_528) -> (vector<16xf32>, vector<16xf32>, vector<16xf32>, vector<16xf32>, f32, f32, f32)  : i32 {
      %mul3A_666 = arith.constant 2 : i32
      %mul3A_667 = arith.muli %mul3A_666, %scan3A_658 : i32
      %add3A_668 = arith.constant 1 : i32
      %add3A_669 = arith.addi %mul3A_667, %add3A_668 : i32
      %mul3A_670 = arith.constant 64 : i32
      %mul3A_671 = arith.muli %add3A_669, %mul3A_670 : i32
      %add3A_672 = arith.constant 0 : i32
      %add3A_673 = arith.addi %add3A_672, %mul3A_671 : i32
      %add3A_674 = arith.constant 0 : i32
      %add3A_675 = arith.addi %add3A_673, %add3A_674 : i32
      %get3A_676 = arith.index_cast %add3A_675 : i32 to index
      %get3A_677 = tpu.vector_load %arg8[%get3A_676] {strides = array<i32>} : memref<12608xi32, #tpu.memory_space<vmem>>, vector<16xi32>,
      %get3A_678 = vector.shape_cast %get3A_677 : vector<16xi32> to vector<16xi32>
      %ge3A_679 = arith.constant 0 : i32
      %ge3A_680 = vector.broadcast %ge3A_679 : i32 to vector<16xi32>
      %ge3A_681 = arith.cmpi sge, %get3A_678, %ge3A_680 : vector<16xi32>
      %mul3A_682 = arith.constant 3136 : i32
      %mul3A_683 = arith.muli %arg1, %mul3A_682 : i32
      %mul3A_684 = arith.constant 64 : i32
      %mul3A_685 = arith.muli %add3A_669, %mul3A_684 : i32
      %add3A_686 = arith.addi %mul3A_683, %mul3A_685 : i32
      %add3A_687 = arith.constant 0 : i32
      %add3A_688 = arith.addi %add3A_686, %add3A_687 : i32
      %add3A_689 = vector.broadcast %add3A_688 : i32 to vector<16xi32>
      %add3A_690 = arith.addi %add3A_689, %iota3A : vector<16xi32>
      %and3A_691 = arith.constant 32767 : i32
      %and3A_692 = vector.broadcast %and3A_691 : i32 to vector<16xi32>
      %and3A_693 = arith.andi %add3A_690, %and3A_692 : vector<16xi32>
      %select_n3A_694 = arith.select %ge3A_681, %get3A_678, %and3A_693 : vector<16xi1>, vector<16xi32>
      %add3A_695 = arith.constant 0 : i32
      %add3A_696 = vector.broadcast %add3A_695 : i32 to vector<16xi32>
      %add3A_697 = arith.addi %select_n3A_694, %add3A_696 : vector<16xi32>
      %swap3A_698 = arith.constant 0 : index
      %swap3A_699 = tpu.vector_load %arg13[%swap3A_698] {strides = array<i32>} : memref<64xi32, #tpu.memory_space<vmem>>, vector<16xi32>,
      %swap3A_700 = vector.shape_cast %swap3A_699 : vector<16xi32> to vector<16xi32>
      %swap3A_701 = vector.shape_cast %add3A_697 : vector<16xi32> to vector<16xi32>
      tpu.vector_store %arg13[%swap3A_698], %swap3A_701 {strides = array<i32>} : memref<64xi32, #tpu.memory_space<vmem>>, vector<16xi32>,
      %mul3A_702 = arith.constant 64 : i32
      %mul3A_703 = arith.muli %add3A_669, %mul3A_702 : i32
      %add3A_704 = arith.constant 0 : i32
      %add3A_705 = arith.addi %add3A_704, %mul3A_703 : i32
      %add3A_706 = arith.constant 16 : i32
      %add3A_707 = arith.addi %add3A_705, %add3A_706 : i32
      %get3A_708 = arith.index_cast %add3A_707 : i32 to index
      %get3A_709 = tpu.vector_load %arg8[%get3A_708] {strides = array<i32>} : memref<12608xi32, #tpu.memory_space<vmem>>, vector<16xi32>,
      %get3A_710 = vector.shape_cast %get3A_709 : vector<16xi32> to vector<16xi32>
      %ge3A_711 = arith.constant 0 : i32
      %ge3A_712 = vector.broadcast %ge3A_711 : i32 to vector<16xi32>
      %ge3A_713 = arith.cmpi sge, %get3A_710, %ge3A_712 : vector<16xi32>
      %mul3A_714 = arith.constant 3136 : i32
      %mul3A_715 = arith.muli %arg1, %mul3A_714 : i32
      %mul3A_716 = arith.constant 64 : i32
      %mul3A_717 = arith.muli %add3A_669, %mul3A_716 : i32
      %add3A_718 = arith.addi %mul3A_715, %mul3A_717 : i32
      %add3A_719 = arith.constant 16 : i32
      %add3A_720 = arith.addi %add3A_718, %add3A_719 : i32
      %add3A_721 = vector.broadcast %add3A_720 : i32 to vector<16xi32>
      %add3A_722 = arith.addi %add3A_721, %iota3A : vector<16xi32>
      %and3A_723 = arith.constant 32767 : i32
      %and3A_724 = vector.broadcast %and3A_723 : i32 to vector<16xi32>
      %and3A_725 = arith.andi %add3A_722, %and3A_724 : vector<16xi32>
      %select_n3A_726 = arith.select %ge3A_713, %get3A_710, %and3A_725 : vector<16xi1>, vector<16xi32>
      %add3A_727 = arith.constant 0 : i32
      %add3A_728 = vector.broadcast %add3A_727 : i32 to vector<16xi32>
      %add3A_729 = arith.addi %select_n3A_726, %add3A_728 : vector<16xi32>
      %swap3A_730 = arith.constant 16 : index
      %swap3A_731 = tpu.vector_load %arg13[%swap3A_730] {strides = array<i32>} : memref<64xi32, #tpu.memory_space<vmem>>, vector<16xi32>,
      %swap3A_732 = vector.shape_cast %swap3A_731 : vector<16xi32> to vector<16xi32>
      %swap3A_733 = vector.shape_cast %add3A_729 : vector<16xi32> to vector<16xi32>
      tpu.vector_store %arg13[%swap3A_730], %swap3A_733 {strides = array<i32>} : memref<64xi32, #tpu.memory_space<vmem>>, vector<16xi32>,
      %mul3A_734 = arith.constant 64 : i32
      %mul3A_735 = arith.muli %add3A_669, %mul3A_734 : i32
      %add3A_736 = arith.constant 0 : i32
      %add3A_737 = arith.addi %add3A_736, %mul3A_735 : i32
      %add3A_738 = arith.constant 32 : i32
      %add3A_739 = arith.addi %add3A_737, %add3A_738 : i32
      %get3A_740 = arith.index_cast %add3A_739 : i32 to index
      %get3A_741 = tpu.vector_load %arg8[%get3A_740] {strides = array<i32>} : memref<12608xi32, #tpu.memory_space<vmem>>, vector<16xi32>,
      %get3A_742 = vector.shape_cast %get3A_741 : vector<16xi32> to vector<16xi32>
      %ge3A_743 = arith.constant 0 : i32
      %ge3A_744 = vector.broadcast %ge3A_743 : i32 to vector<16xi32>
      %ge3A_745 = arith.cmpi sge, %get3A_742, %ge3A_744 : vector<16xi32>
      %mul3A_746 = arith.constant 3136 : i32
      %mul3A_747 = arith.muli %arg1, %mul3A_746 : i32
      %mul3A_748 = arith.constant 64 : i32
      %mul3A_749 = arith.muli %add3A_669, %mul3A_748 : i32
      %add3A_750 = arith.addi %mul3A_747, %mul3A_749 : i32
      %add3A_751 = arith.constant 32 : i32
      %add3A_752 = arith.addi %add3A_750, %add3A_751 : i32
      %add3A_753 = vector.broadcast %add3A_752 : i32 to vector<16xi32>
      %add3A_754 = arith.addi %add3A_753, %iota3A : vector<16xi32>
      %and3A_755 = arith.constant 32767 : i32
      %and3A_756 = vector.broadcast %and3A_755 : i32 to vector<16xi32>
      %and3A_757 = arith.andi %add3A_754, %and3A_756 : vector<16xi32>
      %select_n3A_758 = arith.select %ge3A_745, %get3A_742, %and3A_757 : vector<16xi1>, vector<16xi32>
      %add3A_759 = arith.constant 0 : i32
      %add3A_760 = vector.broadcast %add3A_759 : i32 to vector<16xi32>
      %add3A_761 = arith.addi %select_n3A_758, %add3A_760 : vector<16xi32>
      %swap3A_762 = arith.constant 32 : index
      %swap3A_763 = tpu.vector_load %arg13[%swap3A_762] {strides = array<i32>} : memref<64xi32, #tpu.memory_space<vmem>>, vector<16xi32>,
      %swap3A_764 = vector.shape_cast %swap3A_763 : vector<16xi32> to vector<16xi32>
      %swap3A_765 = vector.shape_cast %add3A_761 : vector<16xi32> to vector<16xi32>
      tpu.vector_store %arg13[%swap3A_762], %swap3A_765 {strides = array<i32>} : memref<64xi32, #tpu.memory_space<vmem>>, vector<16xi32>,
      %mul3A_766 = arith.constant 64 : i32
      %mul3A_767 = arith.muli %add3A_669, %mul3A_766 : i32
      %add3A_768 = arith.constant 0 : i32
      %add3A_769 = arith.addi %add3A_768, %mul3A_767 : i32
      %add3A_770 = arith.constant 48 : i32
      %add3A_771 = arith.addi %add3A_769, %add3A_770 : i32
      %get3A_772 = arith.index_cast %add3A_771 : i32 to index
      %get3A_773 = tpu.vector_load %arg8[%get3A_772] {strides = array<i32>} : memref<12608xi32, #tpu.memory_space<vmem>>, vector<16xi32>,
      %get3A_774 = vector.shape_cast %get3A_773 : vector<16xi32> to vector<16xi32>
      %ge3A_775 = arith.constant 0 : i32
      %ge3A_776 = vector.broadcast %ge3A_775 : i32 to vector<16xi32>
      %ge3A_777 = arith.cmpi sge, %get3A_774, %ge3A_776 : vector<16xi32>
      %mul3A_778 = arith.constant 3136 : i32
      %mul3A_779 = arith.muli %arg1, %mul3A_778 : i32
      %mul3A_780 = arith.constant 64 : i32
      %mul3A_781 = arith.muli %add3A_669, %mul3A_780 : i32
      %add3A_782 = arith.addi %mul3A_779, %mul3A_781 : i32
      %add3A_783 = arith.constant 48 : i32
      %add3A_784 = arith.addi %add3A_782, %add3A_783 : i32
      %add3A_785 = vector.broadcast %add3A_784 : i32 to vector<16xi32>
      %add3A_786 = arith.addi %add3A_785, %iota3A : vector<16xi32>
      %and3A_787 = arith.constant 32767 : i32
      %and3A_788 = vector.broadcast %and3A_787 : i32 to vector<16xi32>
      %and3A_789 = arith.andi %add3A_786, %and3A_788 : vector<16xi32>
      %select_n3A_790 = arith.select %ge3A_777, %get3A_774, %and3A_789 : vector<16xi1>, vector<16xi32>
      %add3A_791 = arith.constant 0 : i32
      %add3A_792 = vector.broadcast %add3A_791 : i32 to vector<16xi32>
      %add3A_793 = arith.addi %select_n3A_790, %add3A_792 : vector<16xi32>
      %swap3A_794 = arith.constant 48 : index
      %swap3A_795 = tpu.vector_load %arg13[%swap3A_794] {strides = array<i32>} : memref<64xi32, #tpu.memory_space<vmem>>, vector<16xi32>,
      %swap3A_796 = vector.shape_cast %swap3A_795 : vector<16xi32> to vector<16xi32>
      %swap3A_797 = vector.shape_cast %add3A_793 : vector<16xi32> to vector<16xi32>
      tpu.vector_store %arg13[%swap3A_794], %swap3A_797 {strides = array<i32>} : memref<64xi32, #tpu.memory_space<vmem>>, vector<16xi32>,
      %mul3A_798 = arith.constant 64 : i32
      %mul3A_799 = arith.muli %add3A_669, %mul3A_798 : i32
      %add3A_800 = arith.constant 3152 : i32
      %add3A_801 = arith.addi %add3A_800, %mul3A_799 : i32
      %add3A_802 = arith.constant 0 : i32
      %add3A_803 = arith.addi %add3A_801, %add3A_802 : i32
      %get3A_804 = arith.index_cast %add3A_803 : i32 to index
      %get3A_805 = tpu.vector_load %arg8[%get3A_804] {strides = array<i32>} : memref<12608xi32, #tpu.memory_space<vmem>>, vector<16xi32>,
      %get3A_806 = vector.shape_cast %get3A_805 : vector<16xi32> to vector<16xi32>
      %ge3A_807 = arith.constant 0 : i32
      %ge3A_808 = vector.broadcast %ge3A_807 : i32 to vector<16xi32>
      %ge3A_809 = arith.cmpi sge, %get3A_806, %ge3A_808 : vector<16xi32>
      %mul3A_810 = arith.constant 3136 : i32
      %mul3A_811 = arith.muli %arg1, %mul3A_810 : i32
      %mul3A_812 = arith.constant 64 : i32
      %mul3A_813 = arith.muli %add3A_669, %mul3A_812 : i32
      %add3A_814 = arith.addi %mul3A_811, %mul3A_813 : i32
      %add3A_815 = arith.constant 0 : i32
      %add3A_816 = arith.addi %add3A_814, %add3A_815 : i32
      %add3A_817 = vector.broadcast %add3A_816 : i32 to vector<16xi32>
      %add3A_818 = arith.addi %add3A_817, %iota3A : vector<16xi32>
      %and3A_819 = arith.constant 32767 : i32
      %and3A_820 = vector.broadcast %and3A_819 : i32 to vector<16xi32>
      %and3A_821 = arith.andi %add3A_818, %and3A_820 : vector<16xi32>
      %select_n3A_822 = arith.select %ge3A_809, %get3A_806, %and3A_821 : vector<16xi1>, vector<16xi32>
      %add3A_823 = arith.constant 50000 : i32
      %add3A_824 = vector.broadcast %add3A_823 : i32 to vector<16xi32>
      %add3A_825 = arith.addi %select_n3A_822, %add3A_824 : vector<16xi32>
      %swap3A_826 = arith.constant 0 : index
      %swap3A_827 = tpu.vector_load %arg14[%swap3A_826] {strides = array<i32>} : memref<64xi32, #tpu.memory_space<vmem>>, vector<16xi32>,
      %swap3A_828 = vector.shape_cast %swap3A_827 : vector<16xi32> to vector<16xi32>
      %swap3A_829 = vector.shape_cast %add3A_825 : vector<16xi32> to vector<16xi32>
      tpu.vector_store %arg14[%swap3A_826], %swap3A_829 {strides = array<i32>} : memref<64xi32, #tpu.memory_space<vmem>>, vector<16xi32>,
      %mul3A_830 = arith.constant 64 : i32
      %mul3A_831 = arith.muli %add3A_669, %mul3A_830 : i32
      %add3A_832 = arith.constant 3152 : i32
      %add3A_833 = arith.addi %add3A_832, %mul3A_831 : i32
      %add3A_834 = arith.constant 16 : i32
      %add3A_835 = arith.addi %add3A_833, %add3A_834 : i32
      %get3A_836 = arith.index_cast %add3A_835 : i32 to index
      %get3A_837 = tpu.vector_load %arg8[%get3A_836] {strides = array<i32>} : memref<12608xi32, #tpu.memory_space<vmem>>, vector<16xi32>,
      %get3A_838 = vector.shape_cast %get3A_837 : vector<16xi32> to vector<16xi32>
      %ge3A_839 = arith.constant 0 : i32
      %ge3A_840 = vector.broadcast %ge3A_839 : i32 to vector<16xi32>
      %ge3A_841 = arith.cmpi sge, %get3A_838, %ge3A_840 : vector<16xi32>
      %mul3A_842 = arith.constant 3136 : i32
      %mul3A_843 = arith.muli %arg1, %mul3A_842 : i32
      %mul3A_844 = arith.constant 64 : i32
      %mul3A_845 = arith.muli %add3A_669, %mul3A_844 : i32
      %add3A_846 = arith.addi %mul3A_843, %mul3A_845 : i32
      %add3A_847 = arith.constant 16 : i32
      %add3A_848 = arith.addi %add3A_846, %add3A_847 : i32
      %add3A_849 = vector.broadcast %add3A_848 : i32 to vector<16xi32>
      %add3A_850 = arith.addi %add3A_849, %iota3A : vector<16xi32>
      %and3A_851 = arith.constant 32767 : i32
      %and3A_852 = vector.broadcast %and3A_851 : i32 to vector<16xi32>
      %and3A_853 = arith.andi %add3A_850, %and3A_852 : vector<16xi32>
      %select_n3A_854 = arith.select %ge3A_841, %get3A_838, %and3A_853 : vector<16xi1>, vector<16xi32>
      %add3A_855 = arith.constant 50000 : i32
      %add3A_856 = vector.broadcast %add3A_855 : i32 to vector<16xi32>
      %add3A_857 = arith.addi %select_n3A_854, %add3A_856 : vector<16xi32>
      %swap3A_858 = arith.constant 16 : index
      %swap3A_859 = tpu.vector_load %arg14[%swap3A_858] {strides = array<i32>} : memref<64xi32, #tpu.memory_space<vmem>>, vector<16xi32>,
      %swap3A_860 = vector.shape_cast %swap3A_859 : vector<16xi32> to vector<16xi32>
      %swap3A_861 = vector.shape_cast %add3A_857 : vector<16xi32> to vector<16xi32>
      tpu.vector_store %arg14[%swap3A_858], %swap3A_861 {strides = array<i32>} : memref<64xi32, #tpu.memory_space<vmem>>, vector<16xi32>,
      %mul3A_862 = arith.constant 64 : i32
      %mul3A_863 = arith.muli %add3A_669, %mul3A_862 : i32
      %add3A_864 = arith.constant 3152 : i32
      %add3A_865 = arith.addi %add3A_864, %mul3A_863 : i32
      %add3A_866 = arith.constant 32 : i32
      %add3A_867 = arith.addi %add3A_865, %add3A_866 : i32
      %get3A_868 = arith.index_cast %add3A_867 : i32 to index
      %get3A_869 = tpu.vector_load %arg8[%get3A_868] {strides = array<i32>} : memref<12608xi32, #tpu.memory_space<vmem>>, vector<16xi32>,
      %get3A_870 = vector.shape_cast %get3A_869 : vector<16xi32> to vector<16xi32>
      %ge3A_871 = arith.constant 0 : i32
      %ge3A_872 = vector.broadcast %ge3A_871 : i32 to vector<16xi32>
      %ge3A_873 = arith.cmpi sge, %get3A_870, %ge3A_872 : vector<16xi32>
      %mul3A_874 = arith.constant 3136 : i32
      %mul3A_875 = arith.muli %arg1, %mul3A_874 : i32
      %mul3A_876 = arith.constant 64 : i32
      %mul3A_877 = arith.muli %add3A_669, %mul3A_876 : i32
      %add3A_878 = arith.addi %mul3A_875, %mul3A_877 : i32
      %add3A_879 = arith.constant 32 : i32
      %add3A_880 = arith.addi %add3A_878, %add3A_879 : i32
      %add3A_881 = vector.broadcast %add3A_880 : i32 to vector<16xi32>
      %add3A_882 = arith.addi %add3A_881, %iota3A : vector<16xi32>
      %and3A_883 = arith.constant 32767 : i32
      %and3A_884 = vector.broadcast %and3A_883 : i32 to vector<16xi32>
      %and3A_885 = arith.andi %add3A_882, %and3A_884 : vector<16xi32>
      %select_n3A_886 = arith.select %ge3A_873, %get3A_870, %and3A_885 : vector<16xi1>, vector<16xi32>
      %add3A_887 = arith.constant 50000 : i32
      %add3A_888 = vector.broadcast %add3A_887 : i32 to vector<16xi32>
      %add3A_889 = arith.addi %select_n3A_886, %add3A_888 : vector<16xi32>
      %swap3A_890 = arith.constant 32 : index
      %swap3A_891 = tpu.vector_load %arg14[%swap3A_890] {strides = array<i32>} : memref<64xi32, #tpu.memory_space<vmem>>, vector<16xi32>,
      %swap3A_892 = vector.shape_cast %swap3A_891 : vector<16xi32> to vector<16xi32>
      %swap3A_893 = vector.shape_cast %add3A_889 : vector<16xi32> to vector<16xi32>
      tpu.vector_store %arg14[%swap3A_890], %swap3A_893 {strides = array<i32>} : memref<64xi32, #tpu.memory_space<vmem>>, vector<16xi32>,
      %mul3A_894 = arith.constant 64 : i32
      %mul3A_895 = arith.muli %add3A_669, %mul3A_894 : i32
      %add3A_896 = arith.constant 3152 : i32
      %add3A_897 = arith.addi %add3A_896, %mul3A_895 : i32
      %add3A_898 = arith.constant 48 : i32
      %add3A_899 = arith.addi %add3A_897, %add3A_898 : i32
      %get3A_900 = arith.index_cast %add3A_899 : i32 to index
      %get3A_901 = tpu.vector_load %arg8[%get3A_900] {strides = array<i32>} : memref<12608xi32, #tpu.memory_space<vmem>>, vector<16xi32>,
      %get3A_902 = vector.shape_cast %get3A_901 : vector<16xi32> to vector<16xi32>
      %ge3A_903 = arith.constant 0 : i32
      %ge3A_904 = vector.broadcast %ge3A_903 : i32 to vector<16xi32>
      %ge3A_905 = arith.cmpi sge, %get3A_902, %ge3A_904 : vector<16xi32>
      %mul3A_906 = arith.constant 3136 : i32
      %mul3A_907 = arith.muli %arg1, %mul3A_906 : i32
      %mul3A_908 = arith.constant 64 : i32
      %mul3A_909 = arith.muli %add3A_669, %mul3A_908 : i32
      %add3A_910 = arith.addi %mul3A_907, %mul3A_909 : i32
      %add3A_911 = arith.constant 48 : i32
      %add3A_912 = arith.addi %add3A_910, %add3A_911 : i32
      %add3A_913 = vector.broadcast %add3A_912 : i32 to vector<16xi32>
      %add3A_914 = arith.addi %add3A_913, %iota3A : vector<16xi32>
      %and3A_915 = arith.constant 32767 : i32
      %and3A_916 = vector.broadcast %and3A_915 : i32 to vector<16xi32>
      %and3A_917 = arith.andi %add3A_914, %and3A_916 : vector<16xi32>
      %select_n3A_918 = arith.select %ge3A_905, %get3A_902, %and3A_917 : vector<16xi1>, vector<16xi32>
      %add3A_919 = arith.constant 50000 : i32
      %add3A_920 = vector.broadcast %add3A_919 : i32 to vector<16xi32>
      %add3A_921 = arith.addi %select_n3A_918, %add3A_920 : vector<16xi32>
      %swap3A_922 = arith.constant 48 : index
      %swap3A_923 = tpu.vector_load %arg14[%swap3A_922] {strides = array<i32>} : memref<64xi32, #tpu.memory_space<vmem>>, vector<16xi32>,
      %swap3A_924 = vector.shape_cast %swap3A_923 : vector<16xi32> to vector<16xi32>
      %swap3A_925 = vector.shape_cast %add3A_921 : vector<16xi32> to vector<16xi32>
      tpu.vector_store %arg14[%swap3A_922], %swap3A_925 {strides = array<i32>} : memref<64xi32, #tpu.memory_space<vmem>>, vector<16xi32>,
      %mul3A_926 = arith.constant 64 : i32
      %mul3A_927 = arith.muli %add3A_669, %mul3A_926 : i32
      %add3A_928 = arith.constant 6304 : i32
      %add3A_929 = arith.addi %add3A_928, %mul3A_927 : i32
      %add3A_930 = arith.constant 0 : i32
      %add3A_931 = arith.addi %add3A_929, %add3A_930 : i32
      %get3A_932 = arith.index_cast %add3A_931 : i32 to index
      %get3A_933 = tpu.vector_load %arg8[%get3A_932] {strides = array<i32>} : memref<12608xi32, #tpu.memory_space<vmem>>, vector<16xi32>,
      %get3A_934 = vector.shape_cast %get3A_933 : vector<16xi32> to vector<16xi32>
      %ge3A_935 = arith.constant 0 : i32
      %ge3A_936 = vector.broadcast %ge3A_935 : i32 to vector<16xi32>
      %ge3A_937 = arith.cmpi sge, %get3A_934, %ge3A_936 : vector<16xi32>
      %mul3A_938 = arith.constant 3136 : i32
      %mul3A_939 = arith.muli %arg1, %mul3A_938 : i32
      %mul3A_940 = arith.constant 64 : i32
      %mul3A_941 = arith.muli %add3A_669, %mul3A_940 : i32
      %add3A_942 = arith.addi %mul3A_939, %mul3A_941 : i32
      %add3A_943 = arith.constant 0 : i32
      %add3A_944 = arith.addi %add3A_942, %add3A_943 : i32
      %add3A_945 = vector.broadcast %add3A_944 : i32 to vector<16xi32>
      %add3A_946 = arith.addi %add3A_945, %iota3A : vector<16xi32>
      %and3A_947 = arith.constant 32767 : i32
      %and3A_948 = vector.broadcast %and3A_947 : i32 to vector<16xi32>
      %and3A_949 = arith.andi %add3A_946, %and3A_948 : vector<16xi32>
      %select_n3A_950 = arith.select %ge3A_937, %get3A_934, %and3A_949 : vector<16xi1>, vector<16xi32>
      %add3A_951 = arith.constant 100000 : i32
      %add3A_952 = vector.broadcast %add3A_951 : i32 to vector<16xi32>
      %add3A_953 = arith.addi %select_n3A_950, %add3A_952 : vector<16xi32>
      %swap3A_954 = arith.constant 0 : index
      %swap3A_955 = tpu.vector_load %arg15[%swap3A_954] {strides = array<i32>} : memref<64xi32, #tpu.memory_space<vmem>>, vector<16xi32>,
      %swap3A_956 = vector.shape_cast %swap3A_955 : vector<16xi32> to vector<16xi32>
      %swap3A_957 = vector.shape_cast %add3A_953 : vector<16xi32> to vector<16xi32>
      tpu.vector_store %arg15[%swap3A_954], %swap3A_957 {strides = array<i32>} : memref<64xi32, #tpu.memory_space<vmem>>, vector<16xi32>,
      %mul3A_958 = arith.constant 64 : i32
      %mul3A_959 = arith.muli %add3A_669, %mul3A_958 : i32
      %add3A_960 = arith.constant 6304 : i32
      %add3A_961 = arith.addi %add3A_960, %mul3A_959 : i32
      %add3A_962 = arith.constant 16 : i32
      %add3A_963 = arith.addi %add3A_961, %add3A_962 : i32
      %get3A_964 = arith.index_cast %add3A_963 : i32 to index
      %get3A_965 = tpu.vector_load %arg8[%get3A_964] {strides = array<i32>} : memref<12608xi32, #tpu.memory_space<vmem>>, vector<16xi32>,
      %get3A_966 = vector.shape_cast %get3A_965 : vector<16xi32> to vector<16xi32>
      %ge3A_967 = arith.constant 0 : i32
      %ge3A_968 = vector.broadcast %ge3A_967 : i32 to vector<16xi32>
      %ge3A_969 = arith.cmpi sge, %get3A_966, %ge3A_968 : vector<16xi32>
      %mul3A_970 = arith.constant 3136 : i32
      %mul3A_971 = arith.muli %arg1, %mul3A_970 : i32
      %mul3A_972 = arith.constant 64 : i32
      %mul3A_973 = arith.muli %add3A_669, %mul3A_972 : i32
      %add3A_974 = arith.addi %mul3A_971, %mul3A_973 : i32
      %add3A_975 = arith.constant 16 : i32
      %add3A_976 = arith.addi %add3A_974, %add3A_975 : i32
      %add3A_977 = vector.broadcast %add3A_976 : i32 to vector<16xi32>
      %add3A_978 = arith.addi %add3A_977, %iota3A : vector<16xi32>
      %and3A_979 = arith.constant 32767 : i32
      %and3A_980 = vector.broadcast %and3A_979 : i32 to vector<16xi32>
      %and3A_981 = arith.andi %add3A_978, %and3A_980 : vector<16xi32>
      %select_n3A_982 = arith.select %ge3A_969, %get3A_966, %and3A_981 : vector<16xi1>, vector<16xi32>
      %add3A_983 = arith.constant 100000 : i32
      %add3A_984 = vector.broadcast %add3A_983 : i32 to vector<16xi32>
      %add3A_985 = arith.addi %select_n3A_982, %add3A_984 : vector<16xi32>
      %swap3A_986 = arith.constant 16 : index
      %swap3A_987 = tpu.vector_load %arg15[%swap3A_986] {strides = array<i32>} : memref<64xi32, #tpu.memory_space<vmem>>, vector<16xi32>,
      %swap3A_988 = vector.shape_cast %swap3A_987 : vector<16xi32> to vector<16xi32>
      %swap3A_989 = vector.shape_cast %add3A_985 : vector<16xi32> to vector<16xi32>
      tpu.vector_store %arg15[%swap3A_986], %swap3A_989 {strides = array<i32>} : memref<64xi32, #tpu.memory_space<vmem>>, vector<16xi32>,
      %mul3A_990 = arith.constant 64 : i32
      %mul3A_991 = arith.muli %add3A_669, %mul3A_990 : i32
      %add3A_992 = arith.constant 6304 : i32
      %add3A_993 = arith.addi %add3A_992, %mul3A_991 : i32
      %add3A_994 = arith.constant 32 : i32
      %add3A_995 = arith.addi %add3A_993, %add3A_994 : i32
      %get3A_996 = arith.index_cast %add3A_995 : i32 to index
      %get3A_997 = tpu.vector_load %arg8[%get3A_996] {strides = array<i32>} : memref<12608xi32, #tpu.memory_space<vmem>>, vector<16xi32>,
      %get3A_998 = vector.shape_cast %get3A_997 : vector<16xi32> to vector<16xi32>
      %ge3A_999 = arith.constant 0 : i32
      %ge3A_1000 = vector.broadcast %ge3A_999 : i32 to vector<16xi32>
      %ge3A_1001 = arith.cmpi sge, %get3A_998, %ge3A_1000 : vector<16xi32>
      %mul3A_1002 = arith.constant 3136 : i32
      %mul3A_1003 = arith.muli %arg1, %mul3A_1002 : i32
      %mul3A_1004 = arith.constant 64 : i32
      %mul3A_1005 = arith.muli %add3A_669, %mul3A_1004 : i32
      %add3A_1006 = arith.addi %mul3A_1003, %mul3A_1005 : i32
      %add3A_1007 = arith.constant 32 : i32
      %add3A_1008 = arith.addi %add3A_1006, %add3A_1007 : i32
      %add3A_1009 = vector.broadcast %add3A_1008 : i32 to vector<16xi32>
      %add3A_1010 = arith.addi %add3A_1009, %iota3A : vector<16xi32>
      %and3A_1011 = arith.constant 32767 : i32
      %and3A_1012 = vector.broadcast %and3A_1011 : i32 to vector<16xi32>
      %and3A_1013 = arith.andi %add3A_1010, %and3A_1012 : vector<16xi32>
      %select_n3A_1014 = arith.select %ge3A_1001, %get3A_998, %and3A_1013 : vector<16xi1>, vector<16xi32>
      %add3A_1015 = arith.constant 100000 : i32
      %add3A_1016 = vector.broadcast %add3A_1015 : i32 to vector<16xi32>
      %add3A_1017 = arith.addi %select_n3A_1014, %add3A_1016 : vector<16xi32>
      %swap3A_1018 = arith.constant 32 : index
      %swap3A_1019 = tpu.vector_load %arg15[%swap3A_1018] {strides = array<i32>} : memref<64xi32, #tpu.memory_space<vmem>>, vector<16xi32>,
      %swap3A_1020 = vector.shape_cast %swap3A_1019 : vector<16xi32> to vector<16xi32>
      %swap3A_1021 = vector.shape_cast %add3A_1017 : vector<16xi32> to vector<16xi32>
      tpu.vector_store %arg15[%swap3A_1018], %swap3A_1021 {strides = array<i32>} : memref<64xi32, #tpu.memory_space<vmem>>, vector<16xi32>,
      %mul3A_1022 = arith.constant 64 : i32
      %mul3A_1023 = arith.muli %add3A_669, %mul3A_1022 : i32
      %add3A_1024 = arith.constant 6304 : i32
      %add3A_1025 = arith.addi %add3A_1024, %mul3A_1023 : i32
      %add3A_1026 = arith.constant 48 : i32
      %add3A_1027 = arith.addi %add3A_1025, %add3A_1026 : i32
      %get3A_1028 = arith.index_cast %add3A_1027 : i32 to index
      %get3A_1029 = tpu.vector_load %arg8[%get3A_1028] {strides = array<i32>} : memref<12608xi32, #tpu.memory_space<vmem>>, vector<16xi32>,
      %get3A_1030 = vector.shape_cast %get3A_1029 : vector<16xi32> to vector<16xi32>
      %ge3A_1031 = arith.constant 0 : i32
      %ge3A_1032 = vector.broadcast %ge3A_1031 : i32 to vector<16xi32>
      %ge3A_1033 = arith.cmpi sge, %get3A_1030, %ge3A_1032 : vector<16xi32>
      %mul3A_1034 = arith.constant 3136 : i32
      %mul3A_1035 = arith.muli %arg1, %mul3A_1034 : i32
      %mul3A_1036 = arith.constant 64 : i32
      %mul3A_1037 = arith.muli %add3A_669, %mul3A_1036 : i32
      %add3A_1038 = arith.addi %mul3A_1035, %mul3A_1037 : i32
      %add3A_1039 = arith.constant 48 : i32
      %add3A_1040 = arith.addi %add3A_1038, %add3A_1039 : i32
      %add3A_1041 = vector.broadcast %add3A_1040 : i32 to vector<16xi32>
      %add3A_1042 = arith.addi %add3A_1041, %iota3A : vector<16xi32>
      %and3A_1043 = arith.constant 32767 : i32
      %and3A_1044 = vector.broadcast %and3A_1043 : i32 to vector<16xi32>
      %and3A_1045 = arith.andi %add3A_1042, %and3A_1044 : vector<16xi32>
      %select_n3A_1046 = arith.select %ge3A_1033, %get3A_1030, %and3A_1045 : vector<16xi1>, vector<16xi32>
      %add3A_1047 = arith.constant 100000 : i32
      %add3A_1048 = vector.broadcast %add3A_1047 : i32 to vector<16xi32>
      %add3A_1049 = arith.addi %select_n3A_1046, %add3A_1048 : vector<16xi32>
      %swap3A_1050 = arith.constant 48 : index
      %swap3A_1051 = tpu.vector_load %arg15[%swap3A_1050] {strides = array<i32>} : memref<64xi32, #tpu.memory_space<vmem>>, vector<16xi32>,
      %swap3A_1052 = vector.shape_cast %swap3A_1051 : vector<16xi32> to vector<16xi32>
      %swap3A_1053 = vector.shape_cast %add3A_1049 : vector<16xi32> to vector<16xi32>
      tpu.vector_store %arg15[%swap3A_1050], %swap3A_1053 {strides = array<i32>} : memref<64xi32, #tpu.memory_space<vmem>>, vector<16xi32>,
      %mul3A_1054 = arith.constant 64 : i32
      %mul3A_1055 = arith.muli %add3A_669, %mul3A_1054 : i32
      %add3A_1056 = arith.constant 9456 : i32
      %add3A_1057 = arith.addi %add3A_1056, %mul3A_1055 : i32
      %add3A_1058 = arith.constant 0 : i32
      %add3A_1059 = arith.addi %add3A_1057, %add3A_1058 : i32
      %get3A_1060 = arith.index_cast %add3A_1059 : i32 to index
      %get3A_1061 = tpu.vector_load %arg8[%get3A_1060] {strides = array<i32>} : memref<12608xi32, #tpu.memory_space<vmem>>, vector<16xi32>,
      %get3A_1062 = vector.shape_cast %get3A_1061 : vector<16xi32> to vector<16xi32>
      %ge3A_1063 = arith.constant 0 : i32
      %ge3A_1064 = vector.broadcast %ge3A_1063 : i32 to vector<16xi32>
      %ge3A_1065 = arith.cmpi sge, %get3A_1062, %ge3A_1064 : vector<16xi32>
      %mul3A_1066 = arith.constant 3136 : i32
      %mul3A_1067 = arith.muli %arg1, %mul3A_1066 : i32
      %mul3A_1068 = arith.constant 64 : i32
      %mul3A_1069 = arith.muli %add3A_669, %mul3A_1068 : i32
      %add3A_1070 = arith.addi %mul3A_1067, %mul3A_1069 : i32
      %add3A_1071 = arith.constant 0 : i32
      %add3A_1072 = arith.addi %add3A_1070, %add3A_1071 : i32
      %add3A_1073 = vector.broadcast %add3A_1072 : i32 to vector<16xi32>
      %add3A_1074 = arith.addi %add3A_1073, %iota3A : vector<16xi32>
      %and3A_1075 = arith.constant 32767 : i32
      %and3A_1076 = vector.broadcast %and3A_1075 : i32 to vector<16xi32>
      %and3A_1077 = arith.andi %add3A_1074, %and3A_1076 : vector<16xi32>
      %select_n3A_1078 = arith.select %ge3A_1065, %get3A_1062, %and3A_1077 : vector<16xi1>, vector<16xi32>
      %add3A_1079 = arith.constant 150000 : i32
      %add3A_1080 = vector.broadcast %add3A_1079 : i32 to vector<16xi32>
      %add3A_1081 = arith.addi %select_n3A_1078, %add3A_1080 : vector<16xi32>
      %swap3A_1082 = arith.constant 0 : index
      %swap3A_1083 = tpu.vector_load %arg16[%swap3A_1082] {strides = array<i32>} : memref<64xi32, #tpu.memory_space<vmem>>, vector<16xi32>,
      %swap3A_1084 = vector.shape_cast %swap3A_1083 : vector<16xi32> to vector<16xi32>
      %swap3A_1085 = vector.shape_cast %add3A_1081 : vector<16xi32> to vector<16xi32>
      tpu.vector_store %arg16[%swap3A_1082], %swap3A_1085 {strides = array<i32>} : memref<64xi32, #tpu.memory_space<vmem>>, vector<16xi32>,
      %mul3A_1086 = arith.constant 64 : i32
      %mul3A_1087 = arith.muli %add3A_669, %mul3A_1086 : i32
      %add3A_1088 = arith.constant 9456 : i32
      %add3A_1089 = arith.addi %add3A_1088, %mul3A_1087 : i32
      %add3A_1090 = arith.constant 16 : i32
      %add3A_1091 = arith.addi %add3A_1089, %add3A_1090 : i32
      %get3A_1092 = arith.index_cast %add3A_1091 : i32 to index
      %get3A_1093 = tpu.vector_load %arg8[%get3A_1092] {strides = array<i32>} : memref<12608xi32, #tpu.memory_space<vmem>>, vector<16xi32>,
      %get3A_1094 = vector.shape_cast %get3A_1093 : vector<16xi32> to vector<16xi32>
      %ge3A_1095 = arith.constant 0 : i32
      %ge3A_1096 = vector.broadcast %ge3A_1095 : i32 to vector<16xi32>
      %ge3A_1097 = arith.cmpi sge, %get3A_1094, %ge3A_1096 : vector<16xi32>
      %mul3A_1098 = arith.constant 3136 : i32
      %mul3A_1099 = arith.muli %arg1, %mul3A_1098 : i32
      %mul3A_1100 = arith.constant 64 : i32
      %mul3A_1101 = arith.muli %add3A_669, %mul3A_1100 : i32
      %add3A_1102 = arith.addi %mul3A_1099, %mul3A_1101 : i32
      %add3A_1103 = arith.constant 16 : i32
      %add3A_1104 = arith.addi %add3A_1102, %add3A_1103 : i32
      %add3A_1105 = vector.broadcast %add3A_1104 : i32 to vector<16xi32>
      %add3A_1106 = arith.addi %add3A_1105, %iota3A : vector<16xi32>
      %and3A_1107 = arith.constant 32767 : i32
      %and3A_1108 = vector.broadcast %and3A_1107 : i32 to vector<16xi32>
      %and3A_1109 = arith.andi %add3A_1106, %and3A_1108 : vector<16xi32>
      %select_n3A_1110 = arith.select %ge3A_1097, %get3A_1094, %and3A_1109 : vector<16xi1>, vector<16xi32>
      %add3A_1111 = arith.constant 150000 : i32
      %add3A_1112 = vector.broadcast %add3A_1111 : i32 to vector<16xi32>
      %add3A_1113 = arith.addi %select_n3A_1110, %add3A_1112 : vector<16xi32>
      %swap3A_1114 = arith.constant 16 : index
      %swap3A_1115 = tpu.vector_load %arg16[%swap3A_1114] {strides = array<i32>} : memref<64xi32, #tpu.memory_space<vmem>>, vector<16xi32>,
      %swap3A_1116 = vector.shape_cast %swap3A_1115 : vector<16xi32> to vector<16xi32>
      %swap3A_1117 = vector.shape_cast %add3A_1113 : vector<16xi32> to vector<16xi32>
      tpu.vector_store %arg16[%swap3A_1114], %swap3A_1117 {strides = array<i32>} : memref<64xi32, #tpu.memory_space<vmem>>, vector<16xi32>,
      %mul3A_1118 = arith.constant 64 : i32
      %mul3A_1119 = arith.muli %add3A_669, %mul3A_1118 : i32
      %add3A_1120 = arith.constant 9456 : i32
      %add3A_1121 = arith.addi %add3A_1120, %mul3A_1119 : i32
      %add3A_1122 = arith.constant 32 : i32
      %add3A_1123 = arith.addi %add3A_1121, %add3A_1122 : i32
      %get3A_1124 = arith.index_cast %add3A_1123 : i32 to index
      %get3A_1125 = tpu.vector_load %arg8[%get3A_1124] {strides = array<i32>} : memref<12608xi32, #tpu.memory_space<vmem>>, vector<16xi32>,
      %get3A_1126 = vector.shape_cast %get3A_1125 : vector<16xi32> to vector<16xi32>
      %ge3A_1127 = arith.constant 0 : i32
      %ge3A_1128 = vector.broadcast %ge3A_1127 : i32 to vector<16xi32>
      %ge3A_1129 = arith.cmpi sge, %get3A_1126, %ge3A_1128 : vector<16xi32>
      %mul3A_1130 = arith.constant 3136 : i32
      %mul3A_1131 = arith.muli %arg1, %mul3A_1130 : i32
      %mul3A_1132 = arith.constant 64 : i32
      %mul3A_1133 = arith.muli %add3A_669, %mul3A_1132 : i32
      %add3A_1134 = arith.addi %mul3A_1131, %mul3A_1133 : i32
      %add3A_1135 = arith.constant 32 : i32
      %add3A_1136 = arith.addi %add3A_1134, %add3A_1135 : i32
      %add3A_1137 = vector.broadcast %add3A_1136 : i32 to vector<16xi32>
      %add3A_1138 = arith.addi %add3A_1137, %iota3A : vector<16xi32>
      %and3A_1139 = arith.constant 32767 : i32
      %and3A_1140 = vector.broadcast %and3A_1139 : i32 to vector<16xi32>
      %and3A_1141 = arith.andi %add3A_1138, %and3A_1140 : vector<16xi32>
      %select_n3A_1142 = arith.select %ge3A_1129, %get3A_1126, %and3A_1141 : vector<16xi1>, vector<16xi32>
      %add3A_1143 = arith.constant 150000 : i32
      %add3A_1144 = vector.broadcast %add3A_1143 : i32 to vector<16xi32>
      %add3A_1145 = arith.addi %select_n3A_1142, %add3A_1144 : vector<16xi32>
      %swap3A_1146 = arith.constant 32 : index
      %swap3A_1147 = tpu.vector_load %arg16[%swap3A_1146] {strides = array<i32>} : memref<64xi32, #tpu.memory_space<vmem>>, vector<16xi32>,
      %swap3A_1148 = vector.shape_cast %swap3A_1147 : vector<16xi32> to vector<16xi32>
      %swap3A_1149 = vector.shape_cast %add3A_1145 : vector<16xi32> to vector<16xi32>
      tpu.vector_store %arg16[%swap3A_1146], %swap3A_1149 {strides = array<i32>} : memref<64xi32, #tpu.memory_space<vmem>>, vector<16xi32>,
      %mul3A_1150 = arith.constant 64 : i32
      %mul3A_1151 = arith.muli %add3A_669, %mul3A_1150 : i32
      %add3A_1152 = arith.constant 9456 : i32
      %add3A_1153 = arith.addi %add3A_1152, %mul3A_1151 : i32
      %add3A_1154 = arith.constant 48 : i32
      %add3A_1155 = arith.addi %add3A_1153, %add3A_1154 : i32
      %get3A_1156 = arith.index_cast %add3A_1155 : i32 to index
      %get3A_1157 = tpu.vector_load %arg8[%get3A_1156] {strides = array<i32>} : memref<12608xi32, #tpu.memory_space<vmem>>, vector<16xi32>,
      %get3A_1158 = vector.shape_cast %get3A_1157 : vector<16xi32> to vector<16xi32>
      %ge3A_1159 = arith.constant 0 : i32
      %ge3A_1160 = vector.broadcast %ge3A_1159 : i32 to vector<16xi32>
      %ge3A_1161 = arith.cmpi sge, %get3A_1158, %ge3A_1160 : vector<16xi32>
      %mul3A_1162 = arith.constant 3136 : i32
      %mul3A_1163 = arith.muli %arg1, %mul3A_1162 : i32
      %mul3A_1164 = arith.constant 64 : i32
      %mul3A_1165 = arith.muli %add3A_669, %mul3A_1164 : i32
      %add3A_1166 = arith.addi %mul3A_1163, %mul3A_1165 : i32
      %add3A_1167 = arith.constant 48 : i32
      %add3A_1168 = arith.addi %add3A_1166, %add3A_1167 : i32
      %add3A_1169 = vector.broadcast %add3A_1168 : i32 to vector<16xi32>
      %add3A_1170 = arith.addi %add3A_1169, %iota3A : vector<16xi32>
      %and3A_1171 = arith.constant 32767 : i32
      %and3A_1172 = vector.broadcast %and3A_1171 : i32 to vector<16xi32>
      %and3A_1173 = arith.andi %add3A_1170, %and3A_1172 : vector<16xi32>
      %select_n3A_1174 = arith.select %ge3A_1161, %get3A_1158, %and3A_1173 : vector<16xi1>, vector<16xi32>
      %add3A_1175 = arith.constant 150000 : i32
      %add3A_1176 = vector.broadcast %add3A_1175 : i32 to vector<16xi32>
      %add3A_1177 = arith.addi %select_n3A_1174, %add3A_1176 : vector<16xi32>
      %swap3A_1178 = arith.constant 48 : index
      %swap3A_1179 = tpu.vector_load %arg16[%swap3A_1178] {strides = array<i32>} : memref<64xi32, #tpu.memory_space<vmem>>, vector<16xi32>,
      %swap3A_1180 = vector.shape_cast %swap3A_1179 : vector<16xi32> to vector<16xi32>
      %swap3A_1181 = vector.shape_cast %add3A_1177 : vector<16xi32> to vector<16xi32>
      tpu.vector_store %arg16[%swap3A_1178], %swap3A_1181 {strides = array<i32>} : memref<64xi32, #tpu.memory_space<vmem>>, vector<16xi32>,
      %dma_start3A_1182 = arith.constant 0 : i32
      %dma_start3A_1183 = arith.constant 0 : i32
      %dma_start3A_1184 = arith.constant 0 : i32
      %dma_start3A_1185 = tpu.memref_slice %arg18[%dma_start3A_1182, %dma_start3A_1183, %dma_start3A_1184] : memref<4x64x128xf32, #tpu.memory_space<vmem>> -> memref<1x64x128xf32, #tpu.memory_space<vmem>>
      %dma_start3A_1186 = tpu.memref_squeeze %dma_start3A_1185 : memref<1x64x128xf32, #tpu.memory_space<vmem>> -> memref<64x128xf32, #tpu.memory_space<vmem>>
      %dma_start3A_1187 = arith.constant 0 : i32
      %dma_start3A_1188 = arith.constant 0 : i32
      %dma_start3A_1189 = tpu.memref_slice %arg2[%dma_start3A_1187, %dma_start3A_1188] : memref<200000x128xf32, #tpu.memory_space<hbm>> -> memref<200000x128xf32, #tpu.memory_space<hbm>>
      tpu.enqueue_indirect_dma source(%dma_start3A_1189 : memref<200000x128xf32, #tpu.memory_space<hbm>>) target(%dma_start3A_1186 : memref<64x128xf32, #tpu.memory_space<vmem>>) offsets(%arg13 : memref<64xi32, #tpu.memory_space<vmem>>) semaphore(%arg21 : memref<!tpu.dma_semaphore, #tpu.memory_space<semaphore_mem>>)
      %dma_start3A_1190 = arith.constant 1 : i32
      %dma_start3A_1191 = arith.constant 0 : i32
      %dma_start3A_1192 = arith.constant 0 : i32
      %dma_start3A_1193 = tpu.memref_slice %arg18[%dma_start3A_1190, %dma_start3A_1191, %dma_start3A_1192] : memref<4x64x128xf32, #tpu.memory_space<vmem>> -> memref<1x64x128xf32, #tpu.memory_space<vmem>>
      %dma_start3A_1194 = tpu.memref_squeeze %dma_start3A_1193 : memref<1x64x128xf32, #tpu.memory_space<vmem>> -> memref<64x128xf32, #tpu.memory_space<vmem>>
      %dma_start3A_1195 = arith.constant 0 : i32
      %dma_start3A_1196 = arith.constant 0 : i32
      %dma_start3A_1197 = tpu.memref_slice %arg2[%dma_start3A_1195, %dma_start3A_1196] : memref<200000x128xf32, #tpu.memory_space<hbm>> -> memref<200000x128xf32, #tpu.memory_space<hbm>>
      tpu.enqueue_indirect_dma source(%dma_start3A_1197 : memref<200000x128xf32, #tpu.memory_space<hbm>>) target(%dma_start3A_1194 : memref<64x128xf32, #tpu.memory_space<vmem>>) offsets(%arg14 : memref<64xi32, #tpu.memory_space<vmem>>) semaphore(%arg21 : memref<!tpu.dma_semaphore, #tpu.memory_space<semaphore_mem>>)
      %dma_start3A_1198 = arith.constant 2 : i32
      %dma_start3A_1199 = arith.constant 0 : i32
      %dma_start3A_1200 = arith.constant 0 : i32
      %dma_start3A_1201 = tpu.memref_slice %arg18[%dma_start3A_1198, %dma_start3A_1199, %dma_start3A_1200] : memref<4x64x128xf32, #tpu.memory_space<vmem>> -> memref<1x64x128xf32, #tpu.memory_space<vmem>>
      %dma_start3A_1202 = tpu.memref_squeeze %dma_start3A_1201 : memref<1x64x128xf32, #tpu.memory_space<vmem>> -> memref<64x128xf32, #tpu.memory_space<vmem>>
      %dma_start3A_1203 = arith.constant 0 : i32
      %dma_start3A_1204 = arith.constant 0 : i32
      %dma_start3A_1205 = tpu.memref_slice %arg2[%dma_start3A_1203, %dma_start3A_1204] : memref<200000x128xf32, #tpu.memory_space<hbm>> -> memref<200000x128xf32, #tpu.memory_space<hbm>>
      tpu.enqueue_indirect_dma source(%dma_start3A_1205 : memref<200000x128xf32, #tpu.memory_space<hbm>>) target(%dma_start3A_1202 : memref<64x128xf32, #tpu.memory_space<vmem>>) offsets(%arg15 : memref<64xi32, #tpu.memory_space<vmem>>) semaphore(%arg21 : memref<!tpu.dma_semaphore, #tpu.memory_space<semaphore_mem>>)
      %dma_start3A_1206 = arith.constant 3 : i32
      %dma_start3A_1207 = arith.constant 0 : i32
      %dma_start3A_1208 = arith.constant 0 : i32
      %dma_start3A_1209 = tpu.memref_slice %arg18[%dma_start3A_1206, %dma_start3A_1207, %dma_start3A_1208] : memref<4x64x128xf32, #tpu.memory_space<vmem>> -> memref<1x64x128xf32, #tpu.memory_space<vmem>>
      %dma_start3A_1210 = tpu.memref_squeeze %dma_start3A_1209 : memref<1x64x128xf32, #tpu.memory_space<vmem>> -> memref<64x128xf32, #tpu.memory_space<vmem>>
      %dma_start3A_1211 = arith.constant 0 : i32
      %dma_start3A_1212 = arith.constant 0 : i32
      %dma_start3A_1213 = tpu.memref_slice %arg2[%dma_start3A_1211, %dma_start3A_1212] : memref<200000x128xf32, #tpu.memory_space<hbm>> -> memref<200000x128xf32, #tpu.memory_space<hbm>>
      tpu.enqueue_indirect_dma source(%dma_start3A_1213 : memref<200000x128xf32, #tpu.memory_space<hbm>>) target(%dma_start3A_1210 : memref<64x128xf32, #tpu.memory_space<vmem>>) offsets(%arg16 : memref<64xi32, #tpu.memory_space<vmem>>) semaphore(%arg21 : memref<!tpu.dma_semaphore, #tpu.memory_space<semaphore_mem>>)
      %dma_wait3A_1214 = arith.constant 0 : i32
      %dma_wait3A_1215 = arith.constant 0 : i32
      %dma_wait3A_1216 = arith.constant 0 : i32
      %dma_wait3A_1217 = tpu.memref_slice %arg17[%dma_wait3A_1214, %dma_wait3A_1215, %dma_wait3A_1216] : memref<4x64x128xf32, #tpu.memory_space<vmem>> -> memref<1x64x128xf32, #tpu.memory_space<vmem>>
      %dma_wait3A_1218 = tpu.memref_squeeze %dma_wait3A_1217 : memref<1x64x128xf32, #tpu.memory_space<vmem>> -> memref<64x128xf32, #tpu.memory_space<vmem>>
      %dma_wait3A_1219 = arith.constant 0 : i32
      %dma_wait3A_1220 = arith.constant 0 : i32
      %dma_wait3A_1221 = tpu.memref_slice %arg2[%dma_wait3A_1219, %dma_wait3A_1220] : memref<200000x128xf32, #tpu.memory_space<hbm>> -> memref<64x128xf32, #tpu.memory_space<hbm>>
      %dma_wait3A_1222 = arith.constant 0 : i32
      %dma_wait3A_1223 = arith.constant 0 : i32
      %dma_wait3A_1224 = tpu.memref_slice %arg17[%dma_wait3A_1214, %dma_wait3A_1222, %dma_wait3A_1223] : memref<4x64x128xf32, #tpu.memory_space<vmem>> -> memref<1x64x128xf32, #tpu.memory_space<vmem>>
      %dma_wait3A_1225 = tpu.memref_squeeze %dma_wait3A_1224 : memref<1x64x128xf32, #tpu.memory_space<vmem>> -> memref<64x128xf32, #tpu.memory_space<vmem>>
      %dma_wait3A_1226 = arith.constant 0 : i32
      %dma_wait3A_1227 = arith.constant 0 : i32
      %dma_wait3A_1228 = tpu.memref_slice %arg2[%dma_wait3A_1226, %dma_wait3A_1227] : memref<200000x128xf32, #tpu.memory_space<hbm>> -> memref<64x128xf32, #tpu.memory_space<hbm>>
      tpu.wait_dma2 semaphore(%arg20 : memref<!tpu.dma_semaphore, #tpu.memory_space<semaphore_mem>>) src(%dma_wait3A_1228 : memref<64x128xf32, #tpu.memory_space<hbm>>) dst(%dma_wait3A_1225 : memref<64x128xf32, #tpu.memory_space<vmem>>)
      %dma_wait3A_1229 = arith.constant 1 : i32
      %dma_wait3A_1230 = arith.constant 0 : i32
      %dma_wait3A_1231 = arith.constant 0 : i32
      %dma_wait3A_1232 = tpu.memref_slice %arg17[%dma_wait3A_1229, %dma_wait3A_1230, %dma_wait3A_1231] : memref<4x64x128xf32, #tpu.memory_space<vmem>> -> memref<1x64x128xf32, #tpu.memory_space<vmem>>
      %dma_wait3A_1233 = tpu.memref_squeeze %dma_wait3A_1232 : memref<1x64x128xf32, #tpu.memory_space<vmem>> -> memref<64x128xf32, #tpu.memory_space<vmem>>
      %dma_wait3A_1234 = arith.constant 0 : i32
      %dma_wait3A_1235 = arith.constant 0 : i32
      %dma_wait3A_1236 = tpu.memref_slice %arg2[%dma_wait3A_1234, %dma_wait3A_1235] : memref<200000x128xf32, #tpu.memory_space<hbm>> -> memref<64x128xf32, #tpu.memory_space<hbm>>
      %dma_wait3A_1237 = arith.constant 0 : i32
      %dma_wait3A_1238 = arith.constant 0 : i32
      %dma_wait3A_1239 = tpu.memref_slice %arg17[%dma_wait3A_1229, %dma_wait3A_1237, %dma_wait3A_1238] : memref<4x64x128xf32, #tpu.memory_space<vmem>> -> memref<1x64x128xf32, #tpu.memory_space<vmem>>
      %dma_wait3A_1240 = tpu.memref_squeeze %dma_wait3A_1239 : memref<1x64x128xf32, #tpu.memory_space<vmem>> -> memref<64x128xf32, #tpu.memory_space<vmem>>
      %dma_wait3A_1241 = arith.constant 0 : i32
      %dma_wait3A_1242 = arith.constant 0 : i32
      %dma_wait3A_1243 = tpu.memref_slice %arg2[%dma_wait3A_1241, %dma_wait3A_1242] : memref<200000x128xf32, #tpu.memory_space<hbm>> -> memref<64x128xf32, #tpu.memory_space<hbm>>
      tpu.wait_dma2 semaphore(%arg20 : memref<!tpu.dma_semaphore, #tpu.memory_space<semaphore_mem>>) src(%dma_wait3A_1243 : memref<64x128xf32, #tpu.memory_space<hbm>>) dst(%dma_wait3A_1240 : memref<64x128xf32, #tpu.memory_space<vmem>>)
      %dma_wait3A_1244 = arith.constant 2 : i32
      %dma_wait3A_1245 = arith.constant 0 : i32
      %dma_wait3A_1246 = arith.constant 0 : i32
      %dma_wait3A_1247 = tpu.memref_slice %arg17[%dma_wait3A_1244, %dma_wait3A_1245, %dma_wait3A_1246] : memref<4x64x128xf32, #tpu.memory_space<vmem>> -> memref<1x64x128xf32, #tpu.memory_space<vmem>>
      %dma_wait3A_1248 = tpu.memref_squeeze %dma_wait3A_1247 : memref<1x64x128xf32, #tpu.memory_space<vmem>> -> memref<64x128xf32, #tpu.memory_space<vmem>>
      %dma_wait3A_1249 = arith.constant 0 : i32
      %dma_wait3A_1250 = arith.constant 0 : i32
      %dma_wait3A_1251 = tpu.memref_slice %arg2[%dma_wait3A_1249, %dma_wait3A_1250] : memref<200000x128xf32, #tpu.memory_space<hbm>> -> memref<64x128xf32, #tpu.memory_space<hbm>>
      %dma_wait3A_1252 = arith.constant 0 : i32
      %dma_wait3A_1253 = arith.constant 0 : i32
      %dma_wait3A_1254 = tpu.memref_slice %arg17[%dma_wait3A_1244, %dma_wait3A_1252, %dma_wait3A_1253] : memref<4x64x128xf32, #tpu.memory_space<vmem>> -> memref<1x64x128xf32, #tpu.memory_space<vmem>>
      %dma_wait3A_1255 = tpu.memref_squeeze %dma_wait3A_1254 : memref<1x64x128xf32, #tpu.memory_space<vmem>> -> memref<64x128xf32, #tpu.memory_space<vmem>>
      %dma_wait3A_1256 = arith.constant 0 : i32
      %dma_wait3A_1257 = arith.constant 0 : i32
      %dma_wait3A_1258 = tpu.memref_slice %arg2[%dma_wait3A_1256, %dma_wait3A_1257] : memref<200000x128xf32, #tpu.memory_space<hbm>> -> memref<64x128xf32, #tpu.memory_space<hbm>>
      tpu.wait_dma2 semaphore(%arg20 : memref<!tpu.dma_semaphore, #tpu.memory_space<semaphore_mem>>) src(%dma_wait3A_1258 : memref<64x128xf32, #tpu.memory_space<hbm>>) dst(%dma_wait3A_1255 : memref<64x128xf32, #tpu.memory_space<vmem>>)
      %dma_wait3A_1259 = arith.constant 3 : i32
      %dma_wait3A_1260 = arith.constant 0 : i32
      %dma_wait3A_1261 = arith.constant 0 : i32
      %dma_wait3A_1262 = tpu.memref_slice %arg17[%dma_wait3A_1259, %dma_wait3A_1260, %dma_wait3A_1261] : memref<4x64x128xf32, #tpu.memory_space<vmem>> -> memref<1x64x128xf32, #tpu.memory_space<vmem>>
      %dma_wait3A_1263 = tpu.memref_squeeze %dma_wait3A_1262 : memref<1x64x128xf32, #tpu.memory_space<vmem>> -> memref<64x128xf32, #tpu.memory_space<vmem>>
      %dma_wait3A_1264 = arith.constant 0 : i32
      %dma_wait3A_1265 = arith.constant 0 : i32
      %dma_wait3A_1266 = tpu.memref_slice %arg2[%dma_wait3A_1264, %dma_wait3A_1265] : memref<200000x128xf32, #tpu.memory_space<hbm>> -> memref<64x128xf32, #tpu.memory_space<hbm>>
      %dma_wait3A_1267 = arith.constant 0 : i32
      %dma_wait3A_1268 = arith.constant 0 : i32
      %dma_wait3A_1269 = tpu.memref_slice %arg17[%dma_wait3A_1259, %dma_wait3A_1267, %dma_wait3A_1268] : memref<4x64x128xf32, #tpu.memory_space<vmem>> -> memref<1x64x128xf32, #tpu.memory_space<vmem>>
      %dma_wait3A_1270 = tpu.memref_squeeze %dma_wait3A_1269 : memref<1x64x128xf32, #tpu.memory_space<vmem>> -> memref<64x128xf32, #tpu.memory_space<vmem>>
      %dma_wait3A_1271 = arith.constant 0 : i32
      %dma_wait3A_1272 = arith.constant 0 : i32
      %dma_wait3A_1273 = tpu.memref_slice %arg2[%dma_wait3A_1271, %dma_wait3A_1272] : memref<200000x128xf32, #tpu.memory_space<hbm>> -> memref<64x128xf32, #tpu.memory_space<hbm>>
      tpu.wait_dma2 semaphore(%arg20 : memref<!tpu.dma_semaphore, #tpu.memory_space<semaphore_mem>>) src(%dma_wait3A_1273 : memref<64x128xf32, #tpu.memory_space<hbm>>) dst(%dma_wait3A_1270 : memref<64x128xf32, #tpu.memory_space<vmem>>)
      %scan3A_1274 = arith.constant 0 : i32
      %scan3A_1275 = arith.constant 64 : i32
      %scan3A_1276 = arith.addi %scan3A_1274, %scan3A_1275 : i32
      %scan3A_1277 = arith.constant 1 : i32
      %scan3A_1278:7 = scf.for %scan3A_1894 = %scan3A_1274 to %scan3A_1276 step %scan3A_1277 iter_args(%scan3A_1895 = %scan3A_659, %scan3A_1896 = %scan3A_660, %scan3A_1897 = %scan3A_661, %scan3A_1898 = %scan3A_662, %scan3A_1899 = %scan3A_663, %scan3A_1900 = %scan3A_664, %scan3A_1901 = %scan3A_665) -> (vector<16xf32>, vector<16xf32>, vector<16xf32>, vector<16xf32>, f32, f32, f32)  : i32 {
        %mul3A_1902 = arith.constant 64 : i32
        %mul3A_1903 = arith.muli %mul3A_667, %mul3A_1902 : i32
        %add3A_1904 = arith.addi %mul3A_1903, %scan3A_1894 : i32
        %get3A_1905 = arith.index_cast %add3A_1904 : i32 to index
        %get3A_1906 = tpu.vector_load %arg8[%get3A_1905] {strides = array<i32>} : memref<12608xi32, #tpu.memory_space<vmem>>, vector<16xi32>,
        %get3A_1907 = vector.shape_cast %get3A_1906 : vector<16xi32> to vector<16xi32>
        %slice3A = vector.extract_strided_slice %get3A_1907 {offsets = [0], sizes = [1], strides = [1]} : vector<16xi32> to vector<1xi32>
        %squeeze3A = vector.extract %slice3A[0] : i32 from vector<1xi32>
        %ge3A_1908 = arith.constant 0 : i32
        %ge3A_1909 = arith.cmpi sge, %squeeze3A, %ge3A_1908 : i32
        %jit3A_1910 = arith.constant 1.000000e+00 : f32
        %jit3A_1911 = arith.constant 0.000000e+00 : f32
        %select_n3A_1912 = arith.select %ge3A_1909, %jit3A_1910, %jit3A_1911 : f32
        %add3A_1913 = arith.constant 3152 : i32
        %add3A_1914 = arith.addi %add3A_1913, %add3A_1904 : i32
        %get3A_1915 = arith.index_cast %add3A_1914 : i32 to index
        %get3A_1916 = tpu.vector_load %arg8[%get3A_1915] {strides = array<i32>} : memref<12608xi32, #tpu.memory_space<vmem>>, vector<16xi32>,
        %get3A_1917 = vector.shape_cast %get3A_1916 : vector<16xi32> to vector<16xi32>
        %slice3A_1918 = vector.extract_strided_slice %get3A_1917 {offsets = [0], sizes = [1], strides = [1]} : vector<16xi32> to vector<1xi32>
        %squeeze3A_1919 = vector.extract %slice3A_1918[0] : i32 from vector<1xi32>
        %ge3A_1920 = arith.constant 0 : i32
        %ge3A_1921 = arith.cmpi sge, %squeeze3A_1919, %ge3A_1920 : i32
        %jit3A_1922 = arith.constant 1.000000e+00 : f32
        %jit3A_1923 = arith.constant 0.000000e+00 : f32
        %select_n3A_1924 = arith.select %ge3A_1921, %jit3A_1922, %jit3A_1923 : f32
        %add3A_1925 = arith.constant 6304 : i32
        %add3A_1926 = arith.addi %add3A_1925, %add3A_1904 : i32
        %get3A_1927 = arith.index_cast %add3A_1926 : i32 to index
        %get3A_1928 = tpu.vector_load %arg8[%get3A_1927] {strides = array<i32>} : memref<12608xi32, #tpu.memory_space<vmem>>, vector<16xi32>,
        %get3A_1929 = vector.shape_cast %get3A_1928 : vector<16xi32> to vector<16xi32>
        %slice3A_1930 = vector.extract_strided_slice %get3A_1929 {offsets = [0], sizes = [1], strides = [1]} : vector<16xi32> to vector<1xi32>
        %squeeze3A_1931 = vector.extract %slice3A_1930[0] : i32 from vector<1xi32>
        %ge3A_1932 = arith.constant 0 : i32
        %ge3A_1933 = arith.cmpi sge, %squeeze3A_1931, %ge3A_1932 : i32
        %jit3A_1934 = arith.constant 1.000000e+00 : f32
        %jit3A_1935 = arith.constant 0.000000e+00 : f32
        %select_n3A_1936 = arith.select %ge3A_1933, %jit3A_1934, %jit3A_1935 : f32
        %add3A_1937 = arith.constant 9456 : i32
        %add3A_1938 = arith.addi %add3A_1937, %add3A_1904 : i32
        %get3A_1939 = arith.index_cast %add3A_1938 : i32 to index
        %get3A_1940 = tpu.vector_load %arg8[%get3A_1939] {strides = array<i32>} : memref<12608xi32, #tpu.memory_space<vmem>>, vector<16xi32>,
        %get3A_1941 = vector.shape_cast %get3A_1940 : vector<16xi32> to vector<16xi32>
        %slice3A_1942 = vector.extract_strided_slice %get3A_1941 {offsets = [0], sizes = [1], strides = [1]} : vector<16xi32> to vector<1xi32>
        %squeeze3A_1943 = vector.extract %slice3A_1942[0] : i32 from vector<1xi32>
        %ge3A_1944 = arith.constant 0 : i32
        %ge3A_1945 = arith.cmpi sge, %squeeze3A_1943, %ge3A_1944 : i32
        %jit3A_1946 = arith.constant 1.000000e+00 : f32
        %jit3A_1947 = arith.constant 0.000000e+00 : f32
        %select_n3A_1948 = arith.select %ge3A_1945, %jit3A_1946, %jit3A_1947 : f32
        %add3A_1949 = arith.addf %select_n3A_1912, %select_n3A_1924 : f32
        %add3A_1950 = arith.addf %add3A_1949, %select_n3A_1936 : f32
        %add3A_1951 = arith.addf %add3A_1950, %select_n3A_1948 : f32
        %gt3A = arith.constant 2.500000e+00 : f32
        %gt3A_1952 = arith.cmpf ogt, %add3A_1951, %gt3A : f32
        %gt3A_1953 = arith.constant 3.500000e+00 : f32
        %gt3A_1954 = arith.cmpf ogt, %add3A_1951, %gt3A_1953 : f32
        %jit3A_1955 = arith.constant 2.500000e-01 : f32
        %jit3A_1956 = arith.constant 0.333333343 : f32
        %select_n3A_1957 = arith.select %gt3A_1954, %jit3A_1955, %jit3A_1956 : f32
        %gt3A_1958 = arith.constant 1.500000e+00 : f32
        %gt3A_1959 = arith.cmpf ogt, %add3A_1951, %gt3A_1958 : f32
        %gt3A_1960 = arith.constant 5.000000e-01 : f32
        %gt3A_1961 = arith.cmpf ogt, %add3A_1951, %gt3A_1960 : f32
        %jit3A_1962 = arith.constant 1.000000e+00 : f32
        %jit3A_1963 = arith.constant 0.000000e+00 : f32
        %select_n3A_1964 = arith.select %gt3A_1961, %jit3A_1962, %jit3A_1963 : f32
        %jit3A_1965 = arith.constant 5.000000e-01 : f32
        %select_n3A_1966 = arith.select %gt3A_1959, %jit3A_1965, %select_n3A_1964 : f32
        %select_n3A_1967 = arith.select %gt3A_1952, %select_n3A_1957, %select_n3A_1966 : f32
        %mul3A_1968 = arith.mulf %select_n3A_1912, %select_n3A_1924 : f32
        %mul3A_1969 = arith.mulf %select_n3A_1912, %select_n3A_1936 : f32
        %mul3A_1970 = arith.mulf %select_n3A_1912, %select_n3A_1948 : f32
        %mul3A_1971 = arith.mulf %select_n3A_1924, %select_n3A_1936 : f32
        %mul3A_1972 = arith.mulf %select_n3A_1924, %select_n3A_1948 : f32
        %mul3A_1973 = arith.mulf %select_n3A_1936, %select_n3A_1948 : f32
        %mul3A_1974 = arith.mulf %select_n3A_1967, %mul3A_1968 : f32
        %mul3A_1975 = arith.mulf %select_n3A_1967, %mul3A_1969 : f32
        %mul3A_1976 = arith.mulf %select_n3A_1967, %mul3A_1970 : f32
        %mul3A_1977 = arith.mulf %select_n3A_1967, %mul3A_1971 : f32
        %mul3A_1978 = arith.mulf %select_n3A_1967, %mul3A_1972 : f32
        %mul3A_1979 = arith.mulf %select_n3A_1967, %mul3A_1973 : f32
        %get3A_1980 = arith.constant 0 : i32
        %get3A_1981 = arith.index_cast %get3A_1980 : i32 to index
        %get3A_1982 = arith.index_cast %scan3A_1894 : i32 to index
        %get3A_1983 = arith.constant 0 : index
        %get3A_1984 = tpu.vector_load %arg17[%get3A_1981, %get3A_1982, %get3A_1983] {strides = array<i32>} : memref<4x64x128xf32, #tpu.memory_space<vmem>>, vector<1x1x16xf32>,
        %get3A_1985 = vector.shape_cast %get3A_1984 : vector<1x1x16xf32> to vector<16xf32>
        %get3A_1986 = arith.constant 1 : i32
        %get3A_1987 = arith.index_cast %get3A_1986 : i32 to index
        %get3A_1988 = arith.index_cast %scan3A_1894 : i32 to index
        %get3A_1989 = arith.constant 0 : index
        %get3A_1990 = tpu.vector_load %arg17[%get3A_1987, %get3A_1988, %get3A_1989] {strides = array<i32>} : memref<4x64x128xf32, #tpu.memory_space<vmem>>, vector<1x1x16xf32>,
        %get3A_1991 = vector.shape_cast %get3A_1990 : vector<1x1x16xf32> to vector<16xf32>
        %get3A_1992 = arith.constant 2 : i32
        %get3A_1993 = arith.index_cast %get3A_1992 : i32 to index
        %get3A_1994 = arith.index_cast %scan3A_1894 : i32 to index
        %get3A_1995 = arith.constant 0 : index
        %get3A_1996 = tpu.vector_load %arg17[%get3A_1993, %get3A_1994, %get3A_1995] {strides = array<i32>} : memref<4x64x128xf32, #tpu.memory_space<vmem>>, vector<1x1x16xf32>,
        %get3A_1997 = vector.shape_cast %get3A_1996 : vector<1x1x16xf32> to vector<16xf32>
        %get3A_1998 = arith.constant 3 : i32
        %get3A_1999 = arith.index_cast %get3A_1998 : i32 to index
        %get3A_2000 = arith.index_cast %scan3A_1894 : i32 to index
        %get3A_2001 = arith.constant 0 : index
        %get3A_2002 = tpu.vector_load %arg17[%get3A_1999, %get3A_2000, %get3A_2001] {strides = array<i32>} : memref<4x64x128xf32, #tpu.memory_space<vmem>>, vector<1x1x16xf32>,
        %get3A_2003 = vector.shape_cast %get3A_2002 : vector<1x1x16xf32> to vector<16xf32>
        %sub3A_2004 = arith.subf %get3A_1985, %get3A_1991 : vector<16xf32>
        %sub3A_2005 = arith.subf %get3A_1985, %get3A_1997 : vector<16xf32>
        %sub3A_2006 = arith.subf %get3A_1985, %get3A_2003 : vector<16xf32>
        %sub3A_2007 = arith.subf %get3A_1991, %get3A_1997 : vector<16xf32>
        %sub3A_2008 = arith.subf %get3A_1991, %get3A_2003 : vector<16xf32>
        %sub3A_2009 = arith.subf %get3A_1997, %get3A_2003 : vector<16xf32>
        %mul3A_2010 = arith.mulf %sub3A_2004, %sub3A_2004 : vector<16xf32>
        %add3A_2011 = arith.addf %broadcast_in_dim3A_97, %mul3A_2010 : vector<16xf32>
        %mul3A_2012 = arith.mulf %sub3A_2005, %sub3A_2005 : vector<16xf32>
        %add3A_2013 = arith.addf %broadcast_in_dim3A_97, %mul3A_2012 : vector<16xf32>
        %mul3A_2014 = arith.mulf %sub3A_2006, %sub3A_2006 : vector<16xf32>
        %add3A_2015 = arith.addf %broadcast_in_dim3A_97, %mul3A_2014 : vector<16xf32>
        %mul3A_2016 = arith.mulf %sub3A_2007, %sub3A_2007 : vector<16xf32>
        %add3A_2017 = arith.addf %broadcast_in_dim3A_97, %mul3A_2016 : vector<16xf32>
        %mul3A_2018 = arith.mulf %sub3A_2008, %sub3A_2008 : vector<16xf32>
        %add3A_2019 = arith.addf %broadcast_in_dim3A_97, %mul3A_2018 : vector<16xf32>
        %mul3A_2020 = arith.mulf %sub3A_2009, %sub3A_2009 : vector<16xf32>
        %add3A_2021 = arith.addf %broadcast_in_dim3A_97, %mul3A_2020 : vector<16xf32>
        %get3A_2022 = arith.constant 0 : i32
        %get3A_2023 = arith.index_cast %get3A_2022 : i32 to index
        %get3A_2024 = arith.index_cast %scan3A_1894 : i32 to index
        %get3A_2025 = arith.constant 16 : index
        %get3A_2026 = tpu.vector_load %arg17[%get3A_2023, %get3A_2024, %get3A_2025] {strides = array<i32>} : memref<4x64x128xf32, #tpu.memory_space<vmem>>, vector<1x1x16xf32>,
        %get3A_2027 = vector.shape_cast %get3A_2026 : vector<1x1x16xf32> to vector<16xf32>
        %get3A_2028 = arith.constant 1 : i32
        %get3A_2029 = arith.index_cast %get3A_2028 : i32 to index
        %get3A_2030 = arith.index_cast %scan3A_1894 : i32 to index
        %get3A_2031 = arith.constant 16 : index
        %get3A_2032 = tpu.vector_load %arg17[%get3A_2029, %get3A_2030, %get3A_2031] {strides = array<i32>} : memref<4x64x128xf32, #tpu.memory_space<vmem>>, vector<1x1x16xf32>,
        %get3A_2033 = vector.shape_cast %get3A_2032 : vector<1x1x16xf32> to vector<16xf32>
        %get3A_2034 = arith.constant 2 : i32
        %get3A_2035 = arith.index_cast %get3A_2034 : i32 to index
        %get3A_2036 = arith.index_cast %scan3A_1894 : i32 to index
        %get3A_2037 = arith.constant 16 : index
        %get3A_2038 = tpu.vector_load %arg17[%get3A_2035, %get3A_2036, %get3A_2037] {strides = array<i32>} : memref<4x64x128xf32, #tpu.memory_space<vmem>>, vector<1x1x16xf32>,
        %get3A_2039 = vector.shape_cast %get3A_2038 : vector<1x1x16xf32> to vector<16xf32>
        %get3A_2040 = arith.constant 3 : i32
        %get3A_2041 = arith.index_cast %get3A_2040 : i32 to index
        %get3A_2042 = arith.index_cast %scan3A_1894 : i32 to index
        %get3A_2043 = arith.constant 16 : index
        %get3A_2044 = tpu.vector_load %arg17[%get3A_2041, %get3A_2042, %get3A_2043] {strides = array<i32>} : memref<4x64x128xf32, #tpu.memory_space<vmem>>, vector<1x1x16xf32>,
        %get3A_2045 = vector.shape_cast %get3A_2044 : vector<1x1x16xf32> to vector<16xf32>
        %sub3A_2046 = arith.subf %get3A_2027, %get3A_2033 : vector<16xf32>
        %sub3A_2047 = arith.subf %get3A_2027, %get3A_2039 : vector<16xf32>
        %sub3A_2048 = arith.subf %get3A_2027, %get3A_2045 : vector<16xf32>
        %sub3A_2049 = arith.subf %get3A_2033, %get3A_2039 : vector<16xf32>
        %sub3A_2050 = arith.subf %get3A_2033, %get3A_2045 : vector<16xf32>
        %sub3A_2051 = arith.subf %get3A_2039, %get3A_2045 : vector<16xf32>
        %mul3A_2052 = arith.mulf %sub3A_2046, %sub3A_2046 : vector<16xf32>
        %add3A_2053 = arith.addf %add3A_2011, %mul3A_2052 : vector<16xf32>
        %mul3A_2054 = arith.mulf %sub3A_2047, %sub3A_2047 : vector<16xf32>
        %add3A_2055 = arith.addf %add3A_2013, %mul3A_2054 : vector<16xf32>
        %mul3A_2056 = arith.mulf %sub3A_2048, %sub3A_2048 : vector<16xf32>
        %add3A_2057 = arith.addf %add3A_2015, %mul3A_2056 : vector<16xf32>
        %mul3A_2058 = arith.mulf %sub3A_2049, %sub3A_2049 : vector<16xf32>
        %add3A_2059 = arith.addf %add3A_2017, %mul3A_2058 : vector<16xf32>
        %mul3A_2060 = arith.mulf %sub3A_2050, %sub3A_2050 : vector<16xf32>
        %add3A_2061 = arith.addf %add3A_2019, %mul3A_2060 : vector<16xf32>
        %mul3A_2062 = arith.mulf %sub3A_2051, %sub3A_2051 : vector<16xf32>
        %add3A_2063 = arith.addf %add3A_2021, %mul3A_2062 : vector<16xf32>
        %get3A_2064 = arith.constant 0 : i32
        %get3A_2065 = arith.index_cast %get3A_2064 : i32 to index
        %get3A_2066 = arith.index_cast %scan3A_1894 : i32 to index
        %get3A_2067 = arith.constant 32 : index
        %get3A_2068 = tpu.vector_load %arg17[%get3A_2065, %get3A_2066, %get3A_2067] {strides = array<i32>} : memref<4x64x128xf32, #tpu.memory_space<vmem>>, vector<1x1x16xf32>,
        %get3A_2069 = vector.shape_cast %get3A_2068 : vector<1x1x16xf32> to vector<16xf32>
        %get3A_2070 = arith.constant 1 : i32
        %get3A_2071 = arith.index_cast %get3A_2070 : i32 to index
        %get3A_2072 = arith.index_cast %scan3A_1894 : i32 to index
        %get3A_2073 = arith.constant 32 : index
        %get3A_2074 = tpu.vector_load %arg17[%get3A_2071, %get3A_2072, %get3A_2073] {strides = array<i32>} : memref<4x64x128xf32, #tpu.memory_space<vmem>>, vector<1x1x16xf32>,
        %get3A_2075 = vector.shape_cast %get3A_2074 : vector<1x1x16xf32> to vector<16xf32>
        %get3A_2076 = arith.constant 2 : i32
        %get3A_2077 = arith.index_cast %get3A_2076 : i32 to index
        %get3A_2078 = arith.index_cast %scan3A_1894 : i32 to index
        %get3A_2079 = arith.constant 32 : index
        %get3A_2080 = tpu.vector_load %arg17[%get3A_2077, %get3A_2078, %get3A_2079] {strides = array<i32>} : memref<4x64x128xf32, #tpu.memory_space<vmem>>, vector<1x1x16xf32>,
        %get3A_2081 = vector.shape_cast %get3A_2080 : vector<1x1x16xf32> to vector<16xf32>
        %get3A_2082 = arith.constant 3 : i32
        %get3A_2083 = arith.index_cast %get3A_2082 : i32 to index
        %get3A_2084 = arith.index_cast %scan3A_1894 : i32 to index
        %get3A_2085 = arith.constant 32 : index
        %get3A_2086 = tpu.vector_load %arg17[%get3A_2083, %get3A_2084, %get3A_2085] {strides = array<i32>} : memref<4x64x128xf32, #tpu.memory_space<vmem>>, vector<1x1x16xf32>,
        %get3A_2087 = vector.shape_cast %get3A_2086 : vector<1x1x16xf32> to vector<16xf32>
        %sub3A_2088 = arith.subf %get3A_2069, %get3A_2075 : vector<16xf32>
        %sub3A_2089 = arith.subf %get3A_2069, %get3A_2081 : vector<16xf32>
        %sub3A_2090 = arith.subf %get3A_2069, %get3A_2087 : vector<16xf32>
        %sub3A_2091 = arith.subf %get3A_2075, %get3A_2081 : vector<16xf32>
        %sub3A_2092 = arith.subf %get3A_2075, %get3A_2087 : vector<16xf32>
        %sub3A_2093 = arith.subf %get3A_2081, %get3A_2087 : vector<16xf32>
        %mul3A_2094 = arith.mulf %sub3A_2088, %sub3A_2088 : vector<16xf32>
        %add3A_2095 = arith.addf %add3A_2053, %mul3A_2094 : vector<16xf32>
        %mul3A_2096 = arith.mulf %sub3A_2089, %sub3A_2089 : vector<16xf32>
        %add3A_2097 = arith.addf %add3A_2055, %mul3A_2096 : vector<16xf32>
        %mul3A_2098 = arith.mulf %sub3A_2090, %sub3A_2090 : vector<16xf32>
        %add3A_2099 = arith.addf %add3A_2057, %mul3A_2098 : vector<16xf32>
        %mul3A_2100 = arith.mulf %sub3A_2091, %sub3A_2091 : vector<16xf32>
        %add3A_2101 = arith.addf %add3A_2059, %mul3A_2100 : vector<16xf32>
        %mul3A_2102 = arith.mulf %sub3A_2092, %sub3A_2092 : vector<16xf32>
        %add3A_2103 = arith.addf %add3A_2061, %mul3A_2102 : vector<16xf32>
        %mul3A_2104 = arith.mulf %sub3A_2093, %sub3A_2093 : vector<16xf32>
        %add3A_2105 = arith.addf %add3A_2063, %mul3A_2104 : vector<16xf32>
        %get3A_2106 = arith.constant 0 : i32
        %get3A_2107 = arith.index_cast %get3A_2106 : i32 to index
        %get3A_2108 = arith.index_cast %scan3A_1894 : i32 to index
        %get3A_2109 = arith.constant 48 : index
        %get3A_2110 = tpu.vector_load %arg17[%get3A_2107, %get3A_2108, %get3A_2109] {strides = array<i32>} : memref<4x64x128xf32, #tpu.memory_space<vmem>>, vector<1x1x16xf32>,
        %get3A_2111 = vector.shape_cast %get3A_2110 : vector<1x1x16xf32> to vector<16xf32>
        %get3A_2112 = arith.constant 1 : i32
        %get3A_2113 = arith.index_cast %get3A_2112 : i32 to index
        %get3A_2114 = arith.index_cast %scan3A_1894 : i32 to index
        %get3A_2115 = arith.constant 48 : index
        %get3A_2116 = tpu.vector_load %arg17[%get3A_2113, %get3A_2114, %get3A_2115] {strides = array<i32>} : memref<4x64x128xf32, #tpu.memory_space<vmem>>, vector<1x1x16xf32>,
        %get3A_2117 = vector.shape_cast %get3A_2116 : vector<1x1x16xf32> to vector<16xf32>
        %get3A_2118 = arith.constant 2 : i32
        %get3A_2119 = arith.index_cast %get3A_2118 : i32 to index
        %get3A_2120 = arith.index_cast %scan3A_1894 : i32 to index
        %get3A_2121 = arith.constant 48 : index
        %get3A_2122 = tpu.vector_load %arg17[%get3A_2119, %get3A_2120, %get3A_2121] {strides = array<i32>} : memref<4x64x128xf32, #tpu.memory_space<vmem>>, vector<1x1x16xf32>,
        %get3A_2123 = vector.shape_cast %get3A_2122 : vector<1x1x16xf32> to vector<16xf32>
        %get3A_2124 = arith.constant 3 : i32
        %get3A_2125 = arith.index_cast %get3A_2124 : i32 to index
        %get3A_2126 = arith.index_cast %scan3A_1894 : i32 to index
        %get3A_2127 = arith.constant 48 : index
        %get3A_2128 = tpu.vector_load %arg17[%get3A_2125, %get3A_2126, %get3A_2127] {strides = array<i32>} : memref<4x64x128xf32, #tpu.memory_space<vmem>>, vector<1x1x16xf32>,
        %get3A_2129 = vector.shape_cast %get3A_2128 : vector<1x1x16xf32> to vector<16xf32>
        %sub3A_2130 = arith.subf %get3A_2111, %get3A_2117 : vector<16xf32>
        %sub3A_2131 = arith.subf %get3A_2111, %get3A_2123 : vector<16xf32>
        %sub3A_2132 = arith.subf %get3A_2111, %get3A_2129 : vector<16xf32>
        %sub3A_2133 = arith.subf %get3A_2117, %get3A_2123 : vector<16xf32>
        %sub3A_2134 = arith.subf %get3A_2117, %get3A_2129 : vector<16xf32>
        %sub3A_2135 = arith.subf %get3A_2123, %get3A_2129 : vector<16xf32>
        %mul3A_2136 = arith.mulf %sub3A_2130, %sub3A_2130 : vector<16xf32>
        %add3A_2137 = arith.addf %add3A_2095, %mul3A_2136 : vector<16xf32>
        %mul3A_2138 = arith.mulf %sub3A_2131, %sub3A_2131 : vector<16xf32>
        %add3A_2139 = arith.addf %add3A_2097, %mul3A_2138 : vector<16xf32>
        %mul3A_2140 = arith.mulf %sub3A_2132, %sub3A_2132 : vector<16xf32>
        %add3A_2141 = arith.addf %add3A_2099, %mul3A_2140 : vector<16xf32>
        %mul3A_2142 = arith.mulf %sub3A_2133, %sub3A_2133 : vector<16xf32>
        %add3A_2143 = arith.addf %add3A_2101, %mul3A_2142 : vector<16xf32>
        %mul3A_2144 = arith.mulf %sub3A_2134, %sub3A_2134 : vector<16xf32>
        %add3A_2145 = arith.addf %add3A_2103, %mul3A_2144 : vector<16xf32>
        %mul3A_2146 = arith.mulf %sub3A_2135, %sub3A_2135 : vector<16xf32>
        %add3A_2147 = arith.addf %add3A_2105, %mul3A_2146 : vector<16xf32>
        %get3A_2148 = arith.constant 0 : i32
        %get3A_2149 = arith.index_cast %get3A_2148 : i32 to index
        %get3A_2150 = arith.index_cast %scan3A_1894 : i32 to index
        %get3A_2151 = arith.constant 64 : index
        %get3A_2152 = tpu.vector_load %arg17[%get3A_2149, %get3A_2150, %get3A_2151] {strides = array<i32>} : memref<4x64x128xf32, #tpu.memory_space<vmem>>, vector<1x1x16xf32>,
        %get3A_2153 = vector.shape_cast %get3A_2152 : vector<1x1x16xf32> to vector<16xf32>
        %get3A_2154 = arith.constant 1 : i32
        %get3A_2155 = arith.index_cast %get3A_2154 : i32 to index
        %get3A_2156 = arith.index_cast %scan3A_1894 : i32 to index
        %get3A_2157 = arith.constant 64 : index
        %get3A_2158 = tpu.vector_load %arg17[%get3A_2155, %get3A_2156, %get3A_2157] {strides = array<i32>} : memref<4x64x128xf32, #tpu.memory_space<vmem>>, vector<1x1x16xf32>,
        %get3A_2159 = vector.shape_cast %get3A_2158 : vector<1x1x16xf32> to vector<16xf32>
        %get3A_2160 = arith.constant 2 : i32
        %get3A_2161 = arith.index_cast %get3A_2160 : i32 to index
        %get3A_2162 = arith.index_cast %scan3A_1894 : i32 to index
        %get3A_2163 = arith.constant 64 : index
        %get3A_2164 = tpu.vector_load %arg17[%get3A_2161, %get3A_2162, %get3A_2163] {strides = array<i32>} : memref<4x64x128xf32, #tpu.memory_space<vmem>>, vector<1x1x16xf32>,
        %get3A_2165 = vector.shape_cast %get3A_2164 : vector<1x1x16xf32> to vector<16xf32>
        %get3A_2166 = arith.constant 3 : i32
        %get3A_2167 = arith.index_cast %get3A_2166 : i32 to index
        %get3A_2168 = arith.index_cast %scan3A_1894 : i32 to index
        %get3A_2169 = arith.constant 64 : index
        %get3A_2170 = tpu.vector_load %arg17[%get3A_2167, %get3A_2168, %get3A_2169] {strides = array<i32>} : memref<4x64x128xf32, #tpu.memory_space<vmem>>, vector<1x1x16xf32>,
        %get3A_2171 = vector.shape_cast %get3A_2170 : vector<1x1x16xf32> to vector<16xf32>
        %sub3A_2172 = arith.subf %get3A_2153, %get3A_2159 : vector<16xf32>
        %sub3A_2173 = arith.subf %get3A_2153, %get3A_2165 : vector<16xf32>
        %sub3A_2174 = arith.subf %get3A_2153, %get3A_2171 : vector<16xf32>
        %sub3A_2175 = arith.subf %get3A_2159, %get3A_2165 : vector<16xf32>
        %sub3A_2176 = arith.subf %get3A_2159, %get3A_2171 : vector<16xf32>
        %sub3A_2177 = arith.subf %get3A_2165, %get3A_2171 : vector<16xf32>
        %mul3A_2178 = arith.mulf %sub3A_2172, %sub3A_2172 : vector<16xf32>
        %add3A_2179 = arith.addf %add3A_2137, %mul3A_2178 : vector<16xf32>
        %mul3A_2180 = arith.mulf %sub3A_2173, %sub3A_2173 : vector<16xf32>
        %add3A_2181 = arith.addf %add3A_2139, %mul3A_2180 : vector<16xf32>
        %mul3A_2182 = arith.mulf %sub3A_2174, %sub3A_2174 : vector<16xf32>
        %add3A_2183 = arith.addf %add3A_2141, %mul3A_2182 : vector<16xf32>
        %mul3A_2184 = arith.mulf %sub3A_2175, %sub3A_2175 : vector<16xf32>
        %add3A_2185 = arith.addf %add3A_2143, %mul3A_2184 : vector<16xf32>
        %mul3A_2186 = arith.mulf %sub3A_2176, %sub3A_2176 : vector<16xf32>
        %add3A_2187 = arith.addf %add3A_2145, %mul3A_2186 : vector<16xf32>
        %mul3A_2188 = arith.mulf %sub3A_2177, %sub3A_2177 : vector<16xf32>
        %add3A_2189 = arith.addf %add3A_2147, %mul3A_2188 : vector<16xf32>
        %get3A_2190 = arith.constant 0 : i32
        %get3A_2191 = arith.index_cast %get3A_2190 : i32 to index
        %get3A_2192 = arith.index_cast %scan3A_1894 : i32 to index
        %get3A_2193 = arith.constant 80 : index
        %get3A_2194 = tpu.vector_load %arg17[%get3A_2191, %get3A_2192, %get3A_2193] {strides = array<i32>} : memref<4x64x128xf32, #tpu.memory_space<vmem>>, vector<1x1x16xf32>,
        %get3A_2195 = vector.shape_cast %get3A_2194 : vector<1x1x16xf32> to vector<16xf32>
        %get3A_2196 = arith.constant 1 : i32
        %get3A_2197 = arith.index_cast %get3A_2196 : i32 to index
        %get3A_2198 = arith.index_cast %scan3A_1894 : i32 to index
        %get3A_2199 = arith.constant 80 : index
        %get3A_2200 = tpu.vector_load %arg17[%get3A_2197, %get3A_2198, %get3A_2199] {strides = array<i32>} : memref<4x64x128xf32, #tpu.memory_space<vmem>>, vector<1x1x16xf32>,
        %get3A_2201 = vector.shape_cast %get3A_2200 : vector<1x1x16xf32> to vector<16xf32>
        %get3A_2202 = arith.constant 2 : i32
        %get3A_2203 = arith.index_cast %get3A_2202 : i32 to index
        %get3A_2204 = arith.index_cast %scan3A_1894 : i32 to index
        %get3A_2205 = arith.constant 80 : index
        %get3A_2206 = tpu.vector_load %arg17[%get3A_2203, %get3A_2204, %get3A_2205] {strides = array<i32>} : memref<4x64x128xf32, #tpu.memory_space<vmem>>, vector<1x1x16xf32>,
        %get3A_2207 = vector.shape_cast %get3A_2206 : vector<1x1x16xf32> to vector<16xf32>
        %get3A_2208 = arith.constant 3 : i32
        %get3A_2209 = arith.index_cast %get3A_2208 : i32 to index
        %get3A_2210 = arith.index_cast %scan3A_1894 : i32 to index
        %get3A_2211 = arith.constant 80 : index
        %get3A_2212 = tpu.vector_load %arg17[%get3A_2209, %get3A_2210, %get3A_2211] {strides = array<i32>} : memref<4x64x128xf32, #tpu.memory_space<vmem>>, vector<1x1x16xf32>,
        %get3A_2213 = vector.shape_cast %get3A_2212 : vector<1x1x16xf32> to vector<16xf32>
        %sub3A_2214 = arith.subf %get3A_2195, %get3A_2201 : vector<16xf32>
        %sub3A_2215 = arith.subf %get3A_2195, %get3A_2207 : vector<16xf32>
        %sub3A_2216 = arith.subf %get3A_2195, %get3A_2213 : vector<16xf32>
        %sub3A_2217 = arith.subf %get3A_2201, %get3A_2207 : vector<16xf32>
        %sub3A_2218 = arith.subf %get3A_2201, %get3A_2213 : vector<16xf32>
        %sub3A_2219 = arith.subf %get3A_2207, %get3A_2213 : vector<16xf32>
        %mul3A_2220 = arith.mulf %sub3A_2214, %sub3A_2214 : vector<16xf32>
        %add3A_2221 = arith.addf %add3A_2179, %mul3A_2220 : vector<16xf32>
        %mul3A_2222 = arith.mulf %sub3A_2215, %sub3A_2215 : vector<16xf32>
        %add3A_2223 = arith.addf %add3A_2181, %mul3A_2222 : vector<16xf32>
        %mul3A_2224 = arith.mulf %sub3A_2216, %sub3A_2216 : vector<16xf32>
        %add3A_2225 = arith.addf %add3A_2183, %mul3A_2224 : vector<16xf32>
        %mul3A_2226 = arith.mulf %sub3A_2217, %sub3A_2217 : vector<16xf32>
        %add3A_2227 = arith.addf %add3A_2185, %mul3A_2226 : vector<16xf32>
        %mul3A_2228 = arith.mulf %sub3A_2218, %sub3A_2218 : vector<16xf32>
        %add3A_2229 = arith.addf %add3A_2187, %mul3A_2228 : vector<16xf32>
        %mul3A_2230 = arith.mulf %sub3A_2219, %sub3A_2219 : vector<16xf32>
        %add3A_2231 = arith.addf %add3A_2189, %mul3A_2230 : vector<16xf32>
        %get3A_2232 = arith.constant 0 : i32
        %get3A_2233 = arith.index_cast %get3A_2232 : i32 to index
        %get3A_2234 = arith.index_cast %scan3A_1894 : i32 to index
        %get3A_2235 = arith.constant 96 : index
        %get3A_2236 = tpu.vector_load %arg17[%get3A_2233, %get3A_2234, %get3A_2235] {strides = array<i32>} : memref<4x64x128xf32, #tpu.memory_space<vmem>>, vector<1x1x16xf32>,
        %get3A_2237 = vector.shape_cast %get3A_2236 : vector<1x1x16xf32> to vector<16xf32>
        %get3A_2238 = arith.constant 1 : i32
        %get3A_2239 = arith.index_cast %get3A_2238 : i32 to index
        %get3A_2240 = arith.index_cast %scan3A_1894 : i32 to index
        %get3A_2241 = arith.constant 96 : index
        %get3A_2242 = tpu.vector_load %arg17[%get3A_2239, %get3A_2240, %get3A_2241] {strides = array<i32>} : memref<4x64x128xf32, #tpu.memory_space<vmem>>, vector<1x1x16xf32>,
        %get3A_2243 = vector.shape_cast %get3A_2242 : vector<1x1x16xf32> to vector<16xf32>
        %get3A_2244 = arith.constant 2 : i32
        %get3A_2245 = arith.index_cast %get3A_2244 : i32 to index
        %get3A_2246 = arith.index_cast %scan3A_1894 : i32 to index
        %get3A_2247 = arith.constant 96 : index
        %get3A_2248 = tpu.vector_load %arg17[%get3A_2245, %get3A_2246, %get3A_2247] {strides = array<i32>} : memref<4x64x128xf32, #tpu.memory_space<vmem>>, vector<1x1x16xf32>,
        %get3A_2249 = vector.shape_cast %get3A_2248 : vector<1x1x16xf32> to vector<16xf32>
        %get3A_2250 = arith.constant 3 : i32
        %get3A_2251 = arith.index_cast %get3A_2250 : i32 to index
        %get3A_2252 = arith.index_cast %scan3A_1894 : i32 to index
        %get3A_2253 = arith.constant 96 : index
        %get3A_2254 = tpu.vector_load %arg17[%get3A_2251, %get3A_2252, %get3A_2253] {strides = array<i32>} : memref<4x64x128xf32, #tpu.memory_space<vmem>>, vector<1x1x16xf32>,
        %get3A_2255 = vector.shape_cast %get3A_2254 : vector<1x1x16xf32> to vector<16xf32>
        %sub3A_2256 = arith.subf %get3A_2237, %get3A_2243 : vector<16xf32>
        %sub3A_2257 = arith.subf %get3A_2237, %get3A_2249 : vector<16xf32>
        %sub3A_2258 = arith.subf %get3A_2237, %get3A_2255 : vector<16xf32>
        %sub3A_2259 = arith.subf %get3A_2243, %get3A_2249 : vector<16xf32>
        %sub3A_2260 = arith.subf %get3A_2243, %get3A_2255 : vector<16xf32>
        %sub3A_2261 = arith.subf %get3A_2249, %get3A_2255 : vector<16xf32>
        %mul3A_2262 = arith.mulf %sub3A_2256, %sub3A_2256 : vector<16xf32>
        %add3A_2263 = arith.addf %add3A_2221, %mul3A_2262 : vector<16xf32>
        %mul3A_2264 = arith.mulf %sub3A_2257, %sub3A_2257 : vector<16xf32>
        %add3A_2265 = arith.addf %add3A_2223, %mul3A_2264 : vector<16xf32>
        %mul3A_2266 = arith.mulf %sub3A_2258, %sub3A_2258 : vector<16xf32>
        %add3A_2267 = arith.addf %add3A_2225, %mul3A_2266 : vector<16xf32>
        %mul3A_2268 = arith.mulf %sub3A_2259, %sub3A_2259 : vector<16xf32>
        %add3A_2269 = arith.addf %add3A_2227, %mul3A_2268 : vector<16xf32>
        %mul3A_2270 = arith.mulf %sub3A_2260, %sub3A_2260 : vector<16xf32>
        %add3A_2271 = arith.addf %add3A_2229, %mul3A_2270 : vector<16xf32>
        %mul3A_2272 = arith.mulf %sub3A_2261, %sub3A_2261 : vector<16xf32>
        %add3A_2273 = arith.addf %add3A_2231, %mul3A_2272 : vector<16xf32>
        %get3A_2274 = arith.constant 0 : i32
        %get3A_2275 = arith.index_cast %get3A_2274 : i32 to index
        %get3A_2276 = arith.index_cast %scan3A_1894 : i32 to index
        %get3A_2277 = arith.constant 112 : index
        %get3A_2278 = tpu.vector_load %arg17[%get3A_2275, %get3A_2276, %get3A_2277] {strides = array<i32>} : memref<4x64x128xf32, #tpu.memory_space<vmem>>, vector<1x1x16xf32>,
        %get3A_2279 = vector.shape_cast %get3A_2278 : vector<1x1x16xf32> to vector<16xf32>
        %get3A_2280 = arith.constant 1 : i32
        %get3A_2281 = arith.index_cast %get3A_2280 : i32 to index
        %get3A_2282 = arith.index_cast %scan3A_1894 : i32 to index
        %get3A_2283 = arith.constant 112 : index
        %get3A_2284 = tpu.vector_load %arg17[%get3A_2281, %get3A_2282, %get3A_2283] {strides = array<i32>} : memref<4x64x128xf32, #tpu.memory_space<vmem>>, vector<1x1x16xf32>,
        %get3A_2285 = vector.shape_cast %get3A_2284 : vector<1x1x16xf32> to vector<16xf32>
        %get3A_2286 = arith.constant 2 : i32
        %get3A_2287 = arith.index_cast %get3A_2286 : i32 to index
        %get3A_2288 = arith.index_cast %scan3A_1894 : i32 to index
        %get3A_2289 = arith.constant 112 : index
        %get3A_2290 = tpu.vector_load %arg17[%get3A_2287, %get3A_2288, %get3A_2289] {strides = array<i32>} : memref<4x64x128xf32, #tpu.memory_space<vmem>>, vector<1x1x16xf32>,
        %get3A_2291 = vector.shape_cast %get3A_2290 : vector<1x1x16xf32> to vector<16xf32>
        %get3A_2292 = arith.constant 3 : i32
        %get3A_2293 = arith.index_cast %get3A_2292 : i32 to index
        %get3A_2294 = arith.index_cast %scan3A_1894 : i32 to index
        %get3A_2295 = arith.constant 112 : index
        %get3A_2296 = tpu.vector_load %arg17[%get3A_2293, %get3A_2294, %get3A_2295] {strides = array<i32>} : memref<4x64x128xf32, #tpu.memory_space<vmem>>, vector<1x1x16xf32>,
        %get3A_2297 = vector.shape_cast %get3A_2296 : vector<1x1x16xf32> to vector<16xf32>
        %sub3A_2298 = arith.subf %get3A_2279, %get3A_2285 : vector<16xf32>
        %sub3A_2299 = arith.subf %get3A_2279, %get3A_2291 : vector<16xf32>
        %sub3A_2300 = arith.subf %get3A_2279, %get3A_2297 : vector<16xf32>
        %sub3A_2301 = arith.subf %get3A_2285, %get3A_2291 : vector<16xf32>
        %sub3A_2302 = arith.subf %get3A_2285, %get3A_2297 : vector<16xf32>
        %sub3A_2303 = arith.subf %get3A_2291, %get3A_2297 : vector<16xf32>
        %mul3A_2304 = arith.mulf %sub3A_2298, %sub3A_2298 : vector<16xf32>
        %add3A_2305 = arith.addf %add3A_2263, %mul3A_2304 : vector<16xf32>
        %mul3A_2306 = arith.mulf %sub3A_2299, %sub3A_2299 : vector<16xf32>
        %add3A_2307 = arith.addf %add3A_2265, %mul3A_2306 : vector<16xf32>
        %mul3A_2308 = arith.mulf %sub3A_2300, %sub3A_2300 : vector<16xf32>
        %add3A_2309 = arith.addf %add3A_2267, %mul3A_2308 : vector<16xf32>
        %mul3A_2310 = arith.mulf %sub3A_2301, %sub3A_2301 : vector<16xf32>
        %add3A_2311 = arith.addf %add3A_2269, %mul3A_2310 : vector<16xf32>
        %mul3A_2312 = arith.mulf %sub3A_2302, %sub3A_2302 : vector<16xf32>
        %add3A_2313 = arith.addf %add3A_2271, %mul3A_2312 : vector<16xf32>
        %mul3A_2314 = arith.mulf %sub3A_2303, %sub3A_2303 : vector<16xf32>
        %add3A_2315 = arith.addf %add3A_2273, %mul3A_2314 : vector<16xf32>
        %mul3A_2316 = vector.broadcast %mul3A_1974 : f32 to vector<16xf32>
        %mul3A_2317 = arith.mulf %mul3A_2316, %add3A_2305 : vector<16xf32>
        %mul3A_2318 = vector.broadcast %mul3A_1975 : f32 to vector<16xf32>
        %mul3A_2319 = arith.mulf %mul3A_2318, %add3A_2307 : vector<16xf32>
        %add3A_2320 = arith.addf %mul3A_2317, %mul3A_2319 : vector<16xf32>
        %mul3A_2321 = vector.broadcast %mul3A_1976 : f32 to vector<16xf32>
        %mul3A_2322 = arith.mulf %mul3A_2321, %add3A_2309 : vector<16xf32>
        %add3A_2323 = arith.addf %add3A_2320, %mul3A_2322 : vector<16xf32>
        %add3A_2324 = arith.addf %scan3A_1895, %add3A_2323 : vector<16xf32>
        %mul3A_2325 = vector.broadcast %mul3A_1977 : f32 to vector<16xf32>
        %mul3A_2326 = arith.mulf %mul3A_2325, %add3A_2311 : vector<16xf32>
        %mul3A_2327 = vector.broadcast %mul3A_1978 : f32 to vector<16xf32>
        %mul3A_2328 = arith.mulf %mul3A_2327, %add3A_2313 : vector<16xf32>
        %add3A_2329 = arith.addf %mul3A_2326, %mul3A_2328 : vector<16xf32>
        %mul3A_2330 = vector.broadcast %mul3A_1979 : f32 to vector<16xf32>
        %mul3A_2331 = arith.mulf %mul3A_2330, %add3A_2315 : vector<16xf32>
        %add3A_2332 = arith.addf %add3A_2329, %mul3A_2331 : vector<16xf32>
        %add3A_2333 = arith.addf %add3A_2324, %add3A_2332 : vector<16xf32>
        %mul3A_2334 = vector.broadcast %mul3A_1968 : f32 to vector<16xf32>
        %mul3A_2335 = arith.mulf %add3A_2305, %mul3A_2334 : vector<16xf32>
        %add3A_2336 = arith.addf %scan3A_1896, %mul3A_2335 : vector<16xf32>
        %mul3A_2337 = vector.broadcast %mul3A_1971 : f32 to vector<16xf32>
        %mul3A_2338 = arith.mulf %add3A_2311, %mul3A_2337 : vector<16xf32>
        %add3A_2339 = arith.addf %scan3A_1897, %mul3A_2338 : vector<16xf32>
        %mul3A_2340 = vector.broadcast %mul3A_1973 : f32 to vector<16xf32>
        %mul3A_2341 = arith.mulf %add3A_2315, %mul3A_2340 : vector<16xf32>
        %add3A_2342 = arith.addf %scan3A_1898, %mul3A_2341 : vector<16xf32>
        %add3A_2343 = arith.addf %scan3A_1899, %mul3A_1968 : f32
        %add3A_2344 = arith.addf %scan3A_1900, %mul3A_1971 : f32
        %add3A_2345 = arith.addf %scan3A_1901, %mul3A_1973 : f32
        scf.yield %add3A_2333, %add3A_2336, %add3A_2339, %add3A_2342, %add3A_2343, %add3A_2344, %add3A_2345 : vector<16xf32>, vector<16xf32>, vector<16xf32>, vector<16xf32>, f32, f32, f32
      }
      %scan3A_1279 = arith.constant 64 : i32
      %add3A_1280 = arith.constant 2 : i32
      %add3A_1281 = arith.addi %mul3A_667, %add3A_1280 : i32
      %mul3A_1282 = arith.constant 64 : i32
      %mul3A_1283 = arith.muli %add3A_1281, %mul3A_1282 : i32
      %add3A_1284 = arith.constant 0 : i32
      %add3A_1285 = arith.addi %add3A_1284, %mul3A_1283 : i32
      %add3A_1286 = arith.constant 0 : i32
      %add3A_1287 = arith.addi %add3A_1285, %add3A_1286 : i32
      %get3A_1288 = arith.index_cast %add3A_1287 : i32 to index
      %get3A_1289 = tpu.vector_load %arg8[%get3A_1288] {strides = array<i32>} : memref<12608xi32, #tpu.memory_space<vmem>>, vector<16xi32>,
      %get3A_1290 = vector.shape_cast %get3A_1289 : vector<16xi32> to vector<16xi32>
      %ge3A_1291 = arith.constant 0 : i32
      %ge3A_1292 = vector.broadcast %ge3A_1291 : i32 to vector<16xi32>
      %ge3A_1293 = arith.cmpi sge, %get3A_1290, %ge3A_1292 : vector<16xi32>
      %mul3A_1294 = arith.constant 3136 : i32
      %mul3A_1295 = arith.muli %arg1, %mul3A_1294 : i32
      %mul3A_1296 = arith.constant 64 : i32
      %mul3A_1297 = arith.muli %add3A_1281, %mul3A_1296 : i32
      %add3A_1298 = arith.addi %mul3A_1295, %mul3A_1297 : i32
      %add3A_1299 = arith.constant 0 : i32
      %add3A_1300 = arith.addi %add3A_1298, %add3A_1299 : i32
      %add3A_1301 = vector.broadcast %add3A_1300 : i32 to vector<16xi32>
      %add3A_1302 = arith.addi %add3A_1301, %iota3A : vector<16xi32>
      %and3A_1303 = arith.constant 32767 : i32
      %and3A_1304 = vector.broadcast %and3A_1303 : i32 to vector<16xi32>
      %and3A_1305 = arith.andi %add3A_1302, %and3A_1304 : vector<16xi32>
      %select_n3A_1306 = arith.select %ge3A_1293, %get3A_1290, %and3A_1305 : vector<16xi1>, vector<16xi32>
      %add3A_1307 = arith.constant 0 : i32
      %add3A_1308 = vector.broadcast %add3A_1307 : i32 to vector<16xi32>
      %add3A_1309 = arith.addi %select_n3A_1306, %add3A_1308 : vector<16xi32>
      %swap3A_1310 = arith.constant 0 : index
      %swap3A_1311 = tpu.vector_load %arg9[%swap3A_1310] {strides = array<i32>} : memref<64xi32, #tpu.memory_space<vmem>>, vector<16xi32>,
      %swap3A_1312 = vector.shape_cast %swap3A_1311 : vector<16xi32> to vector<16xi32>
      %swap3A_1313 = vector.shape_cast %add3A_1309 : vector<16xi32> to vector<16xi32>
      tpu.vector_store %arg9[%swap3A_1310], %swap3A_1313 {strides = array<i32>} : memref<64xi32, #tpu.memory_space<vmem>>, vector<16xi32>,
      %mul3A_1314 = arith.constant 64 : i32
      %mul3A_1315 = arith.muli %add3A_1281, %mul3A_1314 : i32
      %add3A_1316 = arith.constant 0 : i32
      %add3A_1317 = arith.addi %add3A_1316, %mul3A_1315 : i32
      %add3A_1318 = arith.constant 16 : i32
      %add3A_1319 = arith.addi %add3A_1317, %add3A_1318 : i32
      %get3A_1320 = arith.index_cast %add3A_1319 : i32 to index
      %get3A_1321 = tpu.vector_load %arg8[%get3A_1320] {strides = array<i32>} : memref<12608xi32, #tpu.memory_space<vmem>>, vector<16xi32>,
      %get3A_1322 = vector.shape_cast %get3A_1321 : vector<16xi32> to vector<16xi32>
      %ge3A_1323 = arith.constant 0 : i32
      %ge3A_1324 = vector.broadcast %ge3A_1323 : i32 to vector<16xi32>
      %ge3A_1325 = arith.cmpi sge, %get3A_1322, %ge3A_1324 : vector<16xi32>
      %mul3A_1326 = arith.constant 3136 : i32
      %mul3A_1327 = arith.muli %arg1, %mul3A_1326 : i32
      %mul3A_1328 = arith.constant 64 : i32
      %mul3A_1329 = arith.muli %add3A_1281, %mul3A_1328 : i32
      %add3A_1330 = arith.addi %mul3A_1327, %mul3A_1329 : i32
      %add3A_1331 = arith.constant 16 : i32
      %add3A_1332 = arith.addi %add3A_1330, %add3A_1331 : i32
      %add3A_1333 = vector.broadcast %add3A_1332 : i32 to vector<16xi32>
      %add3A_1334 = arith.addi %add3A_1333, %iota3A : vector<16xi32>
      %and3A_1335 = arith.constant 32767 : i32
      %and3A_1336 = vector.broadcast %and3A_1335 : i32 to vector<16xi32>
      %and3A_1337 = arith.andi %add3A_1334, %and3A_1336 : vector<16xi32>
      %select_n3A_1338 = arith.select %ge3A_1325, %get3A_1322, %and3A_1337 : vector<16xi1>, vector<16xi32>
      %add3A_1339 = arith.constant 0 : i32
      %add3A_1340 = vector.broadcast %add3A_1339 : i32 to vector<16xi32>
      %add3A_1341 = arith.addi %select_n3A_1338, %add3A_1340 : vector<16xi32>
      %swap3A_1342 = arith.constant 16 : index
      %swap3A_1343 = tpu.vector_load %arg9[%swap3A_1342] {strides = array<i32>} : memref<64xi32, #tpu.memory_space<vmem>>, vector<16xi32>,
      %swap3A_1344 = vector.shape_cast %swap3A_1343 : vector<16xi32> to vector<16xi32>
      %swap3A_1345 = vector.shape_cast %add3A_1341 : vector<16xi32> to vector<16xi32>
      tpu.vector_store %arg9[%swap3A_1342], %swap3A_1345 {strides = array<i32>} : memref<64xi32, #tpu.memory_space<vmem>>, vector<16xi32>,
      %mul3A_1346 = arith.constant 64 : i32
      %mul3A_1347 = arith.muli %add3A_1281, %mul3A_1346 : i32
      %add3A_1348 = arith.constant 0 : i32
      %add3A_1349 = arith.addi %add3A_1348, %mul3A_1347 : i32
      %add3A_1350 = arith.constant 32 : i32
      %add3A_1351 = arith.addi %add3A_1349, %add3A_1350 : i32
      %get3A_1352 = arith.index_cast %add3A_1351 : i32 to index
      %get3A_1353 = tpu.vector_load %arg8[%get3A_1352] {strides = array<i32>} : memref<12608xi32, #tpu.memory_space<vmem>>, vector<16xi32>,
      %get3A_1354 = vector.shape_cast %get3A_1353 : vector<16xi32> to vector<16xi32>
      %ge3A_1355 = arith.constant 0 : i32
      %ge3A_1356 = vector.broadcast %ge3A_1355 : i32 to vector<16xi32>
      %ge3A_1357 = arith.cmpi sge, %get3A_1354, %ge3A_1356 : vector<16xi32>
      %mul3A_1358 = arith.constant 3136 : i32
      %mul3A_1359 = arith.muli %arg1, %mul3A_1358 : i32
      %mul3A_1360 = arith.constant 64 : i32
      %mul3A_1361 = arith.muli %add3A_1281, %mul3A_1360 : i32
      %add3A_1362 = arith.addi %mul3A_1359, %mul3A_1361 : i32
      %add3A_1363 = arith.constant 32 : i32
      %add3A_1364 = arith.addi %add3A_1362, %add3A_1363 : i32
      %add3A_1365 = vector.broadcast %add3A_1364 : i32 to vector<16xi32>
      %add3A_1366 = arith.addi %add3A_1365, %iota3A : vector<16xi32>
      %and3A_1367 = arith.constant 32767 : i32
      %and3A_1368 = vector.broadcast %and3A_1367 : i32 to vector<16xi32>
      %and3A_1369 = arith.andi %add3A_1366, %and3A_1368 : vector<16xi32>
      %select_n3A_1370 = arith.select %ge3A_1357, %get3A_1354, %and3A_1369 : vector<16xi1>, vector<16xi32>
      %add3A_1371 = arith.constant 0 : i32
      %add3A_1372 = vector.broadcast %add3A_1371 : i32 to vector<16xi32>
      %add3A_1373 = arith.addi %select_n3A_1370, %add3A_1372 : vector<16xi32>
      %swap3A_1374 = arith.constant 32 : index
      %swap3A_1375 = tpu.vector_load %arg9[%swap3A_1374] {strides = array<i32>} : memref<64xi32, #tpu.memory_space<vmem>>, vector<16xi32>,
      %swap3A_1376 = vector.shape_cast %swap3A_1375 : vector<16xi32> to vector<16xi32>
      %swap3A_1377 = vector.shape_cast %add3A_1373 : vector<16xi32> to vector<16xi32>
      tpu.vector_store %arg9[%swap3A_1374], %swap3A_1377 {strides = array<i32>} : memref<64xi32, #tpu.memory_space<vmem>>, vector<16xi32>,
      %mul3A_1378 = arith.constant 64 : i32
      %mul3A_1379 = arith.muli %add3A_1281, %mul3A_1378 : i32
      %add3A_1380 = arith.constant 0 : i32
      %add3A_1381 = arith.addi %add3A_1380, %mul3A_1379 : i32
      %add3A_1382 = arith.constant 48 : i32
      %add3A_1383 = arith.addi %add3A_1381, %add3A_1382 : i32
      %get3A_1384 = arith.index_cast %add3A_1383 : i32 to index
      %get3A_1385 = tpu.vector_load %arg8[%get3A_1384] {strides = array<i32>} : memref<12608xi32, #tpu.memory_space<vmem>>, vector<16xi32>,
      %get3A_1386 = vector.shape_cast %get3A_1385 : vector<16xi32> to vector<16xi32>
      %ge3A_1387 = arith.constant 0 : i32
      %ge3A_1388 = vector.broadcast %ge3A_1387 : i32 to vector<16xi32>
      %ge3A_1389 = arith.cmpi sge, %get3A_1386, %ge3A_1388 : vector<16xi32>
      %mul3A_1390 = arith.constant 3136 : i32
      %mul3A_1391 = arith.muli %arg1, %mul3A_1390 : i32
      %mul3A_1392 = arith.constant 64 : i32
      %mul3A_1393 = arith.muli %add3A_1281, %mul3A_1392 : i32
      %add3A_1394 = arith.addi %mul3A_1391, %mul3A_1393 : i32
      %add3A_1395 = arith.constant 48 : i32
      %add3A_1396 = arith.addi %add3A_1394, %add3A_1395 : i32
      %add3A_1397 = vector.broadcast %add3A_1396 : i32 to vector<16xi32>
      %add3A_1398 = arith.addi %add3A_1397, %iota3A : vector<16xi32>
      %and3A_1399 = arith.constant 32767 : i32
      %and3A_1400 = vector.broadcast %and3A_1399 : i32 to vector<16xi32>
      %and3A_1401 = arith.andi %add3A_1398, %and3A_1400 : vector<16xi32>
      %select_n3A_1402 = arith.select %ge3A_1389, %get3A_1386, %and3A_1401 : vector<16xi1>, vector<16xi32>
      %add3A_1403 = arith.constant 0 : i32
      %add3A_1404 = vector.broadcast %add3A_1403 : i32 to vector<16xi32>
      %add3A_1405 = arith.addi %select_n3A_1402, %add3A_1404 : vector<16xi32>
      %swap3A_1406 = arith.constant 48 : index
      %swap3A_1407 = tpu.vector_load %arg9[%swap3A_1406] {strides = array<i32>} : memref<64xi32, #tpu.memory_space<vmem>>, vector<16xi32>,
      %swap3A_1408 = vector.shape_cast %swap3A_1407 : vector<16xi32> to vector<16xi32>
      %swap3A_1409 = vector.shape_cast %add3A_1405 : vector<16xi32> to vector<16xi32>
      tpu.vector_store %arg9[%swap3A_1406], %swap3A_1409 {strides = array<i32>} : memref<64xi32, #tpu.memory_space<vmem>>, vector<16xi32>,
      %mul3A_1410 = arith.constant 64 : i32
      %mul3A_1411 = arith.muli %add3A_1281, %mul3A_1410 : i32
      %add3A_1412 = arith.constant 3152 : i32
      %add3A_1413 = arith.addi %add3A_1412, %mul3A_1411 : i32
      %add3A_1414 = arith.constant 0 : i32
      %add3A_1415 = arith.addi %add3A_1413, %add3A_1414 : i32
      %get3A_1416 = arith.index_cast %add3A_1415 : i32 to index
      %get3A_1417 = tpu.vector_load %arg8[%get3A_1416] {strides = array<i32>} : memref<12608xi32, #tpu.memory_space<vmem>>, vector<16xi32>,
      %get3A_1418 = vector.shape_cast %get3A_1417 : vector<16xi32> to vector<16xi32>
      %ge3A_1419 = arith.constant 0 : i32
      %ge3A_1420 = vector.broadcast %ge3A_1419 : i32 to vector<16xi32>
      %ge3A_1421 = arith.cmpi sge, %get3A_1418, %ge3A_1420 : vector<16xi32>
      %mul3A_1422 = arith.constant 3136 : i32
      %mul3A_1423 = arith.muli %arg1, %mul3A_1422 : i32
      %mul3A_1424 = arith.constant 64 : i32
      %mul3A_1425 = arith.muli %add3A_1281, %mul3A_1424 : i32
      %add3A_1426 = arith.addi %mul3A_1423, %mul3A_1425 : i32
      %add3A_1427 = arith.constant 0 : i32
      %add3A_1428 = arith.addi %add3A_1426, %add3A_1427 : i32
      %add3A_1429 = vector.broadcast %add3A_1428 : i32 to vector<16xi32>
      %add3A_1430 = arith.addi %add3A_1429, %iota3A : vector<16xi32>
      %and3A_1431 = arith.constant 32767 : i32
      %and3A_1432 = vector.broadcast %and3A_1431 : i32 to vector<16xi32>
      %and3A_1433 = arith.andi %add3A_1430, %and3A_1432 : vector<16xi32>
      %select_n3A_1434 = arith.select %ge3A_1421, %get3A_1418, %and3A_1433 : vector<16xi1>, vector<16xi32>
      %add3A_1435 = arith.constant 50000 : i32
      %add3A_1436 = vector.broadcast %add3A_1435 : i32 to vector<16xi32>
      %add3A_1437 = arith.addi %select_n3A_1434, %add3A_1436 : vector<16xi32>
      %swap3A_1438 = arith.constant 0 : index
      %swap3A_1439 = tpu.vector_load %arg10[%swap3A_1438] {strides = array<i32>} : memref<64xi32, #tpu.memory_space<vmem>>, vector<16xi32>,
      %swap3A_1440 = vector.shape_cast %swap3A_1439 : vector<16xi32> to vector<16xi32>
      %swap3A_1441 = vector.shape_cast %add3A_1437 : vector<16xi32> to vector<16xi32>
      tpu.vector_store %arg10[%swap3A_1438], %swap3A_1441 {strides = array<i32>} : memref<64xi32, #tpu.memory_space<vmem>>, vector<16xi32>,
      %mul3A_1442 = arith.constant 64 : i32
      %mul3A_1443 = arith.muli %add3A_1281, %mul3A_1442 : i32
      %add3A_1444 = arith.constant 3152 : i32
      %add3A_1445 = arith.addi %add3A_1444, %mul3A_1443 : i32
      %add3A_1446 = arith.constant 16 : i32
      %add3A_1447 = arith.addi %add3A_1445, %add3A_1446 : i32
      %get3A_1448 = arith.index_cast %add3A_1447 : i32 to index
      %get3A_1449 = tpu.vector_load %arg8[%get3A_1448] {strides = array<i32>} : memref<12608xi32, #tpu.memory_space<vmem>>, vector<16xi32>,
      %get3A_1450 = vector.shape_cast %get3A_1449 : vector<16xi32> to vector<16xi32>
      %ge3A_1451 = arith.constant 0 : i32
      %ge3A_1452 = vector.broadcast %ge3A_1451 : i32 to vector<16xi32>
      %ge3A_1453 = arith.cmpi sge, %get3A_1450, %ge3A_1452 : vector<16xi32>
      %mul3A_1454 = arith.constant 3136 : i32
      %mul3A_1455 = arith.muli %arg1, %mul3A_1454 : i32
      %mul3A_1456 = arith.constant 64 : i32
      %mul3A_1457 = arith.muli %add3A_1281, %mul3A_1456 : i32
      %add3A_1458 = arith.addi %mul3A_1455, %mul3A_1457 : i32
      %add3A_1459 = arith.constant 16 : i32
      %add3A_1460 = arith.addi %add3A_1458, %add3A_1459 : i32
      %add3A_1461 = vector.broadcast %add3A_1460 : i32 to vector<16xi32>
      %add3A_1462 = arith.addi %add3A_1461, %iota3A : vector<16xi32>
      %and3A_1463 = arith.constant 32767 : i32
      %and3A_1464 = vector.broadcast %and3A_1463 : i32 to vector<16xi32>
      %and3A_1465 = arith.andi %add3A_1462, %and3A_1464 : vector<16xi32>
      %select_n3A_1466 = arith.select %ge3A_1453, %get3A_1450, %and3A_1465 : vector<16xi1>, vector<16xi32>
      %add3A_1467 = arith.constant 50000 : i32
      %add3A_1468 = vector.broadcast %add3A_1467 : i32 to vector<16xi32>
      %add3A_1469 = arith.addi %select_n3A_1466, %add3A_1468 : vector<16xi32>
      %swap3A_1470 = arith.constant 16 : index
      %swap3A_1471 = tpu.vector_load %arg10[%swap3A_1470] {strides = array<i32>} : memref<64xi32, #tpu.memory_space<vmem>>, vector<16xi32>,
      %swap3A_1472 = vector.shape_cast %swap3A_1471 : vector<16xi32> to vector<16xi32>
      %swap3A_1473 = vector.shape_cast %add3A_1469 : vector<16xi32> to vector<16xi32>
      tpu.vector_store %arg10[%swap3A_1470], %swap3A_1473 {strides = array<i32>} : memref<64xi32, #tpu.memory_space<vmem>>, vector<16xi32>,
      %mul3A_1474 = arith.constant 64 : i32
      %mul3A_1475 = arith.muli %add3A_1281, %mul3A_1474 : i32
      %add3A_1476 = arith.constant 3152 : i32
      %add3A_1477 = arith.addi %add3A_1476, %mul3A_1475 : i32
      %add3A_1478 = arith.constant 32 : i32
      %add3A_1479 = arith.addi %add3A_1477, %add3A_1478 : i32
      %get3A_1480 = arith.index_cast %add3A_1479 : i32 to index
      %get3A_1481 = tpu.vector_load %arg8[%get3A_1480] {strides = array<i32>} : memref<12608xi32, #tpu.memory_space<vmem>>, vector<16xi32>,
      %get3A_1482 = vector.shape_cast %get3A_1481 : vector<16xi32> to vector<16xi32>
      %ge3A_1483 = arith.constant 0 : i32
      %ge3A_1484 = vector.broadcast %ge3A_1483 : i32 to vector<16xi32>
      %ge3A_1485 = arith.cmpi sge, %get3A_1482, %ge3A_1484 : vector<16xi32>
      %mul3A_1486 = arith.constant 3136 : i32
      %mul3A_1487 = arith.muli %arg1, %mul3A_1486 : i32
      %mul3A_1488 = arith.constant 64 : i32
      %mul3A_1489 = arith.muli %add3A_1281, %mul3A_1488 : i32
      %add3A_1490 = arith.addi %mul3A_1487, %mul3A_1489 : i32
      %add3A_1491 = arith.constant 32 : i32
      %add3A_1492 = arith.addi %add3A_1490, %add3A_1491 : i32
      %add3A_1493 = vector.broadcast %add3A_1492 : i32 to vector<16xi32>
      %add3A_1494 = arith.addi %add3A_1493, %iota3A : vector<16xi32>
      %and3A_1495 = arith.constant 32767 : i32
      %and3A_1496 = vector.broadcast %and3A_1495 : i32 to vector<16xi32>
      %and3A_1497 = arith.andi %add3A_1494, %and3A_1496 : vector<16xi32>
      %select_n3A_1498 = arith.select %ge3A_1485, %get3A_1482, %and3A_1497 : vector<16xi1>, vector<16xi32>
      %add3A_1499 = arith.constant 50000 : i32
      %add3A_1500 = vector.broadcast %add3A_1499 : i32 to vector<16xi32>
      %add3A_1501 = arith.addi %select_n3A_1498, %add3A_1500 : vector<16xi32>
      %swap3A_1502 = arith.constant 32 : index
      %swap3A_1503 = tpu.vector_load %arg10[%swap3A_1502] {strides = array<i32>} : memref<64xi32, #tpu.memory_space<vmem>>, vector<16xi32>,
      %swap3A_1504 = vector.shape_cast %swap3A_1503 : vector<16xi32> to vector<16xi32>
      %swap3A_1505 = vector.shape_cast %add3A_1501 : vector<16xi32> to vector<16xi32>
      tpu.vector_store %arg10[%swap3A_1502], %swap3A_1505 {strides = array<i32>} : memref<64xi32, #tpu.memory_space<vmem>>, vector<16xi32>,
      %mul3A_1506 = arith.constant 64 : i32
      %mul3A_1507 = arith.muli %add3A_1281, %mul3A_1506 : i32
      %add3A_1508 = arith.constant 3152 : i32
      %add3A_1509 = arith.addi %add3A_1508, %mul3A_1507 : i32
      %add3A_1510 = arith.constant 48 : i32
      %add3A_1511 = arith.addi %add3A_1509, %add3A_1510 : i32
      %get3A_1512 = arith.index_cast %add3A_1511 : i32 to index
      %get3A_1513 = tpu.vector_load %arg8[%get3A_1512] {strides = array<i32>} : memref<12608xi32, #tpu.memory_space<vmem>>, vector<16xi32>,
      %get3A_1514 = vector.shape_cast %get3A_1513 : vector<16xi32> to vector<16xi32>
      %ge3A_1515 = arith.constant 0 : i32
      %ge3A_1516 = vector.broadcast %ge3A_1515 : i32 to vector<16xi32>
      %ge3A_1517 = arith.cmpi sge, %get3A_1514, %ge3A_1516 : vector<16xi32>
      %mul3A_1518 = arith.constant 3136 : i32
      %mul3A_1519 = arith.muli %arg1, %mul3A_1518 : i32
      %mul3A_1520 = arith.constant 64 : i32
      %mul3A_1521 = arith.muli %add3A_1281, %mul3A_1520 : i32
      %add3A_1522 = arith.addi %mul3A_1519, %mul3A_1521 : i32
      %add3A_1523 = arith.constant 48 : i32
      %add3A_1524 = arith.addi %add3A_1522, %add3A_1523 : i32
      %add3A_1525 = vector.broadcast %add3A_1524 : i32 to vector<16xi32>
      %add3A_1526 = arith.addi %add3A_1525, %iota3A : vector<16xi32>
      %and3A_1527 = arith.constant 32767 : i32
      %and3A_1528 = vector.broadcast %and3A_1527 : i32 to vector<16xi32>
      %and3A_1529 = arith.andi %add3A_1526, %and3A_1528 : vector<16xi32>
      %select_n3A_1530 = arith.select %ge3A_1517, %get3A_1514, %and3A_1529 : vector<16xi1>, vector<16xi32>
      %add3A_1531 = arith.constant 50000 : i32
      %add3A_1532 = vector.broadcast %add3A_1531 : i32 to vector<16xi32>
      %add3A_1533 = arith.addi %select_n3A_1530, %add3A_1532 : vector<16xi32>
      %swap3A_1534 = arith.constant 48 : index
      %swap3A_1535 = tpu.vector_load %arg10[%swap3A_1534] {strides = array<i32>} : memref<64xi32, #tpu.memory_space<vmem>>, vector<16xi32>,
      %swap3A_1536 = vector.shape_cast %swap3A_1535 : vector<16xi32> to vector<16xi32>
      %swap3A_1537 = vector.shape_cast %add3A_1533 : vector<16xi32> to vector<16xi32>
      tpu.vector_store %arg10[%swap3A_1534], %swap3A_1537 {strides = array<i32>} : memref<64xi32, #tpu.memory_space<vmem>>, vector<16xi32>,
      %mul3A_1538 = arith.constant 64 : i32
      %mul3A_1539 = arith.muli %add3A_1281, %mul3A_1538 : i32
      %add3A_1540 = arith.constant 6304 : i32
      %add3A_1541 = arith.addi %add3A_1540, %mul3A_1539 : i32
      %add3A_1542 = arith.constant 0 : i32
      %add3A_1543 = arith.addi %add3A_1541, %add3A_1542 : i32
      %get3A_1544 = arith.index_cast %add3A_1543 : i32 to index
      %get3A_1545 = tpu.vector_load %arg8[%get3A_1544] {strides = array<i32>} : memref<12608xi32, #tpu.memory_space<vmem>>, vector<16xi32>,
      %get3A_1546 = vector.shape_cast %get3A_1545 : vector<16xi32> to vector<16xi32>
      %ge3A_1547 = arith.constant 0 : i32
      %ge3A_1548 = vector.broadcast %ge3A_1547 : i32 to vector<16xi32>
      %ge3A_1549 = arith.cmpi sge, %get3A_1546, %ge3A_1548 : vector<16xi32>
      %mul3A_1550 = arith.constant 3136 : i32
      %mul3A_1551 = arith.muli %arg1, %mul3A_1550 : i32
      %mul3A_1552 = arith.constant 64 : i32
      %mul3A_1553 = arith.muli %add3A_1281, %mul3A_1552 : i32
      %add3A_1554 = arith.addi %mul3A_1551, %mul3A_1553 : i32
      %add3A_1555 = arith.constant 0 : i32
      %add3A_1556 = arith.addi %add3A_1554, %add3A_1555 : i32
      %add3A_1557 = vector.broadcast %add3A_1556 : i32 to vector<16xi32>
      %add3A_1558 = arith.addi %add3A_1557, %iota3A : vector<16xi32>
      %and3A_1559 = arith.constant 32767 : i32
      %and3A_1560 = vector.broadcast %and3A_1559 : i32 to vector<16xi32>
      %and3A_1561 = arith.andi %add3A_1558, %and3A_1560 : vector<16xi32>
      %select_n3A_1562 = arith.select %ge3A_1549, %get3A_1546, %and3A_1561 : vector<16xi1>, vector<16xi32>
      %add3A_1563 = arith.constant 100000 : i32
      %add3A_1564 = vector.broadcast %add3A_1563 : i32 to vector<16xi32>
      %add3A_1565 = arith.addi %select_n3A_1562, %add3A_1564 : vector<16xi32>
      %swap3A_1566 = arith.constant 0 : index
      %swap3A_1567 = tpu.vector_load %arg11[%swap3A_1566] {strides = array<i32>} : memref<64xi32, #tpu.memory_space<vmem>>, vector<16xi32>,
      %swap3A_1568 = vector.shape_cast %swap3A_1567 : vector<16xi32> to vector<16xi32>
      %swap3A_1569 = vector.shape_cast %add3A_1565 : vector<16xi32> to vector<16xi32>
      tpu.vector_store %arg11[%swap3A_1566], %swap3A_1569 {strides = array<i32>} : memref<64xi32, #tpu.memory_space<vmem>>, vector<16xi32>,
      %mul3A_1570 = arith.constant 64 : i32
      %mul3A_1571 = arith.muli %add3A_1281, %mul3A_1570 : i32
      %add3A_1572 = arith.constant 6304 : i32
      %add3A_1573 = arith.addi %add3A_1572, %mul3A_1571 : i32
      %add3A_1574 = arith.constant 16 : i32
      %add3A_1575 = arith.addi %add3A_1573, %add3A_1574 : i32
      %get3A_1576 = arith.index_cast %add3A_1575 : i32 to index
      %get3A_1577 = tpu.vector_load %arg8[%get3A_1576] {strides = array<i32>} : memref<12608xi32, #tpu.memory_space<vmem>>, vector<16xi32>,
      %get3A_1578 = vector.shape_cast %get3A_1577 : vector<16xi32> to vector<16xi32>
      %ge3A_1579 = arith.constant 0 : i32
      %ge3A_1580 = vector.broadcast %ge3A_1579 : i32 to vector<16xi32>
      %ge3A_1581 = arith.cmpi sge, %get3A_1578, %ge3A_1580 : vector<16xi32>
      %mul3A_1582 = arith.constant 3136 : i32
      %mul3A_1583 = arith.muli %arg1, %mul3A_1582 : i32
      %mul3A_1584 = arith.constant 64 : i32
      %mul3A_1585 = arith.muli %add3A_1281, %mul3A_1584 : i32
      %add3A_1586 = arith.addi %mul3A_1583, %mul3A_1585 : i32
      %add3A_1587 = arith.constant 16 : i32
      %add3A_1588 = arith.addi %add3A_1586, %add3A_1587 : i32
      %add3A_1589 = vector.broadcast %add3A_1588 : i32 to vector<16xi32>
      %add3A_1590 = arith.addi %add3A_1589, %iota3A : vector<16xi32>
      %and3A_1591 = arith.constant 32767 : i32
      %and3A_1592 = vector.broadcast %and3A_1591 : i32 to vector<16xi32>
      %and3A_1593 = arith.andi %add3A_1590, %and3A_1592 : vector<16xi32>
      %select_n3A_1594 = arith.select %ge3A_1581, %get3A_1578, %and3A_1593 : vector<16xi1>, vector<16xi32>
      %add3A_1595 = arith.constant 100000 : i32
      %add3A_1596 = vector.broadcast %add3A_1595 : i32 to vector<16xi32>
      %add3A_1597 = arith.addi %select_n3A_1594, %add3A_1596 : vector<16xi32>
      %swap3A_1598 = arith.constant 16 : index
      %swap3A_1599 = tpu.vector_load %arg11[%swap3A_1598] {strides = array<i32>} : memref<64xi32, #tpu.memory_space<vmem>>, vector<16xi32>,
      %swap3A_1600 = vector.shape_cast %swap3A_1599 : vector<16xi32> to vector<16xi32>
      %swap3A_1601 = vector.shape_cast %add3A_1597 : vector<16xi32> to vector<16xi32>
      tpu.vector_store %arg11[%swap3A_1598], %swap3A_1601 {strides = array<i32>} : memref<64xi32, #tpu.memory_space<vmem>>, vector<16xi32>,
      %mul3A_1602 = arith.constant 64 : i32
      %mul3A_1603 = arith.muli %add3A_1281, %mul3A_1602 : i32
      %add3A_1604 = arith.constant 6304 : i32
      %add3A_1605 = arith.addi %add3A_1604, %mul3A_1603 : i32
      %add3A_1606 = arith.constant 32 : i32
      %add3A_1607 = arith.addi %add3A_1605, %add3A_1606 : i32
      %get3A_1608 = arith.index_cast %add3A_1607 : i32 to index
      %get3A_1609 = tpu.vector_load %arg8[%get3A_1608] {strides = array<i32>} : memref<12608xi32, #tpu.memory_space<vmem>>, vector<16xi32>,
      %get3A_1610 = vector.shape_cast %get3A_1609 : vector<16xi32> to vector<16xi32>
      %ge3A_1611 = arith.constant 0 : i32
      %ge3A_1612 = vector.broadcast %ge3A_1611 : i32 to vector<16xi32>
      %ge3A_1613 = arith.cmpi sge, %get3A_1610, %ge3A_1612 : vector<16xi32>
      %mul3A_1614 = arith.constant 3136 : i32
      %mul3A_1615 = arith.muli %arg1, %mul3A_1614 : i32
      %mul3A_1616 = arith.constant 64 : i32
      %mul3A_1617 = arith.muli %add3A_1281, %mul3A_1616 : i32
      %add3A_1618 = arith.addi %mul3A_1615, %mul3A_1617 : i32
      %add3A_1619 = arith.constant 32 : i32
      %add3A_1620 = arith.addi %add3A_1618, %add3A_1619 : i32
      %add3A_1621 = vector.broadcast %add3A_1620 : i32 to vector<16xi32>
      %add3A_1622 = arith.addi %add3A_1621, %iota3A : vector<16xi32>
      %and3A_1623 = arith.constant 32767 : i32
      %and3A_1624 = vector.broadcast %and3A_1623 : i32 to vector<16xi32>
      %and3A_1625 = arith.andi %add3A_1622, %and3A_1624 : vector<16xi32>
      %select_n3A_1626 = arith.select %ge3A_1613, %get3A_1610, %and3A_1625 : vector<16xi1>, vector<16xi32>
      %add3A_1627 = arith.constant 100000 : i32
      %add3A_1628 = vector.broadcast %add3A_1627 : i32 to vector<16xi32>
      %add3A_1629 = arith.addi %select_n3A_1626, %add3A_1628 : vector<16xi32>
      %swap3A_1630 = arith.constant 32 : index
      %swap3A_1631 = tpu.vector_load %arg11[%swap3A_1630] {strides = array<i32>} : memref<64xi32, #tpu.memory_space<vmem>>, vector<16xi32>,
      %swap3A_1632 = vector.shape_cast %swap3A_1631 : vector<16xi32> to vector<16xi32>
      %swap3A_1633 = vector.shape_cast %add3A_1629 : vector<16xi32> to vector<16xi32>
      tpu.vector_store %arg11[%swap3A_1630], %swap3A_1633 {strides = array<i32>} : memref<64xi32, #tpu.memory_space<vmem>>, vector<16xi32>,
      %mul3A_1634 = arith.constant 64 : i32
      %mul3A_1635 = arith.muli %add3A_1281, %mul3A_1634 : i32
      %add3A_1636 = arith.constant 6304 : i32
      %add3A_1637 = arith.addi %add3A_1636, %mul3A_1635 : i32
      %add3A_1638 = arith.constant 48 : i32
      %add3A_1639 = arith.addi %add3A_1637, %add3A_1638 : i32
      %get3A_1640 = arith.index_cast %add3A_1639 : i32 to index
      %get3A_1641 = tpu.vector_load %arg8[%get3A_1640] {strides = array<i32>} : memref<12608xi32, #tpu.memory_space<vmem>>, vector<16xi32>,
      %get3A_1642 = vector.shape_cast %get3A_1641 : vector<16xi32> to vector<16xi32>
      %ge3A_1643 = arith.constant 0 : i32
      %ge3A_1644 = vector.broadcast %ge3A_1643 : i32 to vector<16xi32>
      %ge3A_1645 = arith.cmpi sge, %get3A_1642, %ge3A_1644 : vector<16xi32>
      %mul3A_1646 = arith.constant 3136 : i32
      %mul3A_1647 = arith.muli %arg1, %mul3A_1646 : i32
      %mul3A_1648 = arith.constant 64 : i32
      %mul3A_1649 = arith.muli %add3A_1281, %mul3A_1648 : i32
      %add3A_1650 = arith.addi %mul3A_1647, %mul3A_1649 : i32
      %add3A_1651 = arith.constant 48 : i32
      %add3A_1652 = arith.addi %add3A_1650, %add3A_1651 : i32
      %add3A_1653 = vector.broadcast %add3A_1652 : i32 to vector<16xi32>
      %add3A_1654 = arith.addi %add3A_1653, %iota3A : vector<16xi32>
      %and3A_1655 = arith.constant 32767 : i32
      %and3A_1656 = vector.broadcast %and3A_1655 : i32 to vector<16xi32>
      %and3A_1657 = arith.andi %add3A_1654, %and3A_1656 : vector<16xi32>
      %select_n3A_1658 = arith.select %ge3A_1645, %get3A_1642, %and3A_1657 : vector<16xi1>, vector<16xi32>
      %add3A_1659 = arith.constant 100000 : i32
      %add3A_1660 = vector.broadcast %add3A_1659 : i32 to vector<16xi32>
      %add3A_1661 = arith.addi %select_n3A_1658, %add3A_1660 : vector<16xi32>
      %swap3A_1662 = arith.constant 48 : index
      %swap3A_1663 = tpu.vector_load %arg11[%swap3A_1662] {strides = array<i32>} : memref<64xi32, #tpu.memory_space<vmem>>, vector<16xi32>,
      %swap3A_1664 = vector.shape_cast %swap3A_1663 : vector<16xi32> to vector<16xi32>
      %swap3A_1665 = vector.shape_cast %add3A_1661 : vector<16xi32> to vector<16xi32>
      tpu.vector_store %arg11[%swap3A_1662], %swap3A_1665 {strides = array<i32>} : memref<64xi32, #tpu.memory_space<vmem>>, vector<16xi32>,
      %mul3A_1666 = arith.constant 64 : i32
      %mul3A_1667 = arith.muli %add3A_1281, %mul3A_1666 : i32
      %add3A_1668 = arith.constant 9456 : i32
      %add3A_1669 = arith.addi %add3A_1668, %mul3A_1667 : i32
      %add3A_1670 = arith.constant 0 : i32
      %add3A_1671 = arith.addi %add3A_1669, %add3A_1670 : i32
      %get3A_1672 = arith.index_cast %add3A_1671 : i32 to index
      %get3A_1673 = tpu.vector_load %arg8[%get3A_1672] {strides = array<i32>} : memref<12608xi32, #tpu.memory_space<vmem>>, vector<16xi32>,
      %get3A_1674 = vector.shape_cast %get3A_1673 : vector<16xi32> to vector<16xi32>
      %ge3A_1675 = arith.constant 0 : i32
      %ge3A_1676 = vector.broadcast %ge3A_1675 : i32 to vector<16xi32>
      %ge3A_1677 = arith.cmpi sge, %get3A_1674, %ge3A_1676 : vector<16xi32>
      %mul3A_1678 = arith.constant 3136 : i32
      %mul3A_1679 = arith.muli %arg1, %mul3A_1678 : i32
      %mul3A_1680 = arith.constant 64 : i32
      %mul3A_1681 = arith.muli %add3A_1281, %mul3A_1680 : i32
      %add3A_1682 = arith.addi %mul3A_1679, %mul3A_1681 : i32
      %add3A_1683 = arith.constant 0 : i32
      %add3A_1684 = arith.addi %add3A_1682, %add3A_1683 : i32
      %add3A_1685 = vector.broadcast %add3A_1684 : i32 to vector<16xi32>
      %add3A_1686 = arith.addi %add3A_1685, %iota3A : vector<16xi32>
      %and3A_1687 = arith.constant 32767 : i32
      %and3A_1688 = vector.broadcast %and3A_1687 : i32 to vector<16xi32>
      %and3A_1689 = arith.andi %add3A_1686, %and3A_1688 : vector<16xi32>
      %select_n3A_1690 = arith.select %ge3A_1677, %get3A_1674, %and3A_1689 : vector<16xi1>, vector<16xi32>
      %add3A_1691 = arith.constant 150000 : i32
      %add3A_1692 = vector.broadcast %add3A_1691 : i32 to vector<16xi32>
      %add3A_1693 = arith.addi %select_n3A_1690, %add3A_1692 : vector<16xi32>
      %swap3A_1694 = arith.constant 0 : index
      %swap3A_1695 = tpu.vector_load %arg12[%swap3A_1694] {strides = array<i32>} : memref<64xi32, #tpu.memory_space<vmem>>, vector<16xi32>,
      %swap3A_1696 = vector.shape_cast %swap3A_1695 : vector<16xi32> to vector<16xi32>
      %swap3A_1697 = vector.shape_cast %add3A_1693 : vector<16xi32> to vector<16xi32>
      tpu.vector_store %arg12[%swap3A_1694], %swap3A_1697 {strides = array<i32>} : memref<64xi32, #tpu.memory_space<vmem>>, vector<16xi32>,
      %mul3A_1698 = arith.constant 64 : i32
      %mul3A_1699 = arith.muli %add3A_1281, %mul3A_1698 : i32
      %add3A_1700 = arith.constant 9456 : i32
      %add3A_1701 = arith.addi %add3A_1700, %mul3A_1699 : i32
      %add3A_1702 = arith.constant 16 : i32
      %add3A_1703 = arith.addi %add3A_1701, %add3A_1702 : i32
      %get3A_1704 = arith.index_cast %add3A_1703 : i32 to index
      %get3A_1705 = tpu.vector_load %arg8[%get3A_1704] {strides = array<i32>} : memref<12608xi32, #tpu.memory_space<vmem>>, vector<16xi32>,
      %get3A_1706 = vector.shape_cast %get3A_1705 : vector<16xi32> to vector<16xi32>
      %ge3A_1707 = arith.constant 0 : i32
      %ge3A_1708 = vector.broadcast %ge3A_1707 : i32 to vector<16xi32>
      %ge3A_1709 = arith.cmpi sge, %get3A_1706, %ge3A_1708 : vector<16xi32>
      %mul3A_1710 = arith.constant 3136 : i32
      %mul3A_1711 = arith.muli %arg1, %mul3A_1710 : i32
      %mul3A_1712 = arith.constant 64 : i32
      %mul3A_1713 = arith.muli %add3A_1281, %mul3A_1712 : i32
      %add3A_1714 = arith.addi %mul3A_1711, %mul3A_1713 : i32
      %add3A_1715 = arith.constant 16 : i32
      %add3A_1716 = arith.addi %add3A_1714, %add3A_1715 : i32
      %add3A_1717 = vector.broadcast %add3A_1716 : i32 to vector<16xi32>
      %add3A_1718 = arith.addi %add3A_1717, %iota3A : vector<16xi32>
      %and3A_1719 = arith.constant 32767 : i32
      %and3A_1720 = vector.broadcast %and3A_1719 : i32 to vector<16xi32>
      %and3A_1721 = arith.andi %add3A_1718, %and3A_1720 : vector<16xi32>
      %select_n3A_1722 = arith.select %ge3A_1709, %get3A_1706, %and3A_1721 : vector<16xi1>, vector<16xi32>
      %add3A_1723 = arith.constant 150000 : i32
      %add3A_1724 = vector.broadcast %add3A_1723 : i32 to vector<16xi32>
      %add3A_1725 = arith.addi %select_n3A_1722, %add3A_1724 : vector<16xi32>
      %swap3A_1726 = arith.constant 16 : index
      %swap3A_1727 = tpu.vector_load %arg12[%swap3A_1726] {strides = array<i32>} : memref<64xi32, #tpu.memory_space<vmem>>, vector<16xi32>,
      %swap3A_1728 = vector.shape_cast %swap3A_1727 : vector<16xi32> to vector<16xi32>
      %swap3A_1729 = vector.shape_cast %add3A_1725 : vector<16xi32> to vector<16xi32>
      tpu.vector_store %arg12[%swap3A_1726], %swap3A_1729 {strides = array<i32>} : memref<64xi32, #tpu.memory_space<vmem>>, vector<16xi32>,
      %mul3A_1730 = arith.constant 64 : i32
      %mul3A_1731 = arith.muli %add3A_1281, %mul3A_1730 : i32
      %add3A_1732 = arith.constant 9456 : i32
      %add3A_1733 = arith.addi %add3A_1732, %mul3A_1731 : i32
      %add3A_1734 = arith.constant 32 : i32
      %add3A_1735 = arith.addi %add3A_1733, %add3A_1734 : i32
      %get3A_1736 = arith.index_cast %add3A_1735 : i32 to index
      %get3A_1737 = tpu.vector_load %arg8[%get3A_1736] {strides = array<i32>} : memref<12608xi32, #tpu.memory_space<vmem>>, vector<16xi32>,
      %get3A_1738 = vector.shape_cast %get3A_1737 : vector<16xi32> to vector<16xi32>
      %ge3A_1739 = arith.constant 0 : i32
      %ge3A_1740 = vector.broadcast %ge3A_1739 : i32 to vector<16xi32>
      %ge3A_1741 = arith.cmpi sge, %get3A_1738, %ge3A_1740 : vector<16xi32>
      %mul3A_1742 = arith.constant 3136 : i32
      %mul3A_1743 = arith.muli %arg1, %mul3A_1742 : i32
      %mul3A_1744 = arith.constant 64 : i32
      %mul3A_1745 = arith.muli %add3A_1281, %mul3A_1744 : i32
      %add3A_1746 = arith.addi %mul3A_1743, %mul3A_1745 : i32
      %add3A_1747 = arith.constant 32 : i32
      %add3A_1748 = arith.addi %add3A_1746, %add3A_1747 : i32
      %add3A_1749 = vector.broadcast %add3A_1748 : i32 to vector<16xi32>
      %add3A_1750 = arith.addi %add3A_1749, %iota3A : vector<16xi32>
      %and3A_1751 = arith.constant 32767 : i32
      %and3A_1752 = vector.broadcast %and3A_1751 : i32 to vector<16xi32>
      %and3A_1753 = arith.andi %add3A_1750, %and3A_1752 : vector<16xi32>
      %select_n3A_1754 = arith.select %ge3A_1741, %get3A_1738, %and3A_1753 : vector<16xi1>, vector<16xi32>
      %add3A_1755 = arith.constant 150000 : i32
      %add3A_1756 = vector.broadcast %add3A_1755 : i32 to vector<16xi32>
      %add3A_1757 = arith.addi %select_n3A_1754, %add3A_1756 : vector<16xi32>
      %swap3A_1758 = arith.constant 32 : index
      %swap3A_1759 = tpu.vector_load %arg12[%swap3A_1758] {strides = array<i32>} : memref<64xi32, #tpu.memory_space<vmem>>, vector<16xi32>,
      %swap3A_1760 = vector.shape_cast %swap3A_1759 : vector<16xi32> to vector<16xi32>
      %swap3A_1761 = vector.shape_cast %add3A_1757 : vector<16xi32> to vector<16xi32>
      tpu.vector_store %arg12[%swap3A_1758], %swap3A_1761 {strides = array<i32>} : memref<64xi32, #tpu.memory_space<vmem>>, vector<16xi32>,
      %mul3A_1762 = arith.constant 64 : i32
      %mul3A_1763 = arith.muli %add3A_1281, %mul3A_1762 : i32
      %add3A_1764 = arith.constant 9456 : i32
      %add3A_1765 = arith.addi %add3A_1764, %mul3A_1763 : i32
      %add3A_1766 = arith.constant 48 : i32
      %add3A_1767 = arith.addi %add3A_1765, %add3A_1766 : i32
      %get3A_1768 = arith.index_cast %add3A_1767 : i32 to index
      %get3A_1769 = tpu.vector_load %arg8[%get3A_1768] {strides = array<i32>} : memref<12608xi32, #tpu.memory_space<vmem>>, vector<16xi32>,
      %get3A_1770 = vector.shape_cast %get3A_1769 : vector<16xi32> to vector<16xi32>
      %ge3A_1771 = arith.constant 0 : i32
      %ge3A_1772 = vector.broadcast %ge3A_1771 : i32 to vector<16xi32>
      %ge3A_1773 = arith.cmpi sge, %get3A_1770, %ge3A_1772 : vector<16xi32>
      %mul3A_1774 = arith.constant 3136 : i32
      %mul3A_1775 = arith.muli %arg1, %mul3A_1774 : i32
      %mul3A_1776 = arith.constant 64 : i32
      %mul3A_1777 = arith.muli %add3A_1281, %mul3A_1776 : i32
      %add3A_1778 = arith.addi %mul3A_1775, %mul3A_1777 : i32
      %add3A_1779 = arith.constant 48 : i32
      %add3A_1780 = arith.addi %add3A_1778, %add3A_1779 : i32
      %add3A_1781 = vector.broadcast %add3A_1780 : i32 to vector<16xi32>
      %add3A_1782 = arith.addi %add3A_1781, %iota3A : vector<16xi32>
      %and3A_1783 = arith.constant 32767 : i32
      %and3A_1784 = vector.broadcast %and3A_1783 : i32 to vector<16xi32>
      %and3A_1785 = arith.andi %add3A_1782, %and3A_1784 : vector<16xi32>
      %select_n3A_1786 = arith.select %ge3A_1773, %get3A_1770, %and3A_1785 : vector<16xi1>, vector<16xi32>
      %add3A_1787 = arith.constant 150000 : i32
      %add3A_1788 = vector.broadcast %add3A_1787 : i32 to vector<16xi32>
      %add3A_1789 = arith.addi %select_n3A_1786, %add3A_1788 : vector<16xi32>
      %swap3A_1790 = arith.constant 48 : index
      %swap3A_1791 = tpu.vector_load %arg12[%swap3A_1790] {strides = array<i32>} : memref<64xi32, #tpu.memory_space<vmem>>, vector<16xi32>,
      %swap3A_1792 = vector.shape_cast %swap3A_1791 : vector<16xi32> to vector<16xi32>
      %swap3A_1793 = vector.shape_cast %add3A_1789 : vector<16xi32> to vector<16xi32>
      tpu.vector_store %arg12[%swap3A_1790], %swap3A_1793 {strides = array<i32>} : memref<64xi32, #tpu.memory_space<vmem>>, vector<16xi32>,
      %dma_start3A_1794 = arith.constant 0 : i32
      %dma_start3A_1795 = arith.constant 0 : i32
      %dma_start3A_1796 = arith.constant 0 : i32
      %dma_start3A_1797 = tpu.memref_slice %arg17[%dma_start3A_1794, %dma_start3A_1795, %dma_start3A_1796] : memref<4x64x128xf32, #tpu.memory_space<vmem>> -> memref<1x64x128xf32, #tpu.memory_space<vmem>>
      %dma_start3A_1798 = tpu.memref_squeeze %dma_start3A_1797 : memref<1x64x128xf32, #tpu.memory_space<vmem>> -> memref<64x128xf32, #tpu.memory_space<vmem>>
      %dma_start3A_1799 = arith.constant 0 : i32
      %dma_start3A_1800 = arith.constant 0 : i32
      %dma_start3A_1801 = tpu.memref_slice %arg2[%dma_start3A_1799, %dma_start3A_1800] : memref<200000x128xf32, #tpu.memory_space<hbm>> -> memref<200000x128xf32, #tpu.memory_space<hbm>>
      tpu.enqueue_indirect_dma source(%dma_start3A_1801 : memref<200000x128xf32, #tpu.memory_space<hbm>>) target(%dma_start3A_1798 : memref<64x128xf32, #tpu.memory_space<vmem>>) offsets(%arg9 : memref<64xi32, #tpu.memory_space<vmem>>) semaphore(%arg20 : memref<!tpu.dma_semaphore, #tpu.memory_space<semaphore_mem>>)
      %dma_start3A_1802 = arith.constant 1 : i32
      %dma_start3A_1803 = arith.constant 0 : i32
      %dma_start3A_1804 = arith.constant 0 : i32
      %dma_start3A_1805 = tpu.memref_slice %arg17[%dma_start3A_1802, %dma_start3A_1803, %dma_start3A_1804] : memref<4x64x128xf32, #tpu.memory_space<vmem>> -> memref<1x64x128xf32, #tpu.memory_space<vmem>>
      %dma_start3A_1806 = tpu.memref_squeeze %dma_start3A_1805 : memref<1x64x128xf32, #tpu.memory_space<vmem>> -> memref<64x128xf32, #tpu.memory_space<vmem>>
      %dma_start3A_1807 = arith.constant 0 : i32
      %dma_start3A_1808 = arith.constant 0 : i32
      %dma_start3A_1809 = tpu.memref_slice %arg2[%dma_start3A_1807, %dma_start3A_1808] : memref<200000x128xf32, #tpu.memory_space<hbm>> -> memref<200000x128xf32, #tpu.memory_space<hbm>>
      tpu.enqueue_indirect_dma source(%dma_start3A_1809 : memref<200000x128xf32, #tpu.memory_space<hbm>>) target(%dma_start3A_1806 : memref<64x128xf32, #tpu.memory_space<vmem>>) offsets(%arg10 : memref<64xi32, #tpu.memory_space<vmem>>) semaphore(%arg20 : memref<!tpu.dma_semaphore, #tpu.memory_space<semaphore_mem>>)
      %dma_start3A_1810 = arith.constant 2 : i32
      %dma_start3A_1811 = arith.constant 0 : i32
      %dma_start3A_1812 = arith.constant 0 : i32
      %dma_start3A_1813 = tpu.memref_slice %arg17[%dma_start3A_1810, %dma_start3A_1811, %dma_start3A_1812] : memref<4x64x128xf32, #tpu.memory_space<vmem>> -> memref<1x64x128xf32, #tpu.memory_space<vmem>>
      %dma_start3A_1814 = tpu.memref_squeeze %dma_start3A_1813 : memref<1x64x128xf32, #tpu.memory_space<vmem>> -> memref<64x128xf32, #tpu.memory_space<vmem>>
      %dma_start3A_1815 = arith.constant 0 : i32
      %dma_start3A_1816 = arith.constant 0 : i32
      %dma_start3A_1817 = tpu.memref_slice %arg2[%dma_start3A_1815, %dma_start3A_1816] : memref<200000x128xf32, #tpu.memory_space<hbm>> -> memref<200000x128xf32, #tpu.memory_space<hbm>>
      tpu.enqueue_indirect_dma source(%dma_start3A_1817 : memref<200000x128xf32, #tpu.memory_space<hbm>>) target(%dma_start3A_1814 : memref<64x128xf32, #tpu.memory_space<vmem>>) offsets(%arg11 : memref<64xi32, #tpu.memory_space<vmem>>) semaphore(%arg20 : memref<!tpu.dma_semaphore, #tpu.memory_space<semaphore_mem>>)
      %dma_start3A_1818 = arith.constant 3 : i32
      %dma_start3A_1819 = arith.constant 0 : i32
      %dma_start3A_1820 = arith.constant 0 : i32
      %dma_start3A_1821 = tpu.memref_slice %arg17[%dma_start3A_1818, %dma_start3A_1819, %dma_start3A_1820] : memref<4x64x128xf32, #tpu.memory_space<vmem>> -> memref<1x64x128xf32, #tpu.memory_space<vmem>>
      %dma_start3A_1822 = tpu.memref_squeeze %dma_start3A_1821 : memref<1x64x128xf32, #tpu.memory_space<vmem>> -> memref<64x128xf32, #tpu.memory_space<vmem>>
      %dma_start3A_1823 = arith.constant 0 : i32
      %dma_start3A_1824 = arith.constant 0 : i32
      %dma_start3A_1825 = tpu.memref_slice %arg2[%dma_start3A_1823, %dma_start3A_1824] : memref<200000x128xf32, #tpu.memory_space<hbm>> -> memref<200000x128xf32, #tpu.memory_space<hbm>>
      tpu.enqueue_indirect_dma source(%dma_start3A_1825 : memref<200000x128xf32, #tpu.memory_space<hbm>>) target(%dma_start3A_1822 : memref<64x128xf32, #tpu.memory_space<vmem>>) offsets(%arg12 : memref<64xi32, #tpu.memory_space<vmem>>) semaphore(%arg20 : memref<!tpu.dma_semaphore, #tpu.memory_space<semaphore_mem>>)
      %dma_wait3A_1826 = arith.constant 0 : i32
      %dma_wait3A_1827 = arith.constant 0 : i32
      %dma_wait3A_1828 = arith.constant 0 : i32
      %dma_wait3A_1829 = tpu.memref_slice %arg18[%dma_wait3A_1826, %dma_wait3A_1827, %dma_wait3A_1828] : memref<4x64x128xf32, #tpu.memory_space<vmem>> -> memref<1x64x128xf32, #tpu.memory_space<vmem>>
      %dma_wait3A_1830 = tpu.memref_squeeze %dma_wait3A_1829 : memref<1x64x128xf32, #tpu.memory_space<vmem>> -> memref<64x128xf32, #tpu.memory_space<vmem>>
      %dma_wait3A_1831 = arith.constant 0 : i32
      %dma_wait3A_1832 = arith.constant 0 : i32
      %dma_wait3A_1833 = tpu.memref_slice %arg2[%dma_wait3A_1831, %dma_wait3A_1832] : memref<200000x128xf32, #tpu.memory_space<hbm>> -> memref<64x128xf32, #tpu.memory_space<hbm>>
      %dma_wait3A_1834 = arith.constant 0 : i32
      %dma_wait3A_1835 = arith.constant 0 : i32
      %dma_wait3A_1836 = tpu.memref_slice %arg18[%dma_wait3A_1826, %dma_wait3A_1834, %dma_wait3A_1835] : memref<4x64x128xf32, #tpu.memory_space<vmem>> -> memref<1x64x128xf32, #tpu.memory_space<vmem>>
      %dma_wait3A_1837 = tpu.memref_squeeze %dma_wait3A_1836 : memref<1x64x128xf32, #tpu.memory_space<vmem>> -> memref<64x128xf32, #tpu.memory_space<vmem>>
      %dma_wait3A_1838 = arith.constant 0 : i32
      %dma_wait3A_1839 = arith.constant 0 : i32
      %dma_wait3A_1840 = tpu.memref_slice %arg2[%dma_wait3A_1838, %dma_wait3A_1839] : memref<200000x128xf32, #tpu.memory_space<hbm>> -> memref<64x128xf32, #tpu.memory_space<hbm>>
      tpu.wait_dma2 semaphore(%arg21 : memref<!tpu.dma_semaphore, #tpu.memory_space<semaphore_mem>>) src(%dma_wait3A_1840 : memref<64x128xf32, #tpu.memory_space<hbm>>) dst(%dma_wait3A_1837 : memref<64x128xf32, #tpu.memory_space<vmem>>)
      %dma_wait3A_1841 = arith.constant 1 : i32
      %dma_wait3A_1842 = arith.constant 0 : i32
      %dma_wait3A_1843 = arith.constant 0 : i32
      %dma_wait3A_1844 = tpu.memref_slice %arg18[%dma_wait3A_1841, %dma_wait3A_1842, %dma_wait3A_1843] : memref<4x64x128xf32, #tpu.memory_space<vmem>> -> memref<1x64x128xf32, #tpu.memory_space<vmem>>
      %dma_wait3A_1845 = tpu.memref_squeeze %dma_wait3A_1844 : memref<1x64x128xf32, #tpu.memory_space<vmem>> -> memref<64x128xf32, #tpu.memory_space<vmem>>
      %dma_wait3A_1846 = arith.constant 0 : i32
      %dma_wait3A_1847 = arith.constant 0 : i32
      %dma_wait3A_1848 = tpu.memref_slice %arg2[%dma_wait3A_1846, %dma_wait3A_1847] : memref<200000x128xf32, #tpu.memory_space<hbm>> -> memref<64x128xf32, #tpu.memory_space<hbm>>
      %dma_wait3A_1849 = arith.constant 0 : i32
      %dma_wait3A_1850 = arith.constant 0 : i32
      %dma_wait3A_1851 = tpu.memref_slice %arg18[%dma_wait3A_1841, %dma_wait3A_1849, %dma_wait3A_1850] : memref<4x64x128xf32, #tpu.memory_space<vmem>> -> memref<1x64x128xf32, #tpu.memory_space<vmem>>
      %dma_wait3A_1852 = tpu.memref_squeeze %dma_wait3A_1851 : memref<1x64x128xf32, #tpu.memory_space<vmem>> -> memref<64x128xf32, #tpu.memory_space<vmem>>
      %dma_wait3A_1853 = arith.constant 0 : i32
      %dma_wait3A_1854 = arith.constant 0 : i32
      %dma_wait3A_1855 = tpu.memref_slice %arg2[%dma_wait3A_1853, %dma_wait3A_1854] : memref<200000x128xf32, #tpu.memory_space<hbm>> -> memref<64x128xf32, #tpu.memory_space<hbm>>
      tpu.wait_dma2 semaphore(%arg21 : memref<!tpu.dma_semaphore, #tpu.memory_space<semaphore_mem>>) src(%dma_wait3A_1855 : memref<64x128xf32, #tpu.memory_space<hbm>>) dst(%dma_wait3A_1852 : memref<64x128xf32, #tpu.memory_space<vmem>>)
      %dma_wait3A_1856 = arith.constant 2 : i32
      %dma_wait3A_1857 = arith.constant 0 : i32
      %dma_wait3A_1858 = arith.constant 0 : i32
      %dma_wait3A_1859 = tpu.memref_slice %arg18[%dma_wait3A_1856, %dma_wait3A_1857, %dma_wait3A_1858] : memref<4x64x128xf32, #tpu.memory_space<vmem>> -> memref<1x64x128xf32, #tpu.memory_space<vmem>>
      %dma_wait3A_1860 = tpu.memref_squeeze %dma_wait3A_1859 : memref<1x64x128xf32, #tpu.memory_space<vmem>> -> memref<64x128xf32, #tpu.memory_space<vmem>>
      %dma_wait3A_1861 = arith.constant 0 : i32
      %dma_wait3A_1862 = arith.constant 0 : i32
      %dma_wait3A_1863 = tpu.memref_slice %arg2[%dma_wait3A_1861, %dma_wait3A_1862] : memref<200000x128xf32, #tpu.memory_space<hbm>> -> memref<64x128xf32, #tpu.memory_space<hbm>>
      %dma_wait3A_1864 = arith.constant 0 : i32
      %dma_wait3A_1865 = arith.constant 0 : i32
      %dma_wait3A_1866 = tpu.memref_slice %arg18[%dma_wait3A_1856, %dma_wait3A_1864, %dma_wait3A_1865] : memref<4x64x128xf32, #tpu.memory_space<vmem>> -> memref<1x64x128xf32, #tpu.memory_space<vmem>>
      %dma_wait3A_1867 = tpu.memref_squeeze %dma_wait3A_1866 : memref<1x64x128xf32, #tpu.memory_space<vmem>> -> memref<64x128xf32, #tpu.memory_space<vmem>>
      %dma_wait3A_1868 = arith.constant 0 : i32
      %dma_wait3A_1869 = arith.constant 0 : i32
      %dma_wait3A_1870 = tpu.memref_slice %arg2[%dma_wait3A_1868, %dma_wait3A_1869] : memref<200000x128xf32, #tpu.memory_space<hbm>> -> memref<64x128xf32, #tpu.memory_space<hbm>>
      tpu.wait_dma2 semaphore(%arg21 : memref<!tpu.dma_semaphore, #tpu.memory_space<semaphore_mem>>) src(%dma_wait3A_1870 : memref<64x128xf32, #tpu.memory_space<hbm>>) dst(%dma_wait3A_1867 : memref<64x128xf32, #tpu.memory_space<vmem>>)
      %dma_wait3A_1871 = arith.constant 3 : i32
      %dma_wait3A_1872 = arith.constant 0 : i32
      %dma_wait3A_1873 = arith.constant 0 : i32
      %dma_wait3A_1874 = tpu.memref_slice %arg18[%dma_wait3A_1871, %dma_wait3A_1872, %dma_wait3A_1873] : memref<4x64x128xf32, #tpu.memory_space<vmem>> -> memref<1x64x128xf32, #tpu.memory_space<vmem>>
      %dma_wait3A_1875 = tpu.memref_squeeze %dma_wait3A_1874 : memref<1x64x128xf32, #tpu.memory_space<vmem>> -> memref<64x128xf32, #tpu.memory_space<vmem>>
      %dma_wait3A_1876 = arith.constant 0 : i32
      %dma_wait3A_1877 = arith.constant 0 : i32
      %dma_wait3A_1878 = tpu.memref_slice %arg2[%dma_wait3A_1876, %dma_wait3A_1877] : memref<200000x128xf32, #tpu.memory_space<hbm>> -> memref<64x128xf32, #tpu.memory_space<hbm>>
      %dma_wait3A_1879 = arith.constant 0 : i32
      %dma_wait3A_1880 = arith.constant 0 : i32
      %dma_wait3A_1881 = tpu.memref_slice %arg18[%dma_wait3A_1871, %dma_wait3A_1879, %dma_wait3A_1880] : memref<4x64x128xf32, #tpu.memory_space<vmem>> -> memref<1x64x128xf32, #tpu.memory_space<vmem>>
      %dma_wait3A_1882 = tpu.memref_squeeze %dma_wait3A_1881 : memref<1x64x128xf32, #tpu.memory_space<vmem>> -> memref<64x128xf32, #tpu.memory_space<vmem>>
      %dma_wait3A_1883 = arith.constant 0 : i32
      %dma_wait3A_1884 = arith.constant 0 : i32
      %dma_wait3A_1885 = tpu.memref_slice %arg2[%dma_wait3A_1883, %dma_wait3A_1884] : memref<200000x128xf32, #tpu.memory_space<hbm>> -> memref<64x128xf32, #tpu.memory_space<hbm>>
      tpu.wait_dma2 semaphore(%arg21 : memref<!tpu.dma_semaphore, #tpu.memory_space<semaphore_mem>>) src(%dma_wait3A_1885 : memref<64x128xf32, #tpu.memory_space<hbm>>) dst(%dma_wait3A_1882 : memref<64x128xf32, #tpu.memory_space<vmem>>)
      %add3A_1886 = arith.constant 1 : i32
      %add3A_1887 = arith.addi %mul3A_667, %add3A_1886 : i32
      %scan3A_1888 = arith.constant 0 : i32
      %scan3A_1889 = arith.constant 64 : i32
      %scan3A_1890 = arith.addi %scan3A_1888, %scan3A_1889 : i32
      %scan3A_1891 = arith.constant 1 : i32
      %scan3A_1892:7 = scf.for %scan3A_1894 = %scan3A_1888 to %scan3A_1890 step %scan3A_1891 iter_args(%scan3A_1895 = %scan3A_1278#0, %scan3A_1896 = %scan3A_1278#1, %scan3A_1897 = %scan3A_1278#2, %scan3A_1898 = %scan3A_1278#3, %scan3A_1899 = %scan3A_1278#4, %scan3A_1900 = %scan3A_1278#5, %scan3A_1901 = %scan3A_1278#6) -> (vector<16xf32>, vector<16xf32>, vector<16xf32>, vector<16xf32>, f32, f32, f32)  : i32 {
        %mul3A_1902 = arith.constant 64 : i32
        %mul3A_1903 = arith.muli %add3A_1887, %mul3A_1902 : i32
        %add3A_1904 = arith.addi %mul3A_1903, %scan3A_1894 : i32
        %get3A_1905 = arith.index_cast %add3A_1904 : i32 to index
        %get3A_1906 = tpu.vector_load %arg8[%get3A_1905] {strides = array<i32>} : memref<12608xi32, #tpu.memory_space<vmem>>, vector<16xi32>,
        %get3A_1907 = vector.shape_cast %get3A_1906 : vector<16xi32> to vector<16xi32>
        %slice3A = vector.extract_strided_slice %get3A_1907 {offsets = [0], sizes = [1], strides = [1]} : vector<16xi32> to vector<1xi32>
        %squeeze3A = vector.extract %slice3A[0] : i32 from vector<1xi32>
        %ge3A_1908 = arith.constant 0 : i32
        %ge3A_1909 = arith.cmpi sge, %squeeze3A, %ge3A_1908 : i32
        %jit3A_1910 = arith.constant 1.000000e+00 : f32
        %jit3A_1911 = arith.constant 0.000000e+00 : f32
        %select_n3A_1912 = arith.select %ge3A_1909, %jit3A_1910, %jit3A_1911 : f32
        %add3A_1913 = arith.constant 3152 : i32
        %add3A_1914 = arith.addi %add3A_1913, %add3A_1904 : i32
        %get3A_1915 = arith.index_cast %add3A_1914 : i32 to index
        %get3A_1916 = tpu.vector_load %arg8[%get3A_1915] {strides = array<i32>} : memref<12608xi32, #tpu.memory_space<vmem>>, vector<16xi32>,
        %get3A_1917 = vector.shape_cast %get3A_1916 : vector<16xi32> to vector<16xi32>
        %slice3A_1918 = vector.extract_strided_slice %get3A_1917 {offsets = [0], sizes = [1], strides = [1]} : vector<16xi32> to vector<1xi32>
        %squeeze3A_1919 = vector.extract %slice3A_1918[0] : i32 from vector<1xi32>
        %ge3A_1920 = arith.constant 0 : i32
        %ge3A_1921 = arith.cmpi sge, %squeeze3A_1919, %ge3A_1920 : i32
        %jit3A_1922 = arith.constant 1.000000e+00 : f32
        %jit3A_1923 = arith.constant 0.000000e+00 : f32
        %select_n3A_1924 = arith.select %ge3A_1921, %jit3A_1922, %jit3A_1923 : f32
        %add3A_1925 = arith.constant 6304 : i32
        %add3A_1926 = arith.addi %add3A_1925, %add3A_1904 : i32
        %get3A_1927 = arith.index_cast %add3A_1926 : i32 to index
        %get3A_1928 = tpu.vector_load %arg8[%get3A_1927] {strides = array<i32>} : memref<12608xi32, #tpu.memory_space<vmem>>, vector<16xi32>,
        %get3A_1929 = vector.shape_cast %get3A_1928 : vector<16xi32> to vector<16xi32>
        %slice3A_1930 = vector.extract_strided_slice %get3A_1929 {offsets = [0], sizes = [1], strides = [1]} : vector<16xi32> to vector<1xi32>
        %squeeze3A_1931 = vector.extract %slice3A_1930[0] : i32 from vector<1xi32>
        %ge3A_1932 = arith.constant 0 : i32
        %ge3A_1933 = arith.cmpi sge, %squeeze3A_1931, %ge3A_1932 : i32
        %jit3A_1934 = arith.constant 1.000000e+00 : f32
        %jit3A_1935 = arith.constant 0.000000e+00 : f32
        %select_n3A_1936 = arith.select %ge3A_1933, %jit3A_1934, %jit3A_1935 : f32
        %add3A_1937 = arith.constant 9456 : i32
        %add3A_1938 = arith.addi %add3A_1937, %add3A_1904 : i32
        %get3A_1939 = arith.index_cast %add3A_1938 : i32 to index
        %get3A_1940 = tpu.vector_load %arg8[%get3A_1939] {strides = array<i32>} : memref<12608xi32, #tpu.memory_space<vmem>>, vector<16xi32>,
        %get3A_1941 = vector.shape_cast %get3A_1940 : vector<16xi32> to vector<16xi32>
        %slice3A_1942 = vector.extract_strided_slice %get3A_1941 {offsets = [0], sizes = [1], strides = [1]} : vector<16xi32> to vector<1xi32>
        %squeeze3A_1943 = vector.extract %slice3A_1942[0] : i32 from vector<1xi32>
        %ge3A_1944 = arith.constant 0 : i32
        %ge3A_1945 = arith.cmpi sge, %squeeze3A_1943, %ge3A_1944 : i32
        %jit3A_1946 = arith.constant 1.000000e+00 : f32
        %jit3A_1947 = arith.constant 0.000000e+00 : f32
        %select_n3A_1948 = arith.select %ge3A_1945, %jit3A_1946, %jit3A_1947 : f32
        %add3A_1949 = arith.addf %select_n3A_1912, %select_n3A_1924 : f32
        %add3A_1950 = arith.addf %add3A_1949, %select_n3A_1936 : f32
        %add3A_1951 = arith.addf %add3A_1950, %select_n3A_1948 : f32
        %gt3A = arith.constant 2.500000e+00 : f32
        %gt3A_1952 = arith.cmpf ogt, %add3A_1951, %gt3A : f32
        %gt3A_1953 = arith.constant 3.500000e+00 : f32
        %gt3A_1954 = arith.cmpf ogt, %add3A_1951, %gt3A_1953 : f32
        %jit3A_1955 = arith.constant 2.500000e-01 : f32
        %jit3A_1956 = arith.constant 0.333333343 : f32
        %select_n3A_1957 = arith.select %gt3A_1954, %jit3A_1955, %jit3A_1956 : f32
        %gt3A_1958 = arith.constant 1.500000e+00 : f32
        %gt3A_1959 = arith.cmpf ogt, %add3A_1951, %gt3A_1958 : f32
        %gt3A_1960 = arith.constant 5.000000e-01 : f32
        %gt3A_1961 = arith.cmpf ogt, %add3A_1951, %gt3A_1960 : f32
        %jit3A_1962 = arith.constant 1.000000e+00 : f32
        %jit3A_1963 = arith.constant 0.000000e+00 : f32
        %select_n3A_1964 = arith.select %gt3A_1961, %jit3A_1962, %jit3A_1963 : f32
        %jit3A_1965 = arith.constant 5.000000e-01 : f32
        %select_n3A_1966 = arith.select %gt3A_1959, %jit3A_1965, %select_n3A_1964 : f32
        %select_n3A_1967 = arith.select %gt3A_1952, %select_n3A_1957, %select_n3A_1966 : f32
        %mul3A_1968 = arith.mulf %select_n3A_1912, %select_n3A_1924 : f32
        %mul3A_1969 = arith.mulf %select_n3A_1912, %select_n3A_1936 : f32
        %mul3A_1970 = arith.mulf %select_n3A_1912, %select_n3A_1948 : f32
        %mul3A_1971 = arith.mulf %select_n3A_1924, %select_n3A_1936 : f32
        %mul3A_1972 = arith.mulf %select_n3A_1924, %select_n3A_1948 : f32
        %mul3A_1973 = arith.mulf %select_n3A_1936, %select_n3A_1948 : f32
        %mul3A_1974 = arith.mulf %select_n3A_1967, %mul3A_1968 : f32
        %mul3A_1975 = arith.mulf %select_n3A_1967, %mul3A_1969 : f32
        %mul3A_1976 = arith.mulf %select_n3A_1967, %mul3A_1970 : f32
        %mul3A_1977 = arith.mulf %select_n3A_1967, %mul3A_1971 : f32
        %mul3A_1978 = arith.mulf %select_n3A_1967, %mul3A_1972 : f32
        %mul3A_1979 = arith.mulf %select_n3A_1967, %mul3A_1973 : f32
        %get3A_1980 = arith.constant 0 : i32
        %get3A_1981 = arith.index_cast %get3A_1980 : i32 to index
        %get3A_1982 = arith.index_cast %scan3A_1894 : i32 to index
        %get3A_1983 = arith.constant 0 : index
        %get3A_1984 = tpu.vector_load %arg18[%get3A_1981, %get3A_1982, %get3A_1983] {strides = array<i32>} : memref<4x64x128xf32, #tpu.memory_space<vmem>>, vector<1x1x16xf32>,
        %get3A_1985 = vector.shape_cast %get3A_1984 : vector<1x1x16xf32> to vector<16xf32>
        %get3A_1986 = arith.constant 1 : i32
        %get3A_1987 = arith.index_cast %get3A_1986 : i32 to index
        %get3A_1988 = arith.index_cast %scan3A_1894 : i32 to index
        %get3A_1989 = arith.constant 0 : index
        %get3A_1990 = tpu.vector_load %arg18[%get3A_1987, %get3A_1988, %get3A_1989] {strides = array<i32>} : memref<4x64x128xf32, #tpu.memory_space<vmem>>, vector<1x1x16xf32>,
        %get3A_1991 = vector.shape_cast %get3A_1990 : vector<1x1x16xf32> to vector<16xf32>
        %get3A_1992 = arith.constant 2 : i32
        %get3A_1993 = arith.index_cast %get3A_1992 : i32 to index
        %get3A_1994 = arith.index_cast %scan3A_1894 : i32 to index
        %get3A_1995 = arith.constant 0 : index
        %get3A_1996 = tpu.vector_load %arg18[%get3A_1993, %get3A_1994, %get3A_1995] {strides = array<i32>} : memref<4x64x128xf32, #tpu.memory_space<vmem>>, vector<1x1x16xf32>,
        %get3A_1997 = vector.shape_cast %get3A_1996 : vector<1x1x16xf32> to vector<16xf32>
        %get3A_1998 = arith.constant 3 : i32
        %get3A_1999 = arith.index_cast %get3A_1998 : i32 to index
        %get3A_2000 = arith.index_cast %scan3A_1894 : i32 to index
        %get3A_2001 = arith.constant 0 : index
        %get3A_2002 = tpu.vector_load %arg18[%get3A_1999, %get3A_2000, %get3A_2001] {strides = array<i32>} : memref<4x64x128xf32, #tpu.memory_space<vmem>>, vector<1x1x16xf32>,
        %get3A_2003 = vector.shape_cast %get3A_2002 : vector<1x1x16xf32> to vector<16xf32>
        %sub3A_2004 = arith.subf %get3A_1985, %get3A_1991 : vector<16xf32>
        %sub3A_2005 = arith.subf %get3A_1985, %get3A_1997 : vector<16xf32>
        %sub3A_2006 = arith.subf %get3A_1985, %get3A_2003 : vector<16xf32>
        %sub3A_2007 = arith.subf %get3A_1991, %get3A_1997 : vector<16xf32>
        %sub3A_2008 = arith.subf %get3A_1991, %get3A_2003 : vector<16xf32>
        %sub3A_2009 = arith.subf %get3A_1997, %get3A_2003 : vector<16xf32>
        %mul3A_2010 = arith.mulf %sub3A_2004, %sub3A_2004 : vector<16xf32>
        %add3A_2011 = arith.addf %broadcast_in_dim3A_97, %mul3A_2010 : vector<16xf32>
        %mul3A_2012 = arith.mulf %sub3A_2005, %sub3A_2005 : vector<16xf32>
        %add3A_2013 = arith.addf %broadcast_in_dim3A_97, %mul3A_2012 : vector<16xf32>
        %mul3A_2014 = arith.mulf %sub3A_2006, %sub3A_2006 : vector<16xf32>
        %add3A_2015 = arith.addf %broadcast_in_dim3A_97, %mul3A_2014 : vector<16xf32>
        %mul3A_2016 = arith.mulf %sub3A_2007, %sub3A_2007 : vector<16xf32>
        %add3A_2017 = arith.addf %broadcast_in_dim3A_97, %mul3A_2016 : vector<16xf32>
        %mul3A_2018 = arith.mulf %sub3A_2008, %sub3A_2008 : vector<16xf32>
        %add3A_2019 = arith.addf %broadcast_in_dim3A_97, %mul3A_2018 : vector<16xf32>
        %mul3A_2020 = arith.mulf %sub3A_2009, %sub3A_2009 : vector<16xf32>
        %add3A_2021 = arith.addf %broadcast_in_dim3A_97, %mul3A_2020 : vector<16xf32>
        %get3A_2022 = arith.constant 0 : i32
        %get3A_2023 = arith.index_cast %get3A_2022 : i32 to index
        %get3A_2024 = arith.index_cast %scan3A_1894 : i32 to index
        %get3A_2025 = arith.constant 16 : index
        %get3A_2026 = tpu.vector_load %arg18[%get3A_2023, %get3A_2024, %get3A_2025] {strides = array<i32>} : memref<4x64x128xf32, #tpu.memory_space<vmem>>, vector<1x1x16xf32>,
        %get3A_2027 = vector.shape_cast %get3A_2026 : vector<1x1x16xf32> to vector<16xf32>
        %get3A_2028 = arith.constant 1 : i32
        %get3A_2029 = arith.index_cast %get3A_2028 : i32 to index
        %get3A_2030 = arith.index_cast %scan3A_1894 : i32 to index
        %get3A_2031 = arith.constant 16 : index
        %get3A_2032 = tpu.vector_load %arg18[%get3A_2029, %get3A_2030, %get3A_2031] {strides = array<i32>} : memref<4x64x128xf32, #tpu.memory_space<vmem>>, vector<1x1x16xf32>,
        %get3A_2033 = vector.shape_cast %get3A_2032 : vector<1x1x16xf32> to vector<16xf32>
        %get3A_2034 = arith.constant 2 : i32
        %get3A_2035 = arith.index_cast %get3A_2034 : i32 to index
        %get3A_2036 = arith.index_cast %scan3A_1894 : i32 to index
        %get3A_2037 = arith.constant 16 : index
        %get3A_2038 = tpu.vector_load %arg18[%get3A_2035, %get3A_2036, %get3A_2037] {strides = array<i32>} : memref<4x64x128xf32, #tpu.memory_space<vmem>>, vector<1x1x16xf32>,
        %get3A_2039 = vector.shape_cast %get3A_2038 : vector<1x1x16xf32> to vector<16xf32>
        %get3A_2040 = arith.constant 3 : i32
        %get3A_2041 = arith.index_cast %get3A_2040 : i32 to index
        %get3A_2042 = arith.index_cast %scan3A_1894 : i32 to index
        %get3A_2043 = arith.constant 16 : index
        %get3A_2044 = tpu.vector_load %arg18[%get3A_2041, %get3A_2042, %get3A_2043] {strides = array<i32>} : memref<4x64x128xf32, #tpu.memory_space<vmem>>, vector<1x1x16xf32>,
        %get3A_2045 = vector.shape_cast %get3A_2044 : vector<1x1x16xf32> to vector<16xf32>
        %sub3A_2046 = arith.subf %get3A_2027, %get3A_2033 : vector<16xf32>
        %sub3A_2047 = arith.subf %get3A_2027, %get3A_2039 : vector<16xf32>
        %sub3A_2048 = arith.subf %get3A_2027, %get3A_2045 : vector<16xf32>
        %sub3A_2049 = arith.subf %get3A_2033, %get3A_2039 : vector<16xf32>
        %sub3A_2050 = arith.subf %get3A_2033, %get3A_2045 : vector<16xf32>
        %sub3A_2051 = arith.subf %get3A_2039, %get3A_2045 : vector<16xf32>
        %mul3A_2052 = arith.mulf %sub3A_2046, %sub3A_2046 : vector<16xf32>
        %add3A_2053 = arith.addf %add3A_2011, %mul3A_2052 : vector<16xf32>
        %mul3A_2054 = arith.mulf %sub3A_2047, %sub3A_2047 : vector<16xf32>
        %add3A_2055 = arith.addf %add3A_2013, %mul3A_2054 : vector<16xf32>
        %mul3A_2056 = arith.mulf %sub3A_2048, %sub3A_2048 : vector<16xf32>
        %add3A_2057 = arith.addf %add3A_2015, %mul3A_2056 : vector<16xf32>
        %mul3A_2058 = arith.mulf %sub3A_2049, %sub3A_2049 : vector<16xf32>
        %add3A_2059 = arith.addf %add3A_2017, %mul3A_2058 : vector<16xf32>
        %mul3A_2060 = arith.mulf %sub3A_2050, %sub3A_2050 : vector<16xf32>
        %add3A_2061 = arith.addf %add3A_2019, %mul3A_2060 : vector<16xf32>
        %mul3A_2062 = arith.mulf %sub3A_2051, %sub3A_2051 : vector<16xf32>
        %add3A_2063 = arith.addf %add3A_2021, %mul3A_2062 : vector<16xf32>
        %get3A_2064 = arith.constant 0 : i32
        %get3A_2065 = arith.index_cast %get3A_2064 : i32 to index
        %get3A_2066 = arith.index_cast %scan3A_1894 : i32 to index
        %get3A_2067 = arith.constant 32 : index
        %get3A_2068 = tpu.vector_load %arg18[%get3A_2065, %get3A_2066, %get3A_2067] {strides = array<i32>} : memref<4x64x128xf32, #tpu.memory_space<vmem>>, vector<1x1x16xf32>,
        %get3A_2069 = vector.shape_cast %get3A_2068 : vector<1x1x16xf32> to vector<16xf32>
        %get3A_2070 = arith.constant 1 : i32
        %get3A_2071 = arith.index_cast %get3A_2070 : i32 to index
        %get3A_2072 = arith.index_cast %scan3A_1894 : i32 to index
        %get3A_2073 = arith.constant 32 : index
        %get3A_2074 = tpu.vector_load %arg18[%get3A_2071, %get3A_2072, %get3A_2073] {strides = array<i32>} : memref<4x64x128xf32, #tpu.memory_space<vmem>>, vector<1x1x16xf32>,
        %get3A_2075 = vector.shape_cast %get3A_2074 : vector<1x1x16xf32> to vector<16xf32>
        %get3A_2076 = arith.constant 2 : i32
        %get3A_2077 = arith.index_cast %get3A_2076 : i32 to index
        %get3A_2078 = arith.index_cast %scan3A_1894 : i32 to index
        %get3A_2079 = arith.constant 32 : index
        %get3A_2080 = tpu.vector_load %arg18[%get3A_2077, %get3A_2078, %get3A_2079] {strides = array<i32>} : memref<4x64x128xf32, #tpu.memory_space<vmem>>, vector<1x1x16xf32>,
        %get3A_2081 = vector.shape_cast %get3A_2080 : vector<1x1x16xf32> to vector<16xf32>
        %get3A_2082 = arith.constant 3 : i32
        %get3A_2083 = arith.index_cast %get3A_2082 : i32 to index
        %get3A_2084 = arith.index_cast %scan3A_1894 : i32 to index
        %get3A_2085 = arith.constant 32 : index
        %get3A_2086 = tpu.vector_load %arg18[%get3A_2083, %get3A_2084, %get3A_2085] {strides = array<i32>} : memref<4x64x128xf32, #tpu.memory_space<vmem>>, vector<1x1x16xf32>,
        %get3A_2087 = vector.shape_cast %get3A_2086 : vector<1x1x16xf32> to vector<16xf32>
        %sub3A_2088 = arith.subf %get3A_2069, %get3A_2075 : vector<16xf32>
        %sub3A_2089 = arith.subf %get3A_2069, %get3A_2081 : vector<16xf32>
        %sub3A_2090 = arith.subf %get3A_2069, %get3A_2087 : vector<16xf32>
        %sub3A_2091 = arith.subf %get3A_2075, %get3A_2081 : vector<16xf32>
        %sub3A_2092 = arith.subf %get3A_2075, %get3A_2087 : vector<16xf32>
        %sub3A_2093 = arith.subf %get3A_2081, %get3A_2087 : vector<16xf32>
        %mul3A_2094 = arith.mulf %sub3A_2088, %sub3A_2088 : vector<16xf32>
        %add3A_2095 = arith.addf %add3A_2053, %mul3A_2094 : vector<16xf32>
        %mul3A_2096 = arith.mulf %sub3A_2089, %sub3A_2089 : vector<16xf32>
        %add3A_2097 = arith.addf %add3A_2055, %mul3A_2096 : vector<16xf32>
        %mul3A_2098 = arith.mulf %sub3A_2090, %sub3A_2090 : vector<16xf32>
        %add3A_2099 = arith.addf %add3A_2057, %mul3A_2098 : vector<16xf32>
        %mul3A_2100 = arith.mulf %sub3A_2091, %sub3A_2091 : vector<16xf32>
        %add3A_2101 = arith.addf %add3A_2059, %mul3A_2100 : vector<16xf32>
        %mul3A_2102 = arith.mulf %sub3A_2092, %sub3A_2092 : vector<16xf32>
        %add3A_2103 = arith.addf %add3A_2061, %mul3A_2102 : vector<16xf32>
        %mul3A_2104 = arith.mulf %sub3A_2093, %sub3A_2093 : vector<16xf32>
        %add3A_2105 = arith.addf %add3A_2063, %mul3A_2104 : vector<16xf32>
        %get3A_2106 = arith.constant 0 : i32
        %get3A_2107 = arith.index_cast %get3A_2106 : i32 to index
        %get3A_2108 = arith.index_cast %scan3A_1894 : i32 to index
        %get3A_2109 = arith.constant 48 : index
        %get3A_2110 = tpu.vector_load %arg18[%get3A_2107, %get3A_2108, %get3A_2109] {strides = array<i32>} : memref<4x64x128xf32, #tpu.memory_space<vmem>>, vector<1x1x16xf32>,
        %get3A_2111 = vector.shape_cast %get3A_2110 : vector<1x1x16xf32> to vector<16xf32>
        %get3A_2112 = arith.constant 1 : i32
        %get3A_2113 = arith.index_cast %get3A_2112 : i32 to index
        %get3A_2114 = arith.index_cast %scan3A_1894 : i32 to index
        %get3A_2115 = arith.constant 48 : index
        %get3A_2116 = tpu.vector_load %arg18[%get3A_2113, %get3A_2114, %get3A_2115] {strides = array<i32>} : memref<4x64x128xf32, #tpu.memory_space<vmem>>, vector<1x1x16xf32>,
        %get3A_2117 = vector.shape_cast %get3A_2116 : vector<1x1x16xf32> to vector<16xf32>
        %get3A_2118 = arith.constant 2 : i32
        %get3A_2119 = arith.index_cast %get3A_2118 : i32 to index
        %get3A_2120 = arith.index_cast %scan3A_1894 : i32 to index
        %get3A_2121 = arith.constant 48 : index
        %get3A_2122 = tpu.vector_load %arg18[%get3A_2119, %get3A_2120, %get3A_2121] {strides = array<i32>} : memref<4x64x128xf32, #tpu.memory_space<vmem>>, vector<1x1x16xf32>,
        %get3A_2123 = vector.shape_cast %get3A_2122 : vector<1x1x16xf32> to vector<16xf32>
        %get3A_2124 = arith.constant 3 : i32
        %get3A_2125 = arith.index_cast %get3A_2124 : i32 to index
        %get3A_2126 = arith.index_cast %scan3A_1894 : i32 to index
        %get3A_2127 = arith.constant 48 : index
        %get3A_2128 = tpu.vector_load %arg18[%get3A_2125, %get3A_2126, %get3A_2127] {strides = array<i32>} : memref<4x64x128xf32, #tpu.memory_space<vmem>>, vector<1x1x16xf32>,
        %get3A_2129 = vector.shape_cast %get3A_2128 : vector<1x1x16xf32> to vector<16xf32>
        %sub3A_2130 = arith.subf %get3A_2111, %get3A_2117 : vector<16xf32>
        %sub3A_2131 = arith.subf %get3A_2111, %get3A_2123 : vector<16xf32>
        %sub3A_2132 = arith.subf %get3A_2111, %get3A_2129 : vector<16xf32>
        %sub3A_2133 = arith.subf %get3A_2117, %get3A_2123 : vector<16xf32>
        %sub3A_2134 = arith.subf %get3A_2117, %get3A_2129 : vector<16xf32>
        %sub3A_2135 = arith.subf %get3A_2123, %get3A_2129 : vector<16xf32>
        %mul3A_2136 = arith.mulf %sub3A_2130, %sub3A_2130 : vector<16xf32>
        %add3A_2137 = arith.addf %add3A_2095, %mul3A_2136 : vector<16xf32>
        %mul3A_2138 = arith.mulf %sub3A_2131, %sub3A_2131 : vector<16xf32>
        %add3A_2139 = arith.addf %add3A_2097, %mul3A_2138 : vector<16xf32>
        %mul3A_2140 = arith.mulf %sub3A_2132, %sub3A_2132 : vector<16xf32>
        %add3A_2141 = arith.addf %add3A_2099, %mul3A_2140 : vector<16xf32>
        %mul3A_2142 = arith.mulf %sub3A_2133, %sub3A_2133 : vector<16xf32>
        %add3A_2143 = arith.addf %add3A_2101, %mul3A_2142 : vector<16xf32>
        %mul3A_2144 = arith.mulf %sub3A_2134, %sub3A_2134 : vector<16xf32>
        %add3A_2145 = arith.addf %add3A_2103, %mul3A_2144 : vector<16xf32>
        %mul3A_2146 = arith.mulf %sub3A_2135, %sub3A_2135 : vector<16xf32>
        %add3A_2147 = arith.addf %add3A_2105, %mul3A_2146 : vector<16xf32>
        %get3A_2148 = arith.constant 0 : i32
        %get3A_2149 = arith.index_cast %get3A_2148 : i32 to index
        %get3A_2150 = arith.index_cast %scan3A_1894 : i32 to index
        %get3A_2151 = arith.constant 64 : index
        %get3A_2152 = tpu.vector_load %arg18[%get3A_2149, %get3A_2150, %get3A_2151] {strides = array<i32>} : memref<4x64x128xf32, #tpu.memory_space<vmem>>, vector<1x1x16xf32>,
        %get3A_2153 = vector.shape_cast %get3A_2152 : vector<1x1x16xf32> to vector<16xf32>
        %get3A_2154 = arith.constant 1 : i32
        %get3A_2155 = arith.index_cast %get3A_2154 : i32 to index
        %get3A_2156 = arith.index_cast %scan3A_1894 : i32 to index
        %get3A_2157 = arith.constant 64 : index
        %get3A_2158 = tpu.vector_load %arg18[%get3A_2155, %get3A_2156, %get3A_2157] {strides = array<i32>} : memref<4x64x128xf32, #tpu.memory_space<vmem>>, vector<1x1x16xf32>,
        %get3A_2159 = vector.shape_cast %get3A_2158 : vector<1x1x16xf32> to vector<16xf32>
        %get3A_2160 = arith.constant 2 : i32
        %get3A_2161 = arith.index_cast %get3A_2160 : i32 to index
        %get3A_2162 = arith.index_cast %scan3A_1894 : i32 to index
        %get3A_2163 = arith.constant 64 : index
        %get3A_2164 = tpu.vector_load %arg18[%get3A_2161, %get3A_2162, %get3A_2163] {strides = array<i32>} : memref<4x64x128xf32, #tpu.memory_space<vmem>>, vector<1x1x16xf32>,
        %get3A_2165 = vector.shape_cast %get3A_2164 : vector<1x1x16xf32> to vector<16xf32>
        %get3A_2166 = arith.constant 3 : i32
        %get3A_2167 = arith.index_cast %get3A_2166 : i32 to index
        %get3A_2168 = arith.index_cast %scan3A_1894 : i32 to index
        %get3A_2169 = arith.constant 64 : index
        %get3A_2170 = tpu.vector_load %arg18[%get3A_2167, %get3A_2168, %get3A_2169] {strides = array<i32>} : memref<4x64x128xf32, #tpu.memory_space<vmem>>, vector<1x1x16xf32>,
        %get3A_2171 = vector.shape_cast %get3A_2170 : vector<1x1x16xf32> to vector<16xf32>
        %sub3A_2172 = arith.subf %get3A_2153, %get3A_2159 : vector<16xf32>
        %sub3A_2173 = arith.subf %get3A_2153, %get3A_2165 : vector<16xf32>
        %sub3A_2174 = arith.subf %get3A_2153, %get3A_2171 : vector<16xf32>
        %sub3A_2175 = arith.subf %get3A_2159, %get3A_2165 : vector<16xf32>
        %sub3A_2176 = arith.subf %get3A_2159, %get3A_2171 : vector<16xf32>
        %sub3A_2177 = arith.subf %get3A_2165, %get3A_2171 : vector<16xf32>
        %mul3A_2178 = arith.mulf %sub3A_2172, %sub3A_2172 : vector<16xf32>
        %add3A_2179 = arith.addf %add3A_2137, %mul3A_2178 : vector<16xf32>
        %mul3A_2180 = arith.mulf %sub3A_2173, %sub3A_2173 : vector<16xf32>
        %add3A_2181 = arith.addf %add3A_2139, %mul3A_2180 : vector<16xf32>
        %mul3A_2182 = arith.mulf %sub3A_2174, %sub3A_2174 : vector<16xf32>
        %add3A_2183 = arith.addf %add3A_2141, %mul3A_2182 : vector<16xf32>
        %mul3A_2184 = arith.mulf %sub3A_2175, %sub3A_2175 : vector<16xf32>
        %add3A_2185 = arith.addf %add3A_2143, %mul3A_2184 : vector<16xf32>
        %mul3A_2186 = arith.mulf %sub3A_2176, %sub3A_2176 : vector<16xf32>
        %add3A_2187 = arith.addf %add3A_2145, %mul3A_2186 : vector<16xf32>
        %mul3A_2188 = arith.mulf %sub3A_2177, %sub3A_2177 : vector<16xf32>
        %add3A_2189 = arith.addf %add3A_2147, %mul3A_2188 : vector<16xf32>
        %get3A_2190 = arith.constant 0 : i32
        %get3A_2191 = arith.index_cast %get3A_2190 : i32 to index
        %get3A_2192 = arith.index_cast %scan3A_1894 : i32 to index
        %get3A_2193 = arith.constant 80 : index
        %get3A_2194 = tpu.vector_load %arg18[%get3A_2191, %get3A_2192, %get3A_2193] {strides = array<i32>} : memref<4x64x128xf32, #tpu.memory_space<vmem>>, vector<1x1x16xf32>,
        %get3A_2195 = vector.shape_cast %get3A_2194 : vector<1x1x16xf32> to vector<16xf32>
        %get3A_2196 = arith.constant 1 : i32
        %get3A_2197 = arith.index_cast %get3A_2196 : i32 to index
        %get3A_2198 = arith.index_cast %scan3A_1894 : i32 to index
        %get3A_2199 = arith.constant 80 : index
        %get3A_2200 = tpu.vector_load %arg18[%get3A_2197, %get3A_2198, %get3A_2199] {strides = array<i32>} : memref<4x64x128xf32, #tpu.memory_space<vmem>>, vector<1x1x16xf32>,
        %get3A_2201 = vector.shape_cast %get3A_2200 : vector<1x1x16xf32> to vector<16xf32>
        %get3A_2202 = arith.constant 2 : i32
        %get3A_2203 = arith.index_cast %get3A_2202 : i32 to index
        %get3A_2204 = arith.index_cast %scan3A_1894 : i32 to index
        %get3A_2205 = arith.constant 80 : index
        %get3A_2206 = tpu.vector_load %arg18[%get3A_2203, %get3A_2204, %get3A_2205] {strides = array<i32>} : memref<4x64x128xf32, #tpu.memory_space<vmem>>, vector<1x1x16xf32>,
        %get3A_2207 = vector.shape_cast %get3A_2206 : vector<1x1x16xf32> to vector<16xf32>
        %get3A_2208 = arith.constant 3 : i32
        %get3A_2209 = arith.index_cast %get3A_2208 : i32 to index
        %get3A_2210 = arith.index_cast %scan3A_1894 : i32 to index
        %get3A_2211 = arith.constant 80 : index
        %get3A_2212 = tpu.vector_load %arg18[%get3A_2209, %get3A_2210, %get3A_2211] {strides = array<i32>} : memref<4x64x128xf32, #tpu.memory_space<vmem>>, vector<1x1x16xf32>,
        %get3A_2213 = vector.shape_cast %get3A_2212 : vector<1x1x16xf32> to vector<16xf32>
        %sub3A_2214 = arith.subf %get3A_2195, %get3A_2201 : vector<16xf32>
        %sub3A_2215 = arith.subf %get3A_2195, %get3A_2207 : vector<16xf32>
        %sub3A_2216 = arith.subf %get3A_2195, %get3A_2213 : vector<16xf32>
        %sub3A_2217 = arith.subf %get3A_2201, %get3A_2207 : vector<16xf32>
        %sub3A_2218 = arith.subf %get3A_2201, %get3A_2213 : vector<16xf32>
        %sub3A_2219 = arith.subf %get3A_2207, %get3A_2213 : vector<16xf32>
        %mul3A_2220 = arith.mulf %sub3A_2214, %sub3A_2214 : vector<16xf32>
        %add3A_2221 = arith.addf %add3A_2179, %mul3A_2220 : vector<16xf32>
        %mul3A_2222 = arith.mulf %sub3A_2215, %sub3A_2215 : vector<16xf32>
        %add3A_2223 = arith.addf %add3A_2181, %mul3A_2222 : vector<16xf32>
        %mul3A_2224 = arith.mulf %sub3A_2216, %sub3A_2216 : vector<16xf32>
        %add3A_2225 = arith.addf %add3A_2183, %mul3A_2224 : vector<16xf32>
        %mul3A_2226 = arith.mulf %sub3A_2217, %sub3A_2217 : vector<16xf32>
        %add3A_2227 = arith.addf %add3A_2185, %mul3A_2226 : vector<16xf32>
        %mul3A_2228 = arith.mulf %sub3A_2218, %sub3A_2218 : vector<16xf32>
        %add3A_2229 = arith.addf %add3A_2187, %mul3A_2228 : vector<16xf32>
        %mul3A_2230 = arith.mulf %sub3A_2219, %sub3A_2219 : vector<16xf32>
        %add3A_2231 = arith.addf %add3A_2189, %mul3A_2230 : vector<16xf32>
        %get3A_2232 = arith.constant 0 : i32
        %get3A_2233 = arith.index_cast %get3A_2232 : i32 to index
        %get3A_2234 = arith.index_cast %scan3A_1894 : i32 to index
        %get3A_2235 = arith.constant 96 : index
        %get3A_2236 = tpu.vector_load %arg18[%get3A_2233, %get3A_2234, %get3A_2235] {strides = array<i32>} : memref<4x64x128xf32, #tpu.memory_space<vmem>>, vector<1x1x16xf32>,
        %get3A_2237 = vector.shape_cast %get3A_2236 : vector<1x1x16xf32> to vector<16xf32>
        %get3A_2238 = arith.constant 1 : i32
        %get3A_2239 = arith.index_cast %get3A_2238 : i32 to index
        %get3A_2240 = arith.index_cast %scan3A_1894 : i32 to index
        %get3A_2241 = arith.constant 96 : index
        %get3A_2242 = tpu.vector_load %arg18[%get3A_2239, %get3A_2240, %get3A_2241] {strides = array<i32>} : memref<4x64x128xf32, #tpu.memory_space<vmem>>, vector<1x1x16xf32>,
        %get3A_2243 = vector.shape_cast %get3A_2242 : vector<1x1x16xf32> to vector<16xf32>
        %get3A_2244 = arith.constant 2 : i32
        %get3A_2245 = arith.index_cast %get3A_2244 : i32 to index
        %get3A_2246 = arith.index_cast %scan3A_1894 : i32 to index
        %get3A_2247 = arith.constant 96 : index
        %get3A_2248 = tpu.vector_load %arg18[%get3A_2245, %get3A_2246, %get3A_2247] {strides = array<i32>} : memref<4x64x128xf32, #tpu.memory_space<vmem>>, vector<1x1x16xf32>,
        %get3A_2249 = vector.shape_cast %get3A_2248 : vector<1x1x16xf32> to vector<16xf32>
        %get3A_2250 = arith.constant 3 : i32
        %get3A_2251 = arith.index_cast %get3A_2250 : i32 to index
        %get3A_2252 = arith.index_cast %scan3A_1894 : i32 to index
        %get3A_2253 = arith.constant 96 : index
        %get3A_2254 = tpu.vector_load %arg18[%get3A_2251, %get3A_2252, %get3A_2253] {strides = array<i32>} : memref<4x64x128xf32, #tpu.memory_space<vmem>>, vector<1x1x16xf32>,
        %get3A_2255 = vector.shape_cast %get3A_2254 : vector<1x1x16xf32> to vector<16xf32>
        %sub3A_2256 = arith.subf %get3A_2237, %get3A_2243 : vector<16xf32>
        %sub3A_2257 = arith.subf %get3A_2237, %get3A_2249 : vector<16xf32>
        %sub3A_2258 = arith.subf %get3A_2237, %get3A_2255 : vector<16xf32>
        %sub3A_2259 = arith.subf %get3A_2243, %get3A_2249 : vector<16xf32>
        %sub3A_2260 = arith.subf %get3A_2243, %get3A_2255 : vector<16xf32>
        %sub3A_2261 = arith.subf %get3A_2249, %get3A_2255 : vector<16xf32>
        %mul3A_2262 = arith.mulf %sub3A_2256, %sub3A_2256 : vector<16xf32>
        %add3A_2263 = arith.addf %add3A_2221, %mul3A_2262 : vector<16xf32>
        %mul3A_2264 = arith.mulf %sub3A_2257, %sub3A_2257 : vector<16xf32>
        %add3A_2265 = arith.addf %add3A_2223, %mul3A_2264 : vector<16xf32>
        %mul3A_2266 = arith.mulf %sub3A_2258, %sub3A_2258 : vector<16xf32>
        %add3A_2267 = arith.addf %add3A_2225, %mul3A_2266 : vector<16xf32>
        %mul3A_2268 = arith.mulf %sub3A_2259, %sub3A_2259 : vector<16xf32>
        %add3A_2269 = arith.addf %add3A_2227, %mul3A_2268 : vector<16xf32>
        %mul3A_2270 = arith.mulf %sub3A_2260, %sub3A_2260 : vector<16xf32>
        %add3A_2271 = arith.addf %add3A_2229, %mul3A_2270 : vector<16xf32>
        %mul3A_2272 = arith.mulf %sub3A_2261, %sub3A_2261 : vector<16xf32>
        %add3A_2273 = arith.addf %add3A_2231, %mul3A_2272 : vector<16xf32>
        %get3A_2274 = arith.constant 0 : i32
        %get3A_2275 = arith.index_cast %get3A_2274 : i32 to index
        %get3A_2276 = arith.index_cast %scan3A_1894 : i32 to index
        %get3A_2277 = arith.constant 112 : index
        %get3A_2278 = tpu.vector_load %arg18[%get3A_2275, %get3A_2276, %get3A_2277] {strides = array<i32>} : memref<4x64x128xf32, #tpu.memory_space<vmem>>, vector<1x1x16xf32>,
        %get3A_2279 = vector.shape_cast %get3A_2278 : vector<1x1x16xf32> to vector<16xf32>
        %get3A_2280 = arith.constant 1 : i32
        %get3A_2281 = arith.index_cast %get3A_2280 : i32 to index
        %get3A_2282 = arith.index_cast %scan3A_1894 : i32 to index
        %get3A_2283 = arith.constant 112 : index
        %get3A_2284 = tpu.vector_load %arg18[%get3A_2281, %get3A_2282, %get3A_2283] {strides = array<i32>} : memref<4x64x128xf32, #tpu.memory_space<vmem>>, vector<1x1x16xf32>,
        %get3A_2285 = vector.shape_cast %get3A_2284 : vector<1x1x16xf32> to vector<16xf32>
        %get3A_2286 = arith.constant 2 : i32
        %get3A_2287 = arith.index_cast %get3A_2286 : i32 to index
        %get3A_2288 = arith.index_cast %scan3A_1894 : i32 to index
        %get3A_2289 = arith.constant 112 : index
        %get3A_2290 = tpu.vector_load %arg18[%get3A_2287, %get3A_2288, %get3A_2289] {strides = array<i32>} : memref<4x64x128xf32, #tpu.memory_space<vmem>>, vector<1x1x16xf32>,
        %get3A_2291 = vector.shape_cast %get3A_2290 : vector<1x1x16xf32> to vector<16xf32>
        %get3A_2292 = arith.constant 3 : i32
        %get3A_2293 = arith.index_cast %get3A_2292 : i32 to index
        %get3A_2294 = arith.index_cast %scan3A_1894 : i32 to index
        %get3A_2295 = arith.constant 112 : index
        %get3A_2296 = tpu.vector_load %arg18[%get3A_2293, %get3A_2294, %get3A_2295] {strides = array<i32>} : memref<4x64x128xf32, #tpu.memory_space<vmem>>, vector<1x1x16xf32>,
        %get3A_2297 = vector.shape_cast %get3A_2296 : vector<1x1x16xf32> to vector<16xf32>
        %sub3A_2298 = arith.subf %get3A_2279, %get3A_2285 : vector<16xf32>
        %sub3A_2299 = arith.subf %get3A_2279, %get3A_2291 : vector<16xf32>
        %sub3A_2300 = arith.subf %get3A_2279, %get3A_2297 : vector<16xf32>
        %sub3A_2301 = arith.subf %get3A_2285, %get3A_2291 : vector<16xf32>
        %sub3A_2302 = arith.subf %get3A_2285, %get3A_2297 : vector<16xf32>
        %sub3A_2303 = arith.subf %get3A_2291, %get3A_2297 : vector<16xf32>
        %mul3A_2304 = arith.mulf %sub3A_2298, %sub3A_2298 : vector<16xf32>
        %add3A_2305 = arith.addf %add3A_2263, %mul3A_2304 : vector<16xf32>
        %mul3A_2306 = arith.mulf %sub3A_2299, %sub3A_2299 : vector<16xf32>
        %add3A_2307 = arith.addf %add3A_2265, %mul3A_2306 : vector<16xf32>
        %mul3A_2308 = arith.mulf %sub3A_2300, %sub3A_2300 : vector<16xf32>
        %add3A_2309 = arith.addf %add3A_2267, %mul3A_2308 : vector<16xf32>
        %mul3A_2310 = arith.mulf %sub3A_2301, %sub3A_2301 : vector<16xf32>
        %add3A_2311 = arith.addf %add3A_2269, %mul3A_2310 : vector<16xf32>
        %mul3A_2312 = arith.mulf %sub3A_2302, %sub3A_2302 : vector<16xf32>
        %add3A_2313 = arith.addf %add3A_2271, %mul3A_2312 : vector<16xf32>
        %mul3A_2314 = arith.mulf %sub3A_2303, %sub3A_2303 : vector<16xf32>
        %add3A_2315 = arith.addf %add3A_2273, %mul3A_2314 : vector<16xf32>
        %mul3A_2316 = vector.broadcast %mul3A_1974 : f32 to vector<16xf32>
        %mul3A_2317 = arith.mulf %mul3A_2316, %add3A_2305 : vector<16xf32>
        %mul3A_2318 = vector.broadcast %mul3A_1975 : f32 to vector<16xf32>
        %mul3A_2319 = arith.mulf %mul3A_2318, %add3A_2307 : vector<16xf32>
        %add3A_2320 = arith.addf %mul3A_2317, %mul3A_2319 : vector<16xf32>
        %mul3A_2321 = vector.broadcast %mul3A_1976 : f32 to vector<16xf32>
        %mul3A_2322 = arith.mulf %mul3A_2321, %add3A_2309 : vector<16xf32>
        %add3A_2323 = arith.addf %add3A_2320, %mul3A_2322 : vector<16xf32>
        %add3A_2324 = arith.addf %scan3A_1895, %add3A_2323 : vector<16xf32>
        %mul3A_2325 = vector.broadcast %mul3A_1977 : f32 to vector<16xf32>
        %mul3A_2326 = arith.mulf %mul3A_2325, %add3A_2311 : vector<16xf32>
        %mul3A_2327 = vector.broadcast %mul3A_1978 : f32 to vector<16xf32>
        %mul3A_2328 = arith.mulf %mul3A_2327, %add3A_2313 : vector<16xf32>
        %add3A_2329 = arith.addf %mul3A_2326, %mul3A_2328 : vector<16xf32>
        %mul3A_2330 = vector.broadcast %mul3A_1979 : f32 to vector<16xf32>
        %mul3A_2331 = arith.mulf %mul3A_2330, %add3A_2315 : vector<16xf32>
        %add3A_2332 = arith.addf %add3A_2329, %mul3A_2331 : vector<16xf32>
        %add3A_2333 = arith.addf %add3A_2324, %add3A_2332 : vector<16xf32>
        %mul3A_2334 = vector.broadcast %mul3A_1968 : f32 to vector<16xf32>
        %mul3A_2335 = arith.mulf %add3A_2305, %mul3A_2334 : vector<16xf32>
        %add3A_2336 = arith.addf %scan3A_1896, %mul3A_2335 : vector<16xf32>
        %mul3A_2337 = vector.broadcast %mul3A_1971 : f32 to vector<16xf32>
        %mul3A_2338 = arith.mulf %add3A_2311, %mul3A_2337 : vector<16xf32>
        %add3A_2339 = arith.addf %scan3A_1897, %mul3A_2338 : vector<16xf32>
        %mul3A_2340 = vector.broadcast %mul3A_1973 : f32 to vector<16xf32>
        %mul3A_2341 = arith.mulf %add3A_2315, %mul3A_2340 : vector<16xf32>
        %add3A_2342 = arith.addf %scan3A_1898, %mul3A_2341 : vector<16xf32>
        %add3A_2343 = arith.addf %scan3A_1899, %mul3A_1968 : f32
        %add3A_2344 = arith.addf %scan3A_1900, %mul3A_1971 : f32
        %add3A_2345 = arith.addf %scan3A_1901, %mul3A_1973 : f32
        scf.yield %add3A_2333, %add3A_2336, %add3A_2339, %add3A_2342, %add3A_2343, %add3A_2344, %add3A_2345 : vector<16xf32>, vector<16xf32>, vector<16xf32>, vector<16xf32>, f32, f32, f32
      }
      %scan3A_1893 = arith.constant 64 : i32
      scf.yield %scan3A_1892#0, %scan3A_1892#1, %scan3A_1892#2, %scan3A_1892#3, %scan3A_1892#4, %scan3A_1892#5, %scan3A_1892#6 : vector<16xf32>, vector<16xf32>, vector<16xf32>, vector<16xf32>, f32, f32, f32
    }
    %scan3A_534 = arith.constant 24 : i32
    %dma_wait3A = arith.constant 0 : i32
    %dma_wait3A_535 = arith.constant 0 : i32
    %dma_wait3A_536 = arith.constant 0 : i32
    %dma_wait3A_537 = tpu.memref_slice %arg17[%dma_wait3A, %dma_wait3A_535, %dma_wait3A_536] : memref<4x64x128xf32, #tpu.memory_space<vmem>> -> memref<1x64x128xf32, #tpu.memory_space<vmem>>
    %dma_wait3A_538 = tpu.memref_squeeze %dma_wait3A_537 : memref<1x64x128xf32, #tpu.memory_space<vmem>> -> memref<64x128xf32, #tpu.memory_space<vmem>>
    %dma_wait3A_539 = arith.constant 0 : i32
    %dma_wait3A_540 = arith.constant 0 : i32
    %dma_wait3A_541 = tpu.memref_slice %arg2[%dma_wait3A_539, %dma_wait3A_540] : memref<200000x128xf32, #tpu.memory_space<hbm>> -> memref<64x128xf32, #tpu.memory_space<hbm>>
    %dma_wait3A_542 = arith.constant 0 : i32
    %dma_wait3A_543 = arith.constant 0 : i32
    %dma_wait3A_544 = tpu.memref_slice %arg17[%dma_wait3A, %dma_wait3A_542, %dma_wait3A_543] : memref<4x64x128xf32, #tpu.memory_space<vmem>> -> memref<1x64x128xf32, #tpu.memory_space<vmem>>
    %dma_wait3A_545 = tpu.memref_squeeze %dma_wait3A_544 : memref<1x64x128xf32, #tpu.memory_space<vmem>> -> memref<64x128xf32, #tpu.memory_space<vmem>>
    %dma_wait3A_546 = arith.constant 0 : i32
    %dma_wait3A_547 = arith.constant 0 : i32
    %dma_wait3A_548 = tpu.memref_slice %arg2[%dma_wait3A_546, %dma_wait3A_547] : memref<200000x128xf32, #tpu.memory_space<hbm>> -> memref<64x128xf32, #tpu.memory_space<hbm>>
    tpu.wait_dma2 semaphore(%arg20 : memref<!tpu.dma_semaphore, #tpu.memory_space<semaphore_mem>>) src(%dma_wait3A_548 : memref<64x128xf32, #tpu.memory_space<hbm>>) dst(%dma_wait3A_545 : memref<64x128xf32, #tpu.memory_space<vmem>>)
    %dma_wait3A_549 = arith.constant 1 : i32
    %dma_wait3A_550 = arith.constant 0 : i32
    %dma_wait3A_551 = arith.constant 0 : i32
    %dma_wait3A_552 = tpu.memref_slice %arg17[%dma_wait3A_549, %dma_wait3A_550, %dma_wait3A_551] : memref<4x64x128xf32, #tpu.memory_space<vmem>> -> memref<1x64x128xf32, #tpu.memory_space<vmem>>
    %dma_wait3A_553 = tpu.memref_squeeze %dma_wait3A_552 : memref<1x64x128xf32, #tpu.memory_space<vmem>> -> memref<64x128xf32, #tpu.memory_space<vmem>>
    %dma_wait3A_554 = arith.constant 0 : i32
    %dma_wait3A_555 = arith.constant 0 : i32
    %dma_wait3A_556 = tpu.memref_slice %arg2[%dma_wait3A_554, %dma_wait3A_555] : memref<200000x128xf32, #tpu.memory_space<hbm>> -> memref<64x128xf32, #tpu.memory_space<hbm>>
    %dma_wait3A_557 = arith.constant 0 : i32
    %dma_wait3A_558 = arith.constant 0 : i32
    %dma_wait3A_559 = tpu.memref_slice %arg17[%dma_wait3A_549, %dma_wait3A_557, %dma_wait3A_558] : memref<4x64x128xf32, #tpu.memory_space<vmem>> -> memref<1x64x128xf32, #tpu.memory_space<vmem>>
    %dma_wait3A_560 = tpu.memref_squeeze %dma_wait3A_559 : memref<1x64x128xf32, #tpu.memory_space<vmem>> -> memref<64x128xf32, #tpu.memory_space<vmem>>
    %dma_wait3A_561 = arith.constant 0 : i32
    %dma_wait3A_562 = arith.constant 0 : i32
    %dma_wait3A_563 = tpu.memref_slice %arg2[%dma_wait3A_561, %dma_wait3A_562] : memref<200000x128xf32, #tpu.memory_space<hbm>> -> memref<64x128xf32, #tpu.memory_space<hbm>>
    tpu.wait_dma2 semaphore(%arg20 : memref<!tpu.dma_semaphore, #tpu.memory_space<semaphore_mem>>) src(%dma_wait3A_563 : memref<64x128xf32, #tpu.memory_space<hbm>>) dst(%dma_wait3A_560 : memref<64x128xf32, #tpu.memory_space<vmem>>)
    %dma_wait3A_564 = arith.constant 2 : i32
    %dma_wait3A_565 = arith.constant 0 : i32
    %dma_wait3A_566 = arith.constant 0 : i32
    %dma_wait3A_567 = tpu.memref_slice %arg17[%dma_wait3A_564, %dma_wait3A_565, %dma_wait3A_566] : memref<4x64x128xf32, #tpu.memory_space<vmem>> -> memref<1x64x128xf32, #tpu.memory_space<vmem>>
    %dma_wait3A_568 = tpu.memref_squeeze %dma_wait3A_567 : memref<1x64x128xf32, #tpu.memory_space<vmem>> -> memref<64x128xf32, #tpu.memory_space<vmem>>
    %dma_wait3A_569 = arith.constant 0 : i32
    %dma_wait3A_570 = arith.constant 0 : i32
    %dma_wait3A_571 = tpu.memref_slice %arg2[%dma_wait3A_569, %dma_wait3A_570] : memref<200000x128xf32, #tpu.memory_space<hbm>> -> memref<64x128xf32, #tpu.memory_space<hbm>>
    %dma_wait3A_572 = arith.constant 0 : i32
    %dma_wait3A_573 = arith.constant 0 : i32
    %dma_wait3A_574 = tpu.memref_slice %arg17[%dma_wait3A_564, %dma_wait3A_572, %dma_wait3A_573] : memref<4x64x128xf32, #tpu.memory_space<vmem>> -> memref<1x64x128xf32, #tpu.memory_space<vmem>>
    %dma_wait3A_575 = tpu.memref_squeeze %dma_wait3A_574 : memref<1x64x128xf32, #tpu.memory_space<vmem>> -> memref<64x128xf32, #tpu.memory_space<vmem>>
    %dma_wait3A_576 = arith.constant 0 : i32
    %dma_wait3A_577 = arith.constant 0 : i32
    %dma_wait3A_578 = tpu.memref_slice %arg2[%dma_wait3A_576, %dma_wait3A_577] : memref<200000x128xf32, #tpu.memory_space<hbm>> -> memref<64x128xf32, #tpu.memory_space<hbm>>
    tpu.wait_dma2 semaphore(%arg20 : memref<!tpu.dma_semaphore, #tpu.memory_space<semaphore_mem>>) src(%dma_wait3A_578 : memref<64x128xf32, #tpu.memory_space<hbm>>) dst(%dma_wait3A_575 : memref<64x128xf32, #tpu.memory_space<vmem>>)
    %dma_wait3A_579 = arith.constant 3 : i32
    %dma_wait3A_580 = arith.constant 0 : i32
    %dma_wait3A_581 = arith.constant 0 : i32
    %dma_wait3A_582 = tpu.memref_slice %arg17[%dma_wait3A_579, %dma_wait3A_580, %dma_wait3A_581] : memref<4x64x128xf32, #tpu.memory_space<vmem>> -> memref<1x64x128xf32, #tpu.memory_space<vmem>>
    %dma_wait3A_583 = tpu.memref_squeeze %dma_wait3A_582 : memref<1x64x128xf32, #tpu.memory_space<vmem>> -> memref<64x128xf32, #tpu.memory_space<vmem>>
    %dma_wait3A_584 = arith.constant 0 : i32
    %dma_wait3A_585 = arith.constant 0 : i32
    %dma_wait3A_586 = tpu.memref_slice %arg2[%dma_wait3A_584, %dma_wait3A_585] : memref<200000x128xf32, #tpu.memory_space<hbm>> -> memref<64x128xf32, #tpu.memory_space<hbm>>
    %dma_wait3A_587 = arith.constant 0 : i32
    %dma_wait3A_588 = arith.constant 0 : i32
    %dma_wait3A_589 = tpu.memref_slice %arg17[%dma_wait3A_579, %dma_wait3A_587, %dma_wait3A_588] : memref<4x64x128xf32, #tpu.memory_space<vmem>> -> memref<1x64x128xf32, #tpu.memory_space<vmem>>
    %dma_wait3A_590 = tpu.memref_squeeze %dma_wait3A_589 : memref<1x64x128xf32, #tpu.memory_space<vmem>> -> memref<64x128xf32, #tpu.memory_space<vmem>>
    %dma_wait3A_591 = arith.constant 0 : i32
    %dma_wait3A_592 = arith.constant 0 : i32
    %dma_wait3A_593 = tpu.memref_slice %arg2[%dma_wait3A_591, %dma_wait3A_592] : memref<200000x128xf32, #tpu.memory_space<hbm>> -> memref<64x128xf32, #tpu.memory_space<hbm>>
    tpu.wait_dma2 semaphore(%arg20 : memref<!tpu.dma_semaphore, #tpu.memory_space<semaphore_mem>>) src(%dma_wait3A_593 : memref<64x128xf32, #tpu.memory_space<hbm>>) dst(%dma_wait3A_590 : memref<64x128xf32, #tpu.memory_space<vmem>>)
    %scan3A_594 = arith.constant 0 : i32
    %scan3A_595 = arith.constant 64 : i32
    %scan3A_596 = arith.addi %scan3A_594, %scan3A_595 : i32
    %scan3A_597 = arith.constant 1 : i32
    %scan3A_598:7 = scf.for %scan3A_658 = %scan3A_594 to %scan3A_596 step %scan3A_597 iter_args(%scan3A_659 = %scan3A_533#0, %scan3A_660 = %scan3A_533#1, %scan3A_661 = %scan3A_533#2, %scan3A_662 = %scan3A_533#3, %scan3A_663 = %scan3A_533#4, %scan3A_664 = %scan3A_533#5, %scan3A_665 = %scan3A_533#6) -> (vector<16xf32>, vector<16xf32>, vector<16xf32>, vector<16xf32>, f32, f32, f32)  : i32 {
      %add3A_666 = arith.constant 3072 : i32
      %add3A_667 = arith.addi %add3A_666, %scan3A_658 : i32
      %get3A_668 = arith.index_cast %add3A_667 : i32 to index
      %get3A_669 = tpu.vector_load %arg8[%get3A_668] {strides = array<i32>} : memref<12608xi32, #tpu.memory_space<vmem>>, vector<16xi32>,
      %get3A_670 = vector.shape_cast %get3A_669 : vector<16xi32> to vector<16xi32>
      %slice3A = vector.extract_strided_slice %get3A_670 {offsets = [0], sizes = [1], strides = [1]} : vector<16xi32> to vector<1xi32>
      %squeeze3A = vector.extract %slice3A[0] : i32 from vector<1xi32>
      %ge3A_671 = arith.constant 0 : i32
      %ge3A_672 = arith.cmpi sge, %squeeze3A, %ge3A_671 : i32
      %jit3A_673 = arith.constant 1.000000e+00 : f32
      %jit3A_674 = arith.constant 0.000000e+00 : f32
      %select_n3A_675 = arith.select %ge3A_672, %jit3A_673, %jit3A_674 : f32
      %add3A_676 = arith.constant 3152 : i32
      %add3A_677 = arith.addi %add3A_676, %add3A_667 : i32
      %get3A_678 = arith.index_cast %add3A_677 : i32 to index
      %get3A_679 = tpu.vector_load %arg8[%get3A_678] {strides = array<i32>} : memref<12608xi32, #tpu.memory_space<vmem>>, vector<16xi32>,
      %get3A_680 = vector.shape_cast %get3A_679 : vector<16xi32> to vector<16xi32>
      %slice3A_681 = vector.extract_strided_slice %get3A_680 {offsets = [0], sizes = [1], strides = [1]} : vector<16xi32> to vector<1xi32>
      %squeeze3A_682 = vector.extract %slice3A_681[0] : i32 from vector<1xi32>
      %ge3A_683 = arith.constant 0 : i32
      %ge3A_684 = arith.cmpi sge, %squeeze3A_682, %ge3A_683 : i32
      %jit3A_685 = arith.constant 1.000000e+00 : f32
      %jit3A_686 = arith.constant 0.000000e+00 : f32
      %select_n3A_687 = arith.select %ge3A_684, %jit3A_685, %jit3A_686 : f32
      %add3A_688 = arith.constant 6304 : i32
      %add3A_689 = arith.addi %add3A_688, %add3A_667 : i32
      %get3A_690 = arith.index_cast %add3A_689 : i32 to index
      %get3A_691 = tpu.vector_load %arg8[%get3A_690] {strides = array<i32>} : memref<12608xi32, #tpu.memory_space<vmem>>, vector<16xi32>,
      %get3A_692 = vector.shape_cast %get3A_691 : vector<16xi32> to vector<16xi32>
      %slice3A_693 = vector.extract_strided_slice %get3A_692 {offsets = [0], sizes = [1], strides = [1]} : vector<16xi32> to vector<1xi32>
      %squeeze3A_694 = vector.extract %slice3A_693[0] : i32 from vector<1xi32>
      %ge3A_695 = arith.constant 0 : i32
      %ge3A_696 = arith.cmpi sge, %squeeze3A_694, %ge3A_695 : i32
      %jit3A_697 = arith.constant 1.000000e+00 : f32
      %jit3A_698 = arith.constant 0.000000e+00 : f32
      %select_n3A_699 = arith.select %ge3A_696, %jit3A_697, %jit3A_698 : f32
      %add3A_700 = arith.constant 9456 : i32
      %add3A_701 = arith.addi %add3A_700, %add3A_667 : i32
      %get3A_702 = arith.index_cast %add3A_701 : i32 to index
      %get3A_703 = tpu.vector_load %arg8[%get3A_702] {strides = array<i32>} : memref<12608xi32, #tpu.memory_space<vmem>>, vector<16xi32>,
      %get3A_704 = vector.shape_cast %get3A_703 : vector<16xi32> to vector<16xi32>
      %slice3A_705 = vector.extract_strided_slice %get3A_704 {offsets = [0], sizes = [1], strides = [1]} : vector<16xi32> to vector<1xi32>
      %squeeze3A_706 = vector.extract %slice3A_705[0] : i32 from vector<1xi32>
      %ge3A_707 = arith.constant 0 : i32
      %ge3A_708 = arith.cmpi sge, %squeeze3A_706, %ge3A_707 : i32
      %jit3A_709 = arith.constant 1.000000e+00 : f32
      %jit3A_710 = arith.constant 0.000000e+00 : f32
      %select_n3A_711 = arith.select %ge3A_708, %jit3A_709, %jit3A_710 : f32
      %add3A_712 = arith.addf %select_n3A_675, %select_n3A_687 : f32
      %add3A_713 = arith.addf %add3A_712, %select_n3A_699 : f32
      %add3A_714 = arith.addf %add3A_713, %select_n3A_711 : f32
      %gt3A = arith.constant 2.500000e+00 : f32
      %gt3A_715 = arith.cmpf ogt, %add3A_714, %gt3A : f32
      %gt3A_716 = arith.constant 3.500000e+00 : f32
      %gt3A_717 = arith.cmpf ogt, %add3A_714, %gt3A_716 : f32
      %jit3A_718 = arith.constant 2.500000e-01 : f32
      %jit3A_719 = arith.constant 0.333333343 : f32
      %select_n3A_720 = arith.select %gt3A_717, %jit3A_718, %jit3A_719 : f32
      %gt3A_721 = arith.constant 1.500000e+00 : f32
      %gt3A_722 = arith.cmpf ogt, %add3A_714, %gt3A_721 : f32
      %gt3A_723 = arith.constant 5.000000e-01 : f32
      %gt3A_724 = arith.cmpf ogt, %add3A_714, %gt3A_723 : f32
      %jit3A_725 = arith.constant 1.000000e+00 : f32
      %jit3A_726 = arith.constant 0.000000e+00 : f32
      %select_n3A_727 = arith.select %gt3A_724, %jit3A_725, %jit3A_726 : f32
      %jit3A_728 = arith.constant 5.000000e-01 : f32
      %select_n3A_729 = arith.select %gt3A_722, %jit3A_728, %select_n3A_727 : f32
      %select_n3A_730 = arith.select %gt3A_715, %select_n3A_720, %select_n3A_729 : f32
      %mul3A_731 = arith.mulf %select_n3A_675, %select_n3A_687 : f32
      %mul3A_732 = arith.mulf %select_n3A_675, %select_n3A_699 : f32
      %mul3A_733 = arith.mulf %select_n3A_675, %select_n3A_711 : f32
      %mul3A_734 = arith.mulf %select_n3A_687, %select_n3A_699 : f32
      %mul3A_735 = arith.mulf %select_n3A_687, %select_n3A_711 : f32
      %mul3A_736 = arith.mulf %select_n3A_699, %select_n3A_711 : f32
      %mul3A_737 = arith.mulf %select_n3A_730, %mul3A_731 : f32
      %mul3A_738 = arith.mulf %select_n3A_730, %mul3A_732 : f32
      %mul3A_739 = arith.mulf %select_n3A_730, %mul3A_733 : f32
      %mul3A_740 = arith.mulf %select_n3A_730, %mul3A_734 : f32
      %mul3A_741 = arith.mulf %select_n3A_730, %mul3A_735 : f32
      %mul3A_742 = arith.mulf %select_n3A_730, %mul3A_736 : f32
      %get3A_743 = arith.constant 0 : i32
      %get3A_744 = arith.index_cast %get3A_743 : i32 to index
      %get3A_745 = arith.index_cast %scan3A_658 : i32 to index
      %get3A_746 = arith.constant 0 : index
      %get3A_747 = tpu.vector_load %arg17[%get3A_744, %get3A_745, %get3A_746] {strides = array<i32>} : memref<4x64x128xf32, #tpu.memory_space<vmem>>, vector<1x1x16xf32>,
      %get3A_748 = vector.shape_cast %get3A_747 : vector<1x1x16xf32> to vector<16xf32>
      %get3A_749 = arith.constant 1 : i32
      %get3A_750 = arith.index_cast %get3A_749 : i32 to index
      %get3A_751 = arith.index_cast %scan3A_658 : i32 to index
      %get3A_752 = arith.constant 0 : index
      %get3A_753 = tpu.vector_load %arg17[%get3A_750, %get3A_751, %get3A_752] {strides = array<i32>} : memref<4x64x128xf32, #tpu.memory_space<vmem>>, vector<1x1x16xf32>,
      %get3A_754 = vector.shape_cast %get3A_753 : vector<1x1x16xf32> to vector<16xf32>
      %get3A_755 = arith.constant 2 : i32
      %get3A_756 = arith.index_cast %get3A_755 : i32 to index
      %get3A_757 = arith.index_cast %scan3A_658 : i32 to index
      %get3A_758 = arith.constant 0 : index
      %get3A_759 = tpu.vector_load %arg17[%get3A_756, %get3A_757, %get3A_758] {strides = array<i32>} : memref<4x64x128xf32, #tpu.memory_space<vmem>>, vector<1x1x16xf32>,
      %get3A_760 = vector.shape_cast %get3A_759 : vector<1x1x16xf32> to vector<16xf32>
      %get3A_761 = arith.constant 3 : i32
      %get3A_762 = arith.index_cast %get3A_761 : i32 to index
      %get3A_763 = arith.index_cast %scan3A_658 : i32 to index
      %get3A_764 = arith.constant 0 : index
      %get3A_765 = tpu.vector_load %arg17[%get3A_762, %get3A_763, %get3A_764] {strides = array<i32>} : memref<4x64x128xf32, #tpu.memory_space<vmem>>, vector<1x1x16xf32>,
      %get3A_766 = vector.shape_cast %get3A_765 : vector<1x1x16xf32> to vector<16xf32>
      %sub3A_767 = arith.subf %get3A_748, %get3A_754 : vector<16xf32>
      %sub3A_768 = arith.subf %get3A_748, %get3A_760 : vector<16xf32>
      %sub3A_769 = arith.subf %get3A_748, %get3A_766 : vector<16xf32>
      %sub3A_770 = arith.subf %get3A_754, %get3A_760 : vector<16xf32>
      %sub3A_771 = arith.subf %get3A_754, %get3A_766 : vector<16xf32>
      %sub3A_772 = arith.subf %get3A_760, %get3A_766 : vector<16xf32>
      %mul3A_773 = arith.mulf %sub3A_767, %sub3A_767 : vector<16xf32>
      %add3A_774 = arith.addf %broadcast_in_dim3A_97, %mul3A_773 : vector<16xf32>
      %mul3A_775 = arith.mulf %sub3A_768, %sub3A_768 : vector<16xf32>
      %add3A_776 = arith.addf %broadcast_in_dim3A_97, %mul3A_775 : vector<16xf32>
      %mul3A_777 = arith.mulf %sub3A_769, %sub3A_769 : vector<16xf32>
      %add3A_778 = arith.addf %broadcast_in_dim3A_97, %mul3A_777 : vector<16xf32>
      %mul3A_779 = arith.mulf %sub3A_770, %sub3A_770 : vector<16xf32>
      %add3A_780 = arith.addf %broadcast_in_dim3A_97, %mul3A_779 : vector<16xf32>
      %mul3A_781 = arith.mulf %sub3A_771, %sub3A_771 : vector<16xf32>
      %add3A_782 = arith.addf %broadcast_in_dim3A_97, %mul3A_781 : vector<16xf32>
      %mul3A_783 = arith.mulf %sub3A_772, %sub3A_772 : vector<16xf32>
      %add3A_784 = arith.addf %broadcast_in_dim3A_97, %mul3A_783 : vector<16xf32>
      %get3A_785 = arith.constant 0 : i32
      %get3A_786 = arith.index_cast %get3A_785 : i32 to index
      %get3A_787 = arith.index_cast %scan3A_658 : i32 to index
      %get3A_788 = arith.constant 16 : index
      %get3A_789 = tpu.vector_load %arg17[%get3A_786, %get3A_787, %get3A_788] {strides = array<i32>} : memref<4x64x128xf32, #tpu.memory_space<vmem>>, vector<1x1x16xf32>,
      %get3A_790 = vector.shape_cast %get3A_789 : vector<1x1x16xf32> to vector<16xf32>
      %get3A_791 = arith.constant 1 : i32
      %get3A_792 = arith.index_cast %get3A_791 : i32 to index
      %get3A_793 = arith.index_cast %scan3A_658 : i32 to index
      %get3A_794 = arith.constant 16 : index
      %get3A_795 = tpu.vector_load %arg17[%get3A_792, %get3A_793, %get3A_794] {strides = array<i32>} : memref<4x64x128xf32, #tpu.memory_space<vmem>>, vector<1x1x16xf32>,
      %get3A_796 = vector.shape_cast %get3A_795 : vector<1x1x16xf32> to vector<16xf32>
      %get3A_797 = arith.constant 2 : i32
      %get3A_798 = arith.index_cast %get3A_797 : i32 to index
      %get3A_799 = arith.index_cast %scan3A_658 : i32 to index
      %get3A_800 = arith.constant 16 : index
      %get3A_801 = tpu.vector_load %arg17[%get3A_798, %get3A_799, %get3A_800] {strides = array<i32>} : memref<4x64x128xf32, #tpu.memory_space<vmem>>, vector<1x1x16xf32>,
      %get3A_802 = vector.shape_cast %get3A_801 : vector<1x1x16xf32> to vector<16xf32>
      %get3A_803 = arith.constant 3 : i32
      %get3A_804 = arith.index_cast %get3A_803 : i32 to index
      %get3A_805 = arith.index_cast %scan3A_658 : i32 to index
      %get3A_806 = arith.constant 16 : index
      %get3A_807 = tpu.vector_load %arg17[%get3A_804, %get3A_805, %get3A_806] {strides = array<i32>} : memref<4x64x128xf32, #tpu.memory_space<vmem>>, vector<1x1x16xf32>,
      %get3A_808 = vector.shape_cast %get3A_807 : vector<1x1x16xf32> to vector<16xf32>
      %sub3A_809 = arith.subf %get3A_790, %get3A_796 : vector<16xf32>
      %sub3A_810 = arith.subf %get3A_790, %get3A_802 : vector<16xf32>
      %sub3A_811 = arith.subf %get3A_790, %get3A_808 : vector<16xf32>
      %sub3A_812 = arith.subf %get3A_796, %get3A_802 : vector<16xf32>
      %sub3A_813 = arith.subf %get3A_796, %get3A_808 : vector<16xf32>
      %sub3A_814 = arith.subf %get3A_802, %get3A_808 : vector<16xf32>
      %mul3A_815 = arith.mulf %sub3A_809, %sub3A_809 : vector<16xf32>
      %add3A_816 = arith.addf %add3A_774, %mul3A_815 : vector<16xf32>
      %mul3A_817 = arith.mulf %sub3A_810, %sub3A_810 : vector<16xf32>
      %add3A_818 = arith.addf %add3A_776, %mul3A_817 : vector<16xf32>
      %mul3A_819 = arith.mulf %sub3A_811, %sub3A_811 : vector<16xf32>
      %add3A_820 = arith.addf %add3A_778, %mul3A_819 : vector<16xf32>
      %mul3A_821 = arith.mulf %sub3A_812, %sub3A_812 : vector<16xf32>
      %add3A_822 = arith.addf %add3A_780, %mul3A_821 : vector<16xf32>
      %mul3A_823 = arith.mulf %sub3A_813, %sub3A_813 : vector<16xf32>
      %add3A_824 = arith.addf %add3A_782, %mul3A_823 : vector<16xf32>
      %mul3A_825 = arith.mulf %sub3A_814, %sub3A_814 : vector<16xf32>
      %add3A_826 = arith.addf %add3A_784, %mul3A_825 : vector<16xf32>
      %get3A_827 = arith.constant 0 : i32
      %get3A_828 = arith.index_cast %get3A_827 : i32 to index
      %get3A_829 = arith.index_cast %scan3A_658 : i32 to index
      %get3A_830 = arith.constant 32 : index
      %get3A_831 = tpu.vector_load %arg17[%get3A_828, %get3A_829, %get3A_830] {strides = array<i32>} : memref<4x64x128xf32, #tpu.memory_space<vmem>>, vector<1x1x16xf32>,
      %get3A_832 = vector.shape_cast %get3A_831 : vector<1x1x16xf32> to vector<16xf32>
      %get3A_833 = arith.constant 1 : i32
      %get3A_834 = arith.index_cast %get3A_833 : i32 to index
      %get3A_835 = arith.index_cast %scan3A_658 : i32 to index
      %get3A_836 = arith.constant 32 : index
      %get3A_837 = tpu.vector_load %arg17[%get3A_834, %get3A_835, %get3A_836] {strides = array<i32>} : memref<4x64x128xf32, #tpu.memory_space<vmem>>, vector<1x1x16xf32>,
      %get3A_838 = vector.shape_cast %get3A_837 : vector<1x1x16xf32> to vector<16xf32>
      %get3A_839 = arith.constant 2 : i32
      %get3A_840 = arith.index_cast %get3A_839 : i32 to index
      %get3A_841 = arith.index_cast %scan3A_658 : i32 to index
      %get3A_842 = arith.constant 32 : index
      %get3A_843 = tpu.vector_load %arg17[%get3A_840, %get3A_841, %get3A_842] {strides = array<i32>} : memref<4x64x128xf32, #tpu.memory_space<vmem>>, vector<1x1x16xf32>,
      %get3A_844 = vector.shape_cast %get3A_843 : vector<1x1x16xf32> to vector<16xf32>
      %get3A_845 = arith.constant 3 : i32
      %get3A_846 = arith.index_cast %get3A_845 : i32 to index
      %get3A_847 = arith.index_cast %scan3A_658 : i32 to index
      %get3A_848 = arith.constant 32 : index
      %get3A_849 = tpu.vector_load %arg17[%get3A_846, %get3A_847, %get3A_848] {strides = array<i32>} : memref<4x64x128xf32, #tpu.memory_space<vmem>>, vector<1x1x16xf32>,
      %get3A_850 = vector.shape_cast %get3A_849 : vector<1x1x16xf32> to vector<16xf32>
      %sub3A_851 = arith.subf %get3A_832, %get3A_838 : vector<16xf32>
      %sub3A_852 = arith.subf %get3A_832, %get3A_844 : vector<16xf32>
      %sub3A_853 = arith.subf %get3A_832, %get3A_850 : vector<16xf32>
      %sub3A_854 = arith.subf %get3A_838, %get3A_844 : vector<16xf32>
      %sub3A_855 = arith.subf %get3A_838, %get3A_850 : vector<16xf32>
      %sub3A_856 = arith.subf %get3A_844, %get3A_850 : vector<16xf32>
      %mul3A_857 = arith.mulf %sub3A_851, %sub3A_851 : vector<16xf32>
      %add3A_858 = arith.addf %add3A_816, %mul3A_857 : vector<16xf32>
      %mul3A_859 = arith.mulf %sub3A_852, %sub3A_852 : vector<16xf32>
      %add3A_860 = arith.addf %add3A_818, %mul3A_859 : vector<16xf32>
      %mul3A_861 = arith.mulf %sub3A_853, %sub3A_853 : vector<16xf32>
      %add3A_862 = arith.addf %add3A_820, %mul3A_861 : vector<16xf32>
      %mul3A_863 = arith.mulf %sub3A_854, %sub3A_854 : vector<16xf32>
      %add3A_864 = arith.addf %add3A_822, %mul3A_863 : vector<16xf32>
      %mul3A_865 = arith.mulf %sub3A_855, %sub3A_855 : vector<16xf32>
      %add3A_866 = arith.addf %add3A_824, %mul3A_865 : vector<16xf32>
      %mul3A_867 = arith.mulf %sub3A_856, %sub3A_856 : vector<16xf32>
      %add3A_868 = arith.addf %add3A_826, %mul3A_867 : vector<16xf32>
      %get3A_869 = arith.constant 0 : i32
      %get3A_870 = arith.index_cast %get3A_869 : i32 to index
      %get3A_871 = arith.index_cast %scan3A_658 : i32 to index
      %get3A_872 = arith.constant 48 : index
      %get3A_873 = tpu.vector_load %arg17[%get3A_870, %get3A_871, %get3A_872] {strides = array<i32>} : memref<4x64x128xf32, #tpu.memory_space<vmem>>, vector<1x1x16xf32>,
      %get3A_874 = vector.shape_cast %get3A_873 : vector<1x1x16xf32> to vector<16xf32>
      %get3A_875 = arith.constant 1 : i32
      %get3A_876 = arith.index_cast %get3A_875 : i32 to index
      %get3A_877 = arith.index_cast %scan3A_658 : i32 to index
      %get3A_878 = arith.constant 48 : index
      %get3A_879 = tpu.vector_load %arg17[%get3A_876, %get3A_877, %get3A_878] {strides = array<i32>} : memref<4x64x128xf32, #tpu.memory_space<vmem>>, vector<1x1x16xf32>,
      %get3A_880 = vector.shape_cast %get3A_879 : vector<1x1x16xf32> to vector<16xf32>
      %get3A_881 = arith.constant 2 : i32
      %get3A_882 = arith.index_cast %get3A_881 : i32 to index
      %get3A_883 = arith.index_cast %scan3A_658 : i32 to index
      %get3A_884 = arith.constant 48 : index
      %get3A_885 = tpu.vector_load %arg17[%get3A_882, %get3A_883, %get3A_884] {strides = array<i32>} : memref<4x64x128xf32, #tpu.memory_space<vmem>>, vector<1x1x16xf32>,
      %get3A_886 = vector.shape_cast %get3A_885 : vector<1x1x16xf32> to vector<16xf32>
      %get3A_887 = arith.constant 3 : i32
      %get3A_888 = arith.index_cast %get3A_887 : i32 to index
      %get3A_889 = arith.index_cast %scan3A_658 : i32 to index
      %get3A_890 = arith.constant 48 : index
      %get3A_891 = tpu.vector_load %arg17[%get3A_888, %get3A_889, %get3A_890] {strides = array<i32>} : memref<4x64x128xf32, #tpu.memory_space<vmem>>, vector<1x1x16xf32>,
      %get3A_892 = vector.shape_cast %get3A_891 : vector<1x1x16xf32> to vector<16xf32>
      %sub3A_893 = arith.subf %get3A_874, %get3A_880 : vector<16xf32>
      %sub3A_894 = arith.subf %get3A_874, %get3A_886 : vector<16xf32>
      %sub3A_895 = arith.subf %get3A_874, %get3A_892 : vector<16xf32>
      %sub3A_896 = arith.subf %get3A_880, %get3A_886 : vector<16xf32>
      %sub3A_897 = arith.subf %get3A_880, %get3A_892 : vector<16xf32>
      %sub3A_898 = arith.subf %get3A_886, %get3A_892 : vector<16xf32>
      %mul3A_899 = arith.mulf %sub3A_893, %sub3A_893 : vector<16xf32>
      %add3A_900 = arith.addf %add3A_858, %mul3A_899 : vector<16xf32>
      %mul3A_901 = arith.mulf %sub3A_894, %sub3A_894 : vector<16xf32>
      %add3A_902 = arith.addf %add3A_860, %mul3A_901 : vector<16xf32>
      %mul3A_903 = arith.mulf %sub3A_895, %sub3A_895 : vector<16xf32>
      %add3A_904 = arith.addf %add3A_862, %mul3A_903 : vector<16xf32>
      %mul3A_905 = arith.mulf %sub3A_896, %sub3A_896 : vector<16xf32>
      %add3A_906 = arith.addf %add3A_864, %mul3A_905 : vector<16xf32>
      %mul3A_907 = arith.mulf %sub3A_897, %sub3A_897 : vector<16xf32>
      %add3A_908 = arith.addf %add3A_866, %mul3A_907 : vector<16xf32>
      %mul3A_909 = arith.mulf %sub3A_898, %sub3A_898 : vector<16xf32>
      %add3A_910 = arith.addf %add3A_868, %mul3A_909 : vector<16xf32>
      %get3A_911 = arith.constant 0 : i32
      %get3A_912 = arith.index_cast %get3A_911 : i32 to index
      %get3A_913 = arith.index_cast %scan3A_658 : i32 to index
      %get3A_914 = arith.constant 64 : index
      %get3A_915 = tpu.vector_load %arg17[%get3A_912, %get3A_913, %get3A_914] {strides = array<i32>} : memref<4x64x128xf32, #tpu.memory_space<vmem>>, vector<1x1x16xf32>,
      %get3A_916 = vector.shape_cast %get3A_915 : vector<1x1x16xf32> to vector<16xf32>
      %get3A_917 = arith.constant 1 : i32
      %get3A_918 = arith.index_cast %get3A_917 : i32 to index
      %get3A_919 = arith.index_cast %scan3A_658 : i32 to index
      %get3A_920 = arith.constant 64 : index
      %get3A_921 = tpu.vector_load %arg17[%get3A_918, %get3A_919, %get3A_920] {strides = array<i32>} : memref<4x64x128xf32, #tpu.memory_space<vmem>>, vector<1x1x16xf32>,
      %get3A_922 = vector.shape_cast %get3A_921 : vector<1x1x16xf32> to vector<16xf32>
      %get3A_923 = arith.constant 2 : i32
      %get3A_924 = arith.index_cast %get3A_923 : i32 to index
      %get3A_925 = arith.index_cast %scan3A_658 : i32 to index
      %get3A_926 = arith.constant 64 : index
      %get3A_927 = tpu.vector_load %arg17[%get3A_924, %get3A_925, %get3A_926] {strides = array<i32>} : memref<4x64x128xf32, #tpu.memory_space<vmem>>, vector<1x1x16xf32>,
      %get3A_928 = vector.shape_cast %get3A_927 : vector<1x1x16xf32> to vector<16xf32>
      %get3A_929 = arith.constant 3 : i32
      %get3A_930 = arith.index_cast %get3A_929 : i32 to index
      %get3A_931 = arith.index_cast %scan3A_658 : i32 to index
      %get3A_932 = arith.constant 64 : index
      %get3A_933 = tpu.vector_load %arg17[%get3A_930, %get3A_931, %get3A_932] {strides = array<i32>} : memref<4x64x128xf32, #tpu.memory_space<vmem>>, vector<1x1x16xf32>,
      %get3A_934 = vector.shape_cast %get3A_933 : vector<1x1x16xf32> to vector<16xf32>
      %sub3A_935 = arith.subf %get3A_916, %get3A_922 : vector<16xf32>
      %sub3A_936 = arith.subf %get3A_916, %get3A_928 : vector<16xf32>
      %sub3A_937 = arith.subf %get3A_916, %get3A_934 : vector<16xf32>
      %sub3A_938 = arith.subf %get3A_922, %get3A_928 : vector<16xf32>
      %sub3A_939 = arith.subf %get3A_922, %get3A_934 : vector<16xf32>
      %sub3A_940 = arith.subf %get3A_928, %get3A_934 : vector<16xf32>
      %mul3A_941 = arith.mulf %sub3A_935, %sub3A_935 : vector<16xf32>
      %add3A_942 = arith.addf %add3A_900, %mul3A_941 : vector<16xf32>
      %mul3A_943 = arith.mulf %sub3A_936, %sub3A_936 : vector<16xf32>
      %add3A_944 = arith.addf %add3A_902, %mul3A_943 : vector<16xf32>
      %mul3A_945 = arith.mulf %sub3A_937, %sub3A_937 : vector<16xf32>
      %add3A_946 = arith.addf %add3A_904, %mul3A_945 : vector<16xf32>
      %mul3A_947 = arith.mulf %sub3A_938, %sub3A_938 : vector<16xf32>
      %add3A_948 = arith.addf %add3A_906, %mul3A_947 : vector<16xf32>
      %mul3A_949 = arith.mulf %sub3A_939, %sub3A_939 : vector<16xf32>
      %add3A_950 = arith.addf %add3A_908, %mul3A_949 : vector<16xf32>
      %mul3A_951 = arith.mulf %sub3A_940, %sub3A_940 : vector<16xf32>
      %add3A_952 = arith.addf %add3A_910, %mul3A_951 : vector<16xf32>
      %get3A_953 = arith.constant 0 : i32
      %get3A_954 = arith.index_cast %get3A_953 : i32 to index
      %get3A_955 = arith.index_cast %scan3A_658 : i32 to index
      %get3A_956 = arith.constant 80 : index
      %get3A_957 = tpu.vector_load %arg17[%get3A_954, %get3A_955, %get3A_956] {strides = array<i32>} : memref<4x64x128xf32, #tpu.memory_space<vmem>>, vector<1x1x16xf32>,
      %get3A_958 = vector.shape_cast %get3A_957 : vector<1x1x16xf32> to vector<16xf32>
      %get3A_959 = arith.constant 1 : i32
      %get3A_960 = arith.index_cast %get3A_959 : i32 to index
      %get3A_961 = arith.index_cast %scan3A_658 : i32 to index
      %get3A_962 = arith.constant 80 : index
      %get3A_963 = tpu.vector_load %arg17[%get3A_960, %get3A_961, %get3A_962] {strides = array<i32>} : memref<4x64x128xf32, #tpu.memory_space<vmem>>, vector<1x1x16xf32>,
      %get3A_964 = vector.shape_cast %get3A_963 : vector<1x1x16xf32> to vector<16xf32>
      %get3A_965 = arith.constant 2 : i32
      %get3A_966 = arith.index_cast %get3A_965 : i32 to index
      %get3A_967 = arith.index_cast %scan3A_658 : i32 to index
      %get3A_968 = arith.constant 80 : index
      %get3A_969 = tpu.vector_load %arg17[%get3A_966, %get3A_967, %get3A_968] {strides = array<i32>} : memref<4x64x128xf32, #tpu.memory_space<vmem>>, vector<1x1x16xf32>,
      %get3A_970 = vector.shape_cast %get3A_969 : vector<1x1x16xf32> to vector<16xf32>
      %get3A_971 = arith.constant 3 : i32
      %get3A_972 = arith.index_cast %get3A_971 : i32 to index
      %get3A_973 = arith.index_cast %scan3A_658 : i32 to index
      %get3A_974 = arith.constant 80 : index
      %get3A_975 = tpu.vector_load %arg17[%get3A_972, %get3A_973, %get3A_974] {strides = array<i32>} : memref<4x64x128xf32, #tpu.memory_space<vmem>>, vector<1x1x16xf32>,
      %get3A_976 = vector.shape_cast %get3A_975 : vector<1x1x16xf32> to vector<16xf32>
      %sub3A_977 = arith.subf %get3A_958, %get3A_964 : vector<16xf32>
      %sub3A_978 = arith.subf %get3A_958, %get3A_970 : vector<16xf32>
      %sub3A_979 = arith.subf %get3A_958, %get3A_976 : vector<16xf32>
      %sub3A_980 = arith.subf %get3A_964, %get3A_970 : vector<16xf32>
      %sub3A_981 = arith.subf %get3A_964, %get3A_976 : vector<16xf32>
      %sub3A_982 = arith.subf %get3A_970, %get3A_976 : vector<16xf32>
      %mul3A_983 = arith.mulf %sub3A_977, %sub3A_977 : vector<16xf32>
      %add3A_984 = arith.addf %add3A_942, %mul3A_983 : vector<16xf32>
      %mul3A_985 = arith.mulf %sub3A_978, %sub3A_978 : vector<16xf32>
      %add3A_986 = arith.addf %add3A_944, %mul3A_985 : vector<16xf32>
      %mul3A_987 = arith.mulf %sub3A_979, %sub3A_979 : vector<16xf32>
      %add3A_988 = arith.addf %add3A_946, %mul3A_987 : vector<16xf32>
      %mul3A_989 = arith.mulf %sub3A_980, %sub3A_980 : vector<16xf32>
      %add3A_990 = arith.addf %add3A_948, %mul3A_989 : vector<16xf32>
      %mul3A_991 = arith.mulf %sub3A_981, %sub3A_981 : vector<16xf32>
      %add3A_992 = arith.addf %add3A_950, %mul3A_991 : vector<16xf32>
      %mul3A_993 = arith.mulf %sub3A_982, %sub3A_982 : vector<16xf32>
      %add3A_994 = arith.addf %add3A_952, %mul3A_993 : vector<16xf32>
      %get3A_995 = arith.constant 0 : i32
      %get3A_996 = arith.index_cast %get3A_995 : i32 to index
      %get3A_997 = arith.index_cast %scan3A_658 : i32 to index
      %get3A_998 = arith.constant 96 : index
      %get3A_999 = tpu.vector_load %arg17[%get3A_996, %get3A_997, %get3A_998] {strides = array<i32>} : memref<4x64x128xf32, #tpu.memory_space<vmem>>, vector<1x1x16xf32>,
      %get3A_1000 = vector.shape_cast %get3A_999 : vector<1x1x16xf32> to vector<16xf32>
      %get3A_1001 = arith.constant 1 : i32
      %get3A_1002 = arith.index_cast %get3A_1001 : i32 to index
      %get3A_1003 = arith.index_cast %scan3A_658 : i32 to index
      %get3A_1004 = arith.constant 96 : index
      %get3A_1005 = tpu.vector_load %arg17[%get3A_1002, %get3A_1003, %get3A_1004] {strides = array<i32>} : memref<4x64x128xf32, #tpu.memory_space<vmem>>, vector<1x1x16xf32>,
      %get3A_1006 = vector.shape_cast %get3A_1005 : vector<1x1x16xf32> to vector<16xf32>
      %get3A_1007 = arith.constant 2 : i32
      %get3A_1008 = arith.index_cast %get3A_1007 : i32 to index
      %get3A_1009 = arith.index_cast %scan3A_658 : i32 to index
      %get3A_1010 = arith.constant 96 : index
      %get3A_1011 = tpu.vector_load %arg17[%get3A_1008, %get3A_1009, %get3A_1010] {strides = array<i32>} : memref<4x64x128xf32, #tpu.memory_space<vmem>>, vector<1x1x16xf32>,
      %get3A_1012 = vector.shape_cast %get3A_1011 : vector<1x1x16xf32> to vector<16xf32>
      %get3A_1013 = arith.constant 3 : i32
      %get3A_1014 = arith.index_cast %get3A_1013 : i32 to index
      %get3A_1015 = arith.index_cast %scan3A_658 : i32 to index
      %get3A_1016 = arith.constant 96 : index
      %get3A_1017 = tpu.vector_load %arg17[%get3A_1014, %get3A_1015, %get3A_1016] {strides = array<i32>} : memref<4x64x128xf32, #tpu.memory_space<vmem>>, vector<1x1x16xf32>,
      %get3A_1018 = vector.shape_cast %get3A_1017 : vector<1x1x16xf32> to vector<16xf32>
      %sub3A_1019 = arith.subf %get3A_1000, %get3A_1006 : vector<16xf32>
      %sub3A_1020 = arith.subf %get3A_1000, %get3A_1012 : vector<16xf32>
      %sub3A_1021 = arith.subf %get3A_1000, %get3A_1018 : vector<16xf32>
      %sub3A_1022 = arith.subf %get3A_1006, %get3A_1012 : vector<16xf32>
      %sub3A_1023 = arith.subf %get3A_1006, %get3A_1018 : vector<16xf32>
      %sub3A_1024 = arith.subf %get3A_1012, %get3A_1018 : vector<16xf32>
      %mul3A_1025 = arith.mulf %sub3A_1019, %sub3A_1019 : vector<16xf32>
      %add3A_1026 = arith.addf %add3A_984, %mul3A_1025 : vector<16xf32>
      %mul3A_1027 = arith.mulf %sub3A_1020, %sub3A_1020 : vector<16xf32>
      %add3A_1028 = arith.addf %add3A_986, %mul3A_1027 : vector<16xf32>
      %mul3A_1029 = arith.mulf %sub3A_1021, %sub3A_1021 : vector<16xf32>
      %add3A_1030 = arith.addf %add3A_988, %mul3A_1029 : vector<16xf32>
      %mul3A_1031 = arith.mulf %sub3A_1022, %sub3A_1022 : vector<16xf32>
      %add3A_1032 = arith.addf %add3A_990, %mul3A_1031 : vector<16xf32>
      %mul3A_1033 = arith.mulf %sub3A_1023, %sub3A_1023 : vector<16xf32>
      %add3A_1034 = arith.addf %add3A_992, %mul3A_1033 : vector<16xf32>
      %mul3A_1035 = arith.mulf %sub3A_1024, %sub3A_1024 : vector<16xf32>
      %add3A_1036 = arith.addf %add3A_994, %mul3A_1035 : vector<16xf32>
      %get3A_1037 = arith.constant 0 : i32
      %get3A_1038 = arith.index_cast %get3A_1037 : i32 to index
      %get3A_1039 = arith.index_cast %scan3A_658 : i32 to index
      %get3A_1040 = arith.constant 112 : index
      %get3A_1041 = tpu.vector_load %arg17[%get3A_1038, %get3A_1039, %get3A_1040] {strides = array<i32>} : memref<4x64x128xf32, #tpu.memory_space<vmem>>, vector<1x1x16xf32>,
      %get3A_1042 = vector.shape_cast %get3A_1041 : vector<1x1x16xf32> to vector<16xf32>
      %get3A_1043 = arith.constant 1 : i32
      %get3A_1044 = arith.index_cast %get3A_1043 : i32 to index
      %get3A_1045 = arith.index_cast %scan3A_658 : i32 to index
      %get3A_1046 = arith.constant 112 : index
      %get3A_1047 = tpu.vector_load %arg17[%get3A_1044, %get3A_1045, %get3A_1046] {strides = array<i32>} : memref<4x64x128xf32, #tpu.memory_space<vmem>>, vector<1x1x16xf32>,
      %get3A_1048 = vector.shape_cast %get3A_1047 : vector<1x1x16xf32> to vector<16xf32>
      %get3A_1049 = arith.constant 2 : i32
      %get3A_1050 = arith.index_cast %get3A_1049 : i32 to index
      %get3A_1051 = arith.index_cast %scan3A_658 : i32 to index
      %get3A_1052 = arith.constant 112 : index
      %get3A_1053 = tpu.vector_load %arg17[%get3A_1050, %get3A_1051, %get3A_1052] {strides = array<i32>} : memref<4x64x128xf32, #tpu.memory_space<vmem>>, vector<1x1x16xf32>,
      %get3A_1054 = vector.shape_cast %get3A_1053 : vector<1x1x16xf32> to vector<16xf32>
      %get3A_1055 = arith.constant 3 : i32
      %get3A_1056 = arith.index_cast %get3A_1055 : i32 to index
      %get3A_1057 = arith.index_cast %scan3A_658 : i32 to index
      %get3A_1058 = arith.constant 112 : index
      %get3A_1059 = tpu.vector_load %arg17[%get3A_1056, %get3A_1057, %get3A_1058] {strides = array<i32>} : memref<4x64x128xf32, #tpu.memory_space<vmem>>, vector<1x1x16xf32>,
      %get3A_1060 = vector.shape_cast %get3A_1059 : vector<1x1x16xf32> to vector<16xf32>
      %sub3A_1061 = arith.subf %get3A_1042, %get3A_1048 : vector<16xf32>
      %sub3A_1062 = arith.subf %get3A_1042, %get3A_1054 : vector<16xf32>
      %sub3A_1063 = arith.subf %get3A_1042, %get3A_1060 : vector<16xf32>
      %sub3A_1064 = arith.subf %get3A_1048, %get3A_1054 : vector<16xf32>
      %sub3A_1065 = arith.subf %get3A_1048, %get3A_1060 : vector<16xf32>
      %sub3A_1066 = arith.subf %get3A_1054, %get3A_1060 : vector<16xf32>
      %mul3A_1067 = arith.mulf %sub3A_1061, %sub3A_1061 : vector<16xf32>
      %add3A_1068 = arith.addf %add3A_1026, %mul3A_1067 : vector<16xf32>
      %mul3A_1069 = arith.mulf %sub3A_1062, %sub3A_1062 : vector<16xf32>
      %add3A_1070 = arith.addf %add3A_1028, %mul3A_1069 : vector<16xf32>
      %mul3A_1071 = arith.mulf %sub3A_1063, %sub3A_1063 : vector<16xf32>
      %add3A_1072 = arith.addf %add3A_1030, %mul3A_1071 : vector<16xf32>
      %mul3A_1073 = arith.mulf %sub3A_1064, %sub3A_1064 : vector<16xf32>
      %add3A_1074 = arith.addf %add3A_1032, %mul3A_1073 : vector<16xf32>
      %mul3A_1075 = arith.mulf %sub3A_1065, %sub3A_1065 : vector<16xf32>
      %add3A_1076 = arith.addf %add3A_1034, %mul3A_1075 : vector<16xf32>
      %mul3A_1077 = arith.mulf %sub3A_1066, %sub3A_1066 : vector<16xf32>
      %add3A_1078 = arith.addf %add3A_1036, %mul3A_1077 : vector<16xf32>
      %mul3A_1079 = vector.broadcast %mul3A_737 : f32 to vector<16xf32>
      %mul3A_1080 = arith.mulf %mul3A_1079, %add3A_1068 : vector<16xf32>
      %mul3A_1081 = vector.broadcast %mul3A_738 : f32 to vector<16xf32>
      %mul3A_1082 = arith.mulf %mul3A_1081, %add3A_1070 : vector<16xf32>
      %add3A_1083 = arith.addf %mul3A_1080, %mul3A_1082 : vector<16xf32>
      %mul3A_1084 = vector.broadcast %mul3A_739 : f32 to vector<16xf32>
      %mul3A_1085 = arith.mulf %mul3A_1084, %add3A_1072 : vector<16xf32>
      %add3A_1086 = arith.addf %add3A_1083, %mul3A_1085 : vector<16xf32>
      %add3A_1087 = arith.addf %scan3A_659, %add3A_1086 : vector<16xf32>
      %mul3A_1088 = vector.broadcast %mul3A_740 : f32 to vector<16xf32>
      %mul3A_1089 = arith.mulf %mul3A_1088, %add3A_1074 : vector<16xf32>
      %mul3A_1090 = vector.broadcast %mul3A_741 : f32 to vector<16xf32>
      %mul3A_1091 = arith.mulf %mul3A_1090, %add3A_1076 : vector<16xf32>
      %add3A_1092 = arith.addf %mul3A_1089, %mul3A_1091 : vector<16xf32>
      %mul3A_1093 = vector.broadcast %mul3A_742 : f32 to vector<16xf32>
      %mul3A_1094 = arith.mulf %mul3A_1093, %add3A_1078 : vector<16xf32>
      %add3A_1095 = arith.addf %add3A_1092, %mul3A_1094 : vector<16xf32>
      %add3A_1096 = arith.addf %add3A_1087, %add3A_1095 : vector<16xf32>
      %mul3A_1097 = vector.broadcast %mul3A_731 : f32 to vector<16xf32>
      %mul3A_1098 = arith.mulf %add3A_1068, %mul3A_1097 : vector<16xf32>
      %add3A_1099 = arith.addf %scan3A_660, %mul3A_1098 : vector<16xf32>
      %mul3A_1100 = vector.broadcast %mul3A_734 : f32 to vector<16xf32>
      %mul3A_1101 = arith.mulf %add3A_1074, %mul3A_1100 : vector<16xf32>
      %add3A_1102 = arith.addf %scan3A_661, %mul3A_1101 : vector<16xf32>
      %mul3A_1103 = vector.broadcast %mul3A_736 : f32 to vector<16xf32>
      %mul3A_1104 = arith.mulf %add3A_1078, %mul3A_1103 : vector<16xf32>
      %add3A_1105 = arith.addf %scan3A_662, %mul3A_1104 : vector<16xf32>
      %add3A_1106 = arith.addf %scan3A_663, %mul3A_731 : f32
      %add3A_1107 = arith.addf %scan3A_664, %mul3A_734 : f32
      %add3A_1108 = arith.addf %scan3A_665, %mul3A_736 : f32
      scf.yield %add3A_1096, %add3A_1099, %add3A_1102, %add3A_1105, %add3A_1106, %add3A_1107, %add3A_1108 : vector<16xf32>, vector<16xf32>, vector<16xf32>, vector<16xf32>, f32, f32, f32
    }
    %scan3A_599 = arith.constant 64 : i32
    %eq3A_600 = arith.constant 0 : i32
    %eq3A_601 = vector.broadcast %eq3A_600 : i32 to vector<16xi32>
    %eq3A_602 = arith.cmpi eq, %iota3A, %eq3A_601 : vector<16xi32>
    %jit3A_603 = arith.constant 0.000000e+00 : f32
    %broadcast_in_dim3A_604 = vector.broadcast %scan3A_598#4 : f32 to vector<16xf32>
    %broadcast_in_dim3A_605 = vector.broadcast %jit3A_603 : f32 to vector<16xf32>
    %select_n3A_606 = arith.select %eq3A_602, %broadcast_in_dim3A_604, %broadcast_in_dim3A_605 : vector<16xi1>, vector<16xf32>
    %eq3A_607 = arith.constant 1 : i32
    %eq3A_608 = vector.broadcast %eq3A_607 : i32 to vector<16xi32>
    %eq3A_609 = arith.cmpi eq, %iota3A, %eq3A_608 : vector<16xi32>
    %broadcast_in_dim3A_610 = vector.broadcast %scan3A_598#5 : f32 to vector<16xf32>
    %select_n3A_611 = arith.select %eq3A_609, %broadcast_in_dim3A_610, %select_n3A_606 : vector<16xi1>, vector<16xf32>
    %eq3A_612 = arith.constant 2 : i32
    %eq3A_613 = vector.broadcast %eq3A_612 : i32 to vector<16xi32>
    %eq3A_614 = arith.cmpi eq, %iota3A, %eq3A_613 : vector<16xi32>
    %broadcast_in_dim3A_615 = vector.broadcast %scan3A_598#6 : f32 to vector<16xf32>
    %select_n3A_616 = arith.select %eq3A_614, %broadcast_in_dim3A_615, %select_n3A_611 : vector<16xi1>, vector<16xf32>
    %swap3A_617 = arith.constant 0 : index
    %swap3A_618 = tpu.vector_load %arg19[%swap3A_617] {strides = array<i32>} : memref<128xf32, #tpu.memory_space<vmem>>, vector<16xf32>,
    %swap3A_619 = vector.shape_cast %swap3A_618 : vector<16xf32> to vector<16xf32>
    %swap3A_620 = vector.shape_cast %scan3A_598#0 : vector<16xf32> to vector<16xf32>
    tpu.vector_store %arg19[%swap3A_617], %swap3A_620 {strides = array<i32>} : memref<128xf32, #tpu.memory_space<vmem>>, vector<16xf32>,
    %broadcast_in_dim3A_621 = arith.constant 0.000000e+00 : f32
    %broadcast_in_dim3A_622 = vector.broadcast %broadcast_in_dim3A_621 : f32 to vector<16xf32>
    %swap3A_623 = arith.constant 16 : index
    %swap3A_624 = tpu.vector_load %arg19[%swap3A_623] {strides = array<i32>} : memref<128xf32, #tpu.memory_space<vmem>>, vector<16xf32>,
    %swap3A_625 = vector.shape_cast %swap3A_624 : vector<16xf32> to vector<16xf32>
    %swap3A_626 = vector.shape_cast %broadcast_in_dim3A_622 : vector<16xf32> to vector<16xf32>
    tpu.vector_store %arg19[%swap3A_623], %swap3A_626 {strides = array<i32>} : memref<128xf32, #tpu.memory_space<vmem>>, vector<16xf32>,
    %swap3A_627 = arith.constant 32 : index
    %swap3A_628 = tpu.vector_load %arg19[%swap3A_627] {strides = array<i32>} : memref<128xf32, #tpu.memory_space<vmem>>, vector<16xf32>,
    %swap3A_629 = vector.shape_cast %swap3A_628 : vector<16xf32> to vector<16xf32>
    %swap3A_630 = vector.shape_cast %scan3A_598#1 : vector<16xf32> to vector<16xf32>
    tpu.vector_store %arg19[%swap3A_627], %swap3A_630 {strides = array<i32>} : memref<128xf32, #tpu.memory_space<vmem>>, vector<16xf32>,
    %swap3A_631 = arith.constant 48 : index
    %swap3A_632 = tpu.vector_load %arg19[%swap3A_631] {strides = array<i32>} : memref<128xf32, #tpu.memory_space<vmem>>, vector<16xf32>,
    %swap3A_633 = vector.shape_cast %swap3A_632 : vector<16xf32> to vector<16xf32>
    %swap3A_634 = vector.shape_cast %scan3A_598#2 : vector<16xf32> to vector<16xf32>
    tpu.vector_store %arg19[%swap3A_631], %swap3A_634 {strides = array<i32>} : memref<128xf32, #tpu.memory_space<vmem>>, vector<16xf32>,
    %swap3A_635 = arith.constant 64 : index
    %swap3A_636 = tpu.vector_load %arg19[%swap3A_635] {strides = array<i32>} : memref<128xf32, #tpu.memory_space<vmem>>, vector<16xf32>,
    %swap3A_637 = vector.shape_cast %swap3A_636 : vector<16xf32> to vector<16xf32>
    %swap3A_638 = vector.shape_cast %scan3A_598#3 : vector<16xf32> to vector<16xf32>
    tpu.vector_store %arg19[%swap3A_635], %swap3A_638 {strides = array<i32>} : memref<128xf32, #tpu.memory_space<vmem>>, vector<16xf32>,
    %swap3A_639 = arith.constant 80 : index
    %swap3A_640 = tpu.vector_load %arg19[%swap3A_639] {strides = array<i32>} : memref<128xf32, #tpu.memory_space<vmem>>, vector<16xf32>,
    %swap3A_641 = vector.shape_cast %swap3A_640 : vector<16xf32> to vector<16xf32>
    %swap3A_642 = vector.shape_cast %select_n3A_616 : vector<16xf32> to vector<16xf32>
    tpu.vector_store %arg19[%swap3A_639], %swap3A_642 {strides = array<i32>} : memref<128xf32, #tpu.memory_space<vmem>>, vector<16xf32>,
    %broadcast_in_dim3A_643 = arith.constant 0.000000e+00 : f32
    %broadcast_in_dim3A_644 = vector.broadcast %broadcast_in_dim3A_643 : f32 to vector<16xf32>
    %swap3A_645 = arith.constant 96 : index
    %swap3A_646 = tpu.vector_load %arg19[%swap3A_645] {strides = array<i32>} : memref<128xf32, #tpu.memory_space<vmem>>, vector<16xf32>,
    %swap3A_647 = vector.shape_cast %swap3A_646 : vector<16xf32> to vector<16xf32>
    %swap3A_648 = vector.shape_cast %broadcast_in_dim3A_644 : vector<16xf32> to vector<16xf32>
    tpu.vector_store %arg19[%swap3A_645], %swap3A_648 {strides = array<i32>} : memref<128xf32, #tpu.memory_space<vmem>>, vector<16xf32>,
    %broadcast_in_dim3A_649 = arith.constant 0.000000e+00 : f32
    %broadcast_in_dim3A_650 = vector.broadcast %broadcast_in_dim3A_649 : f32 to vector<16xf32>
    %swap3A_651 = arith.constant 112 : index
    %swap3A_652 = tpu.vector_load %arg19[%swap3A_651] {strides = array<i32>} : memref<128xf32, #tpu.memory_space<vmem>>, vector<16xf32>,
    %swap3A_653 = vector.shape_cast %swap3A_652 : vector<16xf32> to vector<16xf32>
    %swap3A_654 = vector.shape_cast %broadcast_in_dim3A_650 : vector<16xf32> to vector<16xf32>
    tpu.vector_store %arg19[%swap3A_651], %swap3A_654 {strides = array<i32>} : memref<128xf32, #tpu.memory_space<vmem>>, vector<16xf32>,
    %mul3A_655 = arith.constant 16 : i32
    %mul3A_656 = arith.muli %arg0, %mul3A_655 : i32
    %add3A_657 = arith.addi %mul3A_656, %arg1 : i32
    "tpu.region"() ({
      %run_scoped3A = tpu.sem_alloc : memref<!tpu.dma_semaphore, #tpu.memory_space<semaphore_mem>>
      %dma_start3A_658 = arith.constant 0 : i32
      %dma_start3A_659 = tpu.memref_slice %arg4[%add3A_657, %dma_start3A_658] : memref<32x128xf32, #tpu.memory_space<hbm>> -> memref<1x128xf32, #tpu.memory_space<hbm>>
      %dma_start3A_660 = tpu.memref_squeeze %dma_start3A_659 : memref<1x128xf32, #tpu.memory_space<hbm>> -> memref<128xf32, #tpu.memory_space<hbm>>
      %dma_start3A_661 = arith.constant 0 : i32
      %dma_start3A_662 = tpu.memref_slice %arg4[%add3A_657, %dma_start3A_661] : memref<32x128xf32, #tpu.memory_space<hbm>> -> memref<1x128xf32, #tpu.memory_space<hbm>>
      %dma_start3A_663 = tpu.memref_squeeze %dma_start3A_662 : memref<1x128xf32, #tpu.memory_space<hbm>> -> memref<128xf32, #tpu.memory_space<hbm>>
      tpu.enqueue_dma source(%arg19 : memref<128xf32, #tpu.memory_space<vmem>>) target(%dma_start3A_663 : memref<128xf32, #tpu.memory_space<hbm>>) target_semaphore(%run_scoped3A : memref<!tpu.dma_semaphore, #tpu.memory_space<semaphore_mem>>)
      %dma_wait3A_664 = arith.constant 0 : i32
      %dma_wait3A_665 = tpu.memref_slice %arg4[%add3A_657, %dma_wait3A_664] : memref<32x128xf32, #tpu.memory_space<hbm>> -> memref<1x128xf32, #tpu.memory_space<hbm>>
      %dma_wait3A_666 = tpu.memref_squeeze %dma_wait3A_665 : memref<1x128xf32, #tpu.memory_space<hbm>> -> memref<128xf32, #tpu.memory_space<hbm>>
      %dma_wait3A_667 = arith.constant 0 : i32
      %dma_wait3A_668 = tpu.memref_slice %arg4[%add3A_657, %dma_wait3A_667] : memref<32x128xf32, #tpu.memory_space<hbm>> -> memref<1x128xf32, #tpu.memory_space<hbm>>
      %dma_wait3A_669 = tpu.memref_squeeze %dma_wait3A_668 : memref<1x128xf32, #tpu.memory_space<hbm>> -> memref<128xf32, #tpu.memory_space<hbm>>
      tpu.wait_dma2 semaphore(%run_scoped3A : memref<!tpu.dma_semaphore, #tpu.memory_space<semaphore_mem>>) src(%arg19 : memref<128xf32, #tpu.memory_space<vmem>>) dst(%dma_wait3A_669 : memref<128xf32, #tpu.memory_space<hbm>>)
      tpu.yield
    }) : () -> ()
    return
  }
}

</mosaic_0001>

<sc_bundles>
// kernel: kernel.3.cloned.1.call-start
scs
__scs_entry_jumppad:
0x0: {  	(pc) =	sbr.rel $0x88, $3  }
0x1: {  	(tag) =	ssettag $0x0;
	lr =	simm.s32 $0x1  }
0x2: {  	[smem:$0x3F9F] =	sst lr;
	_ =	strace $0xD0000000  }
0x3: {  	_ = 	snop  }
0x4: {  	_ = 	snop  }
0x5: {  	_ = 	snop  }
0x6: {  	_ = 	snop  }
0x7: {  	_ = 	snop  }
__scs_overlays_trampoline_lowered:
0x8: {  	[smem:$0x3FAE] =	sst s0  }
0x9: {  	[smem:$0x3FAF] =	sst s1  }
0xa: {  	[smem:$0x3FB0] =	sst s2  }
0xb: {  	[smem:$0x3FB1] =	sst s3  }
0xc: {  	[smem:$0x3FB2] =	sst s4  }
0xd: {  	[smem:$0x3FB3] =	sst s5  }
0xe: {  	[smem:$0x3FB4] =	sst s6  }
0xf: {  	[smem:$0x3FB5] =	sst s7  }
0x10: {  	[smem:$0x3FB6] =	sst s8  }
0x11: {  	[smem:$0x3FB7] =	sst s9;
	s0 =	simm.s32 @!p0 $0x0  }
0x12: {  	s1 =	sld [smem:$0x3F9D];
	s0 =	simm.s32 @p0 $0x1  }
0x13: {  	[smem:$0x3FB8] =	sst s0;
	s0 =	simm.s32 @!p1 $0x0  }
0x14: {  	s2 =	sld [smem:$0x3F9C];
	s0 =	simm.s32 @p1 $0x1  }
0x15: {  	[smem:$0x3FB9] =	sst s0;
	s0 =	simm.s32 @!p2 $0x0  }
0x16: {  	s3 =	sld [smem:$0x3FDB];
	s0 =	simm.s32 @p2 $0x1  }
0x17: {  	s4 =	simm.s32 $0x1BF5;
	[smem:$0x3FBB] =	sst s0  }
0x18: {  	s0 =	sld [smem:$0x3F9E];
	_ =	swait.ge [sflag:s4], $0x0  }
0x19: {  	s7 =	sld [smem:$0x3F9F]  }
0x1a: {  	s8 =	sadd.s32 $0xFFFFE003, lr  }
0x1b: {  	s9 =	sadd.s32 $0xFFFFFEF7, lr;
	s5 =	simm.s32 $0xFFFFFFFF;
	p2 =	slt.u32 s8, $0xFFFFF086  }
0x1c: {  	p1 =	slt.u32 s9, $0xF7A;
	s5 =	simm.s32 @!p2 $0x0  }
0x1d: {  	s5 =	simm.s32 @p1 $0x1;
	p0 =	seq.s32 s7, s2  }
0x1e: {  	s7 =	smul.u32 @!p0 $0xF7A, s2;
	p2 =	seq.s32 @!p0 s5, $0x0  }
0x1f: {  	s9 =	smul.u32 $0xF7A, s1;
	s8 =	simm.s32 @!p0 $0x1BF5;
	p2 =	por !p2, p0  }
0x20: {  	[sflag:s8] =	ssyncset.s32 @!p0 $0xFFFFF086;
	s6 =	sadd.s32 @!p0 s3, s7;
	s7 =	simm.s32 @!p0 $0x108  }
0x21: {  	s3 =	sadd.s32 s3, s9;
	s6 =	sadd.s32 @!p0 $0x88, s6;
	s7 =	simm.s32 @p2 $0x1082  }
0x22: {  	[simem:s7], [sflag:s8] =	dma.local @!p0 [hbm:s6], $0xF7A  }
0x23: {  	s9 =	sor.u32 $0xD0000000, s2;
	s6 =	simm.s32 $0x108;
	_ =	swait.ge @!p0 [sflag:s8], $0x0  }
0x24: {  	s3 =	sadd.s32 $0x88, s3;
	s6 =	simm.s32 @!p1 $0x1082;
	[sflag:s4] =	ssyncset.s32 $0xFFFFF086  }
0x25: {  	[simem:s6], [sflag:s4] =	dma.local [hbm:s3], $0xF7A  }
0x26: {  	[smem:$0x3F9F] =	sst s1;
	(tag) =	ssettag s2;
	_ =	strace s9  }
0x27: {  	s1 =	sld [smem:$0x3FAF]  }
0x28: {  	s2 =	sld [smem:$0x3FB0]  }
0x29: {  	s4 =	sld [smem:$0x3FB2]  }
0x2a: {  	p0 =	seq.s32 s5, $0x0;
	s5 =	sld [smem:$0x3FB3]  }
0x2b: {  	s6 =	sld [smem:$0x3FB4]  }
0x2c: {  	s7 =	sld [smem:$0x3FB5]  }
0x2d: {  	s3 =	simm.s32 $0x108;
	s8 =	sld [smem:$0x3FB6]  }
0x2e: {  	s3 =	simm.s32 @!p0 $0x1082;
	s9 =	sld [smem:$0x3FB7]  }
0x2f: {  	lr =	sadd.s32 s0, s3;
	s0 =	sld [smem:$0x3FAE]  }
0x30: {  	s3 =	sld [smem:$0x3FB1]  }
0x31: {  	[smem:$0x3FBA] =	sst s10  }
0x32: {  	s10 =	sld [smem:$0x3FB8];
	_ =	sdelay $0x3  }
0x33: {  	p0 =	seq.s32 s10, $0x1;
	s10 =	sld [smem:$0x3FBA];
	_ =	sdelay $0x3  }
0x34: {  	[smem:$0x3FBA] =	sst s10  }
0x35: {  	s10 =	sld [smem:$0x3FB9];
	_ =	sdelay $0x3  }
0x36: {  	p1 =	seq.s32 s10, $0x1;
	s10 =	sld [smem:$0x3FBA];
	_ =	sdelay $0x3  }
0x37: {  	[smem:$0x3FBA] =	sst s10  }
0x38: {  	s10 =	sld [smem:$0x3FBB]  }
0x39: {  	_ = 	snop;
	(pc) =	sbr.ind lr, $3  }
0x3a: {  	_ = 	snop  }
0x3b: {  	_ = 	snop  }
0x3c: {  	p2 =	seq.s32 s10, $0x1;
	s10 =	sld [smem:$0x3FBA]  }
0x3d: {  	_ =	shalt  }
0x3e: {  	_ =	shalt  }
0x3f: {  	_ =	shalt  }
0x40: {  	_ =	shalt  }
0x41: {  	_ =	shalt  }
0x42: {  	_ =	shalt  }
0x43: {  	_ =	shalt  }
0x44: {  	_ =	shalt  }
0x45: {  	_ =	shalt  }
0x46: {  	_ =	shalt  }
0x47: {  	_ =	shalt  }
0x48: {  	_ =	shalt  }
0x49: {  	_ =	shalt  }
0x4a: {  	_ =	shalt  }
0x4b: {  	_ =	shalt  }
0x4c: {  	_ =	shalt  }
0x4d: {  	_ =	shalt  }
0x4e: {  	_ =	shalt  }
0x4f: {  	_ =	shalt  }
0x50: {  	_ =	shalt  }
0x51: {  	_ =	shalt  }
0x52: {  	_ =	shalt  }
0x53: {  	_ =	shalt  }
0x54: {  	_ =	shalt  }
0x55: {  	_ =	shalt  }
0x56: {  	_ =	shalt  }
0x57: {  	_ =	shalt  }
0x58: {  	_ =	shalt  }
0x59: {  	_ =	shalt  }
0x5a: {  	_ =	shalt  }
0x5b: {  	_ =	shalt  }
0x5c: {  	_ =	shalt  }
0x5d: {  	_ =	shalt  }
0x5e: {  	_ =	shalt  }
0x5f: {  	_ =	shalt  }
0x60: {  	_ =	shalt  }
0x61: {  	_ =	shalt  }
0x62: {  	_ =	shalt  }
0x63: {  	_ =	shalt  }
0x64: {  	_ =	shalt  }
0x65: {  	_ =	shalt  }
0x66: {  	_ =	shalt  }
0x67: {  	_ =	shalt  }
0x68: {  	_ =	shalt  }
0x69: {  	_ =	shalt  }
0x6a: {  	_ =	shalt  }
0x6b: {  	_ =	shalt  }
0x6c: {  	_ =	shalt  }
0x6d: {  	_ =	shalt  }
0x6e: {  	_ =	shalt  }
0x6f: {  	_ =	shalt  }
0x70: {  	_ =	shalt  }
0x71: {  	_ =	shalt  }
0x72: {  	_ =	shalt  }
0x73: {  	_ =	shalt  }
0x74: {  	_ =	shalt  }
0x75: {  	_ =	shalt  }
0x76: {  	_ =	shalt  }
0x77: {  	_ =	shalt  }
0x78: {  	_ =	shalt  }
0x79: {  	_ =	shalt  }
0x7a: {  	_ =	shalt  }
0x7b: {  	_ =	shalt  }
0x7c: {  	_ =	shalt  }
0x7d: {  	_ =	shalt  }
0x7e: {  	_ =	shalt  }
0x7f: {  	_ =	shalt  }
0x80: {  	_ =	shalt  }
0x81: {  	_ =	shalt  }
0x82: {  	_ =	shalt  }
0x83: {  	_ =	shalt  }
0x84: {  	_ =	shalt  }
0x85: {  	_ =	shalt  }
0x86: {  	_ =	shalt  }
0x87: {  	_ =	shalt  }
.Lfunc_end0:
.L_simem_size_0:
called_computation_lowered:
.L_overlay_start_0:
0x88: {  	s2 =	sld [smem:$0x3FD9]  }
0x89: {  	s3 =	sld [smem:$0x3FFE];
	_ =	sdelay $0x1  }
0x8a: {  	s1 =	srdreg.scid  }
0x8b: {  	s0 =	sand.u32 $0x1, s1  }
0x8c: {  	s17 =	sshll.u32 s0, $0xA;
	s2 =	sadd.s32 s3, s2  }
0x8d: {  	s2 =	sadd.s32 s2, s17  }
0x8e: {  	[smem:$0x3FC6] =	sst s2  }
0x8f: {  	_ = 	snop  }
0x90: {  	s2 =	sld [smem:$0x3FC9];
	(tm) =	ssettm $0x1  }
0x91: {  	s18 =	sld [smem:$0x3FFB];
	_ =	sdelay $0x3  }
0x92: {  	_ =	strace s18  }
0x93: {  	s3 =	sld [smem:$0x3FFC];
	_ =	sdelay $0x3  }
0x94: {  	_ =	strace s3  }
0x95: {  	s3 =	sld [smem:$0x3FFD];
	_ =	sdelay $0x3  }
0x96: {  	_ =	strace s3  }
0x97: {  	_ =	strace $0x8FFFFFFF  }
0x98: {  	s19 =	sld [smem:$0x3FDB];
	_ =	sdelay $0x1  }
0x99: {  	s4 =	simm.s32 $_scs_section_size  }
0x9a: {  	s5 =	simm.s32 $_size__tile_overlayer_lowered;
	s6 =	simm.s32 $_tile_overlayer_lowered  }
0x9b: {  	s22 =	simm.s32 $0x1BFF;
	s21 =	sshll.u32 s6, $0x1;
	s3 =	sadd.s32 s4, s19  }
0x9c: {  	s7 =	simm.s32 $0x0;
	s20 =	sshll.u32 s5, $0x1;
	s5 =	sadd.s32 s21, s3  }
0x9d: {  	[timem:s7], [sflag:s22] =	dma.local [hbm:s5], s20  }
0x9e: {  	_ =	swait.ge [sflag:s22], s20  }
0x9f: {  	s4 =	ssub.s32 $0x0, s20;
	[sflag:s22] =	ssyncset.done $0x0  }
0xa0: {  	[sflag:s22] =	ssyncadd.s32 s4;
	_ =	sdelay $0x1  }
0xa1: {  	s23 =	simm.s32 $0x1B8B  }
0xa2: {  	_ =	swait.ge [sflag:s23], $0x1  }
0xa3: {  	[sflag:s23] =	ssyncset.done $0x0  }
0xa4: {  	s25 =	simm.s32 $0x1B8E;
	s24 =	sld [smem:$0x3FFE];
	[sflag:s23] =	ssyncadd.s32 $0xFFFFFFFF  }
0xa5: {  	s26 =	simm.s32 $execute0_lowered;
	[smem:$0x3FD2] =	sst s25  }
0xa6: {  	s5 =	sshll.u32 s26, $0x1;
	_ =	strace $0x80000046;
	[dreg:$0x1] =	wrdreg $0xFFFFFFFF  }
0xa7: {  	s28 =	simm.s32 $_size_execute0_lowered;
	s3 =	sadd.s32 s3, s5;
	[dreg:$0x0] =	wrdreg $0x0  }
0xa8: {  	s5 =	sshll.u32 s28, $0x1;
	[dreg:$0x2] =	wrdreg s3  }
0xa9: {  	[dreg:$0x3] =	wrdreg s5  }
0xaa: {  	[dreg:$0x4] =	wrdreg $0xC0  }
0xab: {  	_ =	task [dreg:s7], $0x5FFFF  }
0xac: {  	[dreg:$0x1] =	wrdreg $0xFFFFFFFF  }
0xad: {  	[dreg:$0x0] =	wrdreg $0x60  }
0xae: {  	[dreg:$0x2] =	wrdreg s2  }
0xaf: {  	[dreg:$0x3] =	wrdreg s24  }
0xb0: {  	[dreg:$0x4] =	wrdreg $0x0  }
0xb1: {  	[dreg:$0x5] =	wrdreg $0x9  }
0xb2: {  	_ =	task.clear_ibuf [dreg:s7], $0x6FFFF;
	_ =	strace $0x90000046  }
0xb3: {  	s29 =	simm.s32 $0x9;
	_ =	strace $0x80000048  }
0xb4: {  	_ =	swait.ge [sflag:s29], $0x1  }
0xb5: {  	[sflag:s29] =	ssyncadd.s32 $0xFFFFFFFF  }
0xb6: {  	_ =	strace $0x90000048  }
0xb7: {  	_ =	sfence  }
0xb8: {  	s30 =	sld [smem:$0x0];
	_ =	sdelay $0x2  }
0xb9: {  	s31 =	sshll.u32 s1, $0xD;
	s1 =	sshrl.u32 s1, $0x2  }
0xba: {  	s3 =	sand.u32 $0x4000, s31;
	s1 =	sadd.s32 s1, s30  }
0xbb: {  	s0 =	sor.u32 s3, s0;
	s1 =	sshll.u32 s1, $0x11  }
0xbc: {  	s0 =	sor.u32 s1, s0  }
0xbd: {  	s0 =	sadd.s32 $0x8F2B, s0  }
0xbe: {  	[sflag:s0] =	ssyncadd.remote.s32 $0x1  }
0xbf: {  	_ =	sfence.sel $0xFFFF  }
0xc0: {  	[dreg:$0x0] =	wrdreg $0xFFFFFFFF;
	(pc) =	sbr.abs _section_cstart, $3  }
0xc1: {  	[dreg:$0x1] =	wrdreg $0xFFFFFFFF  }
0xc2: {  	_ =	task.clear_ibuf [dreg:s7], $0x2FFFF;
	_ =	strace $0x9FFFFFFF  }
0xc3: {  	(tm) =	ssettm $0x7FFFFFFF  }
tec
execute0_lowered:
.L_overlay_start_1:
0x0: {  	(tag) =	ssettag $0x1  }
0x1: {  	s1 =	rddreg [dreg:$0x0]  }
0x2: {  	s0 =	rddreg [dreg:$0x1]  }
0x3: {  	s12 =	rddreg [dreg:$0x2]  }
0x4: {  	s13 =	simm.s32 $0x0;
	s10 =	stileid.u32;
	s2 =	srdreg.scid  }
0x5: {  	s16 =	simm.s32 $0x6300;
	s19 =	simm.s32 $0x3;
	s17 =	simm.s32 $0x3200  }
0x6: {  	s18 =	simm.s32 $0x4A80;
	s29 =	simm.s32 $0x9500;
	s30 =	simm.s32 $0xB880  }
0x7: {  	s31 =	simm.s32 $0x9580;
	[smem:$0x7FF] =	sst s13;
	s3 =	sshll.u32 s10, $0x4  }
0x8: {  	s2 =	sand.u32 $0x1, s2;
	s4 =	smul.u32 $0x3200, s10;
	s6 =	sshrl.u32 s10, $0x2  }
0x9: {  	s7 =	sand.u32 $0x3, s10;
	_ =	strace $0x80000047;
	s8 =	smul.u32 $0xC400, s6  }
0xa: {  	s3 =	sadd.s32 s3, s0;
	s5 =	ssub.s32 $0x2, s2;
	s6 =	smul.u32 $0xC800, s6  }
0xb: {  	s14 =	smul.u32 $0xC350, s2;
	s2 =	sshll.u32 s2, $0x8;
	s4 =	sshrl.u32 s4, $0x2  }
0xc: {  	s9 =	sshrl.u32 s5, $0x1;
	s2 =	sadd.s32 s2, s3;
	s3 =	simm.s32 $0x9600  }
0xd: {  	s11 =	sadd.s32 s4, s12;
	s4 =	smul.u32 $0x3100, s7;
	s5 =	ssub.s32 s5, s9  }
0xe: {  	s15 =	sadd.s32 $0xC400, s6;
	s2 =	sadd.s32 $0x6200, s2;
	[dreg:$0x4] =	wrdreg s11  }
0xf: {  	v0 =	vmov s14;
	s14 =	simm.s32 $0x1;
	s25 =	sadd.s32 $0xC800, s11;
	[dreg:$0xe] =	wrdreg s2  }
0x10: {  	s26 =	sadd.s32 $0x19000, s11;
	s11 =	sadd.s32 $0x25800, s11;
	[dreg:$0x5] =	wrdreg s25  }
0x11: {  	[dreg:$0x6] =	wrdreg s26;
	s28 =	sadd.s32 s4, s8;
	s8 =	smul.u32 $0xC40, s10  }
0x12: {  	[dreg:$0x7] =	wrdreg s11;
	s7 =	sshrl.u32 s28, $0x3;
	s28 =	smax.u32 s5, $0x1  }
0x13: {  	v2 =	vlaneseq.u32;
	v1 =	vmov s15;
	s15 =	simm.s32 $0x2;
	s7 =	sadd.s32 s0, s7;
	[dreg:$0xf] =	wrdreg s28  }
0x14: {  	s10 =	sadd.s32 s8, s12;
	s23 =	sor.u32 $0x10, s8;
	v5 =	vor.u32 s8, v2;
	[dreg:$0x8] =	wrdreg s7  }
0x15: {  	[tilespmem:$0x1FFF0] =	vst v0;
	s24 =	sor.u32 $0x20, s8;
	s7 =	sadd.s32 $0x310, s7;
	[dreg:$0x9] =	wrdreg s10;
	v6 =	vor.u32 s23, v2;
	v5 =	vand.u32 $0x7FCF, v5  }
0x16: {  	s26 =	sor.u32 $0x30, s8;
	s20 =	sadd.s32 $0xC800, s10;
	v7 =	vor.u32 s24, v2;
	[dreg:$0xa] =	wrdreg s7;
	[tilespmem:$0x1FFB0] =	vst v5;
	v5 =	vand.u32 $0x7FDF, v6  }
0x17: {  	vm0 =	vcmask $0x300;
	s25 =	simm.s32 $0x40;
	s21 =	sadd.s32 $0x19000, s10;
	v8 =	vor.u32 s26, v2;
	[dreg:$0xb] =	wrdreg s20;
	[tilespmem:$0x1FFC0] =	vst v5;
	v5 =	vand.u32 $0x7FEF, v7  }
0x18: {  	vm1 =	vcmask $0x704;
	v4 =	vmov s4;
	s4 =	simm.s32 $0x0;
	s22 =	sadd.s32 $0x25800, s10;
	[dreg:$0xc] =	wrdreg s21;
	[tilespmem:$0x1FFD0] =	vst v5;
	v5 =	vand.u32 $0x7FFF, v8  }
0x19: {  	vm2 =	vcmask $0xB08;
	v3 =	vmov s6;
	s0 =	simm.s32 $0xD880;
	[dreg:$0xd] =	wrdreg s22;
	s22 =	simm.s32 $0xF880;
	[tilespmem:$0x1FFE0] =	vst v5;
	v5 =	vimm.s32 $0xFFFFFFFF  }
.LBB2_1:
0x1a: {  	[dreg:$0x10] =	wrdreg s4;
	s2 =	simm.s32 $0x40;
	s4 =	simm.s32 $0x0  }
.LBB2_2:
0x1b: {  	p0 =	sne.s32 s2, $0x31C0;
	[tilespmem:s4+$0x6300] =	vst v5;
	s4 =	smov.u32 s2;
	s2 =	sadd.s32 $0x40, s2  }
.Ltmp0:
0x1c: {  	(pc) =	sbr.rel @p0 .LBB2_2-.Ltmp0, $2  }
0x1d: {  	_ =	sdelay $0x2  }
0x1e: {  	s4 =	sshra.s32 s4, $0x2  }
0x1f: {  	[tilespmem:s4+$0x6300] =	vst v5;
	s2 =	rddreg [dreg:$0x4]  }
0x20: {  	[spmem:s2] =	stream.linear.scatter [tilespmem:s16], [sflag:$0x3], $0xC80, $0x38;
	[tilespmem:$0x19900] =	vst v63  }
0x21: {  	_ =	swait.ge [sflag:s19], $0xC80  }
0x22: {  	[sflag:s19] =	ssyncset.done $0x0  }
0x23: {  	s6 =	rddreg [dreg:$0x5];
	[sflag:s19] =	ssyncadd.s32 $0xFFFFF380  }
0x24: {  	[spmem:s6] =	stream.linear.scatter [tilespmem:s16], [sflag:$0x3], $0xC80, $0x38;
	[tilespmem:$0x19900] =	vst v63  }
0x25: {  	_ =	swait.ge [sflag:s19], $0xC80  }
0x26: {  	[sflag:s19] =	ssyncset.done $0x0  }
0x27: {  	s7 =	rddreg [dreg:$0x6];
	[sflag:s19] =	ssyncadd.s32 $0xFFFFF380  }
0x28: {  	[spmem:s7] =	stream.linear.scatter [tilespmem:s16], [sflag:$0x3], $0xC80, $0x38;
	[tilespmem:$0x19900] =	vst v63  }
0x29: {  	_ =	swait.ge [sflag:s19], $0xC80  }
0x2a: {  	[sflag:s19] =	ssyncset.done $0x0  }
0x2b: {  	s9 =	rddreg [dreg:$0x7];
	[sflag:s19] =	ssyncadd.s32 $0xFFFFF380  }
0x2c: {  	[spmem:s9] =	stream.linear.scatter [tilespmem:s16], [sflag:$0x3], $0xC80, $0x38;
	[tilespmem:$0x19900] =	vst v63  }
0x2d: {  	_ =	swait.ge [sflag:s19], $0xC80  }
0x2e: {  	[sflag:s19] =	ssyncset.done $0x0  }
0x2f: {  	[sflag:s19] =	ssyncadd.s32 $0xFFFFF380  }
0x30: {  	[bflag:$0x0] =	sbarrier.arrive $0xFFFF  }
0x31: {  	s10 =	rddreg [dreg:$0x8]  }
0x32: {  	[tilespmem:s17], [sflag:$0x3] =	stream.linear.gather [hbm4b:s10+s13], $0x1880, $0x38;
	[tilespmem:$0x19900] =	vst v63  }
0x33: {  	_ =	swait.ge [sflag:s19], $0x1880  }
0x34: {  	[sflag:s19] =	ssyncset.done $0x0  }
0x35: {  	s2 =	simm.s32 $0x3240;
	[sflag:s19] =	ssyncadd.s32 $0xFFFFE780  }
0x36: {  	v10 =	vld [tilespmem:s2+$0xFFFFFFC0];
	_ =	sdelay $0x2  }
0x37: {  	s11 =	simm.s32 $0x0  }
0x38: {  	v11 =	vor.u32 s11, v2  }
0x39: {  	v12 =	vand.u32 $0x38F, v11;
	v10 =	vsub.s32 v10, v0  }
0x3a: {  	v12 =	vor.u32 v1, v12;
	vm3 =	vlt.u32 v10, $0xC350;
	v10 =	vadd.s32 v3, v10  }
0x3b: {  	v10 =	vsel vm3, v10, v12  }
0x3c: {  	s4 =	simm.s32 $0x4AC0;
	v11 =	vadd.s32 v4, v11;
	[tilespmem:s2+$0xFFFFFFC0] =	vst v10  }
0x3d: {  	[tilespmem:s4+$0xFFFFFFC0] =	vst v11  }
0x3e: {  	v10 =	vld [tilespmem:s2+$0xFFFFFFD0];
	_ =	sdelay $0x2  }
0x3f: {  	s5 =	simm.s32 $0x10  }
0x40: {  	v11 =	vor.u32 s5, v2  }
0x41: {  	v57 =	vand.u32 $0x39F, v11;
	v10 =	vsub.s32 v10, v0  }
0x42: {  	v12 =	vor.u32 v1, v57;
	vm3 =	vlt.u32 v10, $0xC350;
	v10 =	vadd.s32 v3, v10  }
0x43: {  	v10 =	vsel vm3, v10, v12  }
0x44: {  	v11 =	vadd.s32 v4, v11;
	[tilespmem:s2+$0xFFFFFFD0] =	vst v10  }
0x45: {  	[tilespmem:s4+$0xFFFFFFD0] =	vst v11  }
0x46: {  	v10 =	vld [tilespmem:s2+$0xFFFFFFE0];
	_ =	sdelay $0x2  }
0x47: {  	s20 =	simm.s32 $0x20  }
0x48: {  	v11 =	vor.u32 s20, v2  }
0x49: {  	v58 =	vand.u32 $0x3AF, v11;
	v10 =	vsub.s32 v10, v0  }
0x4a: {  	v12 =	vor.u32 v1, v58;
	vm3 =	vlt.u32 v10, $0xC350;
	v10 =	vadd.s32 v3, v10  }
0x4b: {  	v10 =	vsel vm3, v10, v12  }
0x4c: {  	v11 =	vadd.s32 v4, v11;
	[tilespmem:s2+$0xFFFFFFE0] =	vst v10  }
0x4d: {  	[tilespmem:s4+$0xFFFFFFE0] =	vst v11  }
0x4e: {  	v10 =	vld [tilespmem:s2+$0xFFFFFFF0];
	_ =	sdelay $0x2  }
0x4f: {  	s21 =	simm.s32 $0x30  }
0x50: {  	v11 =	vor.u32 s21, v2  }
0x51: {  	v59 =	vand.u32 $0x3BF, v11;
	v10 =	vsub.s32 v10, v0  }
0x52: {  	v12 =	vor.u32 v1, v59;
	vm3 =	vlt.u32 v10, $0xC350;
	v10 =	vadd.s32 v3, v10  }
0x53: {  	v10 =	vsel vm3, v10, v12  }
0x54: {  	v11 =	vadd.s32 v4, v11;
	[tilespmem:s2+$0xFFFFFFF0] =	vst v10  }
0x55: {  	[tilespmem:s4+$0xFFFFFFF0] =	vst v11  }
0x56: {  	v10 =	vld [tilespmem:s2+$0x0];
	_ =	sdelay $0x2  }
0x57: {  	s23 =	simm.s32 $0x40  }
0x58: {  	v11 =	vor.u32 s23, v2  }
0x59: {  	v60 =	vand.u32 $0x3CF, v11;
	v10 =	vsub.s32 v10, v0  }
0x5a: {  	v12 =	vor.u32 v1, v60;
	vm3 =	vlt.u32 v10, $0xC350;
	v10 =	vadd.s32 v3, v10  }
0x5b: {  	v10 =	vsel vm3, v10, v12  }
0x5c: {  	v11 =	vadd.s32 v4, v11;
	[tilespmem:s2+$0x0] =	vst v10  }
0x5d: {  	[tilespmem:s4+$0x0] =	vst v11  }
0x5e: {  	v10 =	vld [tilespmem:s2+$0x10];
	_ =	sdelay $0x2  }
0x5f: {  	s24 =	simm.s32 $0x50  }
0x60: {  	v11 =	vor.u32 s24, v2  }
0x61: {  	v61 =	vand.u32 $0x3DF, v11;
	v10 =	vsub.s32 v10, v0  }
0x62: {  	v12 =	vor.u32 v1, v61;
	vm3 =	vlt.u32 v10, $0xC350;
	v10 =	vadd.s32 v3, v10  }
0x63: {  	v10 =	vsel vm3, v10, v12  }
0x64: {  	v11 =	vadd.s32 v4, v11;
	[tilespmem:s2+$0x10] =	vst v10  }
0x65: {  	[tilespmem:s4+$0x10] =	vst v11  }
0x66: {  	v10 =	vld [tilespmem:s2+$0x20];
	_ =	sdelay $0x2  }
0x67: {  	s26 =	simm.s32 $0x60  }
0x68: {  	v11 =	vor.u32 s26, v2  }
0x69: {  	v62 =	vand.u32 $0x3EF, v11;
	v10 =	vsub.s32 v10, v0  }
0x6a: {  	v12 =	vor.u32 v1, v62;
	vm3 =	vlt.u32 v10, $0xC350;
	v10 =	vadd.s32 v3, v10  }
0x6b: {  	v10 =	vsel vm3, v10, v12  }
0x6c: {  	v11 =	vadd.s32 v4, v11;
	[tilespmem:s2+$0x20] =	vst v10  }
0x6d: {  	[tilespmem:s4+$0x20] =	vst v11  }
0x6e: {  	v10 =	vld [tilespmem:s2+$0x30];
	_ =	sdelay $0x2  }
0x6f: {  	s28 =	simm.s32 $0x70  }
0x70: {  	v11 =	vor.u32 s28, v2  }
0x71: {  	v63 =	vand.u32 $0x3FF, v11;
	v10 =	vsub.s32 v10, v0  }
0x72: {  	v12 =	vor.u32 v1, v63;
	vm3 =	vlt.u32 v10, $0xC350;
	v10 =	vadd.s32 v3, v10  }
0x73: {  	v12 =	vsel vm3, v10, v12  }
0x74: {  	s5 =	simm.s32 $0xF0;
	v10 =	vadd.s32 v4, v11;
	[tilespmem:s2+$0x30] =	vst v12  }
.LBB2_4:
0x75: {  	p0 =	sne.s32 s5, $0x1870;
	[tilespmem:s4+$0x30] =	vst v10;
	s2 =	sadd.s32 $0x80, s2;
	s4 =	sadd.s32 $0x80, s4  }
0x76: {  	s10 =	smov.u32 s5;
	s5 =	sadd.s32 $0x80, s5;
	v10 =	vld [tilespmem:s2+$0xFFFFFFC0];
	_ =	sdelay $0x2  }
0x77: {  	s6 =	sadd.s32 $0xFFFFFF90, s10  }
0x78: {  	v11 =	vor.u32 s6, v2  }
0x79: {  	v12 =	vand.u32 $0x38F, v11;
	v10 =	vsub.s32 v10, v0  }
0x7a: {  	v12 =	vor.u32 v1, v12;
	vm3 =	vlt.u32 v10, $0xC350;
	v10 =	vadd.s32 v3, v10  }
0x7b: {  	v10 =	vsel vm3, v10, v12  }
0x7c: {  	v11 =	vadd.s32 v4, v11;
	[tilespmem:s2+$0xFFFFFFC0] =	vst v10  }
0x7d: {  	[tilespmem:s4+$0xFFFFFFC0] =	vst v11  }
0x7e: {  	v10 =	vld [tilespmem:s2+$0xFFFFFFD0];
	_ =	sdelay $0x2  }
0x7f: {  	s6 =	sadd.s32 $0xFFFFFFA0, s10  }
0x80: {  	v11 =	vor.u32 s6, v2  }
0x81: {  	v12 =	vand.u32 $0x39F, v11;
	v10 =	vsub.s32 v10, v0  }
0x82: {  	v12 =	vor.u32 v1, v12;
	vm3 =	vlt.u32 v10, $0xC350;
	v10 =	vadd.s32 v3, v10  }
0x83: {  	v10 =	vsel vm3, v10, v12  }
0x84: {  	v11 =	vadd.s32 v4, v11;
	[tilespmem:s2+$0xFFFFFFD0] =	vst v10  }
0x85: {  	[tilespmem:s4+$0xFFFFFFD0] =	vst v11  }
0x86: {  	v10 =	vld [tilespmem:s2+$0xFFFFFFE0];
	_ =	sdelay $0x2  }
0x87: {  	s6 =	sadd.s32 $0xFFFFFFB0, s10  }
0x88: {  	v11 =	vor.u32 s6, v2  }
0x89: {  	v12 =	vand.u32 $0x3AF, v11;
	v10 =	vsub.s32 v10, v0  }
0x8a: {  	v12 =	vor.u32 v1, v12;
	vm3 =	vlt.u32 v10, $0xC350;
	v10 =	vadd.s32 v3, v10  }
0x8b: {  	v10 =	vsel vm3, v10, v12  }
0x8c: {  	v11 =	vadd.s32 v4, v11;
	[tilespmem:s2+$0xFFFFFFE0] =	vst v10  }
0x8d: {  	[tilespmem:s4+$0xFFFFFFE0] =	vst v11  }
0x8e: {  	v10 =	vld [tilespmem:s2+$0xFFFFFFF0];
	_ =	sdelay $0x2  }
0x8f: {  	s6 =	sadd.s32 $0xFFFFFFC0, s10  }
0x90: {  	v11 =	vor.u32 s6, v2  }
0x91: {  	v12 =	vand.u32 $0x3BF, v11;
	v10 =	vsub.s32 v10, v0  }
0x92: {  	v12 =	vor.u32 v1, v12;
	vm3 =	vlt.u32 v10, $0xC350;
	v10 =	vadd.s32 v3, v10  }
0x93: {  	v10 =	vsel vm3, v10, v12  }
0x94: {  	v11 =	vadd.s32 v4, v11;
	[tilespmem:s2+$0xFFFFFFF0] =	vst v10  }
0x95: {  	[tilespmem:s4+$0xFFFFFFF0] =	vst v11  }
0x96: {  	v10 =	vld [tilespmem:s2+$0x0];
	_ =	sdelay $0x2  }
0x97: {  	s6 =	sadd.s32 $0xFFFFFFD0, s10  }
0x98: {  	v11 =	vor.u32 s6, v2  }
0x99: {  	v12 =	vand.u32 $0x3CF, v11;
	v10 =	vsub.s32 v10, v0  }
0x9a: {  	v12 =	vor.u32 v1, v12;
	vm3 =	vlt.u32 v10, $0xC350;
	v10 =	vadd.s32 v3, v10  }
0x9b: {  	v10 =	vsel vm3, v10, v12  }
0x9c: {  	v11 =	vadd.s32 v4, v11;
	[tilespmem:s2+$0x0] =	vst v10  }
0x9d: {  	[tilespmem:s4+$0x0] =	vst v11  }
0x9e: {  	v10 =	vld [tilespmem:s2+$0x10];
	_ =	sdelay $0x2  }
0x9f: {  	s6 =	sadd.s32 $0xFFFFFFE0, s10  }
0xa0: {  	v11 =	vor.u32 s6, v2  }
0xa1: {  	v12 =	vand.u32 $0x3DF, v11;
	v10 =	vsub.s32 v10, v0  }
0xa2: {  	v12 =	vor.u32 v1, v12;
	vm3 =	vlt.u32 v10, $0xC350;
	v10 =	vadd.s32 v3, v10  }
0xa3: {  	v10 =	vsel vm3, v10, v12  }
0xa4: {  	v11 =	vadd.s32 v4, v11;
	[tilespmem:s2+$0x10] =	vst v10  }
0xa5: {  	[tilespmem:s4+$0x10] =	vst v11  }
0xa6: {  	v10 =	vld [tilespmem:s2+$0x20];
	_ =	sdelay $0x2  }
0xa7: {  	s6 =	sadd.s32 $0xFFFFFFF0, s10  }
0xa8: {  	v11 =	vor.u32 s6, v2  }
0xa9: {  	v12 =	vand.u32 $0x3EF, v11;
	v10 =	vsub.s32 v10, v0  }
0xaa: {  	v12 =	vor.u32 v1, v12;
	vm3 =	vlt.u32 v10, $0xC350;
	v10 =	vadd.s32 v3, v10  }
0xab: {  	v10 =	vsel vm3, v10, v12  }
0xac: {  	v11 =	vadd.s32 v4, v11;
	[tilespmem:s2+$0x20] =	vst v10  }
0xad: {  	[tilespmem:s4+$0x20] =	vst v11  }
0xae: {  	v10 =	vld [tilespmem:s2+$0x30];
	_ =	sdelay $0x3  }
.Ltmp1:
0xaf: {  	v11 =	vor.u32 s10, v2;
	(pc) =	sbr.rel @p0 .LBB2_4-.Ltmp1, $4  }
0xb0: {  	v12 =	vand.u32 $0x3FF, v11;
	v10 =	vsub.s32 v10, v0  }
0xb1: {  	v12 =	vor.u32 v1, v12;
	vm3 =	vlt.u32 v10, $0xC350;
	v10 =	vadd.s32 v3, v10  }
0xb2: {  	v12 =	vsel vm3, v10, v12  }
0xb3: {  	v10 =	vadd.s32 v4, v11;
	[tilespmem:s2+$0x30] =	vst v12  }
0xb4: {  	[tilespmem:s4+$0x30] =	vst v10;
	s11 =	simm.s32 $0x1880  }
0xb5: {  	[spmem:s12] =	stream.indirect.scatter [tilespmem:s18], [sflag:$0x3], $0x1, s17, s11, $0xb8;
	[tilespmem:$0x19900] =	vst v63  }
0xb6: {  	_ =	swait.ge [sflag:s19], $0x1880  }
0xb7: {  	[sflag:s19] =	ssyncset.done $0x0  }
0xb8: {  	s2 =	rddreg [dreg:$0xa];
	[sflag:s19] =	ssyncadd.s32 $0xFFFFE780  }
0xb9: {  	[tilespmem:s17], [sflag:$0x3] =	stream.linear.gather [hbm4b:s2+s13], $0x1880, $0x38;
	[tilespmem:$0x19900] =	vst v63  }
0xba: {  	_ =	swait.ge [sflag:s19], $0x1880  }
0xbb: {  	[sflag:s19] =	ssyncset.done $0x0  }
0xbc: {  	s2 =	simm.s32 $0x3240;
	[sflag:s19] =	ssyncadd.s32 $0xFFFFE780  }
0xbd: {  	v10 =	vld [tilespmem:s2+$0xFFFFFFC0];
	_ =	sdelay $0x3  }
0xbe: {  	v11 =	vor.u32 s11, v2  }
0xbf: {  	v12 =	vand.u32 $0x38F, v11;
	v10 =	vsub.s32 v10, v0  }
0xc0: {  	v12 =	vor.u32 v1, v12;
	vm3 =	vlt.u32 v10, $0xC350;
	v10 =	vadd.s32 v3, v10  }
0xc1: {  	v10 =	vsel vm3, v10, v12  }
0xc2: {  	s4 =	simm.s32 $0x4AC0;
	v11 =	vadd.s32 v4, v11;
	[tilespmem:s2+$0xFFFFFFC0] =	vst v10  }
0xc3: {  	[tilespmem:s4+$0xFFFFFFC0] =	vst v11  }
0xc4: {  	v10 =	vld [tilespmem:s2+$0xFFFFFFD0];
	_ =	sdelay $0x2  }
0xc5: {  	s5 =	simm.s32 $0x1890  }
0xc6: {  	v11 =	vor.u32 s5, v2  }
0xc7: {  	v57 =	vand.u32 $0x39F, v11;
	v10 =	vsub.s32 v10, v0  }
0xc8: {  	v12 =	vor.u32 v1, v57;
	vm3 =	vlt.u32 v10, $0xC350;
	v10 =	vadd.s32 v3, v10  }
0xc9: {  	v10 =	vsel vm3, v10, v12  }
0xca: {  	v11 =	vadd.s32 v4, v11;
	[tilespmem:s2+$0xFFFFFFD0] =	vst v10  }
0xcb: {  	[tilespmem:s4+$0xFFFFFFD0] =	vst v11  }
0xcc: {  	v10 =	vld [tilespmem:s2+$0xFFFFFFE0];
	_ =	sdelay $0x2  }
0xcd: {  	s20 =	simm.s32 $0x18A0  }
0xce: {  	v11 =	vor.u32 s20, v2  }
0xcf: {  	v58 =	vand.u32 $0x3AF, v11;
	v10 =	vsub.s32 v10, v0  }
0xd0: {  	v12 =	vor.u32 v1, v58;
	vm3 =	vlt.u32 v10, $0xC350;
	v10 =	vadd.s32 v3, v10  }
0xd1: {  	v10 =	vsel vm3, v10, v12  }
0xd2: {  	v11 =	vadd.s32 v4, v11;
	[tilespmem:s2+$0xFFFFFFE0] =	vst v10  }
0xd3: {  	[tilespmem:s4+$0xFFFFFFE0] =	vst v11  }
0xd4: {  	v10 =	vld [tilespmem:s2+$0xFFFFFFF0];
	_ =	sdelay $0x2  }
0xd5: {  	s21 =	simm.s32 $0x18B0  }
0xd6: {  	v11 =	vor.u32 s21, v2  }
0xd7: {  	v59 =	vand.u32 $0x3BF, v11;
	v10 =	vsub.s32 v10, v0  }
0xd8: {  	v12 =	vor.u32 v1, v59;
	vm3 =	vlt.u32 v10, $0xC350;
	v10 =	vadd.s32 v3, v10  }
0xd9: {  	v10 =	vsel vm3, v10, v12  }
0xda: {  	v11 =	vadd.s32 v4, v11;
	[tilespmem:s2+$0xFFFFFFF0] =	vst v10  }
0xdb: {  	[tilespmem:s4+$0xFFFFFFF0] =	vst v11  }
0xdc: {  	v10 =	vld [tilespmem:s2+$0x0];
	_ =	sdelay $0x2  }
0xdd: {  	s23 =	simm.s32 $0x18C0  }
0xde: {  	v11 =	vor.u32 s23, v2  }
0xdf: {  	v60 =	vand.u32 $0x3CF, v11;
	v10 =	vsub.s32 v10, v0  }
0xe0: {  	v12 =	vor.u32 v1, v60;
	vm3 =	vlt.u32 v10, $0xC350;
	v10 =	vadd.s32 v3, v10  }
0xe1: {  	v10 =	vsel vm3, v10, v12  }
0xe2: {  	v11 =	vadd.s32 v4, v11;
	[tilespmem:s2+$0x0] =	vst v10  }
0xe3: {  	[tilespmem:s4+$0x0] =	vst v11  }
0xe4: {  	v10 =	vld [tilespmem:s2+$0x10];
	_ =	sdelay $0x2  }
0xe5: {  	s24 =	simm.s32 $0x18D0  }
0xe6: {  	v11 =	vor.u32 s24, v2  }
0xe7: {  	v61 =	vand.u32 $0x3DF, v11;
	v10 =	vsub.s32 v10, v0  }
0xe8: {  	v12 =	vor.u32 v1, v61;
	vm3 =	vlt.u32 v10, $0xC350;
	v10 =	vadd.s32 v3, v10  }
0xe9: {  	v10 =	vsel vm3, v10, v12  }
0xea: {  	v11 =	vadd.s32 v4, v11;
	[tilespmem:s2+$0x10] =	vst v10  }
0xeb: {  	[tilespmem:s4+$0x10] =	vst v11  }
0xec: {  	v10 =	vld [tilespmem:s2+$0x20];
	_ =	sdelay $0x2  }
0xed: {  	s26 =	simm.s32 $0x18E0  }
0xee: {  	v11 =	vor.u32 s26, v2  }
0xef: {  	v62 =	vand.u32 $0x3EF, v11;
	v10 =	vsub.s32 v10, v0  }
0xf0: {  	v12 =	vor.u32 v1, v62;
	vm3 =	vlt.u32 v10, $0xC350;
	v10 =	vadd.s32 v3, v10  }
0xf1: {  	v10 =	vsel vm3, v10, v12  }
0xf2: {  	v11 =	vadd.s32 v4, v11;
	[tilespmem:s2+$0x20] =	vst v10  }
0xf3: {  	[tilespmem:s4+$0x20] =	vst v11  }
0xf4: {  	v10 =	vld [tilespmem:s2+$0x30];
	_ =	sdelay $0x2  }
0xf5: {  	s28 =	simm.s32 $0x18F0  }
0xf6: {  	v11 =	vor.u32 s28, v2  }
0xf7: {  	v63 =	vand.u32 $0x3FF, v11;
	v10 =	vsub.s32 v10, v0  }
0xf8: {  	v12 =	vor.u32 v1, v63;
	vm3 =	vlt.u32 v10, $0xC350;
	v10 =	vadd.s32 v3, v10  }
0xf9: {  	v12 =	vsel vm3, v10, v12  }
0xfa: {  	s5 =	simm.s32 $0x1900;
	v10 =	vadd.s32 v4, v11;
	[tilespmem:s2+$0x30] =	vst v12  }
.LBB2_6:
0xfb: {  	p0 =	sne.s32 s5, $0x3080;
	[tilespmem:s4+$0x30] =	vst v10;
	s2 =	sadd.s32 $0x80, s2;
	s4 =	sadd.s32 $0x80, s4  }
0xfc: {  	s10 =	smov.u32 s5;
	s5 =	sadd.s32 $0x80, s5;
	v10 =	vld [tilespmem:s2+$0xFFFFFFC0];
	_ =	sdelay $0x3  }
0xfd: {  	v11 =	vor.u32 s10, v2  }
0xfe: {  	v12 =	vand.u32 $0x38F, v11;
	v10 =	vsub.s32 v10, v0  }
0xff: {  	v12 =	vor.u32 v1, v12;
	vm3 =	vlt.u32 v10, $0xC350;
	v10 =	vadd.s32 v3, v10  }
0x100: {  	v10 =	vsel vm3, v10, v12  }
0x101: {  	v11 =	vadd.s32 v4, v11;
	[tilespmem:s2+$0xFFFFFFC0] =	vst v10  }
0x102: {  	[tilespmem:s4+$0xFFFFFFC0] =	vst v11  }
0x103: {  	v10 =	vld [tilespmem:s2+$0xFFFFFFD0];
	_ =	sdelay $0x2  }
0x104: {  	s6 =	sadd.s32 $0x10, s10  }
0x105: {  	v11 =	vor.u32 s6, v2  }
0x106: {  	v12 =	vand.u32 $0x39F, v11;
	v10 =	vsub.s32 v10, v0  }
0x107: {  	v12 =	vor.u32 v1, v12;
	vm3 =	vlt.u32 v10, $0xC350;
	v10 =	vadd.s32 v3, v10  }
0x108: {  	v10 =	vsel vm3, v10, v12  }
0x109: {  	v11 =	vadd.s32 v4, v11;
	[tilespmem:s2+$0xFFFFFFD0] =	vst v10  }
0x10a: {  	[tilespmem:s4+$0xFFFFFFD0] =	vst v11  }
0x10b: {  	v10 =	vld [tilespmem:s2+$0xFFFFFFE0];
	_ =	sdelay $0x2  }
0x10c: {  	s6 =	sadd.s32 $0x20, s10  }
0x10d: {  	v11 =	vor.u32 s6, v2  }
0x10e: {  	v12 =	vand.u32 $0x3AF, v11;
	v10 =	vsub.s32 v10, v0  }
0x10f: {  	v12 =	vor.u32 v1, v12;
	vm3 =	vlt.u32 v10, $0xC350;
	v10 =	vadd.s32 v3, v10  }
0x110: {  	v10 =	vsel vm3, v10, v12  }
0x111: {  	v11 =	vadd.s32 v4, v11;
	[tilespmem:s2+$0xFFFFFFE0] =	vst v10  }
0x112: {  	[tilespmem:s4+$0xFFFFFFE0] =	vst v11  }
0x113: {  	v10 =	vld [tilespmem:s2+$0xFFFFFFF0];
	_ =	sdelay $0x2  }
0x114: {  	s6 =	sadd.s32 $0x30, s10  }
0x115: {  	v11 =	vor.u32 s6, v2  }
0x116: {  	v12 =	vand.u32 $0x3BF, v11;
	v10 =	vsub.s32 v10, v0  }
0x117: {  	v12 =	vor.u32 v1, v12;
	vm3 =	vlt.u32 v10, $0xC350;
	v10 =	vadd.s32 v3, v10  }
0x118: {  	v10 =	vsel vm3, v10, v12  }
0x119: {  	v11 =	vadd.s32 v4, v11;
	[tilespmem:s2+$0xFFFFFFF0] =	vst v10  }
0x11a: {  	[tilespmem:s4+$0xFFFFFFF0] =	vst v11  }
0x11b: {  	v10 =	vld [tilespmem:s2+$0x0];
	_ =	sdelay $0x2  }
0x11c: {  	s6 =	sadd.s32 $0x40, s10  }
0x11d: {  	v11 =	vor.u32 s6, v2  }
0x11e: {  	v12 =	vand.u32 $0x3CF, v11;
	v10 =	vsub.s32 v10, v0  }
0x11f: {  	v12 =	vor.u32 v1, v12;
	vm3 =	vlt.u32 v10, $0xC350;
	v10 =	vadd.s32 v3, v10  }
0x120: {  	v10 =	vsel vm3, v10, v12  }
0x121: {  	v11 =	vadd.s32 v4, v11;
	[tilespmem:s2+$0x0] =	vst v10  }
0x122: {  	[tilespmem:s4+$0x0] =	vst v11  }
0x123: {  	v10 =	vld [tilespmem:s2+$0x10];
	_ =	sdelay $0x2  }
0x124: {  	s6 =	sadd.s32 $0x50, s10  }
0x125: {  	v11 =	vor.u32 s6, v2  }
0x126: {  	v12 =	vand.u32 $0x3DF, v11;
	v10 =	vsub.s32 v10, v0  }
0x127: {  	v12 =	vor.u32 v1, v12;
	vm3 =	vlt.u32 v10, $0xC350;
	v10 =	vadd.s32 v3, v10  }
0x128: {  	v10 =	vsel vm3, v10, v12  }
0x129: {  	v11 =	vadd.s32 v4, v11;
	[tilespmem:s2+$0x10] =	vst v10  }
0x12a: {  	[tilespmem:s4+$0x10] =	vst v11  }
0x12b: {  	v10 =	vld [tilespmem:s2+$0x20];
	_ =	sdelay $0x2  }
0x12c: {  	s6 =	sadd.s32 $0x60, s10  }
0x12d: {  	v11 =	vor.u32 s6, v2  }
0x12e: {  	v12 =	vand.u32 $0x3EF, v11;
	v10 =	vsub.s32 v10, v0  }
0x12f: {  	v12 =	vor.u32 v1, v12;
	vm3 =	vlt.u32 v10, $0xC350;
	v10 =	vadd.s32 v3, v10  }
0x130: {  	v10 =	vsel vm3, v10, v12  }
0x131: {  	v11 =	vadd.s32 v4, v11;
	[tilespmem:s2+$0x20] =	vst v10  }
0x132: {  	[tilespmem:s4+$0x20] =	vst v11  }
0x133: {  	v10 =	vld [tilespmem:s2+$0x30];
	_ =	sdelay $0x2  }
0x134: {  	s6 =	sadd.s32 $0x70, s10  }
.Ltmp2:
0x135: {  	v11 =	vor.u32 s6, v2;
	(pc) =	sbr.rel @p0 .LBB2_6-.Ltmp2, $4  }
0x136: {  	v12 =	vand.u32 $0x3FF, v11;
	v10 =	vsub.s32 v10, v0  }
0x137: {  	v12 =	vor.u32 v1, v12;
	vm3 =	vlt.u32 v10, $0xC350;
	v10 =	vadd.s32 v3, v10  }
0x138: {  	v12 =	vsel vm3, v10, v12  }
0x139: {  	v10 =	vadd.s32 v4, v11;
	[tilespmem:s2+$0x30] =	vst v12  }
0x13a: {  	[tilespmem:s4+$0x30] =	vst v10;
	s2 =	simm.s32 $0x1880  }
0x13b: {  	[spmem:s12] =	stream.indirect.scatter [tilespmem:s18], [sflag:$0x3], $0x1, s17, s2, $0xb8;
	[tilespmem:$0x19900] =	vst v63  }
0x13c: {  	_ =	swait.ge [sflag:s19], $0x1880  }
0x13d: {  	[sflag:s19] =	ssyncset.done $0x0  }
0x13e: {  	[sflag:s19] =	ssyncadd.s32 $0xFFFFE780  }
0x13f: {  	[bflag:$0x0] =	sbarrier.arrive $0xFFFF  }
0x140: {  	s17 =	rddreg [dreg:$0x9]  }
0x141: {  	[tilespmem:s16], [sflag:$0x3] =	stream.linear.gather [spmem:s17], $0xC40, $0x38;
	[tilespmem:$0x19900] =	vst v63  }
0x142: {  	_ =	swait.ge [sflag:s19], $0xC40  }
0x143: {  	[sflag:s19] =	ssyncset.done $0x0  }
0x144: {  	s20 =	simm.s32 $0x6F50;
	s18 =	rddreg [dreg:$0xb];
	[sflag:s19] =	ssyncadd.s32 $0xFFFFF3C0  }
0x145: {  	[tilespmem:s20], [sflag:$0x3] =	stream.linear.gather [spmem:s18], $0xC40, $0x38;
	[tilespmem:$0x19900] =	vst v63  }
0x146: {  	_ =	swait.ge [sflag:s19], $0xC40  }
0x147: {  	[sflag:s19] =	ssyncset.done $0x0  }
0x148: {  	s16 =	simm.s32 $0x7BA0;
	s21 =	rddreg [dreg:$0xc];
	[sflag:s19] =	ssyncadd.s32 $0xFFFFF3C0  }
0x149: {  	[tilespmem:s16], [sflag:$0x3] =	stream.linear.gather [spmem:s21], $0xC40, $0x38;
	[tilespmem:$0x19900] =	vst v63  }
0x14a: {  	_ =	swait.ge [sflag:s19], $0xC40  }
0x14b: {  	[sflag:s19] =	ssyncset.done $0x0  }
0x14c: {  	s24 =	simm.s32 $0x87F0;
	s23 =	rddreg [dreg:$0xd];
	[sflag:s19] =	ssyncadd.s32 $0xFFFFF3C0  }
0x14d: {  	[tilespmem:s24], [sflag:$0x3] =	stream.linear.gather [spmem:s23], $0xC40, $0x38;
	[tilespmem:$0x19900] =	vst v63  }
0x14e: {  	_ =	swait.ge [sflag:s19], $0xC40  }
0x14f: {  	v2 =	vld [tilespmem:$0x1FFB0]  }
0x150: {  	v5 =	vld [tilespmem:$0x1FFC0]  }
0x151: {  	[sflag:s19] =	ssyncset.done $0x0;
	v6 =	vld [tilespmem:$0x1FFD0]  }
0x152: {  	v7 =	vld [tilespmem:$0x1FFE0];
	[sflag:s19] =	ssyncadd.s32 $0xFFFFF3C0  }
0x153: {  	v10 =	vld [tilespmem:$0x6300]  }
0x154: {  	v11 =	vld [tilespmem:$0x6310]  }
0x155: {  	v12 =	vld [tilespmem:$0x6320]  }
0x156: {  	v13 =	vld [tilespmem:$0x6330]  }
0x157: {  	v14 =	vld [tilespmem:$0x6F50]  }
0x158: {  	v15 =	vld [tilespmem:$0x6F60]  }
0x159: {  	v16 =	vld [tilespmem:$0x6F70];
	vm3 =	vlt.s32 v10, $0x0  }
0x15a: {  	v17 =	vld [tilespmem:$0x6F80];
	v10 =	vsel vm3, v2, v10;
	vm3 =	vlt.s32 v11, $0x0  }
0x15b: {  	[tilespmem:$0x9480] =	vst v10;
	v10 =	vsel vm3, v5, v11;
	vm3 =	vlt.s32 v12, $0x0;
	v11 =	vld [tilespmem:$0x7BA0]  }
0x15c: {  	vm4 =	vlt.s32 v14, $0x0;
	[tilespmem:$0x9490] =	vst v10;
	v10 =	vsel vm3, v6, v12;
	vm3 =	vlt.s32 v13, $0x0;
	v12 =	vld [tilespmem:$0x7BB0]  }
0x15d: {  	v13 =	vsel vm3, v7, v13;
	[tilespmem:$0x94A0] =	vst v10;
	v10 =	vsel vm4, v2, v14;
	vm3 =	vlt.s32 v15, $0x0;
	v14 =	vld [tilespmem:$0x7BC0]  }
0x15e: {  	[tilespmem:$0x94B0] =	vst v13;
	v10 =	vadd.s32 $0xC350, v10;
	v13 =	vsel vm3, v5, v15;
	vm3 =	vlt.s32 v16, $0x0;
	v15 =	vld [tilespmem:$0x7BD0]  }
0x15f: {  	v62 =	vld [tilespmem:$0x87F0];
	[tilespmem:$0x9500] =	vst v10;
	v10 =	vadd.s32 $0xC350, v13;
	v13 =	vsel vm3, v6, v16;
	vm3 =	vlt.s32 v17, $0x0  }
0x160: {  	v63 =	vld [tilespmem:$0x8800];
	[tilespmem:$0x9510] =	vst v10;
	v10 =	vadd.s32 $0xC350, v13;
	v13 =	vsel vm3, v7, v17;
	vm3 =	vlt.s32 v11, $0x0  }
0x161: {  	[tilespmem:$0x9520] =	vst v10;
	v10 =	vadd.s32 $0xC350, v13;
	v11 =	vsel vm3, v2, v11;
	vm3 =	vlt.s32 v12, $0x0;
	v13 =	vld [tilespmem:$0x8810]  }
0x162: {  	[tilespmem:$0x9530] =	vst v10;
	v10 =	vadd.s32 $0x186A0, v11;
	v11 =	vsel vm3, v5, v12;
	vm3 =	vlt.s32 v14, $0x0;
	v12 =	vld [tilespmem:$0x8820]  }
0x163: {  	[tilespmem:$0x9580] =	vst v10;
	v10 =	vadd.s32 $0x186A0, v11;
	v11 =	vsel vm3, v6, v14;
	vm3 =	vlt.s32 v15, $0x0  }
0x164: {  	[tilespmem:$0x9590] =	vst v10;
	v10 =	vadd.s32 $0x186A0, v11;
	v11 =	vsel vm3, v7, v15;
	vm3 =	vlt.s32 v62, $0x0  }
0x165: {  	[tilespmem:$0x95A0] =	vst v10;
	v10 =	vadd.s32 $0x186A0, v11;
	v11 =	vsel vm3, v2, v62;
	vm3 =	vlt.s32 v63, $0x0  }
0x166: {  	[tilespmem:$0x95B0] =	vst v10;
	v10 =	vadd.s32 $0x249F0, v11;
	v11 =	vsel vm3, v5, v63;
	vm3 =	vlt.s32 v13, $0x0  }
0x167: {  	[tilespmem:$0x9600] =	vst v10;
	v10 =	vadd.s32 $0x249F0, v11;
	v11 =	vsel vm3, v6, v13;
	vm3 =	vlt.s32 v12, $0x0  }
0x168: {  	[tilespmem:$0x9610] =	vst v10;
	v10 =	vadd.s32 $0x249F0, v11;
	v11 =	vsel vm3, v7, v12  }
0x169: {  	[tilespmem:$0x9620] =	vst v10;
	v10 =	vadd.s32 $0x249F0, v11  }
0x16a: {  	s26 =	simm.s32 $0x9480;
	s28 =	simm.s32 $0x9880;
	[tilespmem:$0x9630] =	vst v10  }
0x16b: {  	[tilespmem:s28], [sflag:$0x1] =	stream.indirect.gather [hbm4b:s1+s25], $0x80, s26, s25, $0xb8;
	[tilespmem:$0x19900] =	vst v63  }
0x16c: {  	_ = 	snop  }
0x16d: {  	[tilespmem:s30], [sflag:$0x1] =	stream.indirect.gather [hbm4b:s1+s25], $0x80, s29, s25, $0xb8;
	[tilespmem:$0x19900] =	vst v63  }
0x16e: {  	s11 =	simm.s32 $0x0;
	s4 =	simm.s32 $0x7BE0  }
0x16f: {  	[tilespmem:s0], [sflag:$0x1] =	stream.indirect.gather [hbm4b:s1+s25], $0x80, s31, s25, $0xb8;
	[tilespmem:$0x19900] =	vst v63  }
0x170: {  	s10 =	simm.f32 $0.0e+00;
	s5 =	simm.f32 $0.0e+00;
	s17 =	simm.f32 $0.0e+00;
	v14 =	vimm.f32 $0.0e+00  }
0x171: {  	v13 =	vimm.f32 $0.0e+00;
	v12 =	vimm.f32 $0.0e+00;
	v11 =	vimm.f32 $0.0e+00;
	[tilespmem:s22], [sflag:$0x1] =	stream.indirect.gather [hbm4b:s1+s25], $0x80, s3, s25, $0xb8;
	[tilespmem:$0x19900] =	vst v63  }
.LBB2_8:
0x172: {  	s20 =	sshll.u32 s11, $0x7  }
0x173: {  	s2 =	sand.u32 $0x3FFFFF80, s20  }
0x174: {  	v10 =	vld [tilespmem:s2+$0x6340];
	_ =	sdelay $0x1  }
0x175: {  	s6 =	sadd.s32 s20, s8  }
0x176: {  	v2 =	vlaneseq.u32;
	s7 =	sadd.s32 $0x40, s6  }
0x177: {  	v15 =	vor.u32 s7, v2  }
0x178: {  	v15 =	vand.u32 $0x7FCF, v15;
	vm3 =	vlt.s32 v10, $0x0  }
0x179: {  	v10 =	vsel vm3, v15, v10  }
0x17a: {  	[tilespmem:$0x9680] =	vst v10  }
0x17b: {  	v10 =	vld [tilespmem:s2+$0x6350];
	_ =	sdelay $0x2  }
0x17c: {  	s26 =	sadd.s32 $0x50, s6  }
0x17d: {  	v16 =	vor.u32 s26, v2  }
0x17e: {  	v16 =	vand.u32 $0x7FFF, v16;
	vm3 =	vlt.s32 v10, $0x0  }
0x17f: {  	v10 =	vsel vm3, v16, v10  }
0x180: {  	[tilespmem:$0x9690] =	vst v10  }
0x181: {  	v10 =	vld [tilespmem:s2+$0x6360];
	_ =	sdelay $0x2  }
0x182: {  	s28 =	sadd.s32 $0x60, s6  }
0x183: {  	v17 =	vor.u32 s28, v2  }
0x184: {  	v17 =	vand.u32 $0x7FFF, v17;
	vm3 =	vlt.s32 v10, $0x0  }
0x185: {  	v10 =	vsel vm3, v17, v10  }
0x186: {  	[tilespmem:$0x96A0] =	vst v10  }
0x187: {  	v10 =	vld [tilespmem:s2+$0x6370];
	_ =	sdelay $0x2  }
0x188: {  	s9 =	sadd.s32 $0x70, s6  }
0x189: {  	v18 =	vor.u32 s9, v2  }
0x18a: {  	v18 =	vand.u32 $0x7FFF, v18;
	vm3 =	vlt.s32 v10, $0x0  }
0x18b: {  	v10 =	vsel vm3, v18, v10  }
0x18c: {  	[tilespmem:$0x96B0] =	vst v10  }
0x18d: {  	v10 =	vld [tilespmem:s20+$0x6F90];
	_ =	sdelay $0x4  }
0x18e: {  	vm3 =	vlt.s32 v10, $0x0  }
0x18f: {  	v10 =	vsel vm3, v15, v10  }
0x190: {  	v10 =	vadd.s32 $0xC350, v10  }
0x191: {  	[tilespmem:$0x9700] =	vst v10  }
0x192: {  	v10 =	vld [tilespmem:s20+$0x6FA0];
	_ =	sdelay $0x4  }
0x193: {  	vm3 =	vlt.s32 v10, $0x0  }
0x194: {  	v10 =	vsel vm3, v16, v10  }
0x195: {  	v10 =	vadd.s32 $0xC350, v10  }
0x196: {  	[tilespmem:$0x9710] =	vst v10  }
0x197: {  	v10 =	vld [tilespmem:s20+$0x6FB0];
	_ =	sdelay $0x4  }
0x198: {  	vm3 =	vlt.s32 v10, $0x0  }
0x199: {  	v10 =	vsel vm3, v17, v10  }
0x19a: {  	v10 =	vadd.s32 $0xC350, v10  }
0x19b: {  	[tilespmem:$0x9720] =	vst v10  }
0x19c: {  	v10 =	vld [tilespmem:s20+$0x6FC0];
	_ =	sdelay $0x4  }
0x19d: {  	vm3 =	vlt.s32 v10, $0x0  }
0x19e: {  	v10 =	vsel vm3, v18, v10  }
0x19f: {  	v10 =	vadd.s32 $0xC350, v10  }
0x1a0: {  	[tilespmem:$0x9730] =	vst v10  }
0x1a1: {  	v10 =	vld [tilespmem:s20+$0x7BE0];
	_ =	sdelay $0x4  }
0x1a2: {  	vm3 =	vlt.s32 v10, $0x0  }
0x1a3: {  	v10 =	vsel vm3, v15, v10  }
0x1a4: {  	v10 =	vadd.s32 $0x186A0, v10  }
0x1a5: {  	[tilespmem:$0x9780] =	vst v10  }
0x1a6: {  	v10 =	vld [tilespmem:s20+$0x7BF0];
	_ =	sdelay $0x4  }
0x1a7: {  	vm3 =	vlt.s32 v10, $0x0  }
0x1a8: {  	v10 =	vsel vm3, v16, v10  }
0x1a9: {  	v10 =	vadd.s32 $0x186A0, v10  }
0x1aa: {  	[tilespmem:$0x9790] =	vst v10  }
0x1ab: {  	v10 =	vld [tilespmem:s20+$0x7C00];
	_ =	sdelay $0x4  }
0x1ac: {  	vm3 =	vlt.s32 v10, $0x0  }
0x1ad: {  	v10 =	vsel vm3, v17, v10  }
0x1ae: {  	v10 =	vadd.s32 $0x186A0, v10  }
0x1af: {  	[tilespmem:$0x97A0] =	vst v10  }
0x1b0: {  	v10 =	vld [tilespmem:s20+$0x7C10];
	_ =	sdelay $0x4  }
0x1b1: {  	vm3 =	vlt.s32 v10, $0x0  }
0x1b2: {  	v10 =	vsel vm3, v18, v10  }
0x1b3: {  	v10 =	vadd.s32 $0x186A0, v10  }
0x1b4: {  	[tilespmem:$0x97B0] =	vst v10  }
0x1b5: {  	v10 =	vld [tilespmem:s20+$0x8830];
	_ =	sdelay $0x4  }
0x1b6: {  	vm3 =	vlt.s32 v10, $0x0  }
0x1b7: {  	v10 =	vsel vm3, v15, v10  }
0x1b8: {  	v10 =	vadd.s32 $0x249F0, v10  }
0x1b9: {  	[tilespmem:$0x9800] =	vst v10  }
0x1ba: {  	v10 =	vld [tilespmem:s20+$0x8840];
	_ =	sdelay $0x4  }
0x1bb: {  	vm3 =	vlt.s32 v10, $0x0  }
0x1bc: {  	v10 =	vsel vm3, v16, v10  }
0x1bd: {  	v10 =	vadd.s32 $0x249F0, v10  }
0x1be: {  	[tilespmem:$0x9810] =	vst v10  }
0x1bf: {  	v10 =	vld [tilespmem:s20+$0x8850];
	_ =	sdelay $0x4  }
0x1c0: {  	vm3 =	vlt.s32 v10, $0x0  }
0x1c1: {  	v10 =	vsel vm3, v17, v10  }
0x1c2: {  	v10 =	vadd.s32 $0x249F0, v10  }
0x1c3: {  	[tilespmem:$0x9820] =	vst v10  }
0x1c4: {  	v10 =	vld [tilespmem:s20+$0x8860];
	_ =	sdelay $0x4  }
0x1c5: {  	vm3 =	vlt.s32 v10, $0x0  }
0x1c6: {  	v10 =	vsel vm3, v18, v10  }
0x1c7: {  	v10 =	vadd.s32 $0x249F0, v10  }
0x1c8: {  	s12 =	simm.s32 $0x9680;
	s13 =	simm.s32 $0x11880;
	[tilespmem:$0x9830] =	vst v10  }
0x1c9: {  	[tilespmem:s13], [sflag:$0x2] =	stream.indirect.gather [hbm4b:s1+s25], $0x80, s12, s25, $0xb8;
	[tilespmem:$0x19900] =	vst v63  }
0x1ca: {  	s18 =	simm.s32 $0x9700;
	s21 =	simm.s32 $0x13880  }
0x1cb: {  	[tilespmem:s21], [sflag:$0x2] =	stream.indirect.gather [hbm4b:s1+s25], $0x80, s18, s25, $0xb8;
	[tilespmem:$0x19900] =	vst v63  }
0x1cc: {  	s23 =	simm.s32 $0x9780;
	s24 =	simm.s32 $0x15880  }
0x1cd: {  	[tilespmem:s24], [sflag:$0x2] =	stream.indirect.gather [hbm4b:s1+s25], $0x80, s23, s25, $0xb8;
	[tilespmem:$0x19900] =	vst v63  }
0x1ce: {  	s26 =	simm.s32 $0x9800;
	s28 =	simm.s32 $0x17880  }
0x1cf: {  	[tilespmem:s28], [sflag:$0x2] =	stream.indirect.gather [hbm4b:s1+s25], $0x80, s26, s25, $0xb8;
	[tilespmem:$0x19900] =	vst v63  }
0x1d0: {  	_ =	swait.ge [sflag:s14], $0x2000  }
0x1d1: {  	[sflag:s14] =	ssyncset.done $0x0  }
0x1d2: {  	[sflag:s14] =	ssyncadd.s32 $0xFFFFE000  }
0x1d3: {  	_ =	swait.ge [sflag:s14], $0x2000  }
0x1d4: {  	[sflag:s14] =	ssyncset.done $0x0  }
0x1d5: {  	[sflag:s14] =	ssyncadd.s32 $0xFFFFE000  }
0x1d6: {  	_ =	swait.ge [sflag:s14], $0x2000  }
0x1d7: {  	[sflag:s14] =	ssyncset.done $0x0  }
0x1d8: {  	[sflag:s14] =	ssyncadd.s32 $0xFFFFE000  }
0x1d9: {  	_ =	swait.ge [sflag:s14], $0x2000  }
0x1da: {  	[sflag:s14] =	ssyncset.done $0x0  }
0x1db: {  	s23 =	simm.s32 $0x0;
	[sflag:s14] =	ssyncadd.s32 $0xFFFFE000  }
0x1dc: {  	v10 =	vld [tilespmem:s23+$0xF8F0]  }
0x1dd: {  	v18 =	vld [tilespmem:s23+$0xF8E0]  }
0x1de: {  	v20 =	vld [tilespmem:s23+$0x98F0]  }
0x1df: {  	v19 =	vld [tilespmem:s23+$0xB8F0]  }
0x1e0: {  	v21 =	vld [tilespmem:s23+$0xD8F0]  }
0x1e1: {  	v22 =	vld [tilespmem:s23+$0xF8D0]  }
0x1e2: {  	v23 =	vld [tilespmem:s23+$0x98E0]  }
0x1e3: {  	v24 =	vld [tilespmem:s23+$0xB8E0]  }
0x1e4: {  	v25 =	vld [tilespmem:s23+$0xD8E0]  }
0x1e5: {  	v26 =	vld [tilespmem:s23+$0xF8C0]  }
0x1e6: {  	v27 =	vld [tilespmem:s23+$0x98D0]  }
0x1e7: {  	v28 =	vld [tilespmem:s23+$0xB8D0]  }
0x1e8: {  	v30 =	vld [tilespmem:s23+$0xD8D0]  }
0x1e9: {  	v31 =	vld [tilespmem:s23+$0xF8B0]  }
0x1ea: {  	v35 =	vld [tilespmem:s23+$0x98C0]  }
0x1eb: {  	v55 =	vld [tilespmem:s23+$0xB8C0]  }
0x1ec: {  	v56 =	vld [tilespmem:s23+$0xD8C0];
	v15 =	vsub.f32 v21, v10;
	v37 =	vsub.f32 v25, v18  }
0x1ed: {  	v59 =	vld [tilespmem:s23+$0xF8A0];
	v38 =	vsub.f32 v20, v10;
	v17 =	vsub.f32 v19, v21  }
0x1ee: {  	v61 =	vld [tilespmem:s23+$0x98B0];
	v41 =	vsub.f32 v30, v22;
	v16 =	vsub.f32 v19, v10  }
0x1ef: {  	v5 =	vld [tilespmem:s23+$0xD8B0];
	v43 =	vsub.f32 v23, v18;
	v42 =	vsub.f32 v24, v25  }
0x1f0: {  	v6 =	vld [tilespmem:s23+$0xB8B0];
	v44 =	vsub.f32 v24, v18;
	v19 =	vsub.f32 v20, v19  }
0x1f1: {  	v40 =	vld [tilespmem:s23+$0xF880];
	v46 =	vsub.f32 v56, v26;
	v18 =	vsub.f32 v20, v21  }
0x1f2: {  	v29 =	vld [tilespmem:s23+$0xD8A0];
	v48 =	vsub.f32 v27, v22;
	v45 =	vsub.f32 v28, v30  }
0x1f3: {  	v36 =	vld [tilespmem:s23+$0xF890];
	v22 =	vsub.f32 v28, v22;
	v21 =	vsub.f32 v23, v24  }
0x1f4: {  	v32 =	vld [tilespmem:s23+$0x98A0];
	v51 =	vsub.f32 v5, v31;
	v20 =	vsub.f32 v23, v25  }
0x1f5: {  	v34 =	vld [tilespmem:s23+$0xD880];
	v49 =	vsub.f32 v35, v26;
	v50 =	vsub.f32 v55, v56  }
0x1f6: {  	v33 =	vld [tilespmem:s23+$0xD890];
	v25 =	vsub.f32 v55, v26;
	v24 =	vsub.f32 v27, v28  }
0x1f7: {  	v47 =	vld [tilespmem:s23+$0xB8A0];
	v53 =	vsub.f32 v29, v59;
	v23 =	vsub.f32 v27, v30  }
0x1f8: {  	v39 =	vld [tilespmem:s23+$0x9880];
	v54 =	vsub.f32 v61, v31;
	v52 =	vsub.f32 v6, v5  }
0x1f9: {  	v60 =	vld [tilespmem:s16+$0xC50];
	v28 =	vsub.f32 v6, v31;
	v27 =	vsub.f32 v35, v55  }
0x1fa: {  	v10 =	vld [tilespmem:s16+$0xFFFFE760];
	v58 =	vsub.f32 v34, v40;
	v26 =	vsub.f32 v35, v56  }
0x1fb: {  	v62 =	vld [tilespmem:s16+$0xFFFFF3B0];
	v57 =	vsub.f32 v33, v36;
	v56 =	vsub.f32 v32, v59  }
0x1fc: {  	v63 =	vld [tilespmem:s16+$0x0];
	v55 =	vsub.f32 v47, v29;
	v35 =	vsub.f32 v47, v59  }
0x1fd: {  	s2 =	smov.u32 s16;
	s18 =	simm.s32 $0x200;
	v59 =	vld [tilespmem:s23+$0xB880];
	v31 =	vsub.f32 v61, v6;
	v30 =	vsub.f32 v61, v5  }
.LBB2_9:
0x1fe: {  	p0 =	sne.s32 s18, $0x7E00;
	v5 =	vsub.f32 v39, v40;
	(v2sf) =	vpush v60, $0x0  }
0x1ff: {  	v60 =	vmul.f32 v37, v37;
	v37 =	vmul.f32 v38, v38;
	v6 =	vld [tilespmem:s23+$0x9890];
	(v2sf) =	vpush v10, $0x0  }
0x200: {  	v61 =	vmul.f32 v41, v41;
	v43 =	vmul.f32 v43, v43;
	v10 =	vld [tilespmem:s23+$0xB890];
	(v2sf) =	vpush v62, $0x0  }
0x201: {  	v38 =	vmul.f32 v42, v42;
	v41 =	vmul.f32 v44, v44;
	(v2sf) =	vpush v63, $0x0  }
0x202: {  	v44 =	vmul.f32 v46, v46;
	v46 =	vmul.f32 v48, v48;
	v42 =	vsub.f32 v59, v34  }
0x203: {  	v48 =	vmul.f32 v51, v51;
	v45 =	vmul.f32 v45, v45;
	v40 =	vsub.f32 v59, v40  }
0x204: {  	v49 =	vmul.f32 v49, v49;
	v50 =	vmul.f32 v50, v50;
	v51 =	vsub.f32 v6, v36  }
0x205: {  	v53 =	vmul.f32 v53, v53;
	v54 =	vmul.f32 v54, v54;
	v62 =	vsub.f32 v10, v33  }
0x206: {  	v58 =	vmul.f32 v58, v58;
	v52 =	vmul.f32 v52, v52;
	v36 =	vsub.f32 v10, v36  }
0x207: {  	v57 =	vmul.f32 v57, v57;
	v47 =	vsub.f32 v32, v47;
	v56 =	vmul.f32 v56, v56  }
0x208: {  	v55 =	vmul.f32 v55, v55;
	v5 =	vmul.f32 v5, v5;
	v59 =	vsub.f32 v39, v59  }
0x209: {  	v34 =	vsub.f32 v39, v34;
	v39 =	vmul.f32 v42, v42;
	v40 =	vmul.f32 v40, v40  }
0x20a: {  	v10 =	vsub.f32 v6, v10;
	v42 =	vmul.f32 v51, v51;
	v51 =	vmul.f32 v62, v62  }
0x20b: {  	v59 =	vmul.f32 v59, v59;
	v6 =	vsub.f32 v6, v33;
	v33 =	vmul.f32 v36, v36  }
0x20c: {  	v29 =	vsub.f32 v32, v29;
	v34 =	vmul.f32 v34, v34;
	v10 =	vmul.f32 v10, v10  }
0x20d: {  	v32 =	vadd.f32 v57, v58;
	v6 =	vmul.f32 v6, v6;
	v5 =	vadd.f32 v42, v5;
	s7 =	spop (v2sf)  }
0x20e: {  	v35 =	vmul.f32 v35, v35;
	s13 =	simm.f32 $1.000000000e+00;
	v36 =	vadd.f32 v51, v39;
	v33 =	vadd.f32 v33, v40;
	s6 =	spop (v2sf)  }
0x20f: {  	s12 =	simm.f32 $1.000000000e+00;
	v10 =	vadd.f32 v10, v59;
	v6 =	vadd.f32 v6, v34;
	v34 =	vmul.f32 v47, v47;
	s9 =	spop (v2sf);
	p1 =	sgt.s32 s6, $0xFFFFFFFF  }
0x210: {  	v29 =	vmul.f32 v29, v29;
	v32 =	vadd.f32 v53, v32;
	v5 =	vadd.f32 v56, v5;
	s6 =	simm.f32 $1.000000000e+00;
	p2 =	sgt.s32 s9, $0xFFFFFFFF;
	s9 =	spop (v2sf)  }
0x211: {  	v28 =	vmul.f32 v28, v28;
	v36 =	vadd.f32 v55, v36;
	v33 =	vadd.f32 v35, v33;
	s6 =	simm.s32 @!p1 $0x0;
	s13 =	simm.s32 @!p2 $0x0;
	p1 =	sgt.s32 s9, $0xFFFFFFFF  }
0x212: {  	v10 =	vadd.f32 v34, v10;
	v6 =	vadd.f32 v29, v6;
	v29 =	vmul.f32 v31, v31;
	p2 =	sgt.s32 s7, $0xFFFFFFFF;
	s9 =	simm.f32 $1.000000000e+00;
	s7 =	sadd.f32 s13, s6  }
0x213: {  	v30 =	vmul.f32 v30, v30;
	v31 =	vadd.f32 v48, v32;
	v5 =	vadd.f32 v54, v5;
	s12 =	simm.s32 @!p1 $0x0;
	s9 =	simm.s32 @!p2 $0x0  }
0x214: {  	v25 =	vmul.f32 v25, v25;
	v32 =	vadd.f32 v52, v36;
	v28 =	vadd.f32 v28, v33;
	s24 =	smul.f32 s9, s12;
	s7 =	sadd.f32 s12, s7  }
0x215: {  	v27 =	vmul.f32 v27, v27;
	v10 =	vadd.f32 v29, v10;
	v6 =	vadd.f32 v30, v6;
	s26 =	smul.f32 s9, s6  }
0x216: {  	v26 =	vmul.f32 v26, v26;
	v29 =	vadd.f32 v44, v31;
	v5 =	vadd.f32 v49, v5;
	s21 =	smul.f32 s12, s13;
	s28 =	sadd.f32 s9, s7  }
0x217: {  	v22 =	vmul.f32 v22, v22;
	v30 =	vadd.f32 v50, v32;
	v25 =	vadd.f32 v25, v28;
	s17 =	sadd.f32 s24, s17;
	s9 =	smul.f32 s9, s13  }
0x218: {  	v24 =	vmul.f32 v24, v24;
	s23 =	sshra.s32 s18, $0x2;
	v10 =	vadd.f32 v27, v10;
	v6 =	vadd.f32 v26, v6;
	s7 =	smul.f32 s13, s6;
	p4 =	sgt.f32 s28, $5.000000000e-01  }
0x219: {  	v23 =	vmul.f32 v23, v23;
	v27 =	vadd.f32 v61, v29;
	v5 =	vadd.f32 v46, v5;
	s13 =	simm.f32 $1.000000000e+00;
	p2 =	sgt.f32 s28, $3.500000000e+00;
	p3 =	sgt.f32 s28, $1.500000000e+00;
	v26 =	vld [tilespmem:s23+$0xF8F0]  }
0x21a: {  	v21 =	vmul.f32 v21, v21;
	v29 =	vadd.f32 v45, v30;
	v22 =	vadd.f32 v22, v25;
	p1 =	sgt.f32 s28, $2.500000000e+00;
	s28 =	simm.f32 $2.500000000e-01;
	v28 =	vld [tilespmem:s23+$0xF8E0];
	s13 =	simm.s32 @!p4 $0x0  }
0x21b: {  	v20 =	vmul.f32 v20, v20;
	v10 =	vadd.f32 v24, v10;
	v6 =	vadd.f32 v23, v6;
	s28 =	simm.s32 @!p2 $0x3EAAAAAB;
	v25 =	vld [tilespmem:s23+$0x98F0];
	s13 =	simm.s32 @p3 $0x3F000000  }
0x21c: {  	v19 =	vmul.f32 v19, v19;
	v24 =	vadd.f32 v60, v27;
	v5 =	vadd.f32 v43, v5;
	s6 =	smul.f32 s12, s6;
	v23 =	vld [tilespmem:s23+$0xB8F0];
	s13 =	smov.u32 @p1 s28  }
0x21d: {  	v18 =	vmul.f32 v18, v18;
	v10 =	vadd.f32 v21, v10;
	v6 =	vadd.f32 v20, v6;
	s5 =	sadd.f32 s7, s5;
	v27 =	vld [tilespmem:s23+$0xD8F0];
	s12 =	smul.f32 s13, s26  }
0x21e: {  	v17 =	vmul.f32 v17, v17;
	v21 =	vadd.f32 v38, v29;
	v22 =	vadd.f32 v41, v22;
	s10 =	sadd.f32 s21, s10;
	s26 =	smul.f32 s13, s7;
	v20 =	vld [tilespmem:s23+$0xF8D0]  }
0x21f: {  	v16 =	vmul.f32 v16, v16;
	v10 =	vadd.f32 v19, v10;
	v6 =	vadd.f32 v18, v6;
	s6 =	smul.f32 s13, s6;
	v30 =	vld [tilespmem:s23+$0x98E0]  }
0x220: {  	v15 =	vmul.f32 v15, v15;
	v5 =	vadd.f32 v37, v5;
	v17 =	vadd.f32 v17, v21;
	s28 =	smul.f32 s13, s21;
	v31 =	vld [tilespmem:s23+$0xB8E0]  }
0x221: {  	v16 =	vadd.f32 v16, v22;
	s9 =	smul.f32 s13, s9;
	v18 =	vmul.f32 s26, v10;
	v6 =	vmul.f32 s6, v6;
	v33 =	vld [tilespmem:s23+$0xD8E0]  }
0x222: {  	v15 =	vadd.f32 v15, v24;
	v5 =	vmul.f32 s12, v5;
	v10 =	vmul.f32 s7, v10;
	v35 =	vld [tilespmem:s23+$0xF8C0]  }
0x223: {  	s6 =	smul.f32 s13, s24;
	v16 =	vmul.f32 s9, v16;
	v6 =	vadd.f32 v6, v18;
	v18 =	vmul.f32 s28, v17;
	v39 =	vld [tilespmem:s23+$0x98D0]  }
0x224: {  	v13 =	vadd.f32 v10, v13;
	v10 =	vmul.f32 s21, v17;
	v17 =	vmul.f32 s24, v15;
	v24 =	vld [tilespmem:s23+$0xB8D0]  }
0x225: {  	v15 =	vmul.f32 s6, v15;
	v5 =	vadd.f32 v5, v6;
	v6 =	vadd.f32 v16, v18;
	v52 =	vld [tilespmem:s23+$0xD8D0]  }
0x226: {  	v12 =	vadd.f32 v10, v12;
	v11 =	vadd.f32 v17, v11;
	v55 =	vld [tilespmem:s23+$0xF8B0]  }
0x227: {  	v5 =	vadd.f32 v5, v14;
	v6 =	vadd.f32 v6, v15;
	v56 =	vld [tilespmem:s23+$0x98C0]  }
0x228: {  	v15 =	vsub.f32 v27, v26;
	v10 =	vld [tilespmem:s23+$0xB8C0]  }
0x229: {  	v37 =	vsub.f32 v33, v28;
	v14 =	vadd.f32 v6, v5;
	v57 =	vld [tilespmem:s23+$0xD8C0]  }
0x22a: {  	v38 =	vsub.f32 v25, v26;
	v17 =	vsub.f32 v23, v27;
	v5 =	vld [tilespmem:s23+$0xF8A0]  }
0x22b: {  	v16 =	vsub.f32 v23, v26;
	v41 =	vsub.f32 v52, v20;
	v6 =	vld [tilespmem:s23+$0x98B0]  }
0x22c: {  	v43 =	vsub.f32 v30, v28;
	v42 =	vsub.f32 v31, v33;
	v61 =	vld [tilespmem:s23+$0xD8B0]  }
0x22d: {  	v19 =	vsub.f32 v25, v23;
	v44 =	vsub.f32 v31, v28;
	v7 =	vld [tilespmem:s23+$0xB8B0]  }
0x22e: {  	v18 =	vsub.f32 v25, v27;
	v40 =	vld [tilespmem:s23+$0xF880];
	v46 =	vsub.f32 v57, v35  }
0x22f: {  	v48 =	vsub.f32 v39, v20;
	v45 =	vsub.f32 v24, v52;
	v29 =	vld [tilespmem:s23+$0xD8A0]  }
0x230: {  	v21 =	vsub.f32 v30, v31;
	v22 =	vsub.f32 v24, v20;
	v36 =	vld [tilespmem:s23+$0xF890]  }
0x231: {  	v20 =	vsub.f32 v30, v33;
	v32 =	vld [tilespmem:s23+$0x98A0];
	v51 =	vsub.f32 v61, v55  }
0x232: {  	v49 =	vsub.f32 v56, v35;
	v50 =	vsub.f32 v10, v57;
	v34 =	vld [tilespmem:s23+$0xD880]  }
0x233: {  	v24 =	vsub.f32 v39, v24;
	v25 =	vsub.f32 v10, v35;
	v33 =	vld [tilespmem:s23+$0xD890]  }
0x234: {  	v23 =	vsub.f32 v39, v52;
	v47 =	vld [tilespmem:s23+$0xB8A0];
	v53 =	vsub.f32 v29, v5  }
0x235: {  	s2 =	sadd.s32 $0x1, s2;
	v54 =	vsub.f32 v6, v55;
	v52 =	vsub.f32 v7, v61;
	v39 =	vld [tilespmem:s23+$0x9880]  }
.Ltmp3:
0x236: {  	v27 =	vsub.f32 v56, v10;
	v28 =	vsub.f32 v7, v55;
	v60 =	vld [tilespmem:s2+$0xC50];
	(pc) =	sbr.rel @p0 .LBB2_9-.Ltmp3, $4  }
0x237: {  	v26 =	vsub.f32 v56, v57;
	v10 =	vld [tilespmem:s2+$0xFFFFE760];
	v58 =	vsub.f32 v34, v40  }
0x238: {  	v56 =	vsub.f32 v32, v5;
	v62 =	vld [tilespmem:s2+$0xFFFFF3B0];
	v57 =	vsub.f32 v33, v36  }
0x239: {  	v63 =	vld [tilespmem:s2+$0x0];
	v55 =	vsub.f32 v47, v29;
	v35 =	vsub.f32 v47, v5  }
0x23a: {  	s18 =	sadd.s32 $0x200, s18;
	v30 =	vsub.f32 v6, v61;
	v31 =	vsub.f32 v6, v7;
	v59 =	vld [tilespmem:s23+$0xB880]  }
0x23b: {  	v5 =	vld [tilespmem:s20+$0x6380];
	_ =	sdelay $0x1  }
0x23c: {  	s2 =	sadd.s32 s8, s20  }
0x23d: {  	s6 =	sadd.s32 $0x80, s2  }
0x23e: {  	v6 =	vor.u32 s6, v2  }
0x23f: {  	v6 =	vand.u32 $0x7FCF, v6;
	vm3 =	vlt.s32 v5, $0x0  }
0x240: {  	v7 =	vld [tilespmem:s23+$0xB890];
	v5 =	vsel vm3, v6, v5  }
0x241: {  	v2 =	vld [tilespmem:s23+$0x9890];
	[tilespmem:$0x9480] =	vst v5  }
0x242: {  	v5 =	vld [tilespmem:s20+$0x6390];
	_ =	sdelay $0x2  }
0x243: {  	v61 =	vlaneseq.u32;
	s28 =	sadd.s32 $0x90, s2  }
0x244: {  	v8 =	vor.u32 s28, v61  }
0x245: {  	v8 =	vand.u32 $0x7FFF, v8;
	vm3 =	vlt.s32 v5, $0x0  }
0x246: {  	v5 =	vsel vm3, v8, v5  }
0x247: {  	[tilespmem:$0x9490] =	vst v5  }
0x248: {  	v5 =	vld [tilespmem:s20+$0x63A0];
	_ =	sdelay $0x2  }
0x249: {  	s7 =	sadd.s32 $0xA0, s2  }
0x24a: {  	v9 =	vor.u32 s7, v61  }
0x24b: {  	v9 =	vand.u32 $0x7FFF, v9;
	vm3 =	vlt.s32 v5, $0x0  }
0x24c: {  	v5 =	vsel vm3, v9, v5  }
0x24d: {  	[tilespmem:$0x94A0] =	vst v5  }
0x24e: {  	v5 =	vld [tilespmem:s20+$0x63B0];
	_ =	sdelay $0x2  }
0x24f: {  	s2 =	sadd.s32 $0xB0, s2  }
0x250: {  	v61 =	vor.u32 s2, v61  }
0x251: {  	v61 =	vand.u32 $0x7FFF, v61;
	vm3 =	vlt.s32 v5, $0x0  }
0x252: {  	v5 =	vsel vm3, v61, v5  }
0x253: {  	[tilespmem:$0x94B0] =	vst v5  }
0x254: {  	v5 =	vld [tilespmem:s20+$0x6FD0];
	_ =	sdelay $0x4  }
0x255: {  	vm3 =	vlt.s32 v5, $0x0  }
0x256: {  	v5 =	vsel vm3, v6, v5  }
0x257: {  	v5 =	vadd.s32 $0xC350, v5  }
0x258: {  	[tilespmem:$0x9500] =	vst v5  }
0x259: {  	v5 =	vld [tilespmem:s20+$0x6FE0];
	_ =	sdelay $0x4  }
0x25a: {  	vm3 =	vlt.s32 v5, $0x0  }
0x25b: {  	v5 =	vsel vm3, v8, v5  }
0x25c: {  	v5 =	vadd.s32 $0xC350, v5  }
0x25d: {  	[tilespmem:$0x9510] =	vst v5  }
0x25e: {  	v5 =	vld [tilespmem:s20+$0x6FF0];
	_ =	sdelay $0x4  }
0x25f: {  	vm3 =	vlt.s32 v5, $0x0  }
0x260: {  	v5 =	vsel vm3, v9, v5  }
0x261: {  	v5 =	vadd.s32 $0xC350, v5  }
0x262: {  	[tilespmem:$0x9520] =	vst v5  }
0x263: {  	v5 =	vld [tilespmem:s20+$0x7000];
	_ =	sdelay $0x4  }
0x264: {  	vm3 =	vlt.s32 v5, $0x0  }
0x265: {  	v5 =	vsel vm3, v61, v5  }
0x266: {  	v5 =	vadd.s32 $0xC350, v5  }
0x267: {  	[tilespmem:$0x9530] =	vst v5  }
0x268: {  	v5 =	vld [tilespmem:s20+$0x7C20];
	_ =	sdelay $0x4  }
0x269: {  	vm3 =	vlt.s32 v5, $0x0  }
0x26a: {  	v5 =	vsel vm3, v6, v5  }
0x26b: {  	v5 =	vadd.s32 $0x186A0, v5  }
0x26c: {  	[tilespmem:$0x9580] =	vst v5  }
0x26d: {  	v5 =	vld [tilespmem:s20+$0x7C30];
	_ =	sdelay $0x4  }
0x26e: {  	vm3 =	vlt.s32 v5, $0x0  }
0x26f: {  	v5 =	vsel vm3, v8, v5  }
0x270: {  	v5 =	vadd.s32 $0x186A0, v5  }
0x271: {  	[tilespmem:$0x9590] =	vst v5  }
0x272: {  	v5 =	vld [tilespmem:s20+$0x7C40];
	_ =	sdelay $0x4  }
0x273: {  	vm3 =	vlt.s32 v5, $0x0  }
0x274: {  	v5 =	vsel vm3, v9, v5  }
0x275: {  	v5 =	vadd.s32 $0x186A0, v5  }
0x276: {  	[tilespmem:$0x95A0] =	vst v5  }
0x277: {  	v5 =	vld [tilespmem:s20+$0x7C50];
	_ =	sdelay $0x4  }
0x278: {  	vm3 =	vlt.s32 v5, $0x0  }
0x279: {  	v5 =	vsel vm3, v61, v5  }
0x27a: {  	v5 =	vadd.s32 $0x186A0, v5  }
0x27b: {  	[tilespmem:$0x95B0] =	vst v5  }
0x27c: {  	v5 =	vld [tilespmem:s20+$0x8870];
	_ =	sdelay $0x4  }
0x27d: {  	vm3 =	vlt.s32 v5, $0x0  }
0x27e: {  	v5 =	vsel vm3, v6, v5  }
0x27f: {  	v5 =	vadd.s32 $0x249F0, v5  }
0x280: {  	[tilespmem:$0x9600] =	vst v5  }
0x281: {  	v5 =	vld [tilespmem:s20+$0x8880];
	_ =	sdelay $0x4  }
0x282: {  	vm3 =	vlt.s32 v5, $0x0  }
0x283: {  	v5 =	vsel vm3, v8, v5  }
0x284: {  	v5 =	vadd.s32 $0x249F0, v5  }
0x285: {  	[tilespmem:$0x9610] =	vst v5  }
0x286: {  	v5 =	vld [tilespmem:s20+$0x8890];
	_ =	sdelay $0x1  }
0x287: {  	(v2sf) =	vpush v60, $0x0;
	_ =	sdelay $0x1  }
0x288: {  	(v2sf) =	vpush v10, $0x0  }
0x289: {  	vm3 =	vlt.s32 v5, $0x0  }
0x28a: {  	(v2sf) =	vpush v62, $0x0;
	v5 =	vsel vm3, v9, v5  }
0x28b: {  	v5 =	vadd.s32 $0x249F0, v5  }
0x28c: {  	(v2sf) =	vpush v63, $0x0;
	[tilespmem:$0x9620] =	vst v5  }
0x28d: {  	v60 =	vmul.f32 v37, v37;
	v37 =	vmul.f32 v38, v38;
	v5 =	vld [tilespmem:s20+$0x88A0]  }
0x28e: {  	v38 =	vmul.f32 v42, v42;
	v42 =	vmul.f32 v48, v48  }
0x28f: {  	v45 =	vmul.f32 v45, v45;
	v48 =	vmul.f32 v49, v49  }
0x290: {  	v49 =	vmul.f32 v50, v50;
	v52 =	vmul.f32 v52, v52  }
0x291: {  	v47 =	vsub.f32 v32, v47;
	v56 =	vmul.f32 v56, v56;
	v10 =	vmul.f32 v46, v46  }
0x292: {  	v46 =	vsub.f32 v2, v36;
	v36 =	vsub.f32 v7, v36;
	vm3 =	vlt.s32 v5, $0x0  }
0x293: {  	v55 =	vmul.f32 v55, v55;
	v35 =	vmul.f32 v35, v35;
	v5 =	vsel vm3, v61, v5  }
0x294: {  	v36 =	vmul.f32 v36, v36;
	v6 =	vmul.f32 v41, v41;
	v5 =	vadd.s32 $0x249F0, v5  }
0x295: {  	s12 =	simm.s32 $0x9480;
	v29 =	vsub.f32 v32, v29;
	s7 =	simm.s32 $0x9880;
	s9 =	spop (v2sf);
	v41 =	vmul.f32 v44, v44;
	v44 =	vmul.f32 v51, v51;
	[tilespmem:$0x9630] =	vst v5  }
0x296: {  	v51 =	vmul.f32 v53, v53;
	v8 =	vsub.f32 v39, v40;
	v40 =	vsub.f32 v59, v40;
	[tilespmem:s7], [sflag:$0x1] =	stream.indirect.gather [hbm4b:s1+s25], $0x80, s12, s25, $0xb8;
	[tilespmem:$0x19900] =	vst v63  }
0x297: {  	v63 =	vsub.f32 v39, v34;
	s13 =	spop (v2sf);
	v53 =	vmul.f32 v54, v54;
	v54 =	vmul.f32 v57, v57  }
0x298: {  	v62 =	vsub.f32 v39, v59;
	v8 =	vmul.f32 v8, v8;
	v39 =	vmul.f32 v40, v40;
	[tilespmem:s30], [sflag:$0x1] =	stream.indirect.gather [hbm4b:s1+s25], $0x80, s29, s25, $0xb8;
	[tilespmem:$0x19900] =	vst v63  }
0x299: {  	s18 =	spop (v2sf);
	v9 =	vsub.f32 v59, v34;
	v34 =	vmul.f32 v63, v63;
	v61 =	vsub.f32 v7, v33  }
0x29a: {  	v7 =	vsub.f32 v2, v7;
	v5 =	vmul.f32 v58, v58;
	v58 =	vmul.f32 v46, v46;
	[tilespmem:s0], [sflag:$0x1] =	stream.indirect.gather [hbm4b:s1+s25], $0x80, s31, s25, $0xb8;
	[tilespmem:$0x19900] =	vst v63  }
0x29b: {  	s20 =	spop (v2sf);
	v59 =	vmul.f32 v61, v61;
	v61 =	vmul.f32 v62, v62;
	v62 =	vsub.f32 v2, v33  }
0x29c: {  	v9 =	vmul.f32 v9, v9;
	v7 =	vmul.f32 v7, v7;
	v46 =	vadd.f32 v36, v39;
	[tilespmem:s22], [sflag:$0x1] =	stream.indirect.gather [hbm4b:s1+s25], $0x80, s3, s25, $0xb8;
	[tilespmem:$0x19900] =	vst v63  }
0x29d: {  	s21 =	simm.f32 $1.000000000e+00;
	v63 =	vmul.f32 v62, v62;
	v8 =	vadd.f32 v58, v8;
	v5 =	vadd.f32 v54, v5;
	_ =	swait.ge [sflag:s15], $0x2000  }
0x29e: {  	v28 =	vmul.f32 v28, v28;
	s6 =	simm.f32 $1.000000000e+00;
	p0 =	sgt.s32 s13, $0xFFFFFFFF;
	v9 =	vadd.f32 v59, v9;
	v7 =	vadd.f32 v7, v61;
	[sflag:s15] =	ssyncset.done $0x0  }
0x29f: {  	p1 =	sgt.s32 s18, $0xFFFFFFFF;
	s21 =	simm.s32 @!p0 $0x0;
	v54 =	vmul.f32 v47, v47;
	v33 =	vadd.f32 v35, v46;
	v32 =	vadd.f32 v63, v34;
	[sflag:s15] =	ssyncadd.s32 $0xFFFFE000  }
0x2a0: {  	v29 =	vmul.f32 v29, v29;
	p0 =	sgt.s32 s20, $0xFFFFFFFF;
	s7 =	simm.f32 $1.000000000e+00;
	v8 =	vadd.f32 v56, v8;
	v5 =	vadd.f32 v51, v5;
	_ =	swait.ge [sflag:s15], $0x2000  }
0x2a1: {  	v25 =	vmul.f32 v25, v25;
	s7 =	simm.s32 @!p1 $0x0;
	p1 =	sgt.s32 s9, $0xFFFFFFFF;
	v9 =	vadd.f32 v55, v9;
	v7 =	vadd.f32 v54, v7;
	[sflag:s15] =	ssyncset.done $0x0  }
0x2a2: {  	v31 =	vmul.f32 v31, v31;
	s9 =	simm.f32 $1.000000000e+00;
	s23 =	sadd.f32 s7, s21;
	v28 =	vadd.f32 v28, v33;
	v29 =	vadd.f32 v29, v32;
	[sflag:s15] =	ssyncadd.s32 $0xFFFFE000  }
0x2a3: {  	v30 =	vmul.f32 v30, v30;
	s6 =	simm.s32 @!p0 $0x0;
	s9 =	simm.s32 @!p1 $0x0;
	v8 =	vadd.f32 v53, v8;
	v5 =	vadd.f32 v44, v5;
	_ =	swait.ge [sflag:s15], $0x2000  }
0x2a4: {  	v27 =	vmul.f32 v27, v27;
	s18 =	smul.f32 s6, s7;
	s12 =	sadd.f32 s6, s23;
	v9 =	vadd.f32 v52, v9;
	v7 =	vadd.f32 v31, v7;
	[sflag:s15] =	ssyncset.done $0x0  }
0x2a5: {  	v26 =	vmul.f32 v26, v26;
	s2 =	smul.f32 s9, s6;
	v29 =	vadd.f32 v30, v29;
	v8 =	vadd.f32 v48, v8;
	[sflag:s15] =	ssyncadd.s32 $0xFFFFE000  }
0x2a6: {  	v22 =	vmul.f32 v22, v22;
	s13 =	smul.f32 s9, s21;
	s12 =	sadd.f32 s9, s12;
	v5 =	vadd.f32 v10, v5;
	v9 =	vadd.f32 v49, v9;
	_ =	swait.ge [sflag:s15], $0x2000  }
0x2a7: {  	v24 =	vmul.f32 v24, v24;
	s20 =	simm.s32 $0x0;
	s23 =	smul.f32 s7, s21;
	v10 =	vadd.f32 v25, v28;
	v7 =	vadd.f32 v27, v7;
	[sflag:s15] =	ssyncset.done $0x0  }
0x2a8: {  	v23 =	vmul.f32 v23, v23;
	s9 =	smul.f32 s9, s7;
	p0 =	sgt.f32 s12, $5.000000000e-01;
	v25 =	vadd.f32 v26, v29;
	v5 =	vadd.f32 v6, v5;
	[sflag:s15] =	ssyncadd.s32 $0xFFFFE000  }
0x2a9: {  	s7 =	simm.f32 $1.000000000e+00;
	p1 =	sgt.f32 s12, $3.500000000e+00;
	p2 =	sgt.f32 s12, $1.500000000e+00;
	v6 =	vadd.f32 v45, v9;
	v9 =	vadd.f32 v22, v10;
	v10 =	vmul.f32 v21, v21;
	v21 =	vld [tilespmem:s20+$0x178F0]  }
0x2aa: {  	v20 =	vmul.f32 v20, v20;
	p3 =	sgt.f32 s12, $2.500000000e+00;
	s12 =	simm.f32 $2.500000000e-01;
	v7 =	vadd.f32 v24, v7;
	s7 =	simm.s32 @!p0 $0x0;
	v22 =	vadd.f32 v23, v25;
	v23 =	vld [tilespmem:s20+$0x178E0]  }
0x2ab: {  	v43 =	vmul.f32 v43, v43;
	v8 =	vadd.f32 v42, v8;
	s12 =	simm.s32 @!p1 $0x3EAAAAAB;
	s7 =	simm.s32 @p2 $0x3F000000;
	v24 =	vld [tilespmem:s20+$0x118F0]  }
0x2ac: {  	v19 =	vmul.f32 v19, v19;
	s6 =	smul.f32 s6, s21;
	v7 =	vadd.f32 v10, v7;
	s7 =	smov.u32 @p3 s12;
	v10 =	vadd.f32 v20, v22;
	v20 =	vld [tilespmem:s20+$0x138F0]  }
0x2ad: {  	v18 =	vmul.f32 v18, v18;
	v8 =	vadd.f32 v43, v8;
	v5 =	vadd.f32 v60, v5;
	s12 =	smul.f32 s7, s13;
	v22 =	vld [tilespmem:s20+$0x158F0]  }
0x2ae: {  	v17 =	vmul.f32 v17, v17;
	v6 =	vadd.f32 v38, v6;
	v9 =	vadd.f32 v41, v9;
	s24 =	smul.f32 s7, s23;
	v25 =	vld [tilespmem:s20+$0x178D0]  }
0x2af: {  	v16 =	vmul.f32 v16, v16;
	s6 =	smul.f32 s7, s6;
	v7 =	vadd.f32 v19, v7;
	v10 =	vadd.f32 v18, v10;
	v26 =	vld [tilespmem:s20+$0x118E0]  }
0x2b0: {  	v15 =	vmul.f32 v15, v15;
	s26 =	smul.f32 s7, s18;
	v8 =	vadd.f32 v37, v8;
	v6 =	vadd.f32 v17, v6;
	v27 =	vld [tilespmem:s20+$0x138E0]  }
0x2b1: {  	s9 =	smul.f32 s7, s9;
	v9 =	vadd.f32 v16, v9;
	v16 =	vmul.f32 s24, v7;
	v10 =	vmul.f32 s6, v10;
	v28 =	vld [tilespmem:s20+$0x158E0]  }
0x2b2: {  	v5 =	vadd.f32 v15, v5;
	v8 =	vmul.f32 s12, v8;
	v30 =	vld [tilespmem:s20+$0x178C0]  }
0x2b3: {  	s28 =	smul.f32 s7, s2;
	v15 =	vmul.f32 s26, v6;
	v9 =	vmul.f32 s9, v9;
	v10 =	vadd.f32 v10, v16;
	v56 =	vld [tilespmem:s20+$0x118D0]  }
0x2b4: {  	v7 =	vmul.f32 s23, v7;
	v6 =	vmul.f32 s18, v6;
	v57 =	vld [tilespmem:s20+$0x138D0]  }
0x2b5: {  	v9 =	vadd.f32 v9, v15;
	v58 =	vld [tilespmem:s20+$0x158D0];
	v8 =	vadd.f32 v8, v10;
	v10 =	vmul.f32 s28, v5  }
0x2b6: {  	v13 =	vadd.f32 v7, v13;
	v12 =	vadd.f32 v6, v12;
	v59 =	vld [tilespmem:s20+$0x178B0];
	v5 =	vmul.f32 s2, v5  }
0x2b7: {  	v6 =	vld [tilespmem:s20+$0x118C0];
	v8 =	vadd.f32 v8, v14;
	v9 =	vadd.f32 v9, v10  }
0x2b8: {  	v7 =	vld [tilespmem:s20+$0x158C0];
	v11 =	vadd.f32 v5, v11;
	v15 =	vsub.f32 v22, v21  }
0x2b9: {  	v63 =	vld [tilespmem:s20+$0x158B0];
	v33 =	vsub.f32 v28, v23;
	v36 =	vsub.f32 v24, v21  }
0x2ba: {  	v32 =	vld [tilespmem:s20+$0x138B0];
	v17 =	vsub.f32 v20, v22;
	v35 =	vsub.f32 v58, v25  }
0x2bb: {  	v41 =	vld [tilespmem:s20+$0x17880];
	v16 =	vsub.f32 v20, v21;
	v39 =	vsub.f32 v26, v23  }
0x2bc: {  	v29 =	vld [tilespmem:s20+$0x158A0];
	v43 =	vsub.f32 v27, v28;
	v45 =	vsub.f32 v27, v23  }
0x2bd: {  	v40 =	vld [tilespmem:s20+$0x17890];
	v19 =	vsub.f32 v24, v20;
	v46 =	vsub.f32 v7, v30  }
0x2be: {  	v38 =	vld [tilespmem:s20+$0x15880];
	v18 =	vsub.f32 v24, v22;
	v49 =	vsub.f32 v56, v25  }
0x2bf: {  	v34 =	vld [tilespmem:s20+$0x15890];
	v47 =	vsub.f32 v57, v58;
	v22 =	vsub.f32 v57, v25  }
0x2c0: {  	v50 =	vld [tilespmem:s20+$0x138A0];
	v21 =	vsub.f32 v26, v27;
	v10 =	vsub.f32 v63, v59  }
0x2c1: {  	v5 =	vld [tilespmem:s20+$0x138C0];
	v20 =	vsub.f32 v26, v28;
	v51 =	vsub.f32 v6, v30  }
0x2c2: {  	v24 =	vsub.f32 v56, v57;
	v14 =	vadd.f32 v9, v8;
	v8 =	vld [tilespmem:s20+$0x178A0]  }
0x2c3: {  	v23 =	vsub.f32 v56, v58;
	v54 =	vsub.f32 v32, v63;
	v9 =	vld [tilespmem:s20+$0x118B0]  }
0x2c4: {  	v31 =	vld [tilespmem:s20+$0x118A0];
	v28 =	vsub.f32 v32, v59;
	v58 =	vsub.f32 v38, v41  }
0x2c5: {  	v44 =	vld [tilespmem:s20+$0x11880];
	v27 =	vsub.f32 v6, v7;
	v56 =	vsub.f32 v50, v29  }
0x2c6: {  	v37 =	vld [tilespmem:s4+$0xC50];
	v52 =	vsub.f32 v5, v7;
	v25 =	vsub.f32 v5, v30  }
0x2c7: {  	v48 =	vld [tilespmem:s4+$0xFFFFE760];
	v26 =	vsub.f32 v6, v5;
	v53 =	vsub.f32 v29, v8  }
0x2c8: {  	s10 =	sadd.f32 s18, s10;
	v62 =	vld [tilespmem:s4+$0xFFFFF3B0];
	v55 =	vsub.f32 v9, v59;
	v59 =	vsub.f32 v34, v40  }
0x2c9: {  	s17 =	sadd.f32 s2, s17;
	v61 =	vld [tilespmem:s4+$0x0];
	v57 =	vsub.f32 v31, v8;
	v42 =	vsub.f32 v50, v8  }
0x2ca: {  	s5 =	sadd.f32 s23, s5;
	s18 =	simm.s32 $0x200;
	v60 =	vld [tilespmem:s20+$0x13880];
	s2 =	smov.u32 s4;
	v32 =	vsub.f32 v9, v32;
	v30 =	vsub.f32 v9, v63  }
.LBB2_11:
0x2cb: {  	p0 =	sne.s32 s18, $0x7E00;
	v5 =	vsub.f32 v44, v41;
	(v2sf) =	vpush v37, $0x0  }
0x2cc: {  	v37 =	vmul.f32 v33, v33;
	v33 =	vmul.f32 v36, v36;
	v6 =	vld [tilespmem:s20+$0x11890];
	(v2sf) =	vpush v48, $0x0  }
0x2cd: {  	v39 =	vmul.f32 v39, v39;
	v48 =	vmul.f32 v35, v35;
	v7 =	vld [tilespmem:s20+$0x13890];
	(v2sf) =	vpush v62, $0x0  }
0x2ce: {  	v36 =	vmul.f32 v45, v45;
	v35 =	vmul.f32 v43, v43;
	(v2sf) =	vpush v61, $0x0  }
0x2cf: {  	v9 =	vmul.f32 v46, v46;
	v43 =	vmul.f32 v49, v49;
	v8 =	vsub.f32 v60, v38  }
0x2d0: {  	v10 =	vmul.f32 v10, v10;
	v45 =	vmul.f32 v47, v47;
	v41 =	vsub.f32 v60, v41  }
0x2d1: {  	v47 =	vmul.f32 v51, v51;
	v49 =	vmul.f32 v52, v52;
	v46 =	vsub.f32 v6, v40  }
0x2d2: {  	v52 =	vmul.f32 v53, v53;
	v53 =	vmul.f32 v55, v55;
	v51 =	vsub.f32 v7, v34  }
0x2d3: {  	v54 =	vmul.f32 v54, v54;
	v55 =	vmul.f32 v58, v58;
	v40 =	vsub.f32 v7, v40  }
0x2d4: {  	v50 =	vsub.f32 v31, v50;
	v57 =	vmul.f32 v57, v57;
	v58 =	vmul.f32 v59, v59  }
0x2d5: {  	v56 =	vmul.f32 v56, v56;
	v5 =	vmul.f32 v5, v5;
	v59 =	vsub.f32 v44, v60  }
0x2d6: {  	v38 =	vsub.f32 v44, v38;
	v8 =	vmul.f32 v8, v8;
	v41 =	vmul.f32 v41, v41  }
0x2d7: {  	v7 =	vsub.f32 v6, v7;
	v44 =	vmul.f32 v46, v46;
	v46 =	vmul.f32 v51, v51  }
0x2d8: {  	v6 =	vsub.f32 v6, v34;
	v51 =	vmul.f32 v59, v59;
	v34 =	vmul.f32 v40, v40  }
0x2d9: {  	v29 =	vsub.f32 v31, v29;
	v38 =	vmul.f32 v38, v38;
	v7 =	vmul.f32 v7, v7  }
0x2da: {  	v31 =	vadd.f32 v58, v55;
	v6 =	vmul.f32 v6, v6;
	v5 =	vadd.f32 v44, v5;
	s7 =	spop (v2sf)  }
0x2db: {  	s13 =	simm.f32 $1.000000000e+00;
	v40 =	vmul.f32 v42, v42;
	v8 =	vadd.f32 v46, v8;
	v34 =	vadd.f32 v34, v41;
	s6 =	spop (v2sf)  }
0x2dc: {  	s12 =	simm.f32 $1.000000000e+00;
	v7 =	vadd.f32 v7, v51;
	v6 =	vadd.f32 v6, v38;
	v38 =	vmul.f32 v50, v50;
	s9 =	spop (v2sf);
	p1 =	sgt.s32 s6, $0xFFFFFFFF  }
0x2dd: {  	v29 =	vmul.f32 v29, v29;
	v31 =	vadd.f32 v52, v31;
	v5 =	vadd.f32 v57, v5;
	s6 =	simm.f32 $1.000000000e+00;
	p2 =	sgt.s32 s9, $0xFFFFFFFF;
	s9 =	spop (v2sf)  }
0x2de: {  	v28 =	vmul.f32 v28, v28;
	v8 =	vadd.f32 v56, v8;
	v34 =	vadd.f32 v40, v34;
	s6 =	simm.s32 @!p1 $0x0;
	s13 =	simm.s32 @!p2 $0x0;
	p1 =	sgt.s32 s9, $0xFFFFFFFF  }
0x2df: {  	v7 =	vadd.f32 v38, v7;
	v6 =	vadd.f32 v29, v6;
	v29 =	vmul.f32 v32, v32;
	p2 =	sgt.s32 s7, $0xFFFFFFFF;
	s9 =	simm.f32 $1.000000000e+00;
	s7 =	sadd.f32 s13, s6  }
0x2e0: {  	v30 =	vmul.f32 v30, v30;
	v10 =	vadd.f32 v10, v31;
	v5 =	vadd.f32 v53, v5;
	s12 =	simm.s32 @!p1 $0x0;
	s9 =	simm.s32 @!p2 $0x0  }
0x2e1: {  	v25 =	vmul.f32 v25, v25;
	v8 =	vadd.f32 v54, v8;
	v28 =	vadd.f32 v28, v34;
	s23 =	smul.f32 s9, s12;
	s7 =	sadd.f32 s12, s7  }
0x2e2: {  	v26 =	vmul.f32 v26, v26;
	v7 =	vadd.f32 v29, v7;
	v6 =	vadd.f32 v30, v6;
	s24 =	smul.f32 s9, s6  }
0x2e3: {  	v27 =	vmul.f32 v27, v27;
	v9 =	vadd.f32 v9, v10;
	v5 =	vadd.f32 v47, v5;
	s21 =	smul.f32 s12, s13;
	s26 =	sadd.f32 s9, s7  }
0x2e4: {  	v22 =	vmul.f32 v22, v22;
	v8 =	vadd.f32 v49, v8;
	v10 =	vadd.f32 v25, v28;
	s17 =	sadd.f32 s23, s17;
	s9 =	smul.f32 s9, s13  }
0x2e5: {  	v24 =	vmul.f32 v24, v24;
	s20 =	sshra.s32 s18, $0x2;
	v7 =	vadd.f32 v26, v7;
	v6 =	vadd.f32 v27, v6;
	s7 =	smul.f32 s13, s6;
	p4 =	sgt.f32 s26, $5.000000000e-01  }
0x2e6: {  	v23 =	vmul.f32 v23, v23;
	v9 =	vadd.f32 v48, v9;
	v5 =	vadd.f32 v43, v5;
	s13 =	simm.f32 $1.000000000e+00;
	p2 =	sgt.f32 s26, $3.500000000e+00;
	p3 =	sgt.f32 s26, $1.500000000e+00;
	v25 =	vld [tilespmem:s20+$0x178F0]  }
0x2e7: {  	v21 =	vmul.f32 v21, v21;
	v8 =	vadd.f32 v45, v8;
	v10 =	vadd.f32 v22, v10;
	p1 =	sgt.f32 s26, $2.500000000e+00;
	s26 =	simm.f32 $2.500000000e-01;
	v26 =	vld [tilespmem:s20+$0x178E0];
	s13 =	simm.s32 @!p4 $0x0  }
0x2e8: {  	v20 =	vmul.f32 v20, v20;
	v7 =	vadd.f32 v24, v7;
	v6 =	vadd.f32 v23, v6;
	s26 =	simm.s32 @!p2 $0x3EAAAAAB;
	v22 =	vld [tilespmem:s20+$0x118F0];
	s13 =	simm.s32 @p3 $0x3F000000  }
0x2e9: {  	v19 =	vmul.f32 v19, v19;
	v9 =	vadd.f32 v37, v9;
	v5 =	vadd.f32 v39, v5;
	s6 =	smul.f32 s12, s6;
	v23 =	vld [tilespmem:s20+$0x138F0];
	s13 =	smov.u32 @p1 s26  }
0x2ea: {  	v18 =	vmul.f32 v18, v18;
	v7 =	vadd.f32 v21, v7;
	v6 =	vadd.f32 v20, v6;
	s5 =	sadd.f32 s7, s5;
	v24 =	vld [tilespmem:s20+$0x158F0];
	s12 =	smul.f32 s13, s24  }
0x2eb: {  	v17 =	vmul.f32 v17, v17;
	v8 =	vadd.f32 v35, v8;
	v10 =	vadd.f32 v36, v10;
	s10 =	sadd.f32 s21, s10;
	s24 =	smul.f32 s13, s7;
	v20 =	vld [tilespmem:s20+$0x178D0]  }
0x2ec: {  	v16 =	vmul.f32 v16, v16;
	v7 =	vadd.f32 v19, v7;
	v6 =	vadd.f32 v18, v6;
	s6 =	smul.f32 s13, s6;
	v27 =	vld [tilespmem:s20+$0x118E0]  }
0x2ed: {  	v15 =	vmul.f32 v15, v15;
	v5 =	vadd.f32 v33, v5;
	v8 =	vadd.f32 v17, v8;
	s26 =	smul.f32 s13, s21;
	v21 =	vld [tilespmem:s20+$0x138E0]  }
0x2ee: {  	v10 =	vadd.f32 v16, v10;
	s9 =	smul.f32 s13, s9;
	v16 =	vmul.f32 s24, v7;
	v6 =	vmul.f32 s6, v6;
	v28 =	vld [tilespmem:s20+$0x158E0]  }
0x2ef: {  	v9 =	vadd.f32 v15, v9;
	v5 =	vmul.f32 s12, v5;
	v7 =	vmul.f32 s7, v7;
	v30 =	vld [tilespmem:s20+$0x178C0]  }
0x2f0: {  	s6 =	smul.f32 s13, s23;
	v15 =	vmul.f32 s26, v8;
	v10 =	vmul.f32 s9, v10;
	v6 =	vadd.f32 v6, v16;
	v32 =	vld [tilespmem:s20+$0x118D0]  }
0x2f1: {  	v13 =	vadd.f32 v7, v13;
	v7 =	vmul.f32 s21, v8;
	v8 =	vmul.f32 s23, v9;
	v37 =	vld [tilespmem:s20+$0x138D0]  }
0x2f2: {  	v9 =	vmul.f32 s6, v9;
	v5 =	vadd.f32 v5, v6;
	v6 =	vadd.f32 v10, v15;
	v42 =	vld [tilespmem:s20+$0x158D0]  }
0x2f3: {  	v12 =	vadd.f32 v7, v12;
	v11 =	vadd.f32 v8, v11;
	v48 =	vld [tilespmem:s20+$0x178B0]  }
0x2f4: {  	v5 =	vadd.f32 v5, v14;
	v6 =	vadd.f32 v6, v9;
	v7 =	vld [tilespmem:s20+$0x118C0]  }
0x2f5: {  	v15 =	vsub.f32 v24, v25;
	v8 =	vld [tilespmem:s20+$0x138C0]  }
0x2f6: {  	v33 =	vsub.f32 v28, v26;
	v14 =	vadd.f32 v6, v5;
	v9 =	vld [tilespmem:s20+$0x158C0]  }
0x2f7: {  	v36 =	vsub.f32 v22, v25;
	v17 =	vsub.f32 v23, v24;
	v5 =	vld [tilespmem:s20+$0x178A0]  }
0x2f8: {  	v16 =	vsub.f32 v23, v25;
	v35 =	vsub.f32 v42, v20;
	v6 =	vld [tilespmem:s20+$0x118B0]  }
0x2f9: {  	v39 =	vsub.f32 v27, v26;
	v43 =	vsub.f32 v21, v28;
	v63 =	vld [tilespmem:s20+$0x158B0]  }
0x2fa: {  	v19 =	vsub.f32 v22, v23;
	v45 =	vsub.f32 v21, v26;
	v2 =	vld [tilespmem:s20+$0x138B0]  }
0x2fb: {  	v18 =	vsub.f32 v22, v24;
	v41 =	vld [tilespmem:s20+$0x17880];
	v46 =	vsub.f32 v9, v30  }
0x2fc: {  	v49 =	vsub.f32 v32, v20;
	v47 =	vsub.f32 v37, v42;
	v29 =	vld [tilespmem:s20+$0x158A0]  }
0x2fd: {  	v21 =	vsub.f32 v27, v21;
	v22 =	vsub.f32 v37, v20;
	v40 =	vld [tilespmem:s20+$0x17890]  }
0x2fe: {  	v20 =	vsub.f32 v27, v28;
	v31 =	vld [tilespmem:s20+$0x118A0];
	v10 =	vsub.f32 v63, v48  }
0x2ff: {  	v51 =	vsub.f32 v7, v30;
	v52 =	vsub.f32 v8, v9;
	v38 =	vld [tilespmem:s20+$0x15880]  }
0x300: {  	v24 =	vsub.f32 v32, v37;
	v25 =	vsub.f32 v8, v30;
	v34 =	vld [tilespmem:s20+$0x15890]  }
0x301: {  	v23 =	vsub.f32 v32, v42;
	v50 =	vld [tilespmem:s20+$0x138A0];
	v53 =	vsub.f32 v29, v5  }
0x302: {  	s2 =	sadd.s32 $0x1, s2;
	v55 =	vsub.f32 v6, v48;
	v54 =	vsub.f32 v2, v63;
	v44 =	vld [tilespmem:s20+$0x11880]  }
.Ltmp4:
0x303: {  	v26 =	vsub.f32 v7, v8;
	v28 =	vsub.f32 v2, v48;
	v37 =	vld [tilespmem:s2+$0xC50];
	(pc) =	sbr.rel @p0 .LBB2_11-.Ltmp4, $4  }
0x304: {  	v27 =	vsub.f32 v7, v9;
	v48 =	vld [tilespmem:s2+$0xFFFFE760];
	v58 =	vsub.f32 v38, v41  }
0x305: {  	v57 =	vsub.f32 v31, v5;
	v62 =	vld [tilespmem:s2+$0xFFFFF3B0];
	v59 =	vsub.f32 v34, v40  }
0x306: {  	v61 =	vld [tilespmem:s2+$0x0];
	v56 =	vsub.f32 v50, v29;
	v42 =	vsub.f32 v50, v5  }
0x307: {  	s18 =	sadd.s32 $0x200, s18;
	v30 =	vsub.f32 v6, v63;
	v32 =	vsub.f32 v6, v2;
	v60 =	vld [tilespmem:s20+$0x13880]  }
0x308: {  	v5 =	vmul.f32 v33, v33;
	v33 =	vmul.f32 v36, v36  }
0x309: {  	(v2sf) =	vpush v37, $0x0;
	v8 =	vmul.f32 v35, v35;
	v9 =	vmul.f32 v39, v39  }
0x30a: {  	v35 =	vmul.f32 v43, v43;
	v36 =	vmul.f32 v45, v45;
	(v2sf) =	vpush v48, $0x0  }
0x30b: {  	v39 =	vmul.f32 v46, v46;
	v43 =	vmul.f32 v49, v49;
	(v2sf) =	vpush v62, $0x0  }
0x30c: {  	v10 =	vmul.f32 v10, v10;
	v45 =	vmul.f32 v47, v47  }
0x30d: {  	v47 =	vmul.f32 v51, v51;
	v51 =	vmul.f32 v53, v53;
	(v2sf) =	vpush v61, $0x0  }
0x30e: {  	v2 =	vld [tilespmem:s20+$0x11890];
	v53 =	vmul.f32 v58, v58;
	v48 =	vmul.f32 v52, v52  }
0x30f: {  	v6 =	vsub.f32 v44, v41;
	v7 =	vld [tilespmem:s20+$0x13890];
	v52 =	vmul.f32 v55, v55;
	v55 =	vmul.f32 v59, v59  }
0x310: {  	v54 =	vmul.f32 v54, v54;
	v50 =	vsub.f32 v31, v50;
	v29 =	vsub.f32 v31, v29  }
0x311: {  	v57 =	vmul.f32 v57, v57;
	v55 =	vadd.f32 v55, v53;
	v37 =	vsub.f32 v60, v38  }
0x312: {  	v56 =	vmul.f32 v56, v56;
	v41 =	vsub.f32 v60, v41;
	v63 =	vsub.f32 v44, v60  }
0x313: {  	v58 =	vmul.f32 v42, v42;
	v60 =	vsub.f32 v44, v38;
	v61 =	vsub.f32 v2, v40  }
0x314: {  	v6 =	vmul.f32 v6, v6;
	v62 =	vsub.f32 v7, v34;
	v40 =	vsub.f32 v7, v40  }
0x315: {  	v7 =	vsub.f32 v2, v7;
	v37 =	vmul.f32 v37, v37;
	v41 =	vmul.f32 v41, v41  }
0x316: {  	v2 =	vsub.f32 v2, v34;
	v63 =	vmul.f32 v63, v63;
	v38 =	vmul.f32 v60, v60  }
0x317: {  	v31 =	vadd.f32 v51, v55;
	v61 =	vmul.f32 v61, v61;
	v62 =	vmul.f32 v62, v62  }
0x318: {  	v40 =	vmul.f32 v40, v40;
	v7 =	vmul.f32 v7, v7;
	s2 =	spop (v2sf)  }
0x319: {  	v2 =	vmul.f32 v2, v2;
	v10 =	vadd.f32 v10, v31;
	v6 =	vadd.f32 v61, v6;
	s6 =	spop (v2sf)  }
0x31a: {  	s9 =	simm.f32 $1.000000000e+00;
	v28 =	vmul.f32 v28, v28;
	v37 =	vadd.f32 v62, v37;
	v34 =	vadd.f32 v40, v41;
	s7 =	spop (v2sf)  }
0x31b: {  	v59 =	vmul.f32 v50, v50;
	v7 =	vadd.f32 v7, v63;
	v2 =	vadd.f32 v2, v38;
	p0 =	sgt.s32 s6, $0xFFFFFFFF;
	p1 =	sgt.s32 s7, $0xFFFFFFFF;
	s7 =	simm.f32 $1.000000000e+00  }
0x31c: {  	v29 =	vmul.f32 v29, v29;
	v10 =	vadd.f32 v39, v10;
	v6 =	vadd.f32 v57, v6;
	s24 =	spop (v2sf);
	s7 =	simm.s32 @!p0 $0x0;
	s9 =	simm.s32 @!p1 $0x0  }
0x31d: {  	s12 =	simm.f32 $1.000000000e+00;
	v25 =	vmul.f32 v25, v25;
	v37 =	vadd.f32 v56, v37;
	v34 =	vadd.f32 v58, v34;
	p0 =	sgt.s32 s24, $0xFFFFFFFF;
	s26 =	sadd.f32 s9, s7  }
0x31e: {  	v30 =	vmul.f32 v30, v30;
	v7 =	vadd.f32 v59, v7;
	v2 =	vadd.f32 v29, v2;
	s12 =	simm.s32 @!p0 $0x0  }
0x31f: {  	s13 =	simm.f32 $1.000000000e+00;
	v60 =	vmul.f32 v32, v32;
	v8 =	vadd.f32 v8, v10;
	v6 =	vadd.f32 v52, v6;
	p1 =	sgt.s32 s2, $0xFFFFFFFF;
	s28 =	sadd.f32 s12, s26  }
0x320: {  	v26 =	vmul.f32 v26, v26;
	v61 =	vadd.f32 v54, v37;
	v28 =	vadd.f32 v28, v34;
	s13 =	simm.s32 @!p1 $0x0  }
0x321: {  	v27 =	vmul.f32 v27, v27;
	v7 =	vadd.f32 v60, v7;
	v2 =	vadd.f32 v30, v2;
	s2 =	smul.f32 s13, s12;
	s6 =	sadd.f32 s13, s28  }
0x322: {  	v22 =	vmul.f32 v22, v22;
	v5 =	vadd.f32 v5, v8;
	v6 =	vadd.f32 v47, v6;
	s18 =	smul.f32 s13, s7  }
0x323: {  	v24 =	vmul.f32 v24, v24;
	s21 =	simm.f32 $1.000000000e+00;
	v62 =	vadd.f32 v48, v61;
	v25 =	vadd.f32 v25, v28;
	s23 =	smul.f32 s12, s9;
	p0 =	sgt.f32 s6, $5.000000000e-01  }
0x324: {  	v23 =	vmul.f32 v23, v23;
	s20 =	simm.f32 $2.500000000e-01;
	v7 =	vadd.f32 v26, v7;
	v2 =	vadd.f32 v27, v2;
	p1 =	sgt.f32 s6, $3.500000000e+00;
	p2 =	sgt.f32 s6, $1.500000000e+00  }
0x325: {  	v21 =	vmul.f32 v21, v21;
	v6 =	vadd.f32 v43, v6;
	v10 =	vadd.f32 v45, v62;
	s13 =	smul.f32 s13, s9;
	p3 =	sgt.f32 s6, $2.500000000e+00;
	s21 =	simm.s32 @!p0 $0x0  }
0x326: {  	v20 =	vmul.f32 v20, v20;
	v7 =	vadd.f32 v24, v7;
	v2 =	vadd.f32 v23, v2;
	s9 =	smul.f32 s9, s7;
	s20 =	simm.s32 @!p1 $0x3EAAAAAB;
	s21 =	simm.s32 @p2 $0x3F000000  }
0x327: {  	v8 =	vmul.f32 v19, v19;
	v22 =	vadd.f32 v22, v25;
	v6 =	vadd.f32 v9, v6;
	s7 =	smul.f32 s12, s7;
	s21 =	smov.u32 @p3 s20  }
0x328: {  	v7 =	vadd.f32 v21, v7;
	v2 =	vadd.f32 v20, v2;
	v9 =	vmul.f32 v18, v18;
	s24 =	smul.f32 s21, s18  }
0x329: {  	v17 =	vmul.f32 v17, v17;
	v10 =	vadd.f32 v35, v10;
	v63 =	vadd.f32 v36, v22;
	s26 =	smul.f32 s21, s9  }
0x32a: {  	v7 =	vadd.f32 v8, v7;
	v2 =	vadd.f32 v9, v2;
	v8 =	vmul.f32 v16, v16;
	s7 =	smul.f32 s21, s7  }
0x32b: {  	v6 =	vadd.f32 v33, v6;
	v9 =	vadd.f32 v17, v10;
	v10 =	vmul.f32 v15, v15;
	s20 =	smul.f32 s21, s23  }
0x32c: {  	v8 =	vadd.f32 v8, v63;
	s13 =	smul.f32 s21, s13;
	v15 =	vmul.f32 s26, v7;
	v2 =	vmul.f32 s7, v2  }
0x32d: {  	v5 =	vadd.f32 v10, v5;
	v6 =	vmul.f32 s24, v6  }
0x32e: {  	s11 =	sadd.s32 $0x1, s11;
	s28 =	smul.f32 s21, s2;
	v10 =	vmul.f32 s20, v9;
	v8 =	vmul.f32 s13, v8;
	v2 =	vadd.f32 v2, v15  }
0x32f: {  	p0 =	sne.s32 s11, $0x18  }
.Ltmp5:
0x330: {  	v2 =	vadd.f32 v6, v2;
	v6 =	vadd.f32 v8, v10;
	v8 =	vmul.f32 s28, v5;
	(pc) =	sbr.rel @p0 .LBB2_8-.Ltmp5, $4  }
0x331: {  	v7 =	vmul.f32 s9, v7;
	v9 =	vmul.f32 s23, v9  }
0x332: {  	s17 =	sadd.f32 s2, s17;
	v5 =	vmul.f32 s2, v5;
	v2 =	vadd.f32 v2, v14;
	v6 =	vadd.f32 v6, v8  }
0x333: {  	s10 =	sadd.f32 s23, s10;
	v13 =	vadd.f32 v7, v13;
	v12 =	vadd.f32 v9, v12  }
0x334: {  	s16 =	sadd.s32 $0x80, s16;
	s4 =	sadd.s32 $0x80, s4;
	s5 =	sadd.f32 s9, s5;
	v11 =	vadd.f32 v5, v11;
	v14 =	vadd.f32 v6, v2  }
0x335: {  	_ =	swait.ge [sflag:s14], $0x2000  }
0x336: {  	[sflag:s14] =	ssyncset.done $0x0  }
0x337: {  	[sflag:s14] =	ssyncadd.s32 $0xFFFFE000  }
0x338: {  	_ =	swait.ge [sflag:s14], $0x2000  }
0x339: {  	[sflag:s14] =	ssyncset.done $0x0  }
0x33a: {  	[sflag:s14] =	ssyncadd.s32 $0xFFFFE000  }
0x33b: {  	_ =	swait.ge [sflag:s14], $0x2000  }
0x33c: {  	[sflag:s14] =	ssyncset.done $0x0  }
0x33d: {  	[sflag:s14] =	ssyncadd.s32 $0xFFFFE000  }
0x33e: {  	_ =	swait.ge [sflag:s14], $0x2000  }
0x33f: {  	[sflag:s14] =	ssyncset.done $0x0  }
0x340: {  	s11 =	simm.s32 $0x0;
	[sflag:s14] =	ssyncadd.s32 $0xFFFFE000  }
0x341: {  	v2 =	vld [tilespmem:s11+$0xF8F0]  }
0x342: {  	v5 =	vld [tilespmem:s11+$0xF8E0]  }
0x343: {  	v6 =	vld [tilespmem:s11+$0x98F0]  }
0x344: {  	v7 =	vld [tilespmem:s11+$0xB8F0]  }
0x345: {  	v8 =	vld [tilespmem:s11+$0xD8F0]  }
0x346: {  	v9 =	vld [tilespmem:s11+$0xF8D0]  }
0x347: {  	v20 =	vld [tilespmem:s11+$0x98E0]  }
0x348: {  	v21 =	vld [tilespmem:s11+$0xB8E0]  }
0x349: {  	v23 =	vld [tilespmem:s11+$0xD8E0]  }
0x34a: {  	v24 =	vld [tilespmem:s11+$0xF8C0]  }
0x34b: {  	v26 =	vld [tilespmem:s11+$0x98D0]  }
0x34c: {  	v27 =	vld [tilespmem:s11+$0xB8D0]  }
0x34d: {  	v28 =	vld [tilespmem:s11+$0xD8D0]  }
0x34e: {  	v30 =	vld [tilespmem:s11+$0xF8B0]  }
0x34f: {  	v57 =	vld [tilespmem:s11+$0x98C0]  }
0x350: {  	v41 =	vld [tilespmem:s11+$0xB8C0]  }
0x351: {  	v56 =	vld [tilespmem:s11+$0xD8C0];
	v15 =	vsub.f32 v8, v2;
	v32 =	vsub.f32 v23, v5  }
0x352: {  	v60 =	vld [tilespmem:s11+$0xF8A0];
	v35 =	vsub.f32 v6, v2;
	v17 =	vsub.f32 v7, v8  }
0x353: {  	v63 =	vld [tilespmem:s11+$0x98B0];
	v34 =	vsub.f32 v28, v9;
	v16 =	vsub.f32 v7, v2  }
0x354: {  	v31 =	vld [tilespmem:s11+$0xB8B0];
	v38 =	vsub.f32 v20, v5;
	v43 =	vsub.f32 v21, v23  }
0x355: {  	v42 =	vld [tilespmem:s11+$0xF880];
	v45 =	vsub.f32 v21, v5;
	v19 =	vsub.f32 v6, v7  }
0x356: {  	v29 =	vld [tilespmem:s11+$0xD8A0];
	v46 =	vsub.f32 v56, v24;
	v18 =	vsub.f32 v6, v8  }
0x357: {  	v40 =	vld [tilespmem:s11+$0xF890];
	v10 =	vsub.f32 v26, v9;
	v47 =	vsub.f32 v27, v28  }
0x358: {  	v33 =	vld [tilespmem:s11+$0x98A0];
	v22 =	vsub.f32 v27, v9;
	v21 =	vsub.f32 v20, v21  }
0x359: {  	v39 =	vld [tilespmem:s11+$0xD880];
	v20 =	vsub.f32 v20, v23;
	v51 =	vsub.f32 v57, v24  }
0x35a: {  	v36 =	vld [tilespmem:s11+$0xD890];
	v52 =	vsub.f32 v41, v56;
	v25 =	vsub.f32 v41, v24  }
0x35b: {  	v49 =	vld [tilespmem:s11+$0xB8A0];
	v24 =	vsub.f32 v26, v27;
	v53 =	vsub.f32 v29, v60  }
0x35c: {  	v2 =	vld [tilespmem:s11+$0xD8B0];
	v23 =	vsub.f32 v26, v28;
	v55 =	vsub.f32 v63, v30  }
0x35d: {  	s2 =	simm.s32 $0x87A0;
	v48 =	vld [tilespmem:s11+$0x9880];
	v28 =	vsub.f32 v31, v30;
	v26 =	vsub.f32 v57, v41  }
0x35e: {  	v37 =	vld [tilespmem:s2+$0xC50];
	v58 =	vsub.f32 v39, v42;
	v27 =	vsub.f32 v57, v56  }
0x35f: {  	v44 =	vld [tilespmem:s2+$0xFFFFE760];
	v59 =	vsub.f32 v36, v40;
	v57 =	vsub.f32 v33, v60  }
0x360: {  	v62 =	vld [tilespmem:s2+$0xFFFFF3B0];
	v56 =	vsub.f32 v49, v29;
	v41 =	vsub.f32 v49, v60  }
0x361: {  	v61 =	vld [tilespmem:s2+$0x0];
	v50 =	vsub.f32 v2, v30;
	v54 =	vsub.f32 v31, v2  }
0x362: {  	s4 =	simm.s32 $0x200;
	v60 =	vld [tilespmem:s11+$0xB880];
	v31 =	vsub.f32 v63, v31;
	v30 =	vsub.f32 v63, v2  }
.LBB2_14:
0x363: {  	p0 =	sne.s32 s4, $0x7E00;
	v2 =	vsub.f32 v48, v42;
	(v2sf) =	vpush v37, $0x0  }
0x364: {  	v37 =	vmul.f32 v32, v32;
	v32 =	vmul.f32 v35, v35;
	v5 =	vld [tilespmem:s11+$0x9890];
	(v2sf) =	vpush v44, $0x0  }
0x365: {  	v38 =	vmul.f32 v38, v38;
	v44 =	vmul.f32 v34, v34;
	v6 =	vld [tilespmem:s11+$0xB890];
	(v2sf) =	vpush v62, $0x0  }
0x366: {  	v35 =	vmul.f32 v45, v45;
	v34 =	vmul.f32 v43, v43;
	(v2sf) =	vpush v61, $0x0  }
0x367: {  	v8 =	vmul.f32 v46, v46;
	v9 =	vmul.f32 v10, v10;
	v7 =	vsub.f32 v60, v39  }
0x368: {  	v43 =	vmul.f32 v47, v47;
	v10 =	vsub.f32 v60, v42;
	v42 =	vmul.f32 v50, v50  }
0x369: {  	v46 =	vmul.f32 v51, v51;
	v47 =	vmul.f32 v52, v52;
	v45 =	vsub.f32 v5, v40  }
0x36a: {  	v51 =	vmul.f32 v53, v53;
	v52 =	vmul.f32 v55, v55;
	v50 =	vsub.f32 v6, v36  }
0x36b: {  	v53 =	vmul.f32 v58, v58;
	v54 =	vmul.f32 v54, v54;
	v40 =	vsub.f32 v6, v40  }
0x36c: {  	v49 =	vsub.f32 v33, v49;
	v57 =	vmul.f32 v57, v57;
	v55 =	vmul.f32 v59, v59  }
0x36d: {  	v56 =	vmul.f32 v56, v56;
	v2 =	vmul.f32 v2, v2;
	v58 =	vsub.f32 v48, v60  }
0x36e: {  	v39 =	vsub.f32 v48, v39;
	v7 =	vmul.f32 v7, v7;
	v10 =	vmul.f32 v10, v10  }
0x36f: {  	v6 =	vsub.f32 v5, v6;
	v45 =	vmul.f32 v45, v45;
	v48 =	vmul.f32 v50, v50  }
0x370: {  	v5 =	vsub.f32 v5, v36;
	v50 =	vmul.f32 v58, v58;
	v36 =	vmul.f32 v40, v40  }
0x371: {  	v29 =	vsub.f32 v33, v29;
	v39 =	vmul.f32 v39, v39;
	v6 =	vmul.f32 v6, v6  }
0x372: {  	v33 =	vadd.f32 v55, v53;
	v5 =	vmul.f32 v5, v5;
	v2 =	vadd.f32 v45, v2;
	s7 =	spop (v2sf)  }
0x373: {  	s13 =	simm.f32 $1.000000000e+00;
	v7 =	vadd.f32 v48, v7;
	v10 =	vadd.f32 v36, v10;
	v36 =	vmul.f32 v41, v41;
	s6 =	spop (v2sf)  }
0x374: {  	s12 =	simm.f32 $1.000000000e+00;
	v6 =	vadd.f32 v6, v50;
	v5 =	vadd.f32 v5, v39;
	v39 =	vmul.f32 v49, v49;
	s9 =	spop (v2sf);
	p1 =	sgt.s32 s6, $0xFFFFFFFF  }
0x375: {  	v29 =	vmul.f32 v29, v29;
	v33 =	vadd.f32 v51, v33;
	v2 =	vadd.f32 v57, v2;
	s6 =	simm.f32 $1.000000000e+00;
	p2 =	sgt.s32 s9, $0xFFFFFFFF;
	s9 =	spop (v2sf)  }
0x376: {  	v28 =	vmul.f32 v28, v28;
	v7 =	vadd.f32 v56, v7;
	v10 =	vadd.f32 v36, v10;
	s6 =	simm.s32 @!p1 $0x0;
	s13 =	simm.s32 @!p2 $0x0;
	p1 =	sgt.s32 s9, $0xFFFFFFFF  }
0x377: {  	v6 =	vadd.f32 v39, v6;
	v5 =	vadd.f32 v29, v5;
	v29 =	vmul.f32 v31, v31;
	p2 =	sgt.s32 s7, $0xFFFFFFFF;
	s9 =	simm.f32 $1.000000000e+00;
	s7 =	sadd.f32 s13, s6  }
0x378: {  	v30 =	vmul.f32 v30, v30;
	v31 =	vadd.f32 v42, v33;
	v2 =	vadd.f32 v52, v2;
	s12 =	simm.s32 @!p1 $0x0;
	s9 =	simm.s32 @!p2 $0x0  }
0x379: {  	v25 =	vmul.f32 v25, v25;
	v7 =	vadd.f32 v54, v7;
	v10 =	vadd.f32 v28, v10;
	s16 =	smul.f32 s9, s12;
	s7 =	sadd.f32 s12, s7  }
0x37a: {  	v26 =	vmul.f32 v26, v26;
	v6 =	vadd.f32 v29, v6;
	v5 =	vadd.f32 v30, v5;
	s20 =	smul.f32 s9, s6  }
0x37b: {  	v27 =	vmul.f32 v27, v27;
	v8 =	vadd.f32 v8, v31;
	v2 =	vadd.f32 v46, v2;
	s18 =	smul.f32 s12, s13;
	s21 =	sadd.f32 s9, s7  }
0x37c: {  	v22 =	vmul.f32 v22, v22;
	v7 =	vadd.f32 v47, v7;
	v10 =	vadd.f32 v25, v10;
	s17 =	sadd.f32 s16, s17;
	s9 =	smul.f32 s9, s13  }
0x37d: {  	v24 =	vmul.f32 v24, v24;
	s11 =	sshra.s32 s4, $0x2;
	v6 =	vadd.f32 v26, v6;
	v5 =	vadd.f32 v27, v5;
	s7 =	smul.f32 s13, s6;
	p4 =	sgt.f32 s21, $5.000000000e-01  }
0x37e: {  	v23 =	vmul.f32 v23, v23;
	v8 =	vadd.f32 v44, v8;
	v2 =	vadd.f32 v9, v2;
	s13 =	simm.f32 $1.000000000e+00;
	p2 =	sgt.f32 s21, $3.500000000e+00;
	p3 =	sgt.f32 s21, $1.500000000e+00;
	v25 =	vld [tilespmem:s11+$0xF8F0]  }
0x37f: {  	v21 =	vmul.f32 v21, v21;
	v7 =	vadd.f32 v43, v7;
	v10 =	vadd.f32 v22, v10;
	p1 =	sgt.f32 s21, $2.500000000e+00;
	s21 =	simm.f32 $2.500000000e-01;
	v9 =	vld [tilespmem:s11+$0xF8E0];
	s13 =	simm.s32 @!p4 $0x0  }
0x380: {  	v20 =	vmul.f32 v20, v20;
	v6 =	vadd.f32 v24, v6;
	v5 =	vadd.f32 v23, v5;
	s21 =	simm.s32 @!p2 $0x3EAAAAAB;
	v22 =	vld [tilespmem:s11+$0x98F0];
	s13 =	simm.s32 @p3 $0x3F000000  }
0x381: {  	v19 =	vmul.f32 v19, v19;
	v8 =	vadd.f32 v37, v8;
	v2 =	vadd.f32 v38, v2;
	s6 =	smul.f32 s12, s6;
	v23 =	vld [tilespmem:s11+$0xB8F0];
	s13 =	smov.u32 @p1 s21  }
0x382: {  	v18 =	vmul.f32 v18, v18;
	v6 =	vadd.f32 v21, v6;
	v5 =	vadd.f32 v20, v5;
	s5 =	sadd.f32 s7, s5;
	v24 =	vld [tilespmem:s11+$0xD8F0];
	s12 =	smul.f32 s13, s20  }
0x383: {  	v17 =	vmul.f32 v17, v17;
	v7 =	vadd.f32 v34, v7;
	v10 =	vadd.f32 v35, v10;
	s10 =	sadd.f32 s18, s10;
	s20 =	smul.f32 s13, s7;
	v20 =	vld [tilespmem:s11+$0xF8D0]  }
0x384: {  	v16 =	vmul.f32 v16, v16;
	v6 =	vadd.f32 v19, v6;
	v5 =	vadd.f32 v18, v5;
	s6 =	smul.f32 s13, s6;
	v26 =	vld [tilespmem:s11+$0x98E0]  }
0x385: {  	v15 =	vmul.f32 v15, v15;
	v2 =	vadd.f32 v32, v2;
	v7 =	vadd.f32 v17, v7;
	s21 =	smul.f32 s13, s18;
	v21 =	vld [tilespmem:s11+$0xB8E0]  }
0x386: {  	v10 =	vadd.f32 v16, v10;
	s9 =	smul.f32 s13, s9;
	v16 =	vmul.f32 s20, v6;
	v5 =	vmul.f32 s6, v5;
	v27 =	vld [tilespmem:s11+$0xD8E0]  }
0x387: {  	v8 =	vadd.f32 v15, v8;
	v2 =	vmul.f32 s12, v2;
	v6 =	vmul.f32 s7, v6;
	v28 =	vld [tilespmem:s11+$0xF8C0]  }
0x388: {  	s6 =	smul.f32 s13, s16;
	v15 =	vmul.f32 s21, v7;
	v10 =	vmul.f32 s9, v10;
	v5 =	vadd.f32 v5, v16;
	v30 =	vld [tilespmem:s11+$0x98D0]  }
0x389: {  	v13 =	vadd.f32 v6, v13;
	v6 =	vmul.f32 s18, v7;
	v7 =	vmul.f32 s16, v8;
	v31 =	vld [tilespmem:s11+$0xB8D0]  }
0x38a: {  	v8 =	vmul.f32 s6, v8;
	v2 =	vadd.f32 v2, v5;
	v5 =	vadd.f32 v10, v15;
	v37 =	vld [tilespmem:s11+$0xD8D0]  }
0x38b: {  	v12 =	vadd.f32 v6, v12;
	v11 =	vadd.f32 v7, v11;
	v41 =	vld [tilespmem:s11+$0xF8B0]  }
0x38c: {  	v2 =	vadd.f32 v2, v14;
	v5 =	vadd.f32 v5, v8;
	v6 =	vld [tilespmem:s11+$0x98C0]  }
0x38d: {  	v15 =	vsub.f32 v24, v25;
	v7 =	vld [tilespmem:s11+$0xB8C0]  }
0x38e: {  	v32 =	vsub.f32 v27, v9;
	v14 =	vadd.f32 v5, v2;
	v8 =	vld [tilespmem:s11+$0xD8C0]  }
0x38f: {  	v35 =	vsub.f32 v22, v25;
	v17 =	vsub.f32 v23, v24;
	v2 =	vld [tilespmem:s11+$0xF8A0]  }
0x390: {  	v16 =	vsub.f32 v23, v25;
	v34 =	vsub.f32 v37, v20;
	v5 =	vld [tilespmem:s11+$0x98B0]  }
0x391: {  	v38 =	vsub.f32 v26, v9;
	v43 =	vsub.f32 v21, v27;
	v63 =	vld [tilespmem:s11+$0xD8B0]  }
0x392: {  	v19 =	vsub.f32 v22, v23;
	v45 =	vsub.f32 v21, v9;
	v0 =	vld [tilespmem:s11+$0xB8B0]  }
0x393: {  	v18 =	vsub.f32 v22, v24;
	v42 =	vld [tilespmem:s11+$0xF880];
	v46 =	vsub.f32 v8, v28  }
0x394: {  	v10 =	vsub.f32 v30, v20;
	v47 =	vsub.f32 v31, v37;
	v29 =	vld [tilespmem:s11+$0xD8A0]  }
0x395: {  	v21 =	vsub.f32 v26, v21;
	v22 =	vsub.f32 v31, v20;
	v40 =	vld [tilespmem:s11+$0xF890]  }
0x396: {  	v20 =	vsub.f32 v26, v27;
	v33 =	vld [tilespmem:s11+$0x98A0];
	v50 =	vsub.f32 v63, v41  }
0x397: {  	v51 =	vsub.f32 v6, v28;
	v52 =	vsub.f32 v7, v8;
	v39 =	vld [tilespmem:s11+$0xD880]  }
0x398: {  	v24 =	vsub.f32 v30, v31;
	v25 =	vsub.f32 v7, v28;
	v36 =	vld [tilespmem:s11+$0xD890]  }
0x399: {  	v23 =	vsub.f32 v30, v37;
	v49 =	vld [tilespmem:s11+$0xB8A0];
	v53 =	vsub.f32 v29, v2  }
0x39a: {  	s2 =	sadd.s32 $0x1, s2;
	v55 =	vsub.f32 v5, v41;
	v54 =	vsub.f32 v0, v63;
	v48 =	vld [tilespmem:s11+$0x9880]  }
.Ltmp6:
0x39b: {  	v26 =	vsub.f32 v6, v7;
	v28 =	vsub.f32 v0, v41;
	v37 =	vld [tilespmem:s2+$0xC50];
	(pc) =	sbr.rel @p0 .LBB2_14-.Ltmp6, $4  }
0x39c: {  	v27 =	vsub.f32 v6, v8;
	v44 =	vld [tilespmem:s2+$0xFFFFE760];
	v58 =	vsub.f32 v39, v42  }
0x39d: {  	v57 =	vsub.f32 v33, v2;
	v62 =	vld [tilespmem:s2+$0xFFFFF3B0];
	v59 =	vsub.f32 v36, v40  }
0x39e: {  	v61 =	vld [tilespmem:s2+$0x0];
	v56 =	vsub.f32 v49, v29;
	v41 =	vsub.f32 v49, v2  }
0x39f: {  	s4 =	sadd.s32 $0x200, s4;
	v30 =	vsub.f32 v5, v63;
	v31 =	vsub.f32 v5, v0;
	v60 =	vld [tilespmem:s11+$0xB880]  }
0x3a0: {  	(v2sf) =	vpush v37, $0x0;
	v2 =	vmul.f32 v32, v32;
	v32 =	vmul.f32 v35, v35  }
0x3a1: {  	v7 =	vmul.f32 v34, v34;
	v8 =	vmul.f32 v38, v38;
	(v2sf) =	vpush v44, $0x0  }
0x3a2: {  	v9 =	vmul.f32 v43, v43;
	v34 =	vmul.f32 v45, v45;
	(v2sf) =	vpush v62, $0x0  }
0x3a3: {  	v37 =	vmul.f32 v46, v46;
	v10 =	vmul.f32 v10, v10  }
0x3a4: {  	v0 =	vld [tilespmem:s11+$0x9890];
	v43 =	vmul.f32 v47, v47;
	v45 =	vmul.f32 v51, v51;
	(v2sf) =	vpush v61, $0x0  }
0x3a5: {  	v5 =	vsub.f32 v48, v42;
	v6 =	vld [tilespmem:s11+$0xB890];
	v46 =	vmul.f32 v52, v52;
	v51 =	vmul.f32 v55, v55  }
0x3a6: {  	v52 =	vmul.f32 v58, v58;
	v49 =	vsub.f32 v33, v49;
	v55 =	vmul.f32 v57, v57  }
0x3a7: {  	v56 =	vmul.f32 v56, v56;
	v5 =	vmul.f32 v5, v5;
	v61 =	vsub.f32 v48, v39  }
0x3a8: {  	v35 =	vsub.f32 v60, v39;
	v38 =	vsub.f32 v60, v42;
	v42 =	vmul.f32 v50, v50  }
0x3a9: {  	v50 =	vmul.f32 v53, v53;
	v53 =	vmul.f32 v54, v54;
	v60 =	vsub.f32 v48, v60  }
0x3aa: {  	v54 =	vmul.f32 v59, v59;
	v44 =	vsub.f32 v0, v40;
	v62 =	vsub.f32 v6, v36  }
0x3ab: {  	v63 =	vsub.f32 v6, v40;
	v39 =	vmul.f32 v61, v61;
	v35 =	vmul.f32 v35, v35  }
0x3ac: {  	v6 =	vsub.f32 v0, v6;
	v38 =	vmul.f32 v38, v38;
	v44 =	vmul.f32 v44, v44  }
0x3ad: {  	v0 =	vsub.f32 v0, v36;
	v47 =	vmul.f32 v62, v62;
	v62 =	vmul.f32 v60, v60  }
0x3ae: {  	v29 =	vsub.f32 v33, v29;
	v63 =	vmul.f32 v63, v63;
	v6 =	vmul.f32 v6, v6  }
0x3af: {  	v0 =	vmul.f32 v0, v0;
	v5 =	vadd.f32 v44, v5;
	v44 =	vadd.f32 v54, v52;
	s2 =	spop (v2sf)  }
0x3b0: {  	v49 =	vmul.f32 v49, v49;
	v35 =	vadd.f32 v47, v35;
	v36 =	vadd.f32 v63, v38;
	s4 =	spop (v2sf)  }
0x3b1: {  	s7 =	simm.f32 $1.000000000e+00;
	v47 =	vmul.f32 v41, v41;
	v6 =	vadd.f32 v6, v62;
	v0 =	vadd.f32 v0, v39;
	s6 =	spop (v2sf)  }
0x3b2: {  	v29 =	vmul.f32 v29, v29;
	v5 =	vadd.f32 v55, v5;
	v33 =	vadd.f32 v50, v44;
	p0 =	sgt.s32 s4, $0xFFFFFFFF;
	p1 =	sgt.s32 s6, $0xFFFFFFFF;
	s6 =	simm.f32 $1.000000000e+00  }
0x3b3: {  	v28 =	vmul.f32 v28, v28;
	v35 =	vadd.f32 v56, v35;
	v36 =	vadd.f32 v47, v36;
	s21 =	spop (v2sf);
	s6 =	simm.s32 @!p0 $0x0;
	s7 =	simm.s32 @!p1 $0x0  }
0x3b4: {  	s9 =	simm.f32 $1.000000000e+00;
	v30 =	vmul.f32 v30, v30;
	v6 =	vadd.f32 v49, v6;
	v0 =	vadd.f32 v29, v0;
	p0 =	sgt.s32 s21, $0xFFFFFFFF;
	s23 =	sadd.f32 s7, s6  }
0x3b5: {  	s11 =	simm.f32 $1.000000000e+00;
	v50 =	vmul.f32 v31, v31;
	v5 =	vadd.f32 v51, v5;
	v52 =	vadd.f32 v42, v33;
	p1 =	sgt.s32 s2, $0xFFFFFFFF;
	s9 =	simm.s32 @!p0 $0x0  }
0x3b6: {  	v25 =	vmul.f32 v25, v25;
	v54 =	vadd.f32 v53, v35;
	v28 =	vadd.f32 v28, v36;
	s11 =	simm.s32 @!p1 $0x0;
	s24 =	sadd.f32 s9, s23  }
0x3b7: {  	v26 =	vmul.f32 v26, v26;
	v6 =	vadd.f32 v50, v6;
	v0 =	vadd.f32 v30, v0;
	s26 =	smul.f32 s11, s9  }
0x3b8: {  	v27 =	vmul.f32 v27, v27;
	v5 =	vadd.f32 v45, v5;
	v55 =	vadd.f32 v37, v52;
	s12 =	smul.f32 s11, s6;
	s13 =	sadd.f32 s11, s24  }
0x3b9: {  	v22 =	vmul.f32 v22, v22;
	v56 =	vadd.f32 v46, v54;
	v25 =	vadd.f32 v25, v28;
	s28 =	smul.f32 s9, s7  }
0x3ba: {  	v24 =	vmul.f32 v24, v24;
	v6 =	vadd.f32 v26, v6;
	v0 =	vadd.f32 v27, v0;
	s11 =	smul.f32 s11, s7;
	p0 =	sgt.f32 s13, $5.000000000e-01  }
0x3bb: {  	v23 =	vmul.f32 v23, v23;
	s16 =	simm.f32 $1.000000000e+00;
	v5 =	vadd.f32 v10, v5;
	v7 =	vadd.f32 v7, v55;
	p1 =	sgt.f32 s13, $3.500000000e+00;
	p2 =	sgt.f32 s13, $1.500000000e+00  }
0x3bc: {  	v21 =	vmul.f32 v21, v21;
	v57 =	vadd.f32 v43, v56;
	v22 =	vadd.f32 v22, v25;
	p3 =	sgt.f32 s13, $2.500000000e+00;
	s13 =	simm.f32 $2.500000000e-01;
	s16 =	simm.s32 @!p0 $0x0  }
0x3bd: {  	v20 =	vmul.f32 v20, v20;
	v6 =	vadd.f32 v24, v6;
	v0 =	vadd.f32 v23, v0;
	s7 =	smul.f32 s7, s6;
	s13 =	simm.s32 @!p1 $0x3EAAAAAB;
	s16 =	simm.s32 @p2 $0x3F000000  }
0x3be: {  	v58 =	vmul.f32 v18, v18;
	v5 =	vadd.f32 v8, v5;
	v2 =	vadd.f32 v2, v7;
	s6 =	smul.f32 s9, s6;
	s16 =	smov.u32 @p3 s13  }
0x3bf: {  	v7 =	vmul.f32 v19, v19;
	v6 =	vadd.f32 v21, v6;
	v0 =	vadd.f32 v20, v0;
	s18 =	smul.f32 s16, s12  }
0x3c0: {  	v17 =	vmul.f32 v17, v17;
	v9 =	vadd.f32 v9, v57;
	v59 =	vadd.f32 v34, v22;
	s20 =	smul.f32 s16, s7  }
0x3c1: {  	v6 =	vadd.f32 v7, v6;
	v0 =	vadd.f32 v58, v0;
	v7 =	vmul.f32 v16, v16;
	s6 =	smul.f32 s16, s6  }
0x3c2: {  	v61 =	vmul.f32 v15, v15;
	v5 =	vadd.f32 v32, v5;
	v60 =	vadd.f32 v17, v9;
	s13 =	smul.f32 s16, s28  }
0x3c3: {  	v7 =	vadd.f32 v7, v59;
	s11 =	smul.f32 s16, s11;
	v62 =	vmul.f32 s20, v6;
	v0 =	vmul.f32 s6, v0  }
0x3c4: {  	v2 =	vadd.f32 v61, v2;
	v5 =	vmul.f32 s18, v5  }
0x3c5: {  	s21 =	smul.f32 s16, s26;
	v63 =	vmul.f32 s13, v60;
	v7 =	vmul.f32 s11, v7;
	v0 =	vadd.f32 v0, v62  }
0x3c6: {  	v6 =	vmul.f32 s7, v6  }
0x3c7: {  	v0 =	vadd.f32 v5, v0;
	v5 =	vadd.f32 v7, v63;
	v7 =	vmul.f32 s21, v2  }
0x3c8: {  	v6 =	vadd.f32 v6, v13  }
0x3c9: {  	v0 =	vadd.f32 v0, v14;
	v5 =	vadd.f32 v5, v7  }
0x3ca: {  	[tilespmem:$0x198A0] =	vst v6;
	v7 =	vimm.f32 $0.0e+00  }
0x3cb: {  	s5 =	sadd.f32 s7, s5;
	v2 =	vmul.f32 s26, v2;
	[tilespmem:$0x19890] =	vst v7;
	v0 =	vadd.f32 v5, v0;
	v5 =	vmul.f32 s28, v60  }
0x3cc: {  	[tilespmem:$0x198E0] =	vst v7  }
0x3cd: {  	s4 =	sadd.f32 s28, s10;
	v2 =	vadd.f32 v2, v11;
	[tilespmem:$0x19880] =	vst v0;
	v0 =	vadd.f32 v5, v12;
	v5 =	vmov s5  }
0x3ce: {  	s2 =	sadd.f32 s26, s17;
	[tilespmem:$0x198F0] =	vst v7;
	v5 =	vnsel vm0, $0x0, v5  }
0x3cf: {  	[tilespmem:$0x198C0] =	vst v2;
	v5 =	vsel vm1, s4, v5  }
0x3d0: {  	[tilespmem:$0x198B0] =	vst v0;
	v0 =	vsel vm2, s2, v5  }
0x3d1: {  	s23 =	rddreg [dreg:$0xe];
	s24 =	simm.s32 $0x19880;
	s13 =	simm.s32 $0x0;
	[tilespmem:$0x198D0] =	vst v0  }
0x3d2: {  	[hbm4b:s23+s13] =	stream.linear.scatter [tilespmem:s24], [sflag:$0x3], $0x80, $0x38;
	[tilespmem:$0x19900] =	vst v63  }
0x3d3: {  	_ =	swait.ge [sflag:s19], $0x80  }
0x3d4: {  	s26 =	rddreg [dreg:$0x10]  }
0x3d5: {  	s28 =	rddreg [dreg:$0xf];
	s4 =	sadd.s32 $0x1, s26  }
0x3d6: {  	p0 =	sne.s32 s4, s28  }
.Ltmp7:
0x3d7: {  	_ = 	snop;
	(pc) =	sbr.rel @p0 .LBB2_1-.Ltmp7, $4  }
0x3d8: {  	_ = 	snop  }
0x3d9: {  	[sflag:s19] =	ssyncset.done $0x0  }
0x3da: {  	s17 =	simm.s32 $0x3200;
	[sflag:s19] =	ssyncadd.s32 $0xFFFFFF80  }
0x3db: {  	s16 =	simm.s32 $0x6300;
	s18 =	simm.s32 $0x4A80;
	v2 =	vlaneseq.u32;
	v5 =	vimm.s32 $0xFFFFFFFF;
	v0 =	vld [tilespmem:$0x1FFF0];
	s12 =	rddreg [dreg:$0x2]  }
0x3dc: {  	_ =	sfence.sel $0x180000  }
0x3dd: {  	[bflag:$0x0] =	sbarrier.arrive $0xFFFF  }
0x3de: {  	_ =	strace $0x90000047  }
0x3df: {  	s0 =	stileid.u32;
	[bflag:$0x2] =	sbarrier.arrive $0xFFFF  }
0x3e0: {  	p0 =	sne.s32 s0, $0x0;
	s0 =	rddreg [dreg:$0x3]  }
0x3e1: {  	s0 =	sadd.s32 @!p0 $0x100000, s0  }
0x3e2: {  	[sflag:s0] =	ssyncadd.tile.s32 @!p0 $0x1;
	_ =	shalt  }
.Lfunc_end2:
_tile_overlayer_lowered:
.L_overlay_start_2:
0x3e3: {  	(tag) =	ssettag $0x2  }
0x3e4: {  	s0 =	rddreg [dreg:$0x0];
	s2 =	stileid.u32  }
0x3e5: {  	s1 =	rddreg [dreg:$0x1];
	p0 =	sne.s32 s2, $0x0  }
0x3e6: {  	s3 =	rddreg [dreg:$0x2];
	[bflag:$0x3] =	sbarrier.arrive $0xFFFF;
	s2 =	simm.s32 @!p0 $0x1C03  }
0x3e7: {  	[timem:s3], [sflag:s2] =	dma.local @!p0 [hbm:s0], s1  }
0x3e8: {  	s0 =	simm.s32 @!p0 $0x3  }
0x3e9: {  	_ =	swait.ge @!p0 [sflag:s0], s1  }
0x3ea: {  	s1 =	ssub.s32 @!p0 $0x0, s1;
	[sflag:s0] =	ssyncset.done @!p0 $0x0  }
0x3eb: {  	[sflag:s0] =	ssyncadd.s32 @!p0 s1  }
0x3ec: {  	[bflag:$0x3] =	sbarrier.arrive $0xFFFF  }
0x3ed: {  	_ =	shalt  }

</sc_bundles>
